<compile_context>
chip_gen: v7x
topology: tpu7x:2x2x1
jax: 0.10.2.dev20260603
libtpu: 0.0.44.dev20260713+nightly
codegen_flags: <defaults>
</compile_context>

<pallas_src>
import functools

import jax
import jax.numpy as jnp
from jax import lax
from jax.experimental import pallas as pl
from jax.experimental.pallas import tpu as pltpu
from jax.experimental.pallas import tpu_sc as plsc

N = 10000
E = 320000
D_IN = 128
D_HID = 128
D_OUT = 64

NC = 2
NS = 16
NW = NC * NS

N_PAD = 10000
ROWS_PER_TILE = N_PAD // NS
E_PER_TILE = E // NW

CHUNK = 128
N_CROWS = E // CHUNK
BASE = N_CROWS // NW
EXTRA = N_CROWS - BASE * NW
QUADS = BASE // 4
assert BASE - QUADS * 4 == 2

_MESH = plsc.VectorSubcoreMesh(core_axis_name="c", subcore_axis_name="s")
_SC_PARAMS = pltpu.CompilerParams(use_tc_tiling_on_sc=False)

NBUF = 2
NIDX = 4


def _make_agg_kernel(d):

    @functools.partial(
        pl.kernel,
        mesh=_MESH,
        out_type=jax.ShapeDtypeStruct((NC, N_PAD, d), jnp.float32),
        compiler_params=_SC_PARAMS,
        scratch_types=[
            [pltpu.VMEM((1, CHUNK), jnp.int32)] * NIDX,
            [pltpu.VMEM((1, CHUNK), jnp.int32)] * NIDX,
            [pltpu.VMEM((CHUNK, d), jnp.float32)] * NBUF,
            pltpu.VMEM_SHARED((N_PAD, d), jnp.float32),
            [pltpu.SemaphoreType.DMA] * NIDX,
            [pltpu.SemaphoreType.DMA] * NBUF,
        ],
    )
    def agg(z_hbm, edges_hbm, out_hbm,
            sidx, didx, rows, acc_sh, isems, gsems):
        cid = lax.axis_index("c")
        sid = lax.axis_index("s")
        r0 = sid * ROWS_PER_TILE
        wid = sid * NC + cid
        row0 = wid * BASE

        def idxload(c, q):
            pltpu.async_copy(edges_hbm.at[0, pl.ds(row0 + c, 1)],
                             sidx[q], isems[q])
            pltpu.async_copy(edges_hbm.at[1, pl.ds(row0 + c, 1)],
                             didx[q], isems[q])

        def idxwait(q):
            pltpu.make_async_copy(edges_hbm.at[0, pl.ds(0, 1)],
                                  sidx[q], isems[q]).wait()
            pltpu.make_async_copy(edges_hbm.at[1, pl.ds(0, 1)],
                                  didx[q], isems[q]).wait()

        def gather(q, b):
            pltpu.async_copy(z_hbm.at[sidx[q].at[0]], rows[b], gsems[b])

        def gwait(q, b):
            pltpu.make_async_copy(
                z_hbm.at[sidx[q].at[0]], rows[b], gsems[b]).wait()

        def scatter(q, b):
            pltpu.sync_copy(rows[b], acc_sh.at[didx[q].at[0]], add=True)

        zero16 = jnp.zeros((16,), jnp.float32)

        def zrow(j, car):
            for k in range(d // 16):
                rows[0][j, pl.ds(k * 16, 16)] = zero16
            return car

        lax.fori_loop(0, CHUNK, zrow, 0)
        full, rem = divmod(ROWS_PER_TILE, CHUNK)
        for t in range(full):
            pltpu.sync_copy(rows[0], acc_sh.at[pl.ds(r0 + t * CHUNK, CHUNK)])
        if rem:
            pltpu.sync_copy(rows[0].at[pl.ds(0, rem)],
                            acc_sh.at[pl.ds(r0 + full * CHUNK, rem)])
        plsc.subcore_barrier()

        for q in range(NIDX):
            idxload(q, q)
        for b in range(NBUF):
            idxwait(b)
            gather(b, b)

        def body(i, carry):
            cq = i * 4
            for q in range(4):
                b = q % 2
                c = cq + q
                gwait(q, b)
                scatter(q, b)

                @pl.when(c + 4 < BASE)
                def _():
                    idxload(c + 4, q)

                @pl.when(c + 2 < BASE)
                def _():
                    idxwait((q + 2) % 4)
                    gather((q + 2) % 4, b)

            return carry

        lax.fori_loop(0, QUADS, body, 0)
        for b in range(2):
            gwait(b, b)
            scatter(b, b)
        @pl.when(wid < EXTRA)
        def _():
            r = NW * BASE + wid - row0
            idxload(r, 0)
            idxwait(0)
            gather(0, 0)
            gwait(0, 0)
            scatter(0, 0)

        plsc.subcore_barrier()
        pltpu.sync_copy(acc_sh.at[pl.ds(r0, ROWS_PER_TILE)],
                        out_hbm.at[cid, pl.ds(r0, ROWS_PER_TILE)])

    return agg


def _make_deg_kernel():

    @functools.partial(
        pl.kernel,
        mesh=_MESH,
        out_type=jax.ShapeDtypeStruct((NC, N_PAD, 16), jnp.float32),
        compiler_params=_SC_PARAMS,
        scratch_types=[
            pltpu.VMEM((BASE, CHUNK), jnp.int32),
            pltpu.VMEM((1, CHUNK), jnp.int32),
            pltpu.VMEM((CHUNK, 16), jnp.float32),
            pltpu.VMEM_SHARED((N_PAD, 16), jnp.float32),
            pltpu.SemaphoreType.DMA,
        ],
    )
    def deg(edges_hbm, out_hbm, dst_all, didx1, ones_v, acc_sh, ssem):
        cid = lax.axis_index("c")
        sid = lax.axis_index("s")
        r0 = sid * ROWS_PER_TILE
        wid = sid * NC + cid
        row0 = wid * BASE
        pltpu.sync_copy(edges_hbm.at[1, pl.ds(row0, BASE)], dst_all)

        zero16 = jnp.zeros((16,), jnp.float32)

        def zrow(j, car):
            ones_v[j, :] = zero16
            return car

        lax.fori_loop(0, CHUNK, zrow, 0)
        full, rem = divmod(ROWS_PER_TILE, CHUNK)
        for t in range(full):
            pltpu.sync_copy(ones_v, acc_sh.at[pl.ds(r0 + t * CHUNK, CHUNK)])
        if rem:
            pltpu.sync_copy(ones_v.at[pl.ds(0, rem)],
                            acc_sh.at[pl.ds(r0 + full * CHUNK, rem)])

        def orow(j, car):
            ones_v[j, :] = jnp.ones((16,), jnp.float32)
            return car

        lax.fori_loop(0, CHUNK, orow, 0)
        plsc.subcore_barrier()

        def body(i, carry):
            cb = i * 2
            for b in range(2):
                pltpu.async_copy(
                    ones_v, acc_sh.at[dst_all.at[cb + b]], ssem, add=True)
            for b in range(2):
                pltpu.make_async_copy(
                    ones_v, acc_sh.at[dst_all.at[cb + b]], ssem).wait()
            return carry

        lax.fori_loop(0, BASE // 2, body, 0)

        @pl.when(wid < EXTRA)
        def _():
            pltpu.async_copy(edges_hbm.at[1, pl.ds(NW * BASE + wid, 1)],
                             didx1, ssem)
            pltpu.make_async_copy(edges_hbm.at[1, pl.ds(0, 1)],
                                  didx1, ssem).wait()
            pltpu.sync_copy(ones_v, acc_sh.at[didx1.at[0]], add=True)

        plsc.subcore_barrier()
        pltpu.sync_copy(acc_sh.at[pl.ds(r0, ROWS_PER_TILE)],
                        out_hbm.at[cid, pl.ds(r0, ROWS_PER_TILE)])

    return deg


_R = 1000


def _tc_mm(x, w1):
    def body(x_ref, w_ref, u_ref):
        u_ref[...] = jnp.dot(
            x_ref[...], w_ref[...], preferred_element_type=jnp.float32)

    return pl.pallas_call(
        body,
        grid=(N // _R,),
        in_specs=[
            pl.BlockSpec((_R, D_IN), lambda i: (i, 0)),
            pl.BlockSpec((D_IN, D_HID), lambda i: (0, 0)),
        ],
        out_specs=pl.BlockSpec((_R, D_HID), lambda i: (i, 0)),
        out_shape=jax.ShapeDtypeStruct((N, D_HID), jnp.float32),
    )(x, w1)


def _tc_scale(u1, degp):
    def body(u_ref, p_ref, z_ref, dis_ref):
        deg = 1.0 + p_ref[0] + p_ref[1]
        disv = lax.rsqrt(deg)
        dis_ref[...] = disv
        z_ref[...] = disv[:, 0:1] * u_ref[...]

    return pl.pallas_call(
        body,
        grid=(N // _R,),
        in_specs=[
            pl.BlockSpec((_R, D_HID), lambda i: (i, 0)),
            pl.BlockSpec((NC, _R, 16), lambda i: (0, i, 0)),
        ],
        out_specs=[
            pl.BlockSpec((_R, D_HID), lambda i: (i, 0)),
            pl.BlockSpec((_R, 16), lambda i: (i, 0)),
        ],
        out_shape=[
            jax.ShapeDtypeStruct((N, D_HID), jnp.float32),
            jax.ShapeDtypeStruct((N, 16), jnp.float32),
        ],
    )(u1, degp)


def _tc2(aggp, z1, dis, b1, w2):
    def body(a_ref, z_ref, dis_ref, b1_ref, w_ref, out_ref):
        pre = dis_ref[:, 0:1] * (a_ref[0] + a_ref[1] + z_ref[...]) + b1_ref[...]
        h = 1.0 / (1.0 + jnp.exp(-pre))
        mm = jnp.dot(h, w_ref[...], preferred_element_type=jnp.float32)
        out_ref[...] = dis_ref[:, 0:1] * mm

    return pl.pallas_call(
        body,
        grid=(N // _R,),
        in_specs=[
            pl.BlockSpec((NC, _R, D_HID), lambda i: (0, i, 0)),
            pl.BlockSpec((_R, D_HID), lambda i: (i, 0)),
            pl.BlockSpec((_R, 16), lambda i: (i, 0)),
            pl.BlockSpec((1, D_HID), lambda i: (0, 0)),
            pl.BlockSpec((D_HID, D_OUT), lambda i: (0, 0)),
        ],
        out_specs=pl.BlockSpec((_R, D_OUT), lambda i: (i, 0)),
        out_shape=jax.ShapeDtypeStruct((N, D_OUT), jnp.float32),
    )(aggp, z1, dis, b1, w2)


def _tc3(aggp, z2, dis, b2):
    def body(a_ref, z_ref, dis_ref, b2_ref, out_ref):
        out_ref[...] = (
            dis_ref[:, 0:1] * (a_ref[0] + a_ref[1] + z_ref[...]) + b2_ref[...]
        )

    return pl.pallas_call(
        body,
        grid=(N // _R,),
        in_specs=[
            pl.BlockSpec((NC, _R, D_OUT), lambda i: (0, i, 0)),
            pl.BlockSpec((_R, D_OUT), lambda i: (i, 0)),
            pl.BlockSpec((_R, 16), lambda i: (i, 0)),
            pl.BlockSpec((1, D_OUT), lambda i: (0, 0)),
        ],
        out_specs=pl.BlockSpec((_R, D_OUT), lambda i: (i, 0)),
        out_shape=jax.ShapeDtypeStruct((N, D_OUT), jnp.float32),
    )(aggp, z2, dis, b2)


_deg_kernel = _make_deg_kernel()
_agg128 = _make_agg_kernel(D_HID)
_agg64 = _make_agg_kernel(D_OUT)


def kernel(x, edges, W1, b1, W2, b2):
    edges3 = edges.astype(jnp.int32).reshape(2, N_CROWS, CHUNK)
    b1f = b1.reshape(1, D_HID)
    b2f = b2.reshape(1, D_OUT)

    degp = _deg_kernel(edges3)
    u1 = _tc_mm(x, W1)
    z1, dis = _tc_scale(u1, degp)
    agg1 = _agg128(z1, edges3)
    z2 = _tc2(agg1, z1, dis, b1f, W2)
    agg2 = _agg64(z2, edges3)
    out = _tc3(agg2, z2, dis, b2f)
    return out

# --- scband reference (transcript-rebuilt; emitter-appended) ---
"""Pipeline reference for scband-gcnencoder-15006615732583 (READ-ONLY COPY).

The authoritative reference and input builder live on the scoring server;
editing this copy changes nothing except your own understanding.
"""

import jax, jax.numpy as jnp
import numpy as np

N_NODES = 10000
N_EDGES = 320000
D_IN = 128
D_HID = 128
D_OUT = 64


def setup_inputs(seed: int = 0) -> dict:
    key = jax.random.key(seed)
    k1, k2, k3, k4, k5, k6 = jax.random.split(key, 6)
    x = jax.random.normal(k1, (N_NODES, D_IN), dtype=jnp.float32)
    edges = jax.random.randint(k2, (2, N_EDGES), 0, N_NODES, dtype=jnp.int64)
    # GCNConv layer parameters (glorot-ish init)
    W1 = jax.random.normal(k3, (D_IN, D_HID), dtype=jnp.float32) * (1.0 / np.sqrt(D_IN))
    b1 = jnp.zeros((D_HID,), dtype=jnp.float32)
    W2 = jax.random.normal(k4, (D_HID, D_OUT), dtype=jnp.float32) * (1.0 / np.sqrt(D_HID))
    b2 = jnp.zeros((D_OUT,), dtype=jnp.float32)
    return {"x": x, "edges": edges, "W1": W1, "b1": b1, "W2": W2, "b2": b2}


def _gcn_conv(x, edges, W, b):
    # Faithful PyG-style GCNConv: linear, add self-loops, symmetric normalization,
    # scatter-add aggregation, bias.
    num_nodes = x.shape[0]
    x_lin = x @ W
    src = edges[0]
    dst = edges[1]
    loop = jnp.arange(num_nodes, dtype=edges.dtype)
    src = jnp.concatenate([src, loop])
    dst = jnp.concatenate([dst, loop])
    deg = jnp.zeros((num_nodes,), dtype=x.dtype).at[dst].add(1.0)
    deg_inv_sqrt = jnp.where(deg > 0, 1.0 / jnp.sqrt(deg), 0.0)
    norm = deg_inv_sqrt[src] * deg_inv_sqrt[dst]
    msg = x_lin[src] * norm[:, None]
    out = jax.ops.segment_sum(msg, dst, num_segments=num_nodes)
    return out + b


def reference(x, edges, W1, b1, W2, b2):
    h = _gcn_conv(x, edges, W1, b1)
    h = jax.nn.sigmoid(h)  # default activation nn.Sigmoid()
    out = _gcn_conv(h, edges, W2, b2)
    return out

if __name__ == "__main__":
    import jax
    _d = setup_inputs()
    print(jax.jit(kernel)(*tuple(_d.values())))

</pallas_src>

<mosaic_0001>
#map = affine_map<(d0, d1) -> (0, 0, 0)>
module attributes {stable_mosaic.version = 14 : i64} {
  func.func @deg(%arg0: i32, %arg1: i32, %arg2: memref<2x2500x128xi32, #tpu.memory_space<hbm>>, %arg3: memref<2x10000x16xf32, #tpu.memory_space<hbm>>, %arg4: memref<78x128xi32, #tpu.memory_space<vmem>>, %arg5: memref<1x128xi32, #tpu.memory_space<vmem>>, %arg6: memref<128x16xf32, #tpu.memory_space<vmem>>, %arg7: memref<10000x16xf32, #tpu.memory_space<vmem_shared>>, %arg8: memref<!tpu.dma_semaphore, #tpu.memory_space<semaphore_mem>>) attributes {dimension_semantics = [#tpu.dimension_semantics<core_parallel>, #tpu.dimension_semantics<subcore_parallel>], iteration_bounds = array<i64: 2, 16>, scalar_prefetch = 0 : i64, scratch_operands = 5 : i64, tpu.core_type = #tpu.core_type<sc_vector_subcore>, window_params = [{transform_indices = #map}, {transform_indices = #map}]} {
    %mul3A = arith.constant 625 : i32
    %mul3A_0 = arith.muli %arg1, %mul3A : i32
    %mul3A_1 = arith.constant 2 : i32
    %mul3A_2 = arith.muli %arg1, %mul3A_1 : i32
    %add3A = arith.addi %mul3A_2, %arg0 : i32
    %mul3A_3 = arith.constant 78 : i32
    %mul3A_4 = arith.muli %add3A, %mul3A_3 : i32
    %run_scoped3A = arith.constant 1 : i32
    "tpu.region"() ({
      %run_scoped3A_36 = tpu.sem_alloc : memref<!tpu.dma_semaphore, #tpu.memory_space<semaphore_mem>>
      %dma_start3A = arith.constant 0 : i32
      %dma_start3A_37 = tpu.memref_slice %arg2[%run_scoped3A, %mul3A_4, %dma_start3A] : memref<2x2500x128xi32, #tpu.memory_space<hbm>> -> memref<1x78x128xi32, #tpu.memory_space<hbm>>
      %dma_start3A_38 = tpu.memref_squeeze %dma_start3A_37 : memref<1x78x128xi32, #tpu.memory_space<hbm>> -> memref<78x128xi32, #tpu.memory_space<hbm>>
      %dma_start3A_39 = arith.constant 0 : i32
      %dma_start3A_40 = tpu.memref_slice %arg2[%run_scoped3A, %mul3A_4, %dma_start3A_39] : memref<2x2500x128xi32, #tpu.memory_space<hbm>> -> memref<1x78x128xi32, #tpu.memory_space<hbm>>
      %dma_start3A_41 = tpu.memref_squeeze %dma_start3A_40 : memref<1x78x128xi32, #tpu.memory_space<hbm>> -> memref<78x128xi32, #tpu.memory_space<hbm>>
      tpu.enqueue_dma source(%dma_start3A_41 : memref<78x128xi32, #tpu.memory_space<hbm>>) target(%arg4 : memref<78x128xi32, #tpu.memory_space<vmem>>) target_semaphore(%run_scoped3A_36 : memref<!tpu.dma_semaphore, #tpu.memory_space<semaphore_mem>>)
      %dma_wait3A = arith.constant 0 : i32
      %dma_wait3A_42 = tpu.memref_slice %arg2[%run_scoped3A, %mul3A_4, %dma_wait3A] : memref<2x2500x128xi32, #tpu.memory_space<hbm>> -> memref<1x78x128xi32, #tpu.memory_space<hbm>>
      %dma_wait3A_43 = tpu.memref_squeeze %dma_wait3A_42 : memref<1x78x128xi32, #tpu.memory_space<hbm>> -> memref<78x128xi32, #tpu.memory_space<hbm>>
      %dma_wait3A_44 = arith.constant 0 : i32
      %dma_wait3A_45 = tpu.memref_slice %arg2[%run_scoped3A, %mul3A_4, %dma_wait3A_44] : memref<2x2500x128xi32, #tpu.memory_space<hbm>> -> memref<1x78x128xi32, #tpu.memory_space<hbm>>
      %dma_wait3A_46 = tpu.memref_squeeze %dma_wait3A_45 : memref<1x78x128xi32, #tpu.memory_space<hbm>> -> memref<78x128xi32, #tpu.memory_space<hbm>>
      tpu.wait_dma2 semaphore(%run_scoped3A_36 : memref<!tpu.dma_semaphore, #tpu.memory_space<semaphore_mem>>) src(%dma_wait3A_46 : memref<78x128xi32, #tpu.memory_space<hbm>>) dst(%arg4 : memref<78x128xi32, #tpu.memory_space<vmem>>)
      tpu.yield
    }) : () -> ()
    %broadcast_in_dim3A = arith.constant 0.000000e+00 : f32
    %broadcast_in_dim3A_5 = vector.broadcast %broadcast_in_dim3A : f32 to vector<16xf32>
    %scan3A = arith.constant 0 : i32
    %scan3A_6 = arith.constant 0 : i32
    %scan3A_7 = arith.constant 128 : i32
    %scan3A_8 = arith.addi %scan3A_6, %scan3A_7 : i32
    %scan3A_9 = arith.constant 1 : i32
    scf.for %scan3A_36 = %scan3A_6 to %scan3A_8 step %scan3A_9  : i32 {
      %swap3A = arith.index_cast %scan3A_36 : i32 to index
      %swap3A_37 = arith.constant 0 : index
      %swap3A_38 = tpu.vector_load %arg6[%swap3A, %swap3A_37] {strides = array<i32>} : memref<128x16xf32, #tpu.memory_space<vmem>>, vector<1x16xf32>,
      %swap3A_39 = vector.shape_cast %swap3A_38 : vector<1x16xf32> to vector<16xf32>
      %swap3A_40 = vector.shape_cast %broadcast_in_dim3A_5 : vector<16xf32> to vector<1x16xf32>
      tpu.vector_store %arg6[%swap3A, %swap3A_37], %swap3A_40 {strides = array<i32>} : memref<128x16xf32, #tpu.memory_space<vmem>>, vector<1x16xf32>,
    }
    %scan3A_10 = arith.constant 128 : i32
    %add3A_11 = arith.constant 0 : i32
    %add3A_12 = arith.addi %mul3A_0, %add3A_11 : i32
    "tpu.region"() ({
      %run_scoped3A_36 = tpu.sem_alloc : memref<!tpu.dma_semaphore, #tpu.memory_space<semaphore_mem>>
      %dma_start3A = arith.constant 0 : i32
      %dma_start3A_37 = tpu.memref_slice %arg7[%add3A_12, %dma_start3A] : memref<10000x16xf32, #tpu.memory_space<vmem_shared>> -> memref<128x16xf32, #tpu.memory_space<vmem_shared>>
      %dma_start3A_38 = arith.constant 0 : i32
      %dma_start3A_39 = tpu.memref_slice %arg7[%add3A_12, %dma_start3A_38] : memref<10000x16xf32, #tpu.memory_space<vmem_shared>> -> memref<128x16xf32, #tpu.memory_space<vmem_shared>>
      tpu.enqueue_dma source(%arg6 : memref<128x16xf32, #tpu.memory_space<vmem>>) target(%dma_start3A_39 : memref<128x16xf32, #tpu.memory_space<vmem_shared>>) target_semaphore(%run_scoped3A_36 : memref<!tpu.dma_semaphore, #tpu.memory_space<semaphore_mem>>)
      %dma_wait3A = arith.constant 0 : i32
      %dma_wait3A_40 = tpu.memref_slice %arg7[%add3A_12, %dma_wait3A] : memref<10000x16xf32, #tpu.memory_space<vmem_shared>> -> memref<128x16xf32, #tpu.memory_space<vmem_shared>>
      %dma_wait3A_41 = arith.constant 0 : i32
      %dma_wait3A_42 = tpu.memref_slice %arg7[%add3A_12, %dma_wait3A_41] : memref<10000x16xf32, #tpu.memory_space<vmem_shared>> -> memref<128x16xf32, #tpu.memory_space<vmem_shared>>
      tpu.wait_dma2 semaphore(%run_scoped3A_36 : memref<!tpu.dma_semaphore, #tpu.memory_space<semaphore_mem>>) src(%arg6 : memref<128x16xf32, #tpu.memory_space<vmem>>) dst(%dma_wait3A_42 : memref<128x16xf32, #tpu.memory_space<vmem_shared>>)
      tpu.yield
    }) : () -> ()
    %add3A_13 = arith.constant 128 : i32
    %add3A_14 = arith.addi %mul3A_0, %add3A_13 : i32
    "tpu.region"() ({
      %run_scoped3A_36 = tpu.sem_alloc : memref<!tpu.dma_semaphore, #tpu.memory_space<semaphore_mem>>
      %dma_start3A = arith.constant 0 : i32
      %dma_start3A_37 = tpu.memref_slice %arg7[%add3A_14, %dma_start3A] : memref<10000x16xf32, #tpu.memory_space<vmem_shared>> -> memref<128x16xf32, #tpu.memory_space<vmem_shared>>
      %dma_start3A_38 = arith.constant 0 : i32
      %dma_start3A_39 = tpu.memref_slice %arg7[%add3A_14, %dma_start3A_38] : memref<10000x16xf32, #tpu.memory_space<vmem_shared>> -> memref<128x16xf32, #tpu.memory_space<vmem_shared>>
      tpu.enqueue_dma source(%arg6 : memref<128x16xf32, #tpu.memory_space<vmem>>) target(%dma_start3A_39 : memref<128x16xf32, #tpu.memory_space<vmem_shared>>) target_semaphore(%run_scoped3A_36 : memref<!tpu.dma_semaphore, #tpu.memory_space<semaphore_mem>>)
      %dma_wait3A = arith.constant 0 : i32
      %dma_wait3A_40 = tpu.memref_slice %arg7[%add3A_14, %dma_wait3A] : memref<10000x16xf32, #tpu.memory_space<vmem_shared>> -> memref<128x16xf32, #tpu.memory_space<vmem_shared>>
      %dma_wait3A_41 = arith.constant 0 : i32
      %dma_wait3A_42 = tpu.memref_slice %arg7[%add3A_14, %dma_wait3A_41] : memref<10000x16xf32, #tpu.memory_space<vmem_shared>> -> memref<128x16xf32, #tpu.memory_space<vmem_shared>>
      tpu.wait_dma2 semaphore(%run_scoped3A_36 : memref<!tpu.dma_semaphore, #tpu.memory_space<semaphore_mem>>) src(%arg6 : memref<128x16xf32, #tpu.memory_space<vmem>>) dst(%dma_wait3A_42 : memref<128x16xf32, #tpu.memory_space<vmem_shared>>)
      tpu.yield
    }) : () -> ()
    %add3A_15 = arith.constant 256 : i32
    %add3A_16 = arith.addi %mul3A_0, %add3A_15 : i32
    "tpu.region"() ({
      %run_scoped3A_36 = tpu.sem_alloc : memref<!tpu.dma_semaphore, #tpu.memory_space<semaphore_mem>>
      %dma_start3A = arith.constant 0 : i32
      %dma_start3A_37 = tpu.memref_slice %arg7[%add3A_16, %dma_start3A] : memref<10000x16xf32, #tpu.memory_space<vmem_shared>> -> memref<128x16xf32, #tpu.memory_space<vmem_shared>>
      %dma_start3A_38 = arith.constant 0 : i32
      %dma_start3A_39 = tpu.memref_slice %arg7[%add3A_16, %dma_start3A_38] : memref<10000x16xf32, #tpu.memory_space<vmem_shared>> -> memref<128x16xf32, #tpu.memory_space<vmem_shared>>
      tpu.enqueue_dma source(%arg6 : memref<128x16xf32, #tpu.memory_space<vmem>>) target(%dma_start3A_39 : memref<128x16xf32, #tpu.memory_space<vmem_shared>>) target_semaphore(%run_scoped3A_36 : memref<!tpu.dma_semaphore, #tpu.memory_space<semaphore_mem>>)
      %dma_wait3A = arith.constant 0 : i32
      %dma_wait3A_40 = tpu.memref_slice %arg7[%add3A_16, %dma_wait3A] : memref<10000x16xf32, #tpu.memory_space<vmem_shared>> -> memref<128x16xf32, #tpu.memory_space<vmem_shared>>
      %dma_wait3A_41 = arith.constant 0 : i32
      %dma_wait3A_42 = tpu.memref_slice %arg7[%add3A_16, %dma_wait3A_41] : memref<10000x16xf32, #tpu.memory_space<vmem_shared>> -> memref<128x16xf32, #tpu.memory_space<vmem_shared>>
      tpu.wait_dma2 semaphore(%run_scoped3A_36 : memref<!tpu.dma_semaphore, #tpu.memory_space<semaphore_mem>>) src(%arg6 : memref<128x16xf32, #tpu.memory_space<vmem>>) dst(%dma_wait3A_42 : memref<128x16xf32, #tpu.memory_space<vmem_shared>>)
      tpu.yield
    }) : () -> ()
    %add3A_17 = arith.constant 384 : i32
    %add3A_18 = arith.addi %mul3A_0, %add3A_17 : i32
    "tpu.region"() ({
      %run_scoped3A_36 = tpu.sem_alloc : memref<!tpu.dma_semaphore, #tpu.memory_space<semaphore_mem>>
      %dma_start3A = arith.constant 0 : i32
      %dma_start3A_37 = tpu.memref_slice %arg7[%add3A_18, %dma_start3A] : memref<10000x16xf32, #tpu.memory_space<vmem_shared>> -> memref<128x16xf32, #tpu.memory_space<vmem_shared>>
      %dma_start3A_38 = arith.constant 0 : i32
      %dma_start3A_39 = tpu.memref_slice %arg7[%add3A_18, %dma_start3A_38] : memref<10000x16xf32, #tpu.memory_space<vmem_shared>> -> memref<128x16xf32, #tpu.memory_space<vmem_shared>>
      tpu.enqueue_dma source(%arg6 : memref<128x16xf32, #tpu.memory_space<vmem>>) target(%dma_start3A_39 : memref<128x16xf32, #tpu.memory_space<vmem_shared>>) target_semaphore(%run_scoped3A_36 : memref<!tpu.dma_semaphore, #tpu.memory_space<semaphore_mem>>)
      %dma_wait3A = arith.constant 0 : i32
      %dma_wait3A_40 = tpu.memref_slice %arg7[%add3A_18, %dma_wait3A] : memref<10000x16xf32, #tpu.memory_space<vmem_shared>> -> memref<128x16xf32, #tpu.memory_space<vmem_shared>>
      %dma_wait3A_41 = arith.constant 0 : i32
      %dma_wait3A_42 = tpu.memref_slice %arg7[%add3A_18, %dma_wait3A_41] : memref<10000x16xf32, #tpu.memory_space<vmem_shared>> -> memref<128x16xf32, #tpu.memory_space<vmem_shared>>
      tpu.wait_dma2 semaphore(%run_scoped3A_36 : memref<!tpu.dma_semaphore, #tpu.memory_space<semaphore_mem>>) src(%arg6 : memref<128x16xf32, #tpu.memory_space<vmem>>) dst(%dma_wait3A_42 : memref<128x16xf32, #tpu.memory_space<vmem_shared>>)
      tpu.yield
    }) : () -> ()
    %add3A_19 = arith.constant 512 : i32
    %add3A_20 = arith.addi %mul3A_0, %add3A_19 : i32
    "tpu.region"() ({
      %run_scoped3A_36 = tpu.sem_alloc : memref<!tpu.dma_semaphore, #tpu.memory_space<semaphore_mem>>
      %dma_start3A = arith.constant 0 : i32
      %dma_start3A_37 = arith.constant 0 : i32
      %dma_start3A_38 = tpu.memref_slice %arg6[%dma_start3A, %dma_start3A_37] : memref<128x16xf32, #tpu.memory_space<vmem>> -> memref<113x16xf32, #tpu.memory_space<vmem>>
      %dma_start3A_39 = arith.constant 0 : i32
      %dma_start3A_40 = tpu.memref_slice %arg7[%add3A_20, %dma_start3A_39] : memref<10000x16xf32, #tpu.memory_space<vmem_shared>> -> memref<113x16xf32, #tpu.memory_space<vmem_shared>>
      %dma_start3A_41 = arith.constant 0 : i32
      %dma_start3A_42 = tpu.memref_slice %arg7[%add3A_20, %dma_start3A_41] : memref<10000x16xf32, #tpu.memory_space<vmem_shared>> -> memref<113x16xf32, #tpu.memory_space<vmem_shared>>
      %dma_start3A_43 = arith.constant 0 : i32
      %dma_start3A_44 = arith.constant 0 : i32
      %dma_start3A_45 = tpu.memref_slice %arg6[%dma_start3A_43, %dma_start3A_44] : memref<128x16xf32, #tpu.memory_space<vmem>> -> memref<113x16xf32, #tpu.memory_space<vmem>>
      tpu.enqueue_dma source(%dma_start3A_45 : memref<113x16xf32, #tpu.memory_space<vmem>>) target(%dma_start3A_42 : memref<113x16xf32, #tpu.memory_space<vmem_shared>>) target_semaphore(%run_scoped3A_36 : memref<!tpu.dma_semaphore, #tpu.memory_space<semaphore_mem>>)
      %dma_wait3A = arith.constant 0 : i32
      %dma_wait3A_46 = arith.constant 0 : i32
      %dma_wait3A_47 = tpu.memref_slice %arg6[%dma_wait3A, %dma_wait3A_46] : memref<128x16xf32, #tpu.memory_space<vmem>> -> memref<113x16xf32, #tpu.memory_space<vmem>>
      %dma_wait3A_48 = arith.constant 0 : i32
      %dma_wait3A_49 = tpu.memref_slice %arg7[%add3A_20, %dma_wait3A_48] : memref<10000x16xf32, #tpu.memory_space<vmem_shared>> -> memref<113x16xf32, #tpu.memory_space<vmem_shared>>
      %dma_wait3A_50 = arith.constant 0 : i32
      %dma_wait3A_51 = tpu.memref_slice %arg7[%add3A_20, %dma_wait3A_50] : memref<10000x16xf32, #tpu.memory_space<vmem_shared>> -> memref<113x16xf32, #tpu.memory_space<vmem_shared>>
      %dma_wait3A_52 = arith.constant 0 : i32
      %dma_wait3A_53 = arith.constant 0 : i32
      %dma_wait3A_54 = tpu.memref_slice %arg6[%dma_wait3A_52, %dma_wait3A_53] : memref<128x16xf32, #tpu.memory_space<vmem>> -> memref<113x16xf32, #tpu.memory_space<vmem>>
      tpu.wait_dma2 semaphore(%run_scoped3A_36 : memref<!tpu.dma_semaphore, #tpu.memory_space<semaphore_mem>>) src(%dma_wait3A_54 : memref<113x16xf32, #tpu.memory_space<vmem>>) dst(%dma_wait3A_51 : memref<113x16xf32, #tpu.memory_space<vmem_shared>>)
      tpu.yield
    }) : () -> ()
    %scan3A_21 = arith.constant 0 : i32
    %scan3A_22 = arith.constant 0 : i32
    %scan3A_23 = arith.constant 128 : i32
    %scan3A_24 = arith.addi %scan3A_22, %scan3A_23 : i32
    %scan3A_25 = arith.constant 1 : i32
    scf.for %scan3A_36 = %scan3A_22 to %scan3A_24 step %scan3A_25  : i32 {
      %broadcast_in_dim3A_37 = arith.constant 1.000000e+00 : f32
      %broadcast_in_dim3A_38 = vector.broadcast %broadcast_in_dim3A_37 : f32 to vector<16xf32>
      %swap3A = arith.index_cast %scan3A_36 : i32 to index
      %swap3A_39 = arith.constant 0 : index
      %swap3A_40 = tpu.vector_load %arg6[%swap3A, %swap3A_39] {strides = array<i32>} : memref<128x16xf32, #tpu.memory_space<vmem>>, vector<1x16xf32>,
      %swap3A_41 = vector.shape_cast %swap3A_40 : vector<1x16xf32> to vector<16xf32>
      %swap3A_42 = vector.shape_cast %broadcast_in_dim3A_38 : vector<16xf32> to vector<1x16xf32>
      tpu.vector_store %arg6[%swap3A, %swap3A_39], %swap3A_42 {strides = array<i32>} : memref<128x16xf32, #tpu.memory_space<vmem>>, vector<1x16xf32>,
    }
    %scan3A_26 = arith.constant 128 : i32
    %barrier3A = arith.constant 0 : index
    tpu.barrier barrier_id(%barrier3A)
    %scan3A_27 = arith.constant 0 : i32
    %scan3A_28 = arith.constant 0 : i32
    %scan3A_29 = arith.constant 39 : i32
    %scan3A_30 = arith.addi %scan3A_28, %scan3A_29 : i32
    %scan3A_31 = arith.constant 1 : i32
    scf.for %scan3A_36 = %scan3A_28 to %scan3A_30 step %scan3A_31  : i32 {
      %mul3A_37 = arith.constant 2 : i32
      %mul3A_38 = arith.muli %scan3A_36, %mul3A_37 : i32
      %add3A_39 = arith.constant 0 : i32
      %add3A_40 = arith.addi %mul3A_38, %add3A_39 : i32
      %dma_start3A = arith.constant 0 : i32
      %dma_start3A_41 = tpu.memref_slice %arg4[%add3A_40, %dma_start3A] : memref<78x128xi32, #tpu.memory_space<vmem>> -> memref<1x128xi32, #tpu.memory_space<vmem>>
      %dma_start3A_42 = tpu.memref_squeeze %dma_start3A_41 : memref<1x128xi32, #tpu.memory_space<vmem>> -> memref<128xi32, #tpu.memory_space<vmem>>
      %dma_start3A_43 = arith.constant 0 : i32
      %dma_start3A_44 = arith.constant 0 : i32
      %dma_start3A_45 = tpu.memref_slice %arg7[%dma_start3A_43, %dma_start3A_44] : memref<10000x16xf32, #tpu.memory_space<vmem_shared>> -> memref<10000x16xf32, #tpu.memory_space<vmem_shared>>
      tpu.enqueue_indirect_dma source(%arg6 : memref<128x16xf32, #tpu.memory_space<vmem>>) target(%dma_start3A_45 : memref<10000x16xf32, #tpu.memory_space<vmem_shared>>) offsets(%dma_start3A_42 : memref<128xi32, #tpu.memory_space<vmem>>) semaphore(%arg8 : memref<!tpu.dma_semaphore, #tpu.memory_space<semaphore_mem>>) {add = true}
      %add3A_46 = arith.constant 1 : i32
      %add3A_47 = arith.addi %mul3A_38, %add3A_46 : i32
      %dma_start3A_48 = arith.constant 0 : i32
      %dma_start3A_49 = tpu.memref_slice %arg4[%add3A_47, %dma_start3A_48] : memref<78x128xi32, #tpu.memory_space<vmem>> -> memref<1x128xi32, #tpu.memory_space<vmem>>
      %dma_start3A_50 = tpu.memref_squeeze %dma_start3A_49 : memref<1x128xi32, #tpu.memory_space<vmem>> -> memref<128xi32, #tpu.memory_space<vmem>>
      %dma_start3A_51 = arith.constant 0 : i32
      %dma_start3A_52 = arith.constant 0 : i32
      %dma_start3A_53 = tpu.memref_slice %arg7[%dma_start3A_51, %dma_start3A_52] : memref<10000x16xf32, #tpu.memory_space<vmem_shared>> -> memref<10000x16xf32, #tpu.memory_space<vmem_shared>>
      tpu.enqueue_indirect_dma source(%arg6 : memref<128x16xf32, #tpu.memory_space<vmem>>) target(%dma_start3A_53 : memref<10000x16xf32, #tpu.memory_space<vmem_shared>>) offsets(%dma_start3A_50 : memref<128xi32, #tpu.memory_space<vmem>>) semaphore(%arg8 : memref<!tpu.dma_semaphore, #tpu.memory_space<semaphore_mem>>) {add = true}
      %add3A_54 = arith.constant 0 : i32
      %add3A_55 = arith.addi %mul3A_38, %add3A_54 : i32
      %dma_wait3A = arith.constant 0 : i32
      %dma_wait3A_56 = tpu.memref_slice %arg4[%add3A_55, %dma_wait3A] : memref<78x128xi32, #tpu.memory_space<vmem>> -> memref<1x128xi32, #tpu.memory_space<vmem>>
      %dma_wait3A_57 = tpu.memref_squeeze %dma_wait3A_56 : memref<1x128xi32, #tpu.memory_space<vmem>> -> memref<128xi32, #tpu.memory_space<vmem>>
      %dma_wait3A_58 = arith.constant 0 : i32
      %dma_wait3A_59 = arith.constant 0 : i32
      %dma_wait3A_60 = tpu.memref_slice %arg7[%dma_wait3A_58, %dma_wait3A_59] : memref<10000x16xf32, #tpu.memory_space<vmem_shared>> -> memref<10000x16xf32, #tpu.memory_space<vmem_shared>>
      tpu.wait_indirect_dma semaphore(%arg8 : memref<!tpu.dma_semaphore, #tpu.memory_space<semaphore_mem>>) src(%arg6 : memref<128x16xf32, #tpu.memory_space<vmem>>) dst(%dma_wait3A_60 : memref<10000x16xf32, #tpu.memory_space<vmem_shared>>)
      %add3A_61 = arith.constant 1 : i32
      %add3A_62 = arith.addi %mul3A_38, %add3A_61 : i32
      %dma_wait3A_63 = arith.constant 0 : i32
      %dma_wait3A_64 = tpu.memref_slice %arg4[%add3A_62, %dma_wait3A_63] : memref<78x128xi32, #tpu.memory_space<vmem>> -> memref<1x128xi32, #tpu.memory_space<vmem>>
      %dma_wait3A_65 = tpu.memref_squeeze %dma_wait3A_64 : memref<1x128xi32, #tpu.memory_space<vmem>> -> memref<128xi32, #tpu.memory_space<vmem>>
      %dma_wait3A_66 = arith.constant 0 : i32
      %dma_wait3A_67 = arith.constant 0 : i32
      %dma_wait3A_68 = tpu.memref_slice %arg7[%dma_wait3A_66, %dma_wait3A_67] : memref<10000x16xf32, #tpu.memory_space<vmem_shared>> -> memref<10000x16xf32, #tpu.memory_space<vmem_shared>>
      tpu.wait_indirect_dma semaphore(%arg8 : memref<!tpu.dma_semaphore, #tpu.memory_space<semaphore_mem>>) src(%arg6 : memref<128x16xf32, #tpu.memory_space<vmem>>) dst(%dma_wait3A_68 : memref<10000x16xf32, #tpu.memory_space<vmem_shared>>)
    }
    %scan3A_32 = arith.constant 39 : i32
    %lt3A = arith.constant 4 : i32
    %lt3A_33 = arith.cmpi slt, %add3A, %lt3A : i32
    %convert_element_type3A = arith.extui %lt3A_33 : i1 to i32
    %cond3A = arith.constant 0 : i32
    %cond3A_34 = arith.cmpi ne, %convert_element_type3A, %cond3A : i32
    scf.if %cond3A_34 {
      %add3A_36 = arith.constant 2496 : i32
      %add3A_37 = arith.addi %add3A_36, %add3A : i32
      %dma_start3A = arith.constant 1 : i32
      %dma_start3A_38 = arith.constant 0 : i32
      %dma_start3A_39 = tpu.memref_slice %arg2[%dma_start3A, %add3A_37, %dma_start3A_38] : memref<2x2500x128xi32, #tpu.memory_space<hbm>> -> memref<1x1x128xi32, #tpu.memory_space<hbm>>
      %dma_start3A_40 = tpu.memref_squeeze %dma_start3A_39 : memref<1x1x128xi32, #tpu.memory_space<hbm>> -> memref<1x128xi32, #tpu.memory_space<hbm>>
      %dma_start3A_41 = arith.constant 0 : i32
      %dma_start3A_42 = tpu.memref_slice %arg2[%dma_start3A, %add3A_37, %dma_start3A_41] : memref<2x2500x128xi32, #tpu.memory_space<hbm>> -> memref<1x1x128xi32, #tpu.memory_space<hbm>>
      %dma_start3A_43 = tpu.memref_squeeze %dma_start3A_42 : memref<1x1x128xi32, #tpu.memory_space<hbm>> -> memref<1x128xi32, #tpu.memory_space<hbm>>
      tpu.enqueue_dma source(%dma_start3A_43 : memref<1x128xi32, #tpu.memory_space<hbm>>) target(%arg5 : memref<1x128xi32, #tpu.memory_space<vmem>>) target_semaphore(%arg8 : memref<!tpu.dma_semaphore, #tpu.memory_space<semaphore_mem>>)
      %dma_wait3A = arith.constant 1 : i32
      %dma_wait3A_44 = arith.constant 0 : i32
      %dma_wait3A_45 = arith.constant 0 : i32
      %dma_wait3A_46 = tpu.memref_slice %arg2[%dma_wait3A, %dma_wait3A_44, %dma_wait3A_45] : memref<2x2500x128xi32, #tpu.memory_space<hbm>> -> memref<1x1x128xi32, #tpu.memory_space<hbm>>
      %dma_wait3A_47 = tpu.memref_squeeze %dma_wait3A_46 : memref<1x1x128xi32, #tpu.memory_space<hbm>> -> memref<1x128xi32, #tpu.memory_space<hbm>>
      %dma_wait3A_48 = arith.constant 0 : i32
      %dma_wait3A_49 = arith.constant 0 : i32
      %dma_wait3A_50 = tpu.memref_slice %arg2[%dma_wait3A, %dma_wait3A_48, %dma_wait3A_49] : memref<2x2500x128xi32, #tpu.memory_space<hbm>> -> memref<1x1x128xi32, #tpu.memory_space<hbm>>
      %dma_wait3A_51 = tpu.memref_squeeze %dma_wait3A_50 : memref<1x1x128xi32, #tpu.memory_space<hbm>> -> memref<1x128xi32, #tpu.memory_space<hbm>>
      tpu.wait_dma2 semaphore(%arg8 : memref<!tpu.dma_semaphore, #tpu.memory_space<semaphore_mem>>) src(%dma_wait3A_51 : memref<1x128xi32, #tpu.memory_space<hbm>>) dst(%arg5 : memref<1x128xi32, #tpu.memory_space<vmem>>)
      %run_scoped3A_52 = arith.constant 0 : i32
      "tpu.region"() ({
        %run_scoped3A_53 = tpu.sem_alloc : memref<!tpu.dma_semaphore, #tpu.memory_space<semaphore_mem>>
        %dma_start3A_54 = arith.constant 0 : i32
        %dma_start3A_55 = tpu.memref_slice %arg5[%run_scoped3A_52, %dma_start3A_54] : memref<1x128xi32, #tpu.memory_space<vmem>> -> memref<1x128xi32, #tpu.memory_space<vmem>>
        %dma_start3A_56 = tpu.memref_squeeze %dma_start3A_55 : memref<1x128xi32, #tpu.memory_space<vmem>> -> memref<128xi32, #tpu.memory_space<vmem>>
        %dma_start3A_57 = arith.constant 0 : i32
        %dma_start3A_58 = arith.constant 0 : i32
        %dma_start3A_59 = tpu.memref_slice %arg7[%dma_start3A_57, %dma_start3A_58] : memref<10000x16xf32, #tpu.memory_space<vmem_shared>> -> memref<10000x16xf32, #tpu.memory_space<vmem_shared>>
        tpu.enqueue_indirect_dma source(%arg6 : memref<128x16xf32, #tpu.memory_space<vmem>>) target(%dma_start3A_59 : memref<10000x16xf32, #tpu.memory_space<vmem_shared>>) offsets(%dma_start3A_56 : memref<128xi32, #tpu.memory_space<vmem>>) semaphore(%run_scoped3A_53 : memref<!tpu.dma_semaphore, #tpu.memory_space<semaphore_mem>>) {add = true}
        %dma_wait3A_60 = arith.constant 0 : i32
        %dma_wait3A_61 = tpu.memref_slice %arg5[%run_scoped3A_52, %dma_wait3A_60] : memref<1x128xi32, #tpu.memory_space<vmem>> -> memref<1x128xi32, #tpu.memory_space<vmem>>
        %dma_wait3A_62 = tpu.memref_squeeze %dma_wait3A_61 : memref<1x128xi32, #tpu.memory_space<vmem>> -> memref<128xi32, #tpu.memory_space<vmem>>
        %dma_wait3A_63 = arith.constant 0 : i32
        %dma_wait3A_64 = arith.constant 0 : i32
        %dma_wait3A_65 = tpu.memref_slice %arg7[%dma_wait3A_63, %dma_wait3A_64] : memref<10000x16xf32, #tpu.memory_space<vmem_shared>> -> memref<10000x16xf32, #tpu.memory_space<vmem_shared>>
        tpu.wait_indirect_dma semaphore(%run_scoped3A_53 : memref<!tpu.dma_semaphore, #tpu.memory_space<semaphore_mem>>) src(%arg6 : memref<128x16xf32, #tpu.memory_space<vmem>>) dst(%dma_wait3A_65 : memref<10000x16xf32, #tpu.memory_space<vmem_shared>>)
        tpu.yield
      }) : () -> ()
    } else {
    }
    %barrier3A_35 = arith.constant 0 : index
    tpu.barrier barrier_id(%barrier3A_35)
    "tpu.region"() ({
      %run_scoped3A_36 = tpu.sem_alloc : memref<!tpu.dma_semaphore, #tpu.memory_space<semaphore_mem>>
      %dma_start3A = arith.constant 0 : i32
      %dma_start3A_37 = tpu.memref_slice %arg3[%arg0, %mul3A_0, %dma_start3A] : memref<2x10000x16xf32, #tpu.memory_space<hbm>> -> memref<1x625x16xf32, #tpu.memory_space<hbm>>
      %dma_start3A_38 = tpu.memref_squeeze %dma_start3A_37 : memref<1x625x16xf32, #tpu.memory_space<hbm>> -> memref<625x16xf32, #tpu.memory_space<hbm>>
      %dma_start3A_39 = arith.constant 0 : i32
      %dma_start3A_40 = tpu.memref_slice %arg7[%mul3A_0, %dma_start3A_39] : memref<10000x16xf32, #tpu.memory_space<vmem_shared>> -> memref<625x16xf32, #tpu.memory_space<vmem_shared>>
      tpu.enqueue_dma source(%dma_start3A_40 : memref<625x16xf32, #tpu.memory_space<vmem_shared>>) target(%dma_start3A_38 : memref<625x16xf32, #tpu.memory_space<hbm>>) target_semaphore(%run_scoped3A_36 : memref<!tpu.dma_semaphore, #tpu.memory_space<semaphore_mem>>)
      %dma_wait3A = arith.constant 0 : i32
      %dma_wait3A_41 = tpu.memref_slice %arg3[%arg0, %mul3A_0, %dma_wait3A] : memref<2x10000x16xf32, #tpu.memory_space<hbm>> -> memref<1x625x16xf32, #tpu.memory_space<hbm>>
      %dma_wait3A_42 = tpu.memref_squeeze %dma_wait3A_41 : memref<1x625x16xf32, #tpu.memory_space<hbm>> -> memref<625x16xf32, #tpu.memory_space<hbm>>
      %dma_wait3A_43 = arith.constant 0 : i32
      %dma_wait3A_44 = tpu.memref_slice %arg7[%mul3A_0, %dma_wait3A_43] : memref<10000x16xf32, #tpu.memory_space<vmem_shared>> -> memref<625x16xf32, #tpu.memory_space<vmem_shared>>
      tpu.wait_dma2 semaphore(%run_scoped3A_36 : memref<!tpu.dma_semaphore, #tpu.memory_space<semaphore_mem>>) src(%dma_wait3A_44 : memref<625x16xf32, #tpu.memory_space<vmem_shared>>) dst(%dma_wait3A_42 : memref<625x16xf32, #tpu.memory_space<hbm>>)
      tpu.yield
    }) : () -> ()
    return
  }
}

#map = affine_map<(d0, d1) -> (0, 0)>
#map1 = affine_map<(d0, d1) -> (0, 0, 0)>
module attributes {stable_mosaic.version = 14 : i64} {
  func.func @agg(%arg0: i32, %arg1: i32, %arg2: memref<10000x64xf32, #tpu.memory_space<hbm>>, %arg3: memref<2x2500x128xi32, #tpu.memory_space<hbm>>, %arg4: memref<2x10000x64xf32, #tpu.memory_space<hbm>>, %arg5: memref<1x128xi32, #tpu.memory_space<vmem>>, %arg6: memref<1x128xi32, #tpu.memory_space<vmem>>, %arg7: memref<1x128xi32, #tpu.memory_space<vmem>>, %arg8: memref<1x128xi32, #tpu.memory_space<vmem>>, %arg9: memref<1x128xi32, #tpu.memory_space<vmem>>, %arg10: memref<1x128xi32, #tpu.memory_space<vmem>>, %arg11: memref<1x128xi32, #tpu.memory_space<vmem>>, %arg12: memref<1x128xi32, #tpu.memory_space<vmem>>, %arg13: memref<128x64xf32, #tpu.memory_space<vmem>>, %arg14: memref<128x64xf32, #tpu.memory_space<vmem>>, %arg15: memref<10000x64xf32, #tpu.memory_space<vmem_shared>>, %arg16: memref<!tpu.dma_semaphore, #tpu.memory_space<semaphore_mem>>, %arg17: memref<!tpu.dma_semaphore, #tpu.memory_space<semaphore_mem>>, %arg18: memref<!tpu.dma_semaphore, #tpu.memory_space<semaphore_mem>>, %arg19: memref<!tpu.dma_semaphore, #tpu.memory_space<semaphore_mem>>, %arg20: memref<!tpu.dma_semaphore, #tpu.memory_space<semaphore_mem>>, %arg21: memref<!tpu.dma_semaphore, #tpu.memory_space<semaphore_mem>>) attributes {dimension_semantics = [#tpu.dimension_semantics<core_parallel>, #tpu.dimension_semantics<subcore_parallel>], iteration_bounds = array<i64: 2, 16>, scalar_prefetch = 0 : i64, scratch_operands = 17 : i64, tpu.core_type = #tpu.core_type<sc_vector_subcore>, window_params = [{transform_indices = #map}, {transform_indices = #map1}, {transform_indices = #map1}]} {
    %mul3A = arith.constant 625 : i32
    %mul3A_0 = arith.muli %arg1, %mul3A : i32
    %mul3A_1 = arith.constant 2 : i32
    %mul3A_2 = arith.muli %arg1, %mul3A_1 : i32
    %add3A = arith.addi %mul3A_2, %arg0 : i32
    %mul3A_3 = arith.constant 78 : i32
    %mul3A_4 = arith.muli %add3A, %mul3A_3 : i32
    %broadcast_in_dim3A = arith.constant 0.000000e+00 : f32
    %broadcast_in_dim3A_5 = vector.broadcast %broadcast_in_dim3A : f32 to vector<16xf32>
    %scan3A = arith.constant 0 : i32
    %scan3A_6 = arith.constant 0 : i32
    %scan3A_7 = arith.constant 128 : i32
    %scan3A_8 = arith.addi %scan3A_6, %scan3A_7 : i32
    %scan3A_9 = arith.constant 1 : i32
    scf.for %scan3A_165 = %scan3A_6 to %scan3A_8 step %scan3A_9  : i32 {
      %swap3A = arith.index_cast %scan3A_165 : i32 to index
      %swap3A_166 = arith.constant 0 : index
      %swap3A_167 = tpu.vector_load %arg13[%swap3A, %swap3A_166] {strides = array<i32>} : memref<128x64xf32, #tpu.memory_space<vmem>>, vector<1x16xf32>,
      %swap3A_168 = vector.shape_cast %swap3A_167 : vector<1x16xf32> to vector<16xf32>
      %swap3A_169 = vector.shape_cast %broadcast_in_dim3A_5 : vector<16xf32> to vector<1x16xf32>
      tpu.vector_store %arg13[%swap3A, %swap3A_166], %swap3A_169 {strides = array<i32>} : memref<128x64xf32, #tpu.memory_space<vmem>>, vector<1x16xf32>,
      %swap3A_170 = arith.index_cast %scan3A_165 : i32 to index
      %swap3A_171 = arith.constant 16 : index
      %swap3A_172 = tpu.vector_load %arg13[%swap3A_170, %swap3A_171] {strides = array<i32>} : memref<128x64xf32, #tpu.memory_space<vmem>>, vector<1x16xf32>,
      %swap3A_173 = vector.shape_cast %swap3A_172 : vector<1x16xf32> to vector<16xf32>
      %swap3A_174 = vector.shape_cast %broadcast_in_dim3A_5 : vector<16xf32> to vector<1x16xf32>
      tpu.vector_store %arg13[%swap3A_170, %swap3A_171], %swap3A_174 {strides = array<i32>} : memref<128x64xf32, #tpu.memory_space<vmem>>, vector<1x16xf32>,
      %swap3A_175 = arith.index_cast %scan3A_165 : i32 to index
      %swap3A_176 = arith.constant 32 : index
      %swap3A_177 = tpu.vector_load %arg13[%swap3A_175, %swap3A_176] {strides = array<i32>} : memref<128x64xf32, #tpu.memory_space<vmem>>, vector<1x16xf32>,
      %swap3A_178 = vector.shape_cast %swap3A_177 : vector<1x16xf32> to vector<16xf32>
      %swap3A_179 = vector.shape_cast %broadcast_in_dim3A_5 : vector<16xf32> to vector<1x16xf32>
      tpu.vector_store %arg13[%swap3A_175, %swap3A_176], %swap3A_179 {strides = array<i32>} : memref<128x64xf32, #tpu.memory_space<vmem>>, vector<1x16xf32>,
      %swap3A_180 = arith.index_cast %scan3A_165 : i32 to index
      %swap3A_181 = arith.constant 48 : index
      %swap3A_182 = tpu.vector_load %arg13[%swap3A_180, %swap3A_181] {strides = array<i32>} : memref<128x64xf32, #tpu.memory_space<vmem>>, vector<1x16xf32>,
      %swap3A_183 = vector.shape_cast %swap3A_182 : vector<1x16xf32> to vector<16xf32>
      %swap3A_184 = vector.shape_cast %broadcast_in_dim3A_5 : vector<16xf32> to vector<1x16xf32>
      tpu.vector_store %arg13[%swap3A_180, %swap3A_181], %swap3A_184 {strides = array<i32>} : memref<128x64xf32, #tpu.memory_space<vmem>>, vector<1x16xf32>,
    }
    %scan3A_10 = arith.constant 128 : i32
    %add3A_11 = arith.constant 0 : i32
    %add3A_12 = arith.addi %mul3A_0, %add3A_11 : i32
    "tpu.region"() ({
      %run_scoped3A_165 = tpu.sem_alloc : memref<!tpu.dma_semaphore, #tpu.memory_space<semaphore_mem>>
      %dma_start3A_166 = arith.constant 0 : i32
      %dma_start3A_167 = tpu.memref_slice %arg15[%add3A_12, %dma_start3A_166] : memref<10000x64xf32, #tpu.memory_space<vmem_shared>> -> memref<128x64xf32, #tpu.memory_space<vmem_shared>>
      %dma_start3A_168 = arith.constant 0 : i32
      %dma_start3A_169 = tpu.memref_slice %arg15[%add3A_12, %dma_start3A_168] : memref<10000x64xf32, #tpu.memory_space<vmem_shared>> -> memref<128x64xf32, #tpu.memory_space<vmem_shared>>
      tpu.enqueue_dma source(%arg13 : memref<128x64xf32, #tpu.memory_space<vmem>>) target(%dma_start3A_169 : memref<128x64xf32, #tpu.memory_space<vmem_shared>>) target_semaphore(%run_scoped3A_165 : memref<!tpu.dma_semaphore, #tpu.memory_space<semaphore_mem>>)
      %dma_wait3A_170 = arith.constant 0 : i32
      %dma_wait3A_171 = tpu.memref_slice %arg15[%add3A_12, %dma_wait3A_170] : memref<10000x64xf32, #tpu.memory_space<vmem_shared>> -> memref<128x64xf32, #tpu.memory_space<vmem_shared>>
      %dma_wait3A_172 = arith.constant 0 : i32
      %dma_wait3A_173 = tpu.memref_slice %arg15[%add3A_12, %dma_wait3A_172] : memref<10000x64xf32, #tpu.memory_space<vmem_shared>> -> memref<128x64xf32, #tpu.memory_space<vmem_shared>>
      tpu.wait_dma2 semaphore(%run_scoped3A_165 : memref<!tpu.dma_semaphore, #tpu.memory_space<semaphore_mem>>) src(%arg13 : memref<128x64xf32, #tpu.memory_space<vmem>>) dst(%dma_wait3A_173 : memref<128x64xf32, #tpu.memory_space<vmem_shared>>)
      tpu.yield
    }) : () -> ()
    %add3A_13 = arith.constant 128 : i32
    %add3A_14 = arith.addi %mul3A_0, %add3A_13 : i32
    "tpu.region"() ({
      %run_scoped3A_165 = tpu.sem_alloc : memref<!tpu.dma_semaphore, #tpu.memory_space<semaphore_mem>>
      %dma_start3A_166 = arith.constant 0 : i32
      %dma_start3A_167 = tpu.memref_slice %arg15[%add3A_14, %dma_start3A_166] : memref<10000x64xf32, #tpu.memory_space<vmem_shared>> -> memref<128x64xf32, #tpu.memory_space<vmem_shared>>
      %dma_start3A_168 = arith.constant 0 : i32
      %dma_start3A_169 = tpu.memref_slice %arg15[%add3A_14, %dma_start3A_168] : memref<10000x64xf32, #tpu.memory_space<vmem_shared>> -> memref<128x64xf32, #tpu.memory_space<vmem_shared>>
      tpu.enqueue_dma source(%arg13 : memref<128x64xf32, #tpu.memory_space<vmem>>) target(%dma_start3A_169 : memref<128x64xf32, #tpu.memory_space<vmem_shared>>) target_semaphore(%run_scoped3A_165 : memref<!tpu.dma_semaphore, #tpu.memory_space<semaphore_mem>>)
      %dma_wait3A_170 = arith.constant 0 : i32
      %dma_wait3A_171 = tpu.memref_slice %arg15[%add3A_14, %dma_wait3A_170] : memref<10000x64xf32, #tpu.memory_space<vmem_shared>> -> memref<128x64xf32, #tpu.memory_space<vmem_shared>>
      %dma_wait3A_172 = arith.constant 0 : i32
      %dma_wait3A_173 = tpu.memref_slice %arg15[%add3A_14, %dma_wait3A_172] : memref<10000x64xf32, #tpu.memory_space<vmem_shared>> -> memref<128x64xf32, #tpu.memory_space<vmem_shared>>
      tpu.wait_dma2 semaphore(%run_scoped3A_165 : memref<!tpu.dma_semaphore, #tpu.memory_space<semaphore_mem>>) src(%arg13 : memref<128x64xf32, #tpu.memory_space<vmem>>) dst(%dma_wait3A_173 : memref<128x64xf32, #tpu.memory_space<vmem_shared>>)
      tpu.yield
    }) : () -> ()
    %add3A_15 = arith.constant 256 : i32
    %add3A_16 = arith.addi %mul3A_0, %add3A_15 : i32
    "tpu.region"() ({
      %run_scoped3A_165 = tpu.sem_alloc : memref<!tpu.dma_semaphore, #tpu.memory_space<semaphore_mem>>
      %dma_start3A_166 = arith.constant 0 : i32
      %dma_start3A_167 = tpu.memref_slice %arg15[%add3A_16, %dma_start3A_166] : memref<10000x64xf32, #tpu.memory_space<vmem_shared>> -> memref<128x64xf32, #tpu.memory_space<vmem_shared>>
      %dma_start3A_168 = arith.constant 0 : i32
      %dma_start3A_169 = tpu.memref_slice %arg15[%add3A_16, %dma_start3A_168] : memref<10000x64xf32, #tpu.memory_space<vmem_shared>> -> memref<128x64xf32, #tpu.memory_space<vmem_shared>>
      tpu.enqueue_dma source(%arg13 : memref<128x64xf32, #tpu.memory_space<vmem>>) target(%dma_start3A_169 : memref<128x64xf32, #tpu.memory_space<vmem_shared>>) target_semaphore(%run_scoped3A_165 : memref<!tpu.dma_semaphore, #tpu.memory_space<semaphore_mem>>)
      %dma_wait3A_170 = arith.constant 0 : i32
      %dma_wait3A_171 = tpu.memref_slice %arg15[%add3A_16, %dma_wait3A_170] : memref<10000x64xf32, #tpu.memory_space<vmem_shared>> -> memref<128x64xf32, #tpu.memory_space<vmem_shared>>
      %dma_wait3A_172 = arith.constant 0 : i32
      %dma_wait3A_173 = tpu.memref_slice %arg15[%add3A_16, %dma_wait3A_172] : memref<10000x64xf32, #tpu.memory_space<vmem_shared>> -> memref<128x64xf32, #tpu.memory_space<vmem_shared>>
      tpu.wait_dma2 semaphore(%run_scoped3A_165 : memref<!tpu.dma_semaphore, #tpu.memory_space<semaphore_mem>>) src(%arg13 : memref<128x64xf32, #tpu.memory_space<vmem>>) dst(%dma_wait3A_173 : memref<128x64xf32, #tpu.memory_space<vmem_shared>>)
      tpu.yield
    }) : () -> ()
    %add3A_17 = arith.constant 384 : i32
    %add3A_18 = arith.addi %mul3A_0, %add3A_17 : i32
    "tpu.region"() ({
      %run_scoped3A_165 = tpu.sem_alloc : memref<!tpu.dma_semaphore, #tpu.memory_space<semaphore_mem>>
      %dma_start3A_166 = arith.constant 0 : i32
      %dma_start3A_167 = tpu.memref_slice %arg15[%add3A_18, %dma_start3A_166] : memref<10000x64xf32, #tpu.memory_space<vmem_shared>> -> memref<128x64xf32, #tpu.memory_space<vmem_shared>>
      %dma_start3A_168 = arith.constant 0 : i32
      %dma_start3A_169 = tpu.memref_slice %arg15[%add3A_18, %dma_start3A_168] : memref<10000x64xf32, #tpu.memory_space<vmem_shared>> -> memref<128x64xf32, #tpu.memory_space<vmem_shared>>
      tpu.enqueue_dma source(%arg13 : memref<128x64xf32, #tpu.memory_space<vmem>>) target(%dma_start3A_169 : memref<128x64xf32, #tpu.memory_space<vmem_shared>>) target_semaphore(%run_scoped3A_165 : memref<!tpu.dma_semaphore, #tpu.memory_space<semaphore_mem>>)
      %dma_wait3A_170 = arith.constant 0 : i32
      %dma_wait3A_171 = tpu.memref_slice %arg15[%add3A_18, %dma_wait3A_170] : memref<10000x64xf32, #tpu.memory_space<vmem_shared>> -> memref<128x64xf32, #tpu.memory_space<vmem_shared>>
      %dma_wait3A_172 = arith.constant 0 : i32
      %dma_wait3A_173 = tpu.memref_slice %arg15[%add3A_18, %dma_wait3A_172] : memref<10000x64xf32, #tpu.memory_space<vmem_shared>> -> memref<128x64xf32, #tpu.memory_space<vmem_shared>>
      tpu.wait_dma2 semaphore(%run_scoped3A_165 : memref<!tpu.dma_semaphore, #tpu.memory_space<semaphore_mem>>) src(%arg13 : memref<128x64xf32, #tpu.memory_space<vmem>>) dst(%dma_wait3A_173 : memref<128x64xf32, #tpu.memory_space<vmem_shared>>)
      tpu.yield
    }) : () -> ()
    %add3A_19 = arith.constant 512 : i32
    %add3A_20 = arith.addi %mul3A_0, %add3A_19 : i32
    "tpu.region"() ({
      %run_scoped3A_165 = tpu.sem_alloc : memref<!tpu.dma_semaphore, #tpu.memory_space<semaphore_mem>>
      %dma_start3A_166 = arith.constant 0 : i32
      %dma_start3A_167 = arith.constant 0 : i32
      %dma_start3A_168 = tpu.memref_slice %arg13[%dma_start3A_166, %dma_start3A_167] : memref<128x64xf32, #tpu.memory_space<vmem>> -> memref<113x64xf32, #tpu.memory_space<vmem>>
      %dma_start3A_169 = arith.constant 0 : i32
      %dma_start3A_170 = tpu.memref_slice %arg15[%add3A_20, %dma_start3A_169] : memref<10000x64xf32, #tpu.memory_space<vmem_shared>> -> memref<113x64xf32, #tpu.memory_space<vmem_shared>>
      %dma_start3A_171 = arith.constant 0 : i32
      %dma_start3A_172 = tpu.memref_slice %arg15[%add3A_20, %dma_start3A_171] : memref<10000x64xf32, #tpu.memory_space<vmem_shared>> -> memref<113x64xf32, #tpu.memory_space<vmem_shared>>
      %dma_start3A_173 = arith.constant 0 : i32
      %dma_start3A_174 = arith.constant 0 : i32
      %dma_start3A_175 = tpu.memref_slice %arg13[%dma_start3A_173, %dma_start3A_174] : memref<128x64xf32, #tpu.memory_space<vmem>> -> memref<113x64xf32, #tpu.memory_space<vmem>>
      tpu.enqueue_dma source(%dma_start3A_175 : memref<113x64xf32, #tpu.memory_space<vmem>>) target(%dma_start3A_172 : memref<113x64xf32, #tpu.memory_space<vmem_shared>>) target_semaphore(%run_scoped3A_165 : memref<!tpu.dma_semaphore, #tpu.memory_space<semaphore_mem>>)
      %dma_wait3A_176 = arith.constant 0 : i32
      %dma_wait3A_177 = arith.constant 0 : i32
      %dma_wait3A_178 = tpu.memref_slice %arg13[%dma_wait3A_176, %dma_wait3A_177] : memref<128x64xf32, #tpu.memory_space<vmem>> -> memref<113x64xf32, #tpu.memory_space<vmem>>
      %dma_wait3A_179 = arith.constant 0 : i32
      %dma_wait3A_180 = tpu.memref_slice %arg15[%add3A_20, %dma_wait3A_179] : memref<10000x64xf32, #tpu.memory_space<vmem_shared>> -> memref<113x64xf32, #tpu.memory_space<vmem_shared>>
      %dma_wait3A_181 = arith.constant 0 : i32
      %dma_wait3A_182 = tpu.memref_slice %arg15[%add3A_20, %dma_wait3A_181] : memref<10000x64xf32, #tpu.memory_space<vmem_shared>> -> memref<113x64xf32, #tpu.memory_space<vmem_shared>>
      %dma_wait3A_183 = arith.constant 0 : i32
      %dma_wait3A_184 = arith.constant 0 : i32
      %dma_wait3A_185 = tpu.memref_slice %arg13[%dma_wait3A_183, %dma_wait3A_184] : memref<128x64xf32, #tpu.memory_space<vmem>> -> memref<113x64xf32, #tpu.memory_space<vmem>>
      tpu.wait_dma2 semaphore(%run_scoped3A_165 : memref<!tpu.dma_semaphore, #tpu.memory_space<semaphore_mem>>) src(%dma_wait3A_185 : memref<113x64xf32, #tpu.memory_space<vmem>>) dst(%dma_wait3A_182 : memref<113x64xf32, #tpu.memory_space<vmem_shared>>)
      tpu.yield
    }) : () -> ()
    %barrier3A = arith.constant 0 : index
    tpu.barrier barrier_id(%barrier3A)
    %add3A_21 = arith.constant 0 : i32
    %add3A_22 = arith.addi %mul3A_4, %add3A_21 : i32
    %dma_start3A = arith.constant 0 : i32
    %dma_start3A_23 = arith.constant 0 : i32
    %dma_start3A_24 = tpu.memref_slice %arg3[%dma_start3A, %add3A_22, %dma_start3A_23] : memref<2x2500x128xi32, #tpu.memory_space<hbm>> -> memref<1x1x128xi32, #tpu.memory_space<hbm>>
    %dma_start3A_25 = tpu.memref_squeeze %dma_start3A_24 : memref<1x1x128xi32, #tpu.memory_space<hbm>> -> memref<1x128xi32, #tpu.memory_space<hbm>>
    %dma_start3A_26 = arith.constant 0 : i32
    %dma_start3A_27 = tpu.memref_slice %arg3[%dma_start3A, %add3A_22, %dma_start3A_26] : memref<2x2500x128xi32, #tpu.memory_space<hbm>> -> memref<1x1x128xi32, #tpu.memory_space<hbm>>
    %dma_start3A_28 = tpu.memref_squeeze %dma_start3A_27 : memref<1x1x128xi32, #tpu.memory_space<hbm>> -> memref<1x128xi32, #tpu.memory_space<hbm>>
    tpu.enqueue_dma source(%dma_start3A_28 : memref<1x128xi32, #tpu.memory_space<hbm>>) target(%arg5 : memref<1x128xi32, #tpu.memory_space<vmem>>) target_semaphore(%arg16 : memref<!tpu.dma_semaphore, #tpu.memory_space<semaphore_mem>>)
    %add3A_29 = arith.constant 0 : i32
    %add3A_30 = arith.addi %mul3A_4, %add3A_29 : i32
    %dma_start3A_31 = arith.constant 1 : i32
    %dma_start3A_32 = arith.constant 0 : i32
    %dma_start3A_33 = tpu.memref_slice %arg3[%dma_start3A_31, %add3A_30, %dma_start3A_32] : memref<2x2500x128xi32, #tpu.memory_space<hbm>> -> memref<1x1x128xi32, #tpu.memory_space<hbm>>
    %dma_start3A_34 = tpu.memref_squeeze %dma_start3A_33 : memref<1x1x128xi32, #tpu.memory_space<hbm>> -> memref<1x128xi32, #tpu.memory_space<hbm>>
    %dma_start3A_35 = arith.constant 0 : i32
    %dma_start3A_36 = tpu.memref_slice %arg3[%dma_start3A_31, %add3A_30, %dma_start3A_35] : memref<2x2500x128xi32, #tpu.memory_space<hbm>> -> memref<1x1x128xi32, #tpu.memory_space<hbm>>
    %dma_start3A_37 = tpu.memref_squeeze %dma_start3A_36 : memref<1x1x128xi32, #tpu.memory_space<hbm>> -> memref<1x128xi32, #tpu.memory_space<hbm>>
    tpu.enqueue_dma source(%dma_start3A_37 : memref<1x128xi32, #tpu.memory_space<hbm>>) target(%arg9 : memref<1x128xi32, #tpu.memory_space<vmem>>) target_semaphore(%arg16 : memref<!tpu.dma_semaphore, #tpu.memory_space<semaphore_mem>>)
    %add3A_38 = arith.constant 1 : i32
    %add3A_39 = arith.addi %mul3A_4, %add3A_38 : i32
    %dma_start3A_40 = arith.constant 0 : i32
    %dma_start3A_41 = arith.constant 0 : i32
    %dma_start3A_42 = tpu.memref_slice %arg3[%dma_start3A_40, %add3A_39, %dma_start3A_41] : memref<2x2500x128xi32, #tpu.memory_space<hbm>> -> memref<1x1x128xi32, #tpu.memory_space<hbm>>
    %dma_start3A_43 = tpu.memref_squeeze %dma_start3A_42 : memref<1x1x128xi32, #tpu.memory_space<hbm>> -> memref<1x128xi32, #tpu.memory_space<hbm>>
    %dma_start3A_44 = arith.constant 0 : i32
    %dma_start3A_45 = tpu.memref_slice %arg3[%dma_start3A_40, %add3A_39, %dma_start3A_44] : memref<2x2500x128xi32, #tpu.memory_space<hbm>> -> memref<1x1x128xi32, #tpu.memory_space<hbm>>
    %dma_start3A_46 = tpu.memref_squeeze %dma_start3A_45 : memref<1x1x128xi32, #tpu.memory_space<hbm>> -> memref<1x128xi32, #tpu.memory_space<hbm>>
    tpu.enqueue_dma source(%dma_start3A_46 : memref<1x128xi32, #tpu.memory_space<hbm>>) target(%arg6 : memref<1x128xi32, #tpu.memory_space<vmem>>) target_semaphore(%arg17 : memref<!tpu.dma_semaphore, #tpu.memory_space<semaphore_mem>>)
    %add3A_47 = arith.constant 1 : i32
    %add3A_48 = arith.addi %mul3A_4, %add3A_47 : i32
    %dma_start3A_49 = arith.constant 1 : i32
    %dma_start3A_50 = arith.constant 0 : i32
    %dma_start3A_51 = tpu.memref_slice %arg3[%dma_start3A_49, %add3A_48, %dma_start3A_50] : memref<2x2500x128xi32, #tpu.memory_space<hbm>> -> memref<1x1x128xi32, #tpu.memory_space<hbm>>
    %dma_start3A_52 = tpu.memref_squeeze %dma_start3A_51 : memref<1x1x128xi32, #tpu.memory_space<hbm>> -> memref<1x128xi32, #tpu.memory_space<hbm>>
    %dma_start3A_53 = arith.constant 0 : i32
    %dma_start3A_54 = tpu.memref_slice %arg3[%dma_start3A_49, %add3A_48, %dma_start3A_53] : memref<2x2500x128xi32, #tpu.memory_space<hbm>> -> memref<1x1x128xi32, #tpu.memory_space<hbm>>
    %dma_start3A_55 = tpu.memref_squeeze %dma_start3A_54 : memref<1x1x128xi32, #tpu.memory_space<hbm>> -> memref<1x128xi32, #tpu.memory_space<hbm>>
    tpu.enqueue_dma source(%dma_start3A_55 : memref<1x128xi32, #tpu.memory_space<hbm>>) target(%arg10 : memref<1x128xi32, #tpu.memory_space<vmem>>) target_semaphore(%arg17 : memref<!tpu.dma_semaphore, #tpu.memory_space<semaphore_mem>>)
    %add3A_56 = arith.constant 2 : i32
    %add3A_57 = arith.addi %mul3A_4, %add3A_56 : i32
    %dma_start3A_58 = arith.constant 0 : i32
    %dma_start3A_59 = arith.constant 0 : i32
    %dma_start3A_60 = tpu.memref_slice %arg3[%dma_start3A_58, %add3A_57, %dma_start3A_59] : memref<2x2500x128xi32, #tpu.memory_space<hbm>> -> memref<1x1x128xi32, #tpu.memory_space<hbm>>
    %dma_start3A_61 = tpu.memref_squeeze %dma_start3A_60 : memref<1x1x128xi32, #tpu.memory_space<hbm>> -> memref<1x128xi32, #tpu.memory_space<hbm>>
    %dma_start3A_62 = arith.constant 0 : i32
    %dma_start3A_63 = tpu.memref_slice %arg3[%dma_start3A_58, %add3A_57, %dma_start3A_62] : memref<2x2500x128xi32, #tpu.memory_space<hbm>> -> memref<1x1x128xi32, #tpu.memory_space<hbm>>
    %dma_start3A_64 = tpu.memref_squeeze %dma_start3A_63 : memref<1x1x128xi32, #tpu.memory_space<hbm>> -> memref<1x128xi32, #tpu.memory_space<hbm>>
    tpu.enqueue_dma source(%dma_start3A_64 : memref<1x128xi32, #tpu.memory_space<hbm>>) target(%arg7 : memref<1x128xi32, #tpu.memory_space<vmem>>) target_semaphore(%arg18 : memref<!tpu.dma_semaphore, #tpu.memory_space<semaphore_mem>>)
    %add3A_65 = arith.constant 2 : i32
    %add3A_66 = arith.addi %mul3A_4, %add3A_65 : i32
    %dma_start3A_67 = arith.constant 1 : i32
    %dma_start3A_68 = arith.constant 0 : i32
    %dma_start3A_69 = tpu.memref_slice %arg3[%dma_start3A_67, %add3A_66, %dma_start3A_68] : memref<2x2500x128xi32, #tpu.memory_space<hbm>> -> memref<1x1x128xi32, #tpu.memory_space<hbm>>
    %dma_start3A_70 = tpu.memref_squeeze %dma_start3A_69 : memref<1x1x128xi32, #tpu.memory_space<hbm>> -> memref<1x128xi32, #tpu.memory_space<hbm>>
    %dma_start3A_71 = arith.constant 0 : i32
    %dma_start3A_72 = tpu.memref_slice %arg3[%dma_start3A_67, %add3A_66, %dma_start3A_71] : memref<2x2500x128xi32, #tpu.memory_space<hbm>> -> memref<1x1x128xi32, #tpu.memory_space<hbm>>
    %dma_start3A_73 = tpu.memref_squeeze %dma_start3A_72 : memref<1x1x128xi32, #tpu.memory_space<hbm>> -> memref<1x128xi32, #tpu.memory_space<hbm>>
    tpu.enqueue_dma source(%dma_start3A_73 : memref<1x128xi32, #tpu.memory_space<hbm>>) target(%arg11 : memref<1x128xi32, #tpu.memory_space<vmem>>) target_semaphore(%arg18 : memref<!tpu.dma_semaphore, #tpu.memory_space<semaphore_mem>>)
    %add3A_74 = arith.constant 3 : i32
    %add3A_75 = arith.addi %mul3A_4, %add3A_74 : i32
    %dma_start3A_76 = arith.constant 0 : i32
    %dma_start3A_77 = arith.constant 0 : i32
    %dma_start3A_78 = tpu.memref_slice %arg3[%dma_start3A_76, %add3A_75, %dma_start3A_77] : memref<2x2500x128xi32, #tpu.memory_space<hbm>> -> memref<1x1x128xi32, #tpu.memory_space<hbm>>
    %dma_start3A_79 = tpu.memref_squeeze %dma_start3A_78 : memref<1x1x128xi32, #tpu.memory_space<hbm>> -> memref<1x128xi32, #tpu.memory_space<hbm>>
    %dma_start3A_80 = arith.constant 0 : i32
    %dma_start3A_81 = tpu.memref_slice %arg3[%dma_start3A_76, %add3A_75, %dma_start3A_80] : memref<2x2500x128xi32, #tpu.memory_space<hbm>> -> memref<1x1x128xi32, #tpu.memory_space<hbm>>
    %dma_start3A_82 = tpu.memref_squeeze %dma_start3A_81 : memref<1x1x128xi32, #tpu.memory_space<hbm>> -> memref<1x128xi32, #tpu.memory_space<hbm>>
    tpu.enqueue_dma source(%dma_start3A_82 : memref<1x128xi32, #tpu.memory_space<hbm>>) target(%arg8 : memref<1x128xi32, #tpu.memory_space<vmem>>) target_semaphore(%arg19 : memref<!tpu.dma_semaphore, #tpu.memory_space<semaphore_mem>>)
    %add3A_83 = arith.constant 3 : i32
    %add3A_84 = arith.addi %mul3A_4, %add3A_83 : i32
    %dma_start3A_85 = arith.constant 1 : i32
    %dma_start3A_86 = arith.constant 0 : i32
    %dma_start3A_87 = tpu.memref_slice %arg3[%dma_start3A_85, %add3A_84, %dma_start3A_86] : memref<2x2500x128xi32, #tpu.memory_space<hbm>> -> memref<1x1x128xi32, #tpu.memory_space<hbm>>
    %dma_start3A_88 = tpu.memref_squeeze %dma_start3A_87 : memref<1x1x128xi32, #tpu.memory_space<hbm>> -> memref<1x128xi32, #tpu.memory_space<hbm>>
    %dma_start3A_89 = arith.constant 0 : i32
    %dma_start3A_90 = tpu.memref_slice %arg3[%dma_start3A_85, %add3A_84, %dma_start3A_89] : memref<2x2500x128xi32, #tpu.memory_space<hbm>> -> memref<1x1x128xi32, #tpu.memory_space<hbm>>
    %dma_start3A_91 = tpu.memref_squeeze %dma_start3A_90 : memref<1x1x128xi32, #tpu.memory_space<hbm>> -> memref<1x128xi32, #tpu.memory_space<hbm>>
    tpu.enqueue_dma source(%dma_start3A_91 : memref<1x128xi32, #tpu.memory_space<hbm>>) target(%arg12 : memref<1x128xi32, #tpu.memory_space<vmem>>) target_semaphore(%arg19 : memref<!tpu.dma_semaphore, #tpu.memory_space<semaphore_mem>>)
    %dma_wait3A = arith.constant 0 : i32
    %dma_wait3A_92 = arith.constant 0 : i32
    %dma_wait3A_93 = arith.constant 0 : i32
    %dma_wait3A_94 = tpu.memref_slice %arg3[%dma_wait3A, %dma_wait3A_92, %dma_wait3A_93] : memref<2x2500x128xi32, #tpu.memory_space<hbm>> -> memref<1x1x128xi32, #tpu.memory_space<hbm>>
    %dma_wait3A_95 = tpu.memref_squeeze %dma_wait3A_94 : memref<1x1x128xi32, #tpu.memory_space<hbm>> -> memref<1x128xi32, #tpu.memory_space<hbm>>
    %dma_wait3A_96 = arith.constant 0 : i32
    %dma_wait3A_97 = arith.constant 0 : i32
    %dma_wait3A_98 = tpu.memref_slice %arg3[%dma_wait3A, %dma_wait3A_96, %dma_wait3A_97] : memref<2x2500x128xi32, #tpu.memory_space<hbm>> -> memref<1x1x128xi32, #tpu.memory_space<hbm>>
    %dma_wait3A_99 = tpu.memref_squeeze %dma_wait3A_98 : memref<1x1x128xi32, #tpu.memory_space<hbm>> -> memref<1x128xi32, #tpu.memory_space<hbm>>
    tpu.wait_dma2 semaphore(%arg16 : memref<!tpu.dma_semaphore, #tpu.memory_space<semaphore_mem>>) src(%dma_wait3A_99 : memref<1x128xi32, #tpu.memory_space<hbm>>) dst(%arg5 : memref<1x128xi32, #tpu.memory_space<vmem>>)
    %dma_wait3A_100 = arith.constant 1 : i32
    %dma_wait3A_101 = arith.constant 0 : i32
    %dma_wait3A_102 = arith.constant 0 : i32
    %dma_wait3A_103 = tpu.memref_slice %arg3[%dma_wait3A_100, %dma_wait3A_101, %dma_wait3A_102] : memref<2x2500x128xi32, #tpu.memory_space<hbm>> -> memref<1x1x128xi32, #tpu.memory_space<hbm>>
    %dma_wait3A_104 = tpu.memref_squeeze %dma_wait3A_103 : memref<1x1x128xi32, #tpu.memory_space<hbm>> -> memref<1x128xi32, #tpu.memory_space<hbm>>
    %dma_wait3A_105 = arith.constant 0 : i32
    %dma_wait3A_106 = arith.constant 0 : i32
    %dma_wait3A_107 = tpu.memref_slice %arg3[%dma_wait3A_100, %dma_wait3A_105, %dma_wait3A_106] : memref<2x2500x128xi32, #tpu.memory_space<hbm>> -> memref<1x1x128xi32, #tpu.memory_space<hbm>>
    %dma_wait3A_108 = tpu.memref_squeeze %dma_wait3A_107 : memref<1x1x128xi32, #tpu.memory_space<hbm>> -> memref<1x128xi32, #tpu.memory_space<hbm>>
    tpu.wait_dma2 semaphore(%arg16 : memref<!tpu.dma_semaphore, #tpu.memory_space<semaphore_mem>>) src(%dma_wait3A_108 : memref<1x128xi32, #tpu.memory_space<hbm>>) dst(%arg9 : memref<1x128xi32, #tpu.memory_space<vmem>>)
    %dma_start3A_109 = arith.constant 0 : i32
    %dma_start3A_110 = arith.constant 0 : i32
    %dma_start3A_111 = tpu.memref_slice %arg5[%dma_start3A_109, %dma_start3A_110] : memref<1x128xi32, #tpu.memory_space<vmem>> -> memref<1x128xi32, #tpu.memory_space<vmem>>
    %dma_start3A_112 = tpu.memref_squeeze %dma_start3A_111 : memref<1x128xi32, #tpu.memory_space<vmem>> -> memref<128xi32, #tpu.memory_space<vmem>>
    %dma_start3A_113 = arith.constant 0 : i32
    %dma_start3A_114 = arith.constant 0 : i32
    %dma_start3A_115 = tpu.memref_slice %arg2[%dma_start3A_113, %dma_start3A_114] : memref<10000x64xf32, #tpu.memory_space<hbm>> -> memref<10000x64xf32, #tpu.memory_space<hbm>>
    tpu.enqueue_indirect_dma source(%dma_start3A_115 : memref<10000x64xf32, #tpu.memory_space<hbm>>) target(%arg13 : memref<128x64xf32, #tpu.memory_space<vmem>>) offsets(%dma_start3A_112 : memref<128xi32, #tpu.memory_space<vmem>>) semaphore(%arg20 : memref<!tpu.dma_semaphore, #tpu.memory_space<semaphore_mem>>)
    %dma_wait3A_116 = arith.constant 0 : i32
    %dma_wait3A_117 = arith.constant 0 : i32
    %dma_wait3A_118 = arith.constant 0 : i32
    %dma_wait3A_119 = tpu.memref_slice %arg3[%dma_wait3A_116, %dma_wait3A_117, %dma_wait3A_118] : memref<2x2500x128xi32, #tpu.memory_space<hbm>> -> memref<1x1x128xi32, #tpu.memory_space<hbm>>
    %dma_wait3A_120 = tpu.memref_squeeze %dma_wait3A_119 : memref<1x1x128xi32, #tpu.memory_space<hbm>> -> memref<1x128xi32, #tpu.memory_space<hbm>>
    %dma_wait3A_121 = arith.constant 0 : i32
    %dma_wait3A_122 = arith.constant 0 : i32
    %dma_wait3A_123 = tpu.memref_slice %arg3[%dma_wait3A_116, %dma_wait3A_121, %dma_wait3A_122] : memref<2x2500x128xi32, #tpu.memory_space<hbm>> -> memref<1x1x128xi32, #tpu.memory_space<hbm>>
    %dma_wait3A_124 = tpu.memref_squeeze %dma_wait3A_123 : memref<1x1x128xi32, #tpu.memory_space<hbm>> -> memref<1x128xi32, #tpu.memory_space<hbm>>
    tpu.wait_dma2 semaphore(%arg17 : memref<!tpu.dma_semaphore, #tpu.memory_space<semaphore_mem>>) src(%dma_wait3A_124 : memref<1x128xi32, #tpu.memory_space<hbm>>) dst(%arg6 : memref<1x128xi32, #tpu.memory_space<vmem>>)
    %dma_wait3A_125 = arith.constant 1 : i32
    %dma_wait3A_126 = arith.constant 0 : i32
    %dma_wait3A_127 = arith.constant 0 : i32
    %dma_wait3A_128 = tpu.memref_slice %arg3[%dma_wait3A_125, %dma_wait3A_126, %dma_wait3A_127] : memref<2x2500x128xi32, #tpu.memory_space<hbm>> -> memref<1x1x128xi32, #tpu.memory_space<hbm>>
    %dma_wait3A_129 = tpu.memref_squeeze %dma_wait3A_128 : memref<1x1x128xi32, #tpu.memory_space<hbm>> -> memref<1x128xi32, #tpu.memory_space<hbm>>
    %dma_wait3A_130 = arith.constant 0 : i32
    %dma_wait3A_131 = arith.constant 0 : i32
    %dma_wait3A_132 = tpu.memref_slice %arg3[%dma_wait3A_125, %dma_wait3A_130, %dma_wait3A_131] : memref<2x2500x128xi32, #tpu.memory_space<hbm>> -> memref<1x1x128xi32, #tpu.memory_space<hbm>>
    %dma_wait3A_133 = tpu.memref_squeeze %dma_wait3A_132 : memref<1x1x128xi32, #tpu.memory_space<hbm>> -> memref<1x128xi32, #tpu.memory_space<hbm>>
    tpu.wait_dma2 semaphore(%arg17 : memref<!tpu.dma_semaphore, #tpu.memory_space<semaphore_mem>>) src(%dma_wait3A_133 : memref<1x128xi32, #tpu.memory_space<hbm>>) dst(%arg10 : memref<1x128xi32, #tpu.memory_space<vmem>>)
    %dma_start3A_134 = arith.constant 0 : i32
    %dma_start3A_135 = arith.constant 0 : i32
    %dma_start3A_136 = tpu.memref_slice %arg6[%dma_start3A_134, %dma_start3A_135] : memref<1x128xi32, #tpu.memory_space<vmem>> -> memref<1x128xi32, #tpu.memory_space<vmem>>
    %dma_start3A_137 = tpu.memref_squeeze %dma_start3A_136 : memref<1x128xi32, #tpu.memory_space<vmem>> -> memref<128xi32, #tpu.memory_space<vmem>>
    %dma_start3A_138 = arith.constant 0 : i32
    %dma_start3A_139 = arith.constant 0 : i32
    %dma_start3A_140 = tpu.memref_slice %arg2[%dma_start3A_138, %dma_start3A_139] : memref<10000x64xf32, #tpu.memory_space<hbm>> -> memref<10000x64xf32, #tpu.memory_space<hbm>>
    tpu.enqueue_indirect_dma source(%dma_start3A_140 : memref<10000x64xf32, #tpu.memory_space<hbm>>) target(%arg14 : memref<128x64xf32, #tpu.memory_space<vmem>>) offsets(%dma_start3A_137 : memref<128xi32, #tpu.memory_space<vmem>>) semaphore(%arg21 : memref<!tpu.dma_semaphore, #tpu.memory_space<semaphore_mem>>)
    %scan3A_141 = arith.constant 0 : i32
    %scan3A_142 = arith.constant 0 : i32
    %scan3A_143 = arith.constant 19 : i32
    %scan3A_144 = arith.addi %scan3A_142, %scan3A_143 : i32
    %scan3A_145 = arith.constant 1 : i32
    scf.for %scan3A_165 = %scan3A_142 to %scan3A_144 step %scan3A_145  : i32 {
      %mul3A_166 = arith.constant 4 : i32
      %mul3A_167 = arith.muli %scan3A_165, %mul3A_166 : i32
      %add3A_168 = arith.constant 0 : i32
      %add3A_169 = arith.addi %mul3A_167, %add3A_168 : i32
      %dma_wait3A_170 = arith.constant 0 : i32
      %dma_wait3A_171 = arith.constant 0 : i32
      %dma_wait3A_172 = tpu.memref_slice %arg5[%dma_wait3A_170, %dma_wait3A_171] : memref<1x128xi32, #tpu.memory_space<vmem>> -> memref<1x128xi32, #tpu.memory_space<vmem>>
      %dma_wait3A_173 = tpu.memref_squeeze %dma_wait3A_172 : memref<1x128xi32, #tpu.memory_space<vmem>> -> memref<128xi32, #tpu.memory_space<vmem>>
      %dma_wait3A_174 = arith.constant 0 : i32
      %dma_wait3A_175 = arith.constant 0 : i32
      %dma_wait3A_176 = tpu.memref_slice %arg2[%dma_wait3A_174, %dma_wait3A_175] : memref<10000x64xf32, #tpu.memory_space<hbm>> -> memref<10000x64xf32, #tpu.memory_space<hbm>>
      tpu.wait_indirect_dma semaphore(%arg20 : memref<!tpu.dma_semaphore, #tpu.memory_space<semaphore_mem>>) src(%dma_wait3A_176 : memref<10000x64xf32, #tpu.memory_space<hbm>>) dst(%arg13 : memref<128x64xf32, #tpu.memory_space<vmem>>)
      %run_scoped3A_177 = arith.constant 0 : i32
      "tpu.region"() ({
        %run_scoped3A_264 = tpu.sem_alloc : memref<!tpu.dma_semaphore, #tpu.memory_space<semaphore_mem>>
        %dma_start3A_265 = arith.constant 0 : i32
        %dma_start3A_266 = tpu.memref_slice %arg9[%run_scoped3A_177, %dma_start3A_265] : memref<1x128xi32, #tpu.memory_space<vmem>> -> memref<1x128xi32, #tpu.memory_space<vmem>>
        %dma_start3A_267 = tpu.memref_squeeze %dma_start3A_266 : memref<1x128xi32, #tpu.memory_space<vmem>> -> memref<128xi32, #tpu.memory_space<vmem>>
        %dma_start3A_268 = arith.constant 0 : i32
        %dma_start3A_269 = arith.constant 0 : i32
        %dma_start3A_270 = tpu.memref_slice %arg15[%dma_start3A_268, %dma_start3A_269] : memref<10000x64xf32, #tpu.memory_space<vmem_shared>> -> memref<10000x64xf32, #tpu.memory_space<vmem_shared>>
        tpu.enqueue_indirect_dma source(%arg13 : memref<128x64xf32, #tpu.memory_space<vmem>>) target(%dma_start3A_270 : memref<10000x64xf32, #tpu.memory_space<vmem_shared>>) offsets(%dma_start3A_267 : memref<128xi32, #tpu.memory_space<vmem>>) semaphore(%run_scoped3A_264 : memref<!tpu.dma_semaphore, #tpu.memory_space<semaphore_mem>>) {add = true}
        %dma_wait3A_271 = arith.constant 0 : i32
        %dma_wait3A_272 = tpu.memref_slice %arg9[%run_scoped3A_177, %dma_wait3A_271] : memref<1x128xi32, #tpu.memory_space<vmem>> -> memref<1x128xi32, #tpu.memory_space<vmem>>
        %dma_wait3A_273 = tpu.memref_squeeze %dma_wait3A_272 : memref<1x128xi32, #tpu.memory_space<vmem>> -> memref<128xi32, #tpu.memory_space<vmem>>
        %dma_wait3A_274 = arith.constant 0 : i32
        %dma_wait3A_275 = arith.constant 0 : i32
        %dma_wait3A_276 = tpu.memref_slice %arg15[%dma_wait3A_274, %dma_wait3A_275] : memref<10000x64xf32, #tpu.memory_space<vmem_shared>> -> memref<10000x64xf32, #tpu.memory_space<vmem_shared>>
        tpu.wait_indirect_dma semaphore(%run_scoped3A_264 : memref<!tpu.dma_semaphore, #tpu.memory_space<semaphore_mem>>) src(%arg13 : memref<128x64xf32, #tpu.memory_space<vmem>>) dst(%dma_wait3A_276 : memref<10000x64xf32, #tpu.memory_space<vmem_shared>>)
        tpu.yield
      }) : () -> ()
      %add3A_178 = arith.constant 4 : i32
      %add3A_179 = arith.addi %add3A_169, %add3A_178 : i32
      %lt3A_180 = arith.constant 78 : i32
      %lt3A_181 = arith.cmpi slt, %add3A_179, %lt3A_180 : i32
      %convert_element_type3A_182 = arith.extui %lt3A_181 : i1 to i32
      %cond3A_183 = arith.constant 0 : i32
      %cond3A_184 = arith.cmpi ne, %convert_element_type3A_182, %cond3A_183 : i32
      scf.if %cond3A_184 {
        %add3A_264 = arith.constant 4 : i32
        %add3A_265 = arith.addi %add3A_169, %add3A_264 : i32
        %add3A_266 = arith.addi %mul3A_4, %add3A_265 : i32
        %dma_start3A_267 = arith.constant 0 : i32
        %dma_start3A_268 = arith.constant 0 : i32
        %dma_start3A_269 = tpu.memref_slice %arg3[%dma_start3A_267, %add3A_266, %dma_start3A_268] : memref<2x2500x128xi32, #tpu.memory_space<hbm>> -> memref<1x1x128xi32, #tpu.memory_space<hbm>>
        %dma_start3A_270 = tpu.memref_squeeze %dma_start3A_269 : memref<1x1x128xi32, #tpu.memory_space<hbm>> -> memref<1x128xi32, #tpu.memory_space<hbm>>
        %dma_start3A_271 = arith.constant 0 : i32
        %dma_start3A_272 = tpu.memref_slice %arg3[%dma_start3A_267, %add3A_266, %dma_start3A_271] : memref<2x2500x128xi32, #tpu.memory_space<hbm>> -> memref<1x1x128xi32, #tpu.memory_space<hbm>>
        %dma_start3A_273 = tpu.memref_squeeze %dma_start3A_272 : memref<1x1x128xi32, #tpu.memory_space<hbm>> -> memref<1x128xi32, #tpu.memory_space<hbm>>
        tpu.enqueue_dma source(%dma_start3A_273 : memref<1x128xi32, #tpu.memory_space<hbm>>) target(%arg5 : memref<1x128xi32, #tpu.memory_space<vmem>>) target_semaphore(%arg16 : memref<!tpu.dma_semaphore, #tpu.memory_space<semaphore_mem>>)
        %add3A_274 = arith.addi %mul3A_4, %add3A_265 : i32
        %dma_start3A_275 = arith.constant 1 : i32
        %dma_start3A_276 = arith.constant 0 : i32
        %dma_start3A_277 = tpu.memref_slice %arg3[%dma_start3A_275, %add3A_274, %dma_start3A_276] : memref<2x2500x128xi32, #tpu.memory_space<hbm>> -> memref<1x1x128xi32, #tpu.memory_space<hbm>>
        %dma_start3A_278 = tpu.memref_squeeze %dma_start3A_277 : memref<1x1x128xi32, #tpu.memory_space<hbm>> -> memref<1x128xi32, #tpu.memory_space<hbm>>
        %dma_start3A_279 = arith.constant 0 : i32
        %dma_start3A_280 = tpu.memref_slice %arg3[%dma_start3A_275, %add3A_274, %dma_start3A_279] : memref<2x2500x128xi32, #tpu.memory_space<hbm>> -> memref<1x1x128xi32, #tpu.memory_space<hbm>>
        %dma_start3A_281 = tpu.memref_squeeze %dma_start3A_280 : memref<1x1x128xi32, #tpu.memory_space<hbm>> -> memref<1x128xi32, #tpu.memory_space<hbm>>
        tpu.enqueue_dma source(%dma_start3A_281 : memref<1x128xi32, #tpu.memory_space<hbm>>) target(%arg9 : memref<1x128xi32, #tpu.memory_space<vmem>>) target_semaphore(%arg16 : memref<!tpu.dma_semaphore, #tpu.memory_space<semaphore_mem>>)
      } else {
      }
      %add3A_185 = arith.constant 2 : i32
      %add3A_186 = arith.addi %add3A_169, %add3A_185 : i32
      %lt3A_187 = arith.constant 78 : i32
      %lt3A_188 = arith.cmpi slt, %add3A_186, %lt3A_187 : i32
      %convert_element_type3A_189 = arith.extui %lt3A_188 : i1 to i32
      %cond3A_190 = arith.constant 0 : i32
      %cond3A_191 = arith.cmpi ne, %convert_element_type3A_189, %cond3A_190 : i32
      scf.if %cond3A_191 {
        %dma_wait3A_264 = arith.constant 0 : i32
        %dma_wait3A_265 = arith.constant 0 : i32
        %dma_wait3A_266 = arith.constant 0 : i32
        %dma_wait3A_267 = tpu.memref_slice %arg3[%dma_wait3A_264, %dma_wait3A_265, %dma_wait3A_266] : memref<2x2500x128xi32, #tpu.memory_space<hbm>> -> memref<1x1x128xi32, #tpu.memory_space<hbm>>
        %dma_wait3A_268 = tpu.memref_squeeze %dma_wait3A_267 : memref<1x1x128xi32, #tpu.memory_space<hbm>> -> memref<1x128xi32, #tpu.memory_space<hbm>>
        %dma_wait3A_269 = arith.constant 0 : i32
        %dma_wait3A_270 = arith.constant 0 : i32
        %dma_wait3A_271 = tpu.memref_slice %arg3[%dma_wait3A_264, %dma_wait3A_269, %dma_wait3A_270] : memref<2x2500x128xi32, #tpu.memory_space<hbm>> -> memref<1x1x128xi32, #tpu.memory_space<hbm>>
        %dma_wait3A_272 = tpu.memref_squeeze %dma_wait3A_271 : memref<1x1x128xi32, #tpu.memory_space<hbm>> -> memref<1x128xi32, #tpu.memory_space<hbm>>
        tpu.wait_dma2 semaphore(%arg18 : memref<!tpu.dma_semaphore, #tpu.memory_space<semaphore_mem>>) src(%dma_wait3A_272 : memref<1x128xi32, #tpu.memory_space<hbm>>) dst(%arg7 : memref<1x128xi32, #tpu.memory_space<vmem>>)
        %dma_wait3A_273 = arith.constant 1 : i32
        %dma_wait3A_274 = arith.constant 0 : i32
        %dma_wait3A_275 = arith.constant 0 : i32
        %dma_wait3A_276 = tpu.memref_slice %arg3[%dma_wait3A_273, %dma_wait3A_274, %dma_wait3A_275] : memref<2x2500x128xi32, #tpu.memory_space<hbm>> -> memref<1x1x128xi32, #tpu.memory_space<hbm>>
        %dma_wait3A_277 = tpu.memref_squeeze %dma_wait3A_276 : memref<1x1x128xi32, #tpu.memory_space<hbm>> -> memref<1x128xi32, #tpu.memory_space<hbm>>
        %dma_wait3A_278 = arith.constant 0 : i32
        %dma_wait3A_279 = arith.constant 0 : i32
        %dma_wait3A_280 = tpu.memref_slice %arg3[%dma_wait3A_273, %dma_wait3A_278, %dma_wait3A_279] : memref<2x2500x128xi32, #tpu.memory_space<hbm>> -> memref<1x1x128xi32, #tpu.memory_space<hbm>>
        %dma_wait3A_281 = tpu.memref_squeeze %dma_wait3A_280 : memref<1x1x128xi32, #tpu.memory_space<hbm>> -> memref<1x128xi32, #tpu.memory_space<hbm>>
        tpu.wait_dma2 semaphore(%arg18 : memref<!tpu.dma_semaphore, #tpu.memory_space<semaphore_mem>>) src(%dma_wait3A_281 : memref<1x128xi32, #tpu.memory_space<hbm>>) dst(%arg11 : memref<1x128xi32, #tpu.memory_space<vmem>>)
        %dma_start3A_282 = arith.constant 0 : i32
        %dma_start3A_283 = arith.constant 0 : i32
        %dma_start3A_284 = tpu.memref_slice %arg7[%dma_start3A_282, %dma_start3A_283] : memref<1x128xi32, #tpu.memory_space<vmem>> -> memref<1x128xi32, #tpu.memory_space<vmem>>
        %dma_start3A_285 = tpu.memref_squeeze %dma_start3A_284 : memref<1x128xi32, #tpu.memory_space<vmem>> -> memref<128xi32, #tpu.memory_space<vmem>>
        %dma_start3A_286 = arith.constant 0 : i32
        %dma_start3A_287 = arith.constant 0 : i32
        %dma_start3A_288 = tpu.memref_slice %arg2[%dma_start3A_286, %dma_start3A_287] : memref<10000x64xf32, #tpu.memory_space<hbm>> -> memref<10000x64xf32, #tpu.memory_space<hbm>>
        tpu.enqueue_indirect_dma source(%dma_start3A_288 : memref<10000x64xf32, #tpu.memory_space<hbm>>) target(%arg13 : memref<128x64xf32, #tpu.memory_space<vmem>>) offsets(%dma_start3A_285 : memref<128xi32, #tpu.memory_space<vmem>>) semaphore(%arg20 : memref<!tpu.dma_semaphore, #tpu.memory_space<semaphore_mem>>)
      } else {
      }
      %add3A_192 = arith.constant 1 : i32
      %add3A_193 = arith.addi %mul3A_167, %add3A_192 : i32
      %dma_wait3A_194 = arith.constant 0 : i32
      %dma_wait3A_195 = arith.constant 0 : i32
      %dma_wait3A_196 = tpu.memref_slice %arg6[%dma_wait3A_194, %dma_wait3A_195] : memref<1x128xi32, #tpu.memory_space<vmem>> -> memref<1x128xi32, #tpu.memory_space<vmem>>
      %dma_wait3A_197 = tpu.memref_squeeze %dma_wait3A_196 : memref<1x128xi32, #tpu.memory_space<vmem>> -> memref<128xi32, #tpu.memory_space<vmem>>
      %dma_wait3A_198 = arith.constant 0 : i32
      %dma_wait3A_199 = arith.constant 0 : i32
      %dma_wait3A_200 = tpu.memref_slice %arg2[%dma_wait3A_198, %dma_wait3A_199] : memref<10000x64xf32, #tpu.memory_space<hbm>> -> memref<10000x64xf32, #tpu.memory_space<hbm>>
      tpu.wait_indirect_dma semaphore(%arg21 : memref<!tpu.dma_semaphore, #tpu.memory_space<semaphore_mem>>) src(%dma_wait3A_200 : memref<10000x64xf32, #tpu.memory_space<hbm>>) dst(%arg14 : memref<128x64xf32, #tpu.memory_space<vmem>>)
      %run_scoped3A_201 = arith.constant 0 : i32
      "tpu.region"() ({
        %run_scoped3A_264 = tpu.sem_alloc : memref<!tpu.dma_semaphore, #tpu.memory_space<semaphore_mem>>
        %dma_start3A_265 = arith.constant 0 : i32
        %dma_start3A_266 = tpu.memref_slice %arg10[%run_scoped3A_201, %dma_start3A_265] : memref<1x128xi32, #tpu.memory_space<vmem>> -> memref<1x128xi32, #tpu.memory_space<vmem>>
        %dma_start3A_267 = tpu.memref_squeeze %dma_start3A_266 : memref<1x128xi32, #tpu.memory_space<vmem>> -> memref<128xi32, #tpu.memory_space<vmem>>
        %dma_start3A_268 = arith.constant 0 : i32
        %dma_start3A_269 = arith.constant 0 : i32
        %dma_start3A_270 = tpu.memref_slice %arg15[%dma_start3A_268, %dma_start3A_269] : memref<10000x64xf32, #tpu.memory_space<vmem_shared>> -> memref<10000x64xf32, #tpu.memory_space<vmem_shared>>
        tpu.enqueue_indirect_dma source(%arg14 : memref<128x64xf32, #tpu.memory_space<vmem>>) target(%dma_start3A_270 : memref<10000x64xf32, #tpu.memory_space<vmem_shared>>) offsets(%dma_start3A_267 : memref<128xi32, #tpu.memory_space<vmem>>) semaphore(%run_scoped3A_264 : memref<!tpu.dma_semaphore, #tpu.memory_space<semaphore_mem>>) {add = true}
        %dma_wait3A_271 = arith.constant 0 : i32
        %dma_wait3A_272 = tpu.memref_slice %arg10[%run_scoped3A_201, %dma_wait3A_271] : memref<1x128xi32, #tpu.memory_space<vmem>> -> memref<1x128xi32, #tpu.memory_space<vmem>>
        %dma_wait3A_273 = tpu.memref_squeeze %dma_wait3A_272 : memref<1x128xi32, #tpu.memory_space<vmem>> -> memref<128xi32, #tpu.memory_space<vmem>>
        %dma_wait3A_274 = arith.constant 0 : i32
        %dma_wait3A_275 = arith.constant 0 : i32
        %dma_wait3A_276 = tpu.memref_slice %arg15[%dma_wait3A_274, %dma_wait3A_275] : memref<10000x64xf32, #tpu.memory_space<vmem_shared>> -> memref<10000x64xf32, #tpu.memory_space<vmem_shared>>
        tpu.wait_indirect_dma semaphore(%run_scoped3A_264 : memref<!tpu.dma_semaphore, #tpu.memory_space<semaphore_mem>>) src(%arg14 : memref<128x64xf32, #tpu.memory_space<vmem>>) dst(%dma_wait3A_276 : memref<10000x64xf32, #tpu.memory_space<vmem_shared>>)
        tpu.yield
      }) : () -> ()
      %add3A_202 = arith.constant 4 : i32
      %add3A_203 = arith.addi %add3A_193, %add3A_202 : i32
      %lt3A_204 = arith.constant 78 : i32
      %lt3A_205 = arith.cmpi slt, %add3A_203, %lt3A_204 : i32
      %convert_element_type3A_206 = arith.extui %lt3A_205 : i1 to i32
      %cond3A_207 = arith.constant 0 : i32
      %cond3A_208 = arith.cmpi ne, %convert_element_type3A_206, %cond3A_207 : i32
      scf.if %cond3A_208 {
        %add3A_264 = arith.constant 4 : i32
        %add3A_265 = arith.addi %add3A_193, %add3A_264 : i32
        %add3A_266 = arith.addi %mul3A_4, %add3A_265 : i32
        %dma_start3A_267 = arith.constant 0 : i32
        %dma_start3A_268 = arith.constant 0 : i32
        %dma_start3A_269 = tpu.memref_slice %arg3[%dma_start3A_267, %add3A_266, %dma_start3A_268] : memref<2x2500x128xi32, #tpu.memory_space<hbm>> -> memref<1x1x128xi32, #tpu.memory_space<hbm>>
        %dma_start3A_270 = tpu.memref_squeeze %dma_start3A_269 : memref<1x1x128xi32, #tpu.memory_space<hbm>> -> memref<1x128xi32, #tpu.memory_space<hbm>>
        %dma_start3A_271 = arith.constant 0 : i32
        %dma_start3A_272 = tpu.memref_slice %arg3[%dma_start3A_267, %add3A_266, %dma_start3A_271] : memref<2x2500x128xi32, #tpu.memory_space<hbm>> -> memref<1x1x128xi32, #tpu.memory_space<hbm>>
        %dma_start3A_273 = tpu.memref_squeeze %dma_start3A_272 : memref<1x1x128xi32, #tpu.memory_space<hbm>> -> memref<1x128xi32, #tpu.memory_space<hbm>>
        tpu.enqueue_dma source(%dma_start3A_273 : memref<1x128xi32, #tpu.memory_space<hbm>>) target(%arg6 : memref<1x128xi32, #tpu.memory_space<vmem>>) target_semaphore(%arg17 : memref<!tpu.dma_semaphore, #tpu.memory_space<semaphore_mem>>)
        %add3A_274 = arith.addi %mul3A_4, %add3A_265 : i32
        %dma_start3A_275 = arith.constant 1 : i32
        %dma_start3A_276 = arith.constant 0 : i32
        %dma_start3A_277 = tpu.memref_slice %arg3[%dma_start3A_275, %add3A_274, %dma_start3A_276] : memref<2x2500x128xi32, #tpu.memory_space<hbm>> -> memref<1x1x128xi32, #tpu.memory_space<hbm>>
        %dma_start3A_278 = tpu.memref_squeeze %dma_start3A_277 : memref<1x1x128xi32, #tpu.memory_space<hbm>> -> memref<1x128xi32, #tpu.memory_space<hbm>>
        %dma_start3A_279 = arith.constant 0 : i32
        %dma_start3A_280 = tpu.memref_slice %arg3[%dma_start3A_275, %add3A_274, %dma_start3A_279] : memref<2x2500x128xi32, #tpu.memory_space<hbm>> -> memref<1x1x128xi32, #tpu.memory_space<hbm>>
        %dma_start3A_281 = tpu.memref_squeeze %dma_start3A_280 : memref<1x1x128xi32, #tpu.memory_space<hbm>> -> memref<1x128xi32, #tpu.memory_space<hbm>>
        tpu.enqueue_dma source(%dma_start3A_281 : memref<1x128xi32, #tpu.memory_space<hbm>>) target(%arg10 : memref<1x128xi32, #tpu.memory_space<vmem>>) target_semaphore(%arg17 : memref<!tpu.dma_semaphore, #tpu.memory_space<semaphore_mem>>)
      } else {
      }
      %add3A_209 = arith.constant 2 : i32
      %add3A_210 = arith.addi %add3A_193, %add3A_209 : i32
      %lt3A_211 = arith.constant 78 : i32
      %lt3A_212 = arith.cmpi slt, %add3A_210, %lt3A_211 : i32
      %convert_element_type3A_213 = arith.extui %lt3A_212 : i1 to i32
      %cond3A_214 = arith.constant 0 : i32
      %cond3A_215 = arith.cmpi ne, %convert_element_type3A_213, %cond3A_214 : i32
      scf.if %cond3A_215 {
        %dma_wait3A_264 = arith.constant 0 : i32
        %dma_wait3A_265 = arith.constant 0 : i32
        %dma_wait3A_266 = arith.constant 0 : i32
        %dma_wait3A_267 = tpu.memref_slice %arg3[%dma_wait3A_264, %dma_wait3A_265, %dma_wait3A_266] : memref<2x2500x128xi32, #tpu.memory_space<hbm>> -> memref<1x1x128xi32, #tpu.memory_space<hbm>>
        %dma_wait3A_268 = tpu.memref_squeeze %dma_wait3A_267 : memref<1x1x128xi32, #tpu.memory_space<hbm>> -> memref<1x128xi32, #tpu.memory_space<hbm>>
        %dma_wait3A_269 = arith.constant 0 : i32
        %dma_wait3A_270 = arith.constant 0 : i32
        %dma_wait3A_271 = tpu.memref_slice %arg3[%dma_wait3A_264, %dma_wait3A_269, %dma_wait3A_270] : memref<2x2500x128xi32, #tpu.memory_space<hbm>> -> memref<1x1x128xi32, #tpu.memory_space<hbm>>
        %dma_wait3A_272 = tpu.memref_squeeze %dma_wait3A_271 : memref<1x1x128xi32, #tpu.memory_space<hbm>> -> memref<1x128xi32, #tpu.memory_space<hbm>>
        tpu.wait_dma2 semaphore(%arg19 : memref<!tpu.dma_semaphore, #tpu.memory_space<semaphore_mem>>) src(%dma_wait3A_272 : memref<1x128xi32, #tpu.memory_space<hbm>>) dst(%arg8 : memref<1x128xi32, #tpu.memory_space<vmem>>)
        %dma_wait3A_273 = arith.constant 1 : i32
        %dma_wait3A_274 = arith.constant 0 : i32
        %dma_wait3A_275 = arith.constant 0 : i32
        %dma_wait3A_276 = tpu.memref_slice %arg3[%dma_wait3A_273, %dma_wait3A_274, %dma_wait3A_275] : memref<2x2500x128xi32, #tpu.memory_space<hbm>> -> memref<1x1x128xi32, #tpu.memory_space<hbm>>
        %dma_wait3A_277 = tpu.memref_squeeze %dma_wait3A_276 : memref<1x1x128xi32, #tpu.memory_space<hbm>> -> memref<1x128xi32, #tpu.memory_space<hbm>>
        %dma_wait3A_278 = arith.constant 0 : i32
        %dma_wait3A_279 = arith.constant 0 : i32
        %dma_wait3A_280 = tpu.memref_slice %arg3[%dma_wait3A_273, %dma_wait3A_278, %dma_wait3A_279] : memref<2x2500x128xi32, #tpu.memory_space<hbm>> -> memref<1x1x128xi32, #tpu.memory_space<hbm>>
        %dma_wait3A_281 = tpu.memref_squeeze %dma_wait3A_280 : memref<1x1x128xi32, #tpu.memory_space<hbm>> -> memref<1x128xi32, #tpu.memory_space<hbm>>
        tpu.wait_dma2 semaphore(%arg19 : memref<!tpu.dma_semaphore, #tpu.memory_space<semaphore_mem>>) src(%dma_wait3A_281 : memref<1x128xi32, #tpu.memory_space<hbm>>) dst(%arg12 : memref<1x128xi32, #tpu.memory_space<vmem>>)
        %dma_start3A_282 = arith.constant 0 : i32
        %dma_start3A_283 = arith.constant 0 : i32
        %dma_start3A_284 = tpu.memref_slice %arg8[%dma_start3A_282, %dma_start3A_283] : memref<1x128xi32, #tpu.memory_space<vmem>> -> memref<1x128xi32, #tpu.memory_space<vmem>>
        %dma_start3A_285 = tpu.memref_squeeze %dma_start3A_284 : memref<1x128xi32, #tpu.memory_space<vmem>> -> memref<128xi32, #tpu.memory_space<vmem>>
        %dma_start3A_286 = arith.constant 0 : i32
        %dma_start3A_287 = arith.constant 0 : i32
        %dma_start3A_288 = tpu.memref_slice %arg2[%dma_start3A_286, %dma_start3A_287] : memref<10000x64xf32, #tpu.memory_space<hbm>> -> memref<10000x64xf32, #tpu.memory_space<hbm>>
        tpu.enqueue_indirect_dma source(%dma_start3A_288 : memref<10000x64xf32, #tpu.memory_space<hbm>>) target(%arg14 : memref<128x64xf32, #tpu.memory_space<vmem>>) offsets(%dma_start3A_285 : memref<128xi32, #tpu.memory_space<vmem>>) semaphore(%arg21 : memref<!tpu.dma_semaphore, #tpu.memory_space<semaphore_mem>>)
      } else {
      }
      %add3A_216 = arith.constant 2 : i32
      %add3A_217 = arith.addi %mul3A_167, %add3A_216 : i32
      %dma_wait3A_218 = arith.constant 0 : i32
      %dma_wait3A_219 = arith.constant 0 : i32
      %dma_wait3A_220 = tpu.memref_slice %arg7[%dma_wait3A_218, %dma_wait3A_219] : memref<1x128xi32, #tpu.memory_space<vmem>> -> memref<1x128xi32, #tpu.memory_space<vmem>>
      %dma_wait3A_221 = tpu.memref_squeeze %dma_wait3A_220 : memref<1x128xi32, #tpu.memory_space<vmem>> -> memref<128xi32, #tpu.memory_space<vmem>>
      %dma_wait3A_222 = arith.constant 0 : i32
      %dma_wait3A_223 = arith.constant 0 : i32
      %dma_wait3A_224 = tpu.memref_slice %arg2[%dma_wait3A_222, %dma_wait3A_223] : memref<10000x64xf32, #tpu.memory_space<hbm>> -> memref<10000x64xf32, #tpu.memory_space<hbm>>
      tpu.wait_indirect_dma semaphore(%arg20 : memref<!tpu.dma_semaphore, #tpu.memory_space<semaphore_mem>>) src(%dma_wait3A_224 : memref<10000x64xf32, #tpu.memory_space<hbm>>) dst(%arg13 : memref<128x64xf32, #tpu.memory_space<vmem>>)
      %run_scoped3A_225 = arith.constant 0 : i32
      "tpu.region"() ({
        %run_scoped3A_264 = tpu.sem_alloc : memref<!tpu.dma_semaphore, #tpu.memory_space<semaphore_mem>>
        %dma_start3A_265 = arith.constant 0 : i32
        %dma_start3A_266 = tpu.memref_slice %arg11[%run_scoped3A_225, %dma_start3A_265] : memref<1x128xi32, #tpu.memory_space<vmem>> -> memref<1x128xi32, #tpu.memory_space<vmem>>
        %dma_start3A_267 = tpu.memref_squeeze %dma_start3A_266 : memref<1x128xi32, #tpu.memory_space<vmem>> -> memref<128xi32, #tpu.memory_space<vmem>>
        %dma_start3A_268 = arith.constant 0 : i32
        %dma_start3A_269 = arith.constant 0 : i32
        %dma_start3A_270 = tpu.memref_slice %arg15[%dma_start3A_268, %dma_start3A_269] : memref<10000x64xf32, #tpu.memory_space<vmem_shared>> -> memref<10000x64xf32, #tpu.memory_space<vmem_shared>>
        tpu.enqueue_indirect_dma source(%arg13 : memref<128x64xf32, #tpu.memory_space<vmem>>) target(%dma_start3A_270 : memref<10000x64xf32, #tpu.memory_space<vmem_shared>>) offsets(%dma_start3A_267 : memref<128xi32, #tpu.memory_space<vmem>>) semaphore(%run_scoped3A_264 : memref<!tpu.dma_semaphore, #tpu.memory_space<semaphore_mem>>) {add = true}
        %dma_wait3A_271 = arith.constant 0 : i32
        %dma_wait3A_272 = tpu.memref_slice %arg11[%run_scoped3A_225, %dma_wait3A_271] : memref<1x128xi32, #tpu.memory_space<vmem>> -> memref<1x128xi32, #tpu.memory_space<vmem>>
        %dma_wait3A_273 = tpu.memref_squeeze %dma_wait3A_272 : memref<1x128xi32, #tpu.memory_space<vmem>> -> memref<128xi32, #tpu.memory_space<vmem>>
        %dma_wait3A_274 = arith.constant 0 : i32
        %dma_wait3A_275 = arith.constant 0 : i32
        %dma_wait3A_276 = tpu.memref_slice %arg15[%dma_wait3A_274, %dma_wait3A_275] : memref<10000x64xf32, #tpu.memory_space<vmem_shared>> -> memref<10000x64xf32, #tpu.memory_space<vmem_shared>>
        tpu.wait_indirect_dma semaphore(%run_scoped3A_264 : memref<!tpu.dma_semaphore, #tpu.memory_space<semaphore_mem>>) src(%arg13 : memref<128x64xf32, #tpu.memory_space<vmem>>) dst(%dma_wait3A_276 : memref<10000x64xf32, #tpu.memory_space<vmem_shared>>)
        tpu.yield
      }) : () -> ()
      %add3A_226 = arith.constant 4 : i32
      %add3A_227 = arith.addi %add3A_217, %add3A_226 : i32
      %lt3A_228 = arith.constant 78 : i32
      %lt3A_229 = arith.cmpi slt, %add3A_227, %lt3A_228 : i32
      %convert_element_type3A_230 = arith.extui %lt3A_229 : i1 to i32
      %cond3A_231 = arith.constant 0 : i32
      %cond3A_232 = arith.cmpi ne, %convert_element_type3A_230, %cond3A_231 : i32
      scf.if %cond3A_232 {
        %add3A_264 = arith.constant 4 : i32
        %add3A_265 = arith.addi %add3A_217, %add3A_264 : i32
        %add3A_266 = arith.addi %mul3A_4, %add3A_265 : i32
        %dma_start3A_267 = arith.constant 0 : i32
        %dma_start3A_268 = arith.constant 0 : i32
        %dma_start3A_269 = tpu.memref_slice %arg3[%dma_start3A_267, %add3A_266, %dma_start3A_268] : memref<2x2500x128xi32, #tpu.memory_space<hbm>> -> memref<1x1x128xi32, #tpu.memory_space<hbm>>
        %dma_start3A_270 = tpu.memref_squeeze %dma_start3A_269 : memref<1x1x128xi32, #tpu.memory_space<hbm>> -> memref<1x128xi32, #tpu.memory_space<hbm>>
        %dma_start3A_271 = arith.constant 0 : i32
        %dma_start3A_272 = tpu.memref_slice %arg3[%dma_start3A_267, %add3A_266, %dma_start3A_271] : memref<2x2500x128xi32, #tpu.memory_space<hbm>> -> memref<1x1x128xi32, #tpu.memory_space<hbm>>
        %dma_start3A_273 = tpu.memref_squeeze %dma_start3A_272 : memref<1x1x128xi32, #tpu.memory_space<hbm>> -> memref<1x128xi32, #tpu.memory_space<hbm>>
        tpu.enqueue_dma source(%dma_start3A_273 : memref<1x128xi32, #tpu.memory_space<hbm>>) target(%arg7 : memref<1x128xi32, #tpu.memory_space<vmem>>) target_semaphore(%arg18 : memref<!tpu.dma_semaphore, #tpu.memory_space<semaphore_mem>>)
        %add3A_274 = arith.addi %mul3A_4, %add3A_265 : i32
        %dma_start3A_275 = arith.constant 1 : i32
        %dma_start3A_276 = arith.constant 0 : i32
        %dma_start3A_277 = tpu.memref_slice %arg3[%dma_start3A_275, %add3A_274, %dma_start3A_276] : memref<2x2500x128xi32, #tpu.memory_space<hbm>> -> memref<1x1x128xi32, #tpu.memory_space<hbm>>
        %dma_start3A_278 = tpu.memref_squeeze %dma_start3A_277 : memref<1x1x128xi32, #tpu.memory_space<hbm>> -> memref<1x128xi32, #tpu.memory_space<hbm>>
        %dma_start3A_279 = arith.constant 0 : i32
        %dma_start3A_280 = tpu.memref_slice %arg3[%dma_start3A_275, %add3A_274, %dma_start3A_279] : memref<2x2500x128xi32, #tpu.memory_space<hbm>> -> memref<1x1x128xi32, #tpu.memory_space<hbm>>
        %dma_start3A_281 = tpu.memref_squeeze %dma_start3A_280 : memref<1x1x128xi32, #tpu.memory_space<hbm>> -> memref<1x128xi32, #tpu.memory_space<hbm>>
        tpu.enqueue_dma source(%dma_start3A_281 : memref<1x128xi32, #tpu.memory_space<hbm>>) target(%arg11 : memref<1x128xi32, #tpu.memory_space<vmem>>) target_semaphore(%arg18 : memref<!tpu.dma_semaphore, #tpu.memory_space<semaphore_mem>>)
      } else {
      }
      %add3A_233 = arith.constant 2 : i32
      %add3A_234 = arith.addi %add3A_217, %add3A_233 : i32
      %lt3A_235 = arith.constant 78 : i32
      %lt3A_236 = arith.cmpi slt, %add3A_234, %lt3A_235 : i32
      %convert_element_type3A_237 = arith.extui %lt3A_236 : i1 to i32
      %cond3A_238 = arith.constant 0 : i32
      %cond3A_239 = arith.cmpi ne, %convert_element_type3A_237, %cond3A_238 : i32
      scf.if %cond3A_239 {
        %dma_wait3A_264 = arith.constant 0 : i32
        %dma_wait3A_265 = arith.constant 0 : i32
        %dma_wait3A_266 = arith.constant 0 : i32
        %dma_wait3A_267 = tpu.memref_slice %arg3[%dma_wait3A_264, %dma_wait3A_265, %dma_wait3A_266] : memref<2x2500x128xi32, #tpu.memory_space<hbm>> -> memref<1x1x128xi32, #tpu.memory_space<hbm>>
        %dma_wait3A_268 = tpu.memref_squeeze %dma_wait3A_267 : memref<1x1x128xi32, #tpu.memory_space<hbm>> -> memref<1x128xi32, #tpu.memory_space<hbm>>
        %dma_wait3A_269 = arith.constant 0 : i32
        %dma_wait3A_270 = arith.constant 0 : i32
        %dma_wait3A_271 = tpu.memref_slice %arg3[%dma_wait3A_264, %dma_wait3A_269, %dma_wait3A_270] : memref<2x2500x128xi32, #tpu.memory_space<hbm>> -> memref<1x1x128xi32, #tpu.memory_space<hbm>>
        %dma_wait3A_272 = tpu.memref_squeeze %dma_wait3A_271 : memref<1x1x128xi32, #tpu.memory_space<hbm>> -> memref<1x128xi32, #tpu.memory_space<hbm>>
        tpu.wait_dma2 semaphore(%arg16 : memref<!tpu.dma_semaphore, #tpu.memory_space<semaphore_mem>>) src(%dma_wait3A_272 : memref<1x128xi32, #tpu.memory_space<hbm>>) dst(%arg5 : memref<1x128xi32, #tpu.memory_space<vmem>>)
        %dma_wait3A_273 = arith.constant 1 : i32
        %dma_wait3A_274 = arith.constant 0 : i32
        %dma_wait3A_275 = arith.constant 0 : i32
        %dma_wait3A_276 = tpu.memref_slice %arg3[%dma_wait3A_273, %dma_wait3A_274, %dma_wait3A_275] : memref<2x2500x128xi32, #tpu.memory_space<hbm>> -> memref<1x1x128xi32, #tpu.memory_space<hbm>>
        %dma_wait3A_277 = tpu.memref_squeeze %dma_wait3A_276 : memref<1x1x128xi32, #tpu.memory_space<hbm>> -> memref<1x128xi32, #tpu.memory_space<hbm>>
        %dma_wait3A_278 = arith.constant 0 : i32
        %dma_wait3A_279 = arith.constant 0 : i32
        %dma_wait3A_280 = tpu.memref_slice %arg3[%dma_wait3A_273, %dma_wait3A_278, %dma_wait3A_279] : memref<2x2500x128xi32, #tpu.memory_space<hbm>> -> memref<1x1x128xi32, #tpu.memory_space<hbm>>
        %dma_wait3A_281 = tpu.memref_squeeze %dma_wait3A_280 : memref<1x1x128xi32, #tpu.memory_space<hbm>> -> memref<1x128xi32, #tpu.memory_space<hbm>>
        tpu.wait_dma2 semaphore(%arg16 : memref<!tpu.dma_semaphore, #tpu.memory_space<semaphore_mem>>) src(%dma_wait3A_281 : memref<1x128xi32, #tpu.memory_space<hbm>>) dst(%arg9 : memref<1x128xi32, #tpu.memory_space<vmem>>)
        %dma_start3A_282 = arith.constant 0 : i32
        %dma_start3A_283 = arith.constant 0 : i32
        %dma_start3A_284 = tpu.memref_slice %arg5[%dma_start3A_282, %dma_start3A_283] : memref<1x128xi32, #tpu.memory_space<vmem>> -> memref<1x128xi32, #tpu.memory_space<vmem>>
        %dma_start3A_285 = tpu.memref_squeeze %dma_start3A_284 : memref<1x128xi32, #tpu.memory_space<vmem>> -> memref<128xi32, #tpu.memory_space<vmem>>
        %dma_start3A_286 = arith.constant 0 : i32
        %dma_start3A_287 = arith.constant 0 : i32
        %dma_start3A_288 = tpu.memref_slice %arg2[%dma_start3A_286, %dma_start3A_287] : memref<10000x64xf32, #tpu.memory_space<hbm>> -> memref<10000x64xf32, #tpu.memory_space<hbm>>
        tpu.enqueue_indirect_dma source(%dma_start3A_288 : memref<10000x64xf32, #tpu.memory_space<hbm>>) target(%arg13 : memref<128x64xf32, #tpu.memory_space<vmem>>) offsets(%dma_start3A_285 : memref<128xi32, #tpu.memory_space<vmem>>) semaphore(%arg20 : memref<!tpu.dma_semaphore, #tpu.memory_space<semaphore_mem>>)
      } else {
      }
      %add3A_240 = arith.constant 3 : i32
      %add3A_241 = arith.addi %mul3A_167, %add3A_240 : i32
      %dma_wait3A_242 = arith.constant 0 : i32
      %dma_wait3A_243 = arith.constant 0 : i32
      %dma_wait3A_244 = tpu.memref_slice %arg8[%dma_wait3A_242, %dma_wait3A_243] : memref<1x128xi32, #tpu.memory_space<vmem>> -> memref<1x128xi32, #tpu.memory_space<vmem>>
      %dma_wait3A_245 = tpu.memref_squeeze %dma_wait3A_244 : memref<1x128xi32, #tpu.memory_space<vmem>> -> memref<128xi32, #tpu.memory_space<vmem>>
      %dma_wait3A_246 = arith.constant 0 : i32
      %dma_wait3A_247 = arith.constant 0 : i32
      %dma_wait3A_248 = tpu.memref_slice %arg2[%dma_wait3A_246, %dma_wait3A_247] : memref<10000x64xf32, #tpu.memory_space<hbm>> -> memref<10000x64xf32, #tpu.memory_space<hbm>>
      tpu.wait_indirect_dma semaphore(%arg21 : memref<!tpu.dma_semaphore, #tpu.memory_space<semaphore_mem>>) src(%dma_wait3A_248 : memref<10000x64xf32, #tpu.memory_space<hbm>>) dst(%arg14 : memref<128x64xf32, #tpu.memory_space<vmem>>)
      %run_scoped3A_249 = arith.constant 0 : i32
      "tpu.region"() ({
        %run_scoped3A_264 = tpu.sem_alloc : memref<!tpu.dma_semaphore, #tpu.memory_space<semaphore_mem>>
        %dma_start3A_265 = arith.constant 0 : i32
        %dma_start3A_266 = tpu.memref_slice %arg12[%run_scoped3A_249, %dma_start3A_265] : memref<1x128xi32, #tpu.memory_space<vmem>> -> memref<1x128xi32, #tpu.memory_space<vmem>>
        %dma_start3A_267 = tpu.memref_squeeze %dma_start3A_266 : memref<1x128xi32, #tpu.memory_space<vmem>> -> memref<128xi32, #tpu.memory_space<vmem>>
        %dma_start3A_268 = arith.constant 0 : i32
        %dma_start3A_269 = arith.constant 0 : i32
        %dma_start3A_270 = tpu.memref_slice %arg15[%dma_start3A_268, %dma_start3A_269] : memref<10000x64xf32, #tpu.memory_space<vmem_shared>> -> memref<10000x64xf32, #tpu.memory_space<vmem_shared>>
        tpu.enqueue_indirect_dma source(%arg14 : memref<128x64xf32, #tpu.memory_space<vmem>>) target(%dma_start3A_270 : memref<10000x64xf32, #tpu.memory_space<vmem_shared>>) offsets(%dma_start3A_267 : memref<128xi32, #tpu.memory_space<vmem>>) semaphore(%run_scoped3A_264 : memref<!tpu.dma_semaphore, #tpu.memory_space<semaphore_mem>>) {add = true}
        %dma_wait3A_271 = arith.constant 0 : i32
        %dma_wait3A_272 = tpu.memref_slice %arg12[%run_scoped3A_249, %dma_wait3A_271] : memref<1x128xi32, #tpu.memory_space<vmem>> -> memref<1x128xi32, #tpu.memory_space<vmem>>
        %dma_wait3A_273 = tpu.memref_squeeze %dma_wait3A_272 : memref<1x128xi32, #tpu.memory_space<vmem>> -> memref<128xi32, #tpu.memory_space<vmem>>
        %dma_wait3A_274 = arith.constant 0 : i32
        %dma_wait3A_275 = arith.constant 0 : i32
        %dma_wait3A_276 = tpu.memref_slice %arg15[%dma_wait3A_274, %dma_wait3A_275] : memref<10000x64xf32, #tpu.memory_space<vmem_shared>> -> memref<10000x64xf32, #tpu.memory_space<vmem_shared>>
        tpu.wait_indirect_dma semaphore(%run_scoped3A_264 : memref<!tpu.dma_semaphore, #tpu.memory_space<semaphore_mem>>) src(%arg14 : memref<128x64xf32, #tpu.memory_space<vmem>>) dst(%dma_wait3A_276 : memref<10000x64xf32, #tpu.memory_space<vmem_shared>>)
        tpu.yield
      }) : () -> ()
      %add3A_250 = arith.constant 4 : i32
      %add3A_251 = arith.addi %add3A_241, %add3A_250 : i32
      %lt3A_252 = arith.constant 78 : i32
      %lt3A_253 = arith.cmpi slt, %add3A_251, %lt3A_252 : i32
      %convert_element_type3A_254 = arith.extui %lt3A_253 : i1 to i32
      %cond3A_255 = arith.constant 0 : i32
      %cond3A_256 = arith.cmpi ne, %convert_element_type3A_254, %cond3A_255 : i32
      scf.if %cond3A_256 {
        %add3A_264 = arith.constant 4 : i32
        %add3A_265 = arith.addi %add3A_241, %add3A_264 : i32
        %add3A_266 = arith.addi %mul3A_4, %add3A_265 : i32
        %dma_start3A_267 = arith.constant 0 : i32
        %dma_start3A_268 = arith.constant 0 : i32
        %dma_start3A_269 = tpu.memref_slice %arg3[%dma_start3A_267, %add3A_266, %dma_start3A_268] : memref<2x2500x128xi32, #tpu.memory_space<hbm>> -> memref<1x1x128xi32, #tpu.memory_space<hbm>>
        %dma_start3A_270 = tpu.memref_squeeze %dma_start3A_269 : memref<1x1x128xi32, #tpu.memory_space<hbm>> -> memref<1x128xi32, #tpu.memory_space<hbm>>
        %dma_start3A_271 = arith.constant 0 : i32
        %dma_start3A_272 = tpu.memref_slice %arg3[%dma_start3A_267, %add3A_266, %dma_start3A_271] : memref<2x2500x128xi32, #tpu.memory_space<hbm>> -> memref<1x1x128xi32, #tpu.memory_space<hbm>>
        %dma_start3A_273 = tpu.memref_squeeze %dma_start3A_272 : memref<1x1x128xi32, #tpu.memory_space<hbm>> -> memref<1x128xi32, #tpu.memory_space<hbm>>
        tpu.enqueue_dma source(%dma_start3A_273 : memref<1x128xi32, #tpu.memory_space<hbm>>) target(%arg8 : memref<1x128xi32, #tpu.memory_space<vmem>>) target_semaphore(%arg19 : memref<!tpu.dma_semaphore, #tpu.memory_space<semaphore_mem>>)
        %add3A_274 = arith.addi %mul3A_4, %add3A_265 : i32
        %dma_start3A_275 = arith.constant 1 : i32
        %dma_start3A_276 = arith.constant 0 : i32
        %dma_start3A_277 = tpu.memref_slice %arg3[%dma_start3A_275, %add3A_274, %dma_start3A_276] : memref<2x2500x128xi32, #tpu.memory_space<hbm>> -> memref<1x1x128xi32, #tpu.memory_space<hbm>>
        %dma_start3A_278 = tpu.memref_squeeze %dma_start3A_277 : memref<1x1x128xi32, #tpu.memory_space<hbm>> -> memref<1x128xi32, #tpu.memory_space<hbm>>
        %dma_start3A_279 = arith.constant 0 : i32
        %dma_start3A_280 = tpu.memref_slice %arg3[%dma_start3A_275, %add3A_274, %dma_start3A_279] : memref<2x2500x128xi32, #tpu.memory_space<hbm>> -> memref<1x1x128xi32, #tpu.memory_space<hbm>>
        %dma_start3A_281 = tpu.memref_squeeze %dma_start3A_280 : memref<1x1x128xi32, #tpu.memory_space<hbm>> -> memref<1x128xi32, #tpu.memory_space<hbm>>
        tpu.enqueue_dma source(%dma_start3A_281 : memref<1x128xi32, #tpu.memory_space<hbm>>) target(%arg12 : memref<1x128xi32, #tpu.memory_space<vmem>>) target_semaphore(%arg19 : memref<!tpu.dma_semaphore, #tpu.memory_space<semaphore_mem>>)
      } else {
      }
      %add3A_257 = arith.constant 2 : i32
      %add3A_258 = arith.addi %add3A_241, %add3A_257 : i32
      %lt3A_259 = arith.constant 78 : i32
      %lt3A_260 = arith.cmpi slt, %add3A_258, %lt3A_259 : i32
      %convert_element_type3A_261 = arith.extui %lt3A_260 : i1 to i32
      %cond3A_262 = arith.constant 0 : i32
      %cond3A_263 = arith.cmpi ne, %convert_element_type3A_261, %cond3A_262 : i32
      scf.if %cond3A_263 {
        %dma_wait3A_264 = arith.constant 0 : i32
        %dma_wait3A_265 = arith.constant 0 : i32
        %dma_wait3A_266 = arith.constant 0 : i32
        %dma_wait3A_267 = tpu.memref_slice %arg3[%dma_wait3A_264, %dma_wait3A_265, %dma_wait3A_266] : memref<2x2500x128xi32, #tpu.memory_space<hbm>> -> memref<1x1x128xi32, #tpu.memory_space<hbm>>
        %dma_wait3A_268 = tpu.memref_squeeze %dma_wait3A_267 : memref<1x1x128xi32, #tpu.memory_space<hbm>> -> memref<1x128xi32, #tpu.memory_space<hbm>>
        %dma_wait3A_269 = arith.constant 0 : i32
        %dma_wait3A_270 = arith.constant 0 : i32
        %dma_wait3A_271 = tpu.memref_slice %arg3[%dma_wait3A_264, %dma_wait3A_269, %dma_wait3A_270] : memref<2x2500x128xi32, #tpu.memory_space<hbm>> -> memref<1x1x128xi32, #tpu.memory_space<hbm>>
        %dma_wait3A_272 = tpu.memref_squeeze %dma_wait3A_271 : memref<1x1x128xi32, #tpu.memory_space<hbm>> -> memref<1x128xi32, #tpu.memory_space<hbm>>
        tpu.wait_dma2 semaphore(%arg17 : memref<!tpu.dma_semaphore, #tpu.memory_space<semaphore_mem>>) src(%dma_wait3A_272 : memref<1x128xi32, #tpu.memory_space<hbm>>) dst(%arg6 : memref<1x128xi32, #tpu.memory_space<vmem>>)
        %dma_wait3A_273 = arith.constant 1 : i32
        %dma_wait3A_274 = arith.constant 0 : i32
        %dma_wait3A_275 = arith.constant 0 : i32
        %dma_wait3A_276 = tpu.memref_slice %arg3[%dma_wait3A_273, %dma_wait3A_274, %dma_wait3A_275] : memref<2x2500x128xi32, #tpu.memory_space<hbm>> -> memref<1x1x128xi32, #tpu.memory_space<hbm>>
        %dma_wait3A_277 = tpu.memref_squeeze %dma_wait3A_276 : memref<1x1x128xi32, #tpu.memory_space<hbm>> -> memref<1x128xi32, #tpu.memory_space<hbm>>
        %dma_wait3A_278 = arith.constant 0 : i32
        %dma_wait3A_279 = arith.constant 0 : i32
        %dma_wait3A_280 = tpu.memref_slice %arg3[%dma_wait3A_273, %dma_wait3A_278, %dma_wait3A_279] : memref<2x2500x128xi32, #tpu.memory_space<hbm>> -> memref<1x1x128xi32, #tpu.memory_space<hbm>>
        %dma_wait3A_281 = tpu.memref_squeeze %dma_wait3A_280 : memref<1x1x128xi32, #tpu.memory_space<hbm>> -> memref<1x128xi32, #tpu.memory_space<hbm>>
        tpu.wait_dma2 semaphore(%arg17 : memref<!tpu.dma_semaphore, #tpu.memory_space<semaphore_mem>>) src(%dma_wait3A_281 : memref<1x128xi32, #tpu.memory_space<hbm>>) dst(%arg10 : memref<1x128xi32, #tpu.memory_space<vmem>>)
        %dma_start3A_282 = arith.constant 0 : i32
        %dma_start3A_283 = arith.constant 0 : i32
        %dma_start3A_284 = tpu.memref_slice %arg6[%dma_start3A_282, %dma_start3A_283] : memref<1x128xi32, #tpu.memory_space<vmem>> -> memref<1x128xi32, #tpu.memory_space<vmem>>
        %dma_start3A_285 = tpu.memref_squeeze %dma_start3A_284 : memref<1x128xi32, #tpu.memory_space<vmem>> -> memref<128xi32, #tpu.memory_space<vmem>>
        %dma_start3A_286 = arith.constant 0 : i32
        %dma_start3A_287 = arith.constant 0 : i32
        %dma_start3A_288 = tpu.memref_slice %arg2[%dma_start3A_286, %dma_start3A_287] : memref<10000x64xf32, #tpu.memory_space<hbm>> -> memref<10000x64xf32, #tpu.memory_space<hbm>>
        tpu.enqueue_indirect_dma source(%dma_start3A_288 : memref<10000x64xf32, #tpu.memory_space<hbm>>) target(%arg14 : memref<128x64xf32, #tpu.memory_space<vmem>>) offsets(%dma_start3A_285 : memref<128xi32, #tpu.memory_space<vmem>>) semaphore(%arg21 : memref<!tpu.dma_semaphore, #tpu.memory_space<semaphore_mem>>)
      } else {
      }
    }
    %scan3A_146 = arith.constant 19 : i32
    %dma_wait3A_147 = arith.constant 0 : i32
    %dma_wait3A_148 = arith.constant 0 : i32
    %dma_wait3A_149 = tpu.memref_slice %arg5[%dma_wait3A_147, %dma_wait3A_148] : memref<1x128xi32, #tpu.memory_space<vmem>> -> memref<1x128xi32, #tpu.memory_space<vmem>>
    %dma_wait3A_150 = tpu.memref_squeeze %dma_wait3A_149 : memref<1x128xi32, #tpu.memory_space<vmem>> -> memref<128xi32, #tpu.memory_space<vmem>>
    %dma_wait3A_151 = arith.constant 0 : i32
    %dma_wait3A_152 = arith.constant 0 : i32
    %dma_wait3A_153 = tpu.memref_slice %arg2[%dma_wait3A_151, %dma_wait3A_152] : memref<10000x64xf32, #tpu.memory_space<hbm>> -> memref<10000x64xf32, #tpu.memory_space<hbm>>
    tpu.wait_indirect_dma semaphore(%arg20 : memref<!tpu.dma_semaphore, #tpu.memory_space<semaphore_mem>>) src(%dma_wait3A_153 : memref<10000x64xf32, #tpu.memory_space<hbm>>) dst(%arg13 : memref<128x64xf32, #tpu.memory_space<vmem>>)
    %run_scoped3A = arith.constant 0 : i32
    "tpu.region"() ({
      %run_scoped3A_165 = tpu.sem_alloc : memref<!tpu.dma_semaphore, #tpu.memory_space<semaphore_mem>>
      %dma_start3A_166 = arith.constant 0 : i32
      %dma_start3A_167 = tpu.memref_slice %arg9[%run_scoped3A, %dma_start3A_166] : memref<1x128xi32, #tpu.memory_space<vmem>> -> memref<1x128xi32, #tpu.memory_space<vmem>>
      %dma_start3A_168 = tpu.memref_squeeze %dma_start3A_167 : memref<1x128xi32, #tpu.memory_space<vmem>> -> memref<128xi32, #tpu.memory_space<vmem>>
      %dma_start3A_169 = arith.constant 0 : i32
      %dma_start3A_170 = arith.constant 0 : i32
      %dma_start3A_171 = tpu.memref_slice %arg15[%dma_start3A_169, %dma_start3A_170] : memref<10000x64xf32, #tpu.memory_space<vmem_shared>> -> memref<10000x64xf32, #tpu.memory_space<vmem_shared>>
      tpu.enqueue_indirect_dma source(%arg13 : memref<128x64xf32, #tpu.memory_space<vmem>>) target(%dma_start3A_171 : memref<10000x64xf32, #tpu.memory_space<vmem_shared>>) offsets(%dma_start3A_168 : memref<128xi32, #tpu.memory_space<vmem>>) semaphore(%run_scoped3A_165 : memref<!tpu.dma_semaphore, #tpu.memory_space<semaphore_mem>>) {add = true}
      %dma_wait3A_172 = arith.constant 0 : i32
      %dma_wait3A_173 = tpu.memref_slice %arg9[%run_scoped3A, %dma_wait3A_172] : memref<1x128xi32, #tpu.memory_space<vmem>> -> memref<1x128xi32, #tpu.memory_space<vmem>>
      %dma_wait3A_174 = tpu.memref_squeeze %dma_wait3A_173 : memref<1x128xi32, #tpu.memory_space<vmem>> -> memref<128xi32, #tpu.memory_space<vmem>>
      %dma_wait3A_175 = arith.constant 0 : i32
      %dma_wait3A_176 = arith.constant 0 : i32
      %dma_wait3A_177 = tpu.memref_slice %arg15[%dma_wait3A_175, %dma_wait3A_176] : memref<10000x64xf32, #tpu.memory_space<vmem_shared>> -> memref<10000x64xf32, #tpu.memory_space<vmem_shared>>
      tpu.wait_indirect_dma semaphore(%run_scoped3A_165 : memref<!tpu.dma_semaphore, #tpu.memory_space<semaphore_mem>>) src(%arg13 : memref<128x64xf32, #tpu.memory_space<vmem>>) dst(%dma_wait3A_177 : memref<10000x64xf32, #tpu.memory_space<vmem_shared>>)
      tpu.yield
    }) : () -> ()
    %dma_wait3A_154 = arith.constant 0 : i32
    %dma_wait3A_155 = arith.constant 0 : i32
    %dma_wait3A_156 = tpu.memref_slice %arg6[%dma_wait3A_154, %dma_wait3A_155] : memref<1x128xi32, #tpu.memory_space<vmem>> -> memref<1x128xi32, #tpu.memory_space<vmem>>
    %dma_wait3A_157 = tpu.memref_squeeze %dma_wait3A_156 : memref<1x128xi32, #tpu.memory_space<vmem>> -> memref<128xi32, #tpu.memory_space<vmem>>
    %dma_wait3A_158 = arith.constant 0 : i32
    %dma_wait3A_159 = arith.constant 0 : i32
    %dma_wait3A_160 = tpu.memref_slice %arg2[%dma_wait3A_158, %dma_wait3A_159] : memref<10000x64xf32, #tpu.memory_space<hbm>> -> memref<10000x64xf32, #tpu.memory_space<hbm>>
    tpu.wait_indirect_dma semaphore(%arg21 : memref<!tpu.dma_semaphore, #tpu.memory_space<semaphore_mem>>) src(%dma_wait3A_160 : memref<10000x64xf32, #tpu.memory_space<hbm>>) dst(%arg14 : memref<128x64xf32, #tpu.memory_space<vmem>>)
    %run_scoped3A_161 = arith.constant 0 : i32
    "tpu.region"() ({
      %run_scoped3A_165 = tpu.sem_alloc : memref<!tpu.dma_semaphore, #tpu.memory_space<semaphore_mem>>
      %dma_start3A_166 = arith.constant 0 : i32
      %dma_start3A_167 = tpu.memref_slice %arg10[%run_scoped3A_161, %dma_start3A_166] : memref<1x128xi32, #tpu.memory_space<vmem>> -> memref<1x128xi32, #tpu.memory_space<vmem>>
      %dma_start3A_168 = tpu.memref_squeeze %dma_start3A_167 : memref<1x128xi32, #tpu.memory_space<vmem>> -> memref<128xi32, #tpu.memory_space<vmem>>
      %dma_start3A_169 = arith.constant 0 : i32
      %dma_start3A_170 = arith.constant 0 : i32
      %dma_start3A_171 = tpu.memref_slice %arg15[%dma_start3A_169, %dma_start3A_170] : memref<10000x64xf32, #tpu.memory_space<vmem_shared>> -> memref<10000x64xf32, #tpu.memory_space<vmem_shared>>
      tpu.enqueue_indirect_dma source(%arg14 : memref<128x64xf32, #tpu.memory_space<vmem>>) target(%dma_start3A_171 : memref<10000x64xf32, #tpu.memory_space<vmem_shared>>) offsets(%dma_start3A_168 : memref<128xi32, #tpu.memory_space<vmem>>) semaphore(%run_scoped3A_165 : memref<!tpu.dma_semaphore, #tpu.memory_space<semaphore_mem>>) {add = true}
      %dma_wait3A_172 = arith.constant 0 : i32
      %dma_wait3A_173 = tpu.memref_slice %arg10[%run_scoped3A_161, %dma_wait3A_172] : memref<1x128xi32, #tpu.memory_space<vmem>> -> memref<1x128xi32, #tpu.memory_space<vmem>>
      %dma_wait3A_174 = tpu.memref_squeeze %dma_wait3A_173 : memref<1x128xi32, #tpu.memory_space<vmem>> -> memref<128xi32, #tpu.memory_space<vmem>>
      %dma_wait3A_175 = arith.constant 0 : i32
      %dma_wait3A_176 = arith.constant 0 : i32
      %dma_wait3A_177 = tpu.memref_slice %arg15[%dma_wait3A_175, %dma_wait3A_176] : memref<10000x64xf32, #tpu.memory_space<vmem_shared>> -> memref<10000x64xf32, #tpu.memory_space<vmem_shared>>
      tpu.wait_indirect_dma semaphore(%run_scoped3A_165 : memref<!tpu.dma_semaphore, #tpu.memory_space<semaphore_mem>>) src(%arg14 : memref<128x64xf32, #tpu.memory_space<vmem>>) dst(%dma_wait3A_177 : memref<10000x64xf32, #tpu.memory_space<vmem_shared>>)
      tpu.yield
    }) : () -> ()
    %lt3A = arith.constant 4 : i32
    %lt3A_162 = arith.cmpi slt, %add3A, %lt3A : i32
    %convert_element_type3A = arith.extui %lt3A_162 : i1 to i32
    %cond3A = arith.constant 0 : i32
    %cond3A_163 = arith.cmpi ne, %convert_element_type3A, %cond3A : i32
    scf.if %cond3A_163 {
      %add3A_165 = arith.constant 2496 : i32
      %add3A_166 = arith.addi %add3A_165, %add3A : i32
      %sub3A = arith.subi %add3A_166, %mul3A_4 : i32
      %add3A_167 = arith.addi %mul3A_4, %sub3A : i32
      %dma_start3A_168 = arith.constant 0 : i32
      %dma_start3A_169 = arith.constant 0 : i32
      %dma_start3A_170 = tpu.memref_slice %arg3[%dma_start3A_168, %add3A_167, %dma_start3A_169] : memref<2x2500x128xi32, #tpu.memory_space<hbm>> -> memref<1x1x128xi32, #tpu.memory_space<hbm>>
      %dma_start3A_171 = tpu.memref_squeeze %dma_start3A_170 : memref<1x1x128xi32, #tpu.memory_space<hbm>> -> memref<1x128xi32, #tpu.memory_space<hbm>>
      %dma_start3A_172 = arith.constant 0 : i32
      %dma_start3A_173 = tpu.memref_slice %arg3[%dma_start3A_168, %add3A_167, %dma_start3A_172] : memref<2x2500x128xi32, #tpu.memory_space<hbm>> -> memref<1x1x128xi32, #tpu.memory_space<hbm>>
      %dma_start3A_174 = tpu.memref_squeeze %dma_start3A_173 : memref<1x1x128xi32, #tpu.memory_space<hbm>> -> memref<1x128xi32, #tpu.memory_space<hbm>>
      tpu.enqueue_dma source(%dma_start3A_174 : memref<1x128xi32, #tpu.memory_space<hbm>>) target(%arg5 : memref<1x128xi32, #tpu.memory_space<vmem>>) target_semaphore(%arg16 : memref<!tpu.dma_semaphore, #tpu.memory_space<semaphore_mem>>)
      %add3A_175 = arith.addi %mul3A_4, %sub3A : i32
      %dma_start3A_176 = arith.constant 1 : i32
      %dma_start3A_177 = arith.constant 0 : i32
      %dma_start3A_178 = tpu.memref_slice %arg3[%dma_start3A_176, %add3A_175, %dma_start3A_177] : memref<2x2500x128xi32, #tpu.memory_space<hbm>> -> memref<1x1x128xi32, #tpu.memory_space<hbm>>
      %dma_start3A_179 = tpu.memref_squeeze %dma_start3A_178 : memref<1x1x128xi32, #tpu.memory_space<hbm>> -> memref<1x128xi32, #tpu.memory_space<hbm>>
      %dma_start3A_180 = arith.constant 0 : i32
      %dma_start3A_181 = tpu.memref_slice %arg3[%dma_start3A_176, %add3A_175, %dma_start3A_180] : memref<2x2500x128xi32, #tpu.memory_space<hbm>> -> memref<1x1x128xi32, #tpu.memory_space<hbm>>
      %dma_start3A_182 = tpu.memref_squeeze %dma_start3A_181 : memref<1x1x128xi32, #tpu.memory_space<hbm>> -> memref<1x128xi32, #tpu.memory_space<hbm>>
      tpu.enqueue_dma source(%dma_start3A_182 : memref<1x128xi32, #tpu.memory_space<hbm>>) target(%arg9 : memref<1x128xi32, #tpu.memory_space<vmem>>) target_semaphore(%arg16 : memref<!tpu.dma_semaphore, #tpu.memory_space<semaphore_mem>>)
      %dma_wait3A_183 = arith.constant 0 : i32
      %dma_wait3A_184 = arith.constant 0 : i32
      %dma_wait3A_185 = arith.constant 0 : i32
      %dma_wait3A_186 = tpu.memref_slice %arg3[%dma_wait3A_183, %dma_wait3A_184, %dma_wait3A_185] : memref<2x2500x128xi32, #tpu.memory_space<hbm>> -> memref<1x1x128xi32, #tpu.memory_space<hbm>>
      %dma_wait3A_187 = tpu.memref_squeeze %dma_wait3A_186 : memref<1x1x128xi32, #tpu.memory_space<hbm>> -> memref<1x128xi32, #tpu.memory_space<hbm>>
      %dma_wait3A_188 = arith.constant 0 : i32
      %dma_wait3A_189 = arith.constant 0 : i32
      %dma_wait3A_190 = tpu.memref_slice %arg3[%dma_wait3A_183, %dma_wait3A_188, %dma_wait3A_189] : memref<2x2500x128xi32, #tpu.memory_space<hbm>> -> memref<1x1x128xi32, #tpu.memory_space<hbm>>
      %dma_wait3A_191 = tpu.memref_squeeze %dma_wait3A_190 : memref<1x1x128xi32, #tpu.memory_space<hbm>> -> memref<1x128xi32, #tpu.memory_space<hbm>>
      tpu.wait_dma2 semaphore(%arg16 : memref<!tpu.dma_semaphore, #tpu.memory_space<semaphore_mem>>) src(%dma_wait3A_191 : memref<1x128xi32, #tpu.memory_space<hbm>>) dst(%arg5 : memref<1x128xi32, #tpu.memory_space<vmem>>)
      %dma_wait3A_192 = arith.constant 1 : i32
      %dma_wait3A_193 = arith.constant 0 : i32
      %dma_wait3A_194 = arith.constant 0 : i32
      %dma_wait3A_195 = tpu.memref_slice %arg3[%dma_wait3A_192, %dma_wait3A_193, %dma_wait3A_194] : memref<2x2500x128xi32, #tpu.memory_space<hbm>> -> memref<1x1x128xi32, #tpu.memory_space<hbm>>
      %dma_wait3A_196 = tpu.memref_squeeze %dma_wait3A_195 : memref<1x1x128xi32, #tpu.memory_space<hbm>> -> memref<1x128xi32, #tpu.memory_space<hbm>>
      %dma_wait3A_197 = arith.constant 0 : i32
      %dma_wait3A_198 = arith.constant 0 : i32
      %dma_wait3A_199 = tpu.memref_slice %arg3[%dma_wait3A_192, %dma_wait3A_197, %dma_wait3A_198] : memref<2x2500x128xi32, #tpu.memory_space<hbm>> -> memref<1x1x128xi32, #tpu.memory_space<hbm>>
      %dma_wait3A_200 = tpu.memref_squeeze %dma_wait3A_199 : memref<1x1x128xi32, #tpu.memory_space<hbm>> -> memref<1x128xi32, #tpu.memory_space<hbm>>
      tpu.wait_dma2 semaphore(%arg16 : memref<!tpu.dma_semaphore, #tpu.memory_space<semaphore_mem>>) src(%dma_wait3A_200 : memref<1x128xi32, #tpu.memory_space<hbm>>) dst(%arg9 : memref<1x128xi32, #tpu.memory_space<vmem>>)
      %dma_start3A_201 = arith.constant 0 : i32
      %dma_start3A_202 = arith.constant 0 : i32
      %dma_start3A_203 = tpu.memref_slice %arg5[%dma_start3A_201, %dma_start3A_202] : memref<1x128xi32, #tpu.memory_space<vmem>> -> memref<1x128xi32, #tpu.memory_space<vmem>>
      %dma_start3A_204 = tpu.memref_squeeze %dma_start3A_203 : memref<1x128xi32, #tpu.memory_space<vmem>> -> memref<128xi32, #tpu.memory_space<vmem>>
      %dma_start3A_205 = arith.constant 0 : i32
      %dma_start3A_206 = arith.constant 0 : i32
      %dma_start3A_207 = tpu.memref_slice %arg2[%dma_start3A_205, %dma_start3A_206] : memref<10000x64xf32, #tpu.memory_space<hbm>> -> memref<10000x64xf32, #tpu.memory_space<hbm>>
      tpu.enqueue_indirect_dma source(%dma_start3A_207 : memref<10000x64xf32, #tpu.memory_space<hbm>>) target(%arg13 : memref<128x64xf32, #tpu.memory_space<vmem>>) offsets(%dma_start3A_204 : memref<128xi32, #tpu.memory_space<vmem>>) semaphore(%arg20 : memref<!tpu.dma_semaphore, #tpu.memory_space<semaphore_mem>>)
      %dma_wait3A_208 = arith.constant 0 : i32
      %dma_wait3A_209 = arith.constant 0 : i32
      %dma_wait3A_210 = tpu.memref_slice %arg5[%dma_wait3A_208, %dma_wait3A_209] : memref<1x128xi32, #tpu.memory_space<vmem>> -> memref<1x128xi32, #tpu.memory_space<vmem>>
      %dma_wait3A_211 = tpu.memref_squeeze %dma_wait3A_210 : memref<1x128xi32, #tpu.memory_space<vmem>> -> memref<128xi32, #tpu.memory_space<vmem>>
      %dma_wait3A_212 = arith.constant 0 : i32
      %dma_wait3A_213 = arith.constant 0 : i32
      %dma_wait3A_214 = tpu.memref_slice %arg2[%dma_wait3A_212, %dma_wait3A_213] : memref<10000x64xf32, #tpu.memory_space<hbm>> -> memref<10000x64xf32, #tpu.memory_space<hbm>>
      tpu.wait_indirect_dma semaphore(%arg20 : memref<!tpu.dma_semaphore, #tpu.memory_space<semaphore_mem>>) src(%dma_wait3A_214 : memref<10000x64xf32, #tpu.memory_space<hbm>>) dst(%arg13 : memref<128x64xf32, #tpu.memory_space<vmem>>)
      %run_scoped3A_215 = arith.constant 0 : i32
      "tpu.region"() ({
        %run_scoped3A_216 = tpu.sem_alloc : memref<!tpu.dma_semaphore, #tpu.memory_space<semaphore_mem>>
        %dma_start3A_217 = arith.constant 0 : i32
        %dma_start3A_218 = tpu.memref_slice %arg9[%run_scoped3A_215, %dma_start3A_217] : memref<1x128xi32, #tpu.memory_space<vmem>> -> memref<1x128xi32, #tpu.memory_space<vmem>>
        %dma_start3A_219 = tpu.memref_squeeze %dma_start3A_218 : memref<1x128xi32, #tpu.memory_space<vmem>> -> memref<128xi32, #tpu.memory_space<vmem>>
        %dma_start3A_220 = arith.constant 0 : i32
        %dma_start3A_221 = arith.constant 0 : i32
        %dma_start3A_222 = tpu.memref_slice %arg15[%dma_start3A_220, %dma_start3A_221] : memref<10000x64xf32, #tpu.memory_space<vmem_shared>> -> memref<10000x64xf32, #tpu.memory_space<vmem_shared>>
        tpu.enqueue_indirect_dma source(%arg13 : memref<128x64xf32, #tpu.memory_space<vmem>>) target(%dma_start3A_222 : memref<10000x64xf32, #tpu.memory_space<vmem_shared>>) offsets(%dma_start3A_219 : memref<128xi32, #tpu.memory_space<vmem>>) semaphore(%run_scoped3A_216 : memref<!tpu.dma_semaphore, #tpu.memory_space<semaphore_mem>>) {add = true}
        %dma_wait3A_223 = arith.constant 0 : i32
        %dma_wait3A_224 = tpu.memref_slice %arg9[%run_scoped3A_215, %dma_wait3A_223] : memref<1x128xi32, #tpu.memory_space<vmem>> -> memref<1x128xi32, #tpu.memory_space<vmem>>
        %dma_wait3A_225 = tpu.memref_squeeze %dma_wait3A_224 : memref<1x128xi32, #tpu.memory_space<vmem>> -> memref<128xi32, #tpu.memory_space<vmem>>
        %dma_wait3A_226 = arith.constant 0 : i32
        %dma_wait3A_227 = arith.constant 0 : i32
        %dma_wait3A_228 = tpu.memref_slice %arg15[%dma_wait3A_226, %dma_wait3A_227] : memref<10000x64xf32, #tpu.memory_space<vmem_shared>> -> memref<10000x64xf32, #tpu.memory_space<vmem_shared>>
        tpu.wait_indirect_dma semaphore(%run_scoped3A_216 : memref<!tpu.dma_semaphore, #tpu.memory_space<semaphore_mem>>) src(%arg13 : memref<128x64xf32, #tpu.memory_space<vmem>>) dst(%dma_wait3A_228 : memref<10000x64xf32, #tpu.memory_space<vmem_shared>>)
        tpu.yield
      }) : () -> ()
    } else {
    }
    %barrier3A_164 = arith.constant 0 : index
    tpu.barrier barrier_id(%barrier3A_164)
    "tpu.region"() ({
      %run_scoped3A_165 = tpu.sem_alloc : memref<!tpu.dma_semaphore, #tpu.memory_space<semaphore_mem>>
      %dma_start3A_166 = arith.constant 0 : i32
      %dma_start3A_167 = tpu.memref_slice %arg4[%arg0, %mul3A_0, %dma_start3A_166] : memref<2x10000x64xf32, #tpu.memory_space<hbm>> -> memref<1x625x64xf32, #tpu.memory_space<hbm>>
      %dma_start3A_168 = tpu.memref_squeeze %dma_start3A_167 : memref<1x625x64xf32, #tpu.memory_space<hbm>> -> memref<625x64xf32, #tpu.memory_space<hbm>>
      %dma_start3A_169 = arith.constant 0 : i32
      %dma_start3A_170 = tpu.memref_slice %arg15[%mul3A_0, %dma_start3A_169] : memref<10000x64xf32, #tpu.memory_space<vmem_shared>> -> memref<625x64xf32, #tpu.memory_space<vmem_shared>>
      tpu.enqueue_dma source(%dma_start3A_170 : memref<625x64xf32, #tpu.memory_space<vmem_shared>>) target(%dma_start3A_168 : memref<625x64xf32, #tpu.memory_space<hbm>>) target_semaphore(%run_scoped3A_165 : memref<!tpu.dma_semaphore, #tpu.memory_space<semaphore_mem>>)
      %dma_wait3A_171 = arith.constant 0 : i32
      %dma_wait3A_172 = tpu.memref_slice %arg4[%arg0, %mul3A_0, %dma_wait3A_171] : memref<2x10000x64xf32, #tpu.memory_space<hbm>> -> memref<1x625x64xf32, #tpu.memory_space<hbm>>
      %dma_wait3A_173 = tpu.memref_squeeze %dma_wait3A_172 : memref<1x625x64xf32, #tpu.memory_space<hbm>> -> memref<625x64xf32, #tpu.memory_space<hbm>>
      %dma_wait3A_174 = arith.constant 0 : i32
      %dma_wait3A_175 = tpu.memref_slice %arg15[%mul3A_0, %dma_wait3A_174] : memref<10000x64xf32, #tpu.memory_space<vmem_shared>> -> memref<625x64xf32, #tpu.memory_space<vmem_shared>>
      tpu.wait_dma2 semaphore(%run_scoped3A_165 : memref<!tpu.dma_semaphore, #tpu.memory_space<semaphore_mem>>) src(%dma_wait3A_175 : memref<625x64xf32, #tpu.memory_space<vmem_shared>>) dst(%dma_wait3A_173 : memref<625x64xf32, #tpu.memory_space<hbm>>)
      tpu.yield
    }) : () -> ()
    return
  }
}

#map = affine_map<(d0, d1) -> (0, 0)>
#map1 = affine_map<(d0, d1) -> (0, 0, 0)>
module attributes {stable_mosaic.version = 14 : i64} {
  func.func @agg(%arg0: i32, %arg1: i32, %arg2: memref<10000x128xf32, #tpu.memory_space<hbm>>, %arg3: memref<2x2500x128xi32, #tpu.memory_space<hbm>>, %arg4: memref<2x10000x128xf32, #tpu.memory_space<hbm>>, %arg5: memref<1x128xi32, #tpu.memory_space<vmem>>, %arg6: memref<1x128xi32, #tpu.memory_space<vmem>>, %arg7: memref<1x128xi32, #tpu.memory_space<vmem>>, %arg8: memref<1x128xi32, #tpu.memory_space<vmem>>, %arg9: memref<1x128xi32, #tpu.memory_space<vmem>>, %arg10: memref<1x128xi32, #tpu.memory_space<vmem>>, %arg11: memref<1x128xi32, #tpu.memory_space<vmem>>, %arg12: memref<1x128xi32, #tpu.memory_space<vmem>>, %arg13: memref<128x128xf32, #tpu.memory_space<vmem>>, %arg14: memref<128x128xf32, #tpu.memory_space<vmem>>, %arg15: memref<10000x128xf32, #tpu.memory_space<vmem_shared>>, %arg16: memref<!tpu.dma_semaphore, #tpu.memory_space<semaphore_mem>>, %arg17: memref<!tpu.dma_semaphore, #tpu.memory_space<semaphore_mem>>, %arg18: memref<!tpu.dma_semaphore, #tpu.memory_space<semaphore_mem>>, %arg19: memref<!tpu.dma_semaphore, #tpu.memory_space<semaphore_mem>>, %arg20: memref<!tpu.dma_semaphore, #tpu.memory_space<semaphore_mem>>, %arg21: memref<!tpu.dma_semaphore, #tpu.memory_space<semaphore_mem>>) attributes {dimension_semantics = [#tpu.dimension_semantics<core_parallel>, #tpu.dimension_semantics<subcore_parallel>], iteration_bounds = array<i64: 2, 16>, scalar_prefetch = 0 : i64, scratch_operands = 17 : i64, tpu.core_type = #tpu.core_type<sc_vector_subcore>, window_params = [{transform_indices = #map}, {transform_indices = #map1}, {transform_indices = #map1}]} {
    %mul3A = arith.constant 625 : i32
    %mul3A_0 = arith.muli %arg1, %mul3A : i32
    %mul3A_1 = arith.constant 2 : i32
    %mul3A_2 = arith.muli %arg1, %mul3A_1 : i32
    %add3A = arith.addi %mul3A_2, %arg0 : i32
    %mul3A_3 = arith.constant 78 : i32
    %mul3A_4 = arith.muli %add3A, %mul3A_3 : i32
    %broadcast_in_dim3A = arith.constant 0.000000e+00 : f32
    %broadcast_in_dim3A_5 = vector.broadcast %broadcast_in_dim3A : f32 to vector<16xf32>
    %scan3A = arith.constant 0 : i32
    %scan3A_6 = arith.constant 0 : i32
    %scan3A_7 = arith.constant 128 : i32
    %scan3A_8 = arith.addi %scan3A_6, %scan3A_7 : i32
    %scan3A_9 = arith.constant 1 : i32
    scf.for %scan3A_165 = %scan3A_6 to %scan3A_8 step %scan3A_9  : i32 {
      %swap3A = arith.index_cast %scan3A_165 : i32 to index
      %swap3A_166 = arith.constant 0 : index
      %swap3A_167 = tpu.vector_load %arg13[%swap3A, %swap3A_166] {strides = array<i32>} : memref<128x128xf32, #tpu.memory_space<vmem>>, vector<1x16xf32>,
      %swap3A_168 = vector.shape_cast %swap3A_167 : vector<1x16xf32> to vector<16xf32>
      %swap3A_169 = vector.shape_cast %broadcast_in_dim3A_5 : vector<16xf32> to vector<1x16xf32>
      tpu.vector_store %arg13[%swap3A, %swap3A_166], %swap3A_169 {strides = array<i32>} : memref<128x128xf32, #tpu.memory_space<vmem>>, vector<1x16xf32>,
      %swap3A_170 = arith.index_cast %scan3A_165 : i32 to index
      %swap3A_171 = arith.constant 16 : index
      %swap3A_172 = tpu.vector_load %arg13[%swap3A_170, %swap3A_171] {strides = array<i32>} : memref<128x128xf32, #tpu.memory_space<vmem>>, vector<1x16xf32>,
      %swap3A_173 = vector.shape_cast %swap3A_172 : vector<1x16xf32> to vector<16xf32>
      %swap3A_174 = vector.shape_cast %broadcast_in_dim3A_5 : vector<16xf32> to vector<1x16xf32>
      tpu.vector_store %arg13[%swap3A_170, %swap3A_171], %swap3A_174 {strides = array<i32>} : memref<128x128xf32, #tpu.memory_space<vmem>>, vector<1x16xf32>,
      %swap3A_175 = arith.index_cast %scan3A_165 : i32 to index
      %swap3A_176 = arith.constant 32 : index
      %swap3A_177 = tpu.vector_load %arg13[%swap3A_175, %swap3A_176] {strides = array<i32>} : memref<128x128xf32, #tpu.memory_space<vmem>>, vector<1x16xf32>,
      %swap3A_178 = vector.shape_cast %swap3A_177 : vector<1x16xf32> to vector<16xf32>
      %swap3A_179 = vector.shape_cast %broadcast_in_dim3A_5 : vector<16xf32> to vector<1x16xf32>
      tpu.vector_store %arg13[%swap3A_175, %swap3A_176], %swap3A_179 {strides = array<i32>} : memref<128x128xf32, #tpu.memory_space<vmem>>, vector<1x16xf32>,
      %swap3A_180 = arith.index_cast %scan3A_165 : i32 to index
      %swap3A_181 = arith.constant 48 : index
      %swap3A_182 = tpu.vector_load %arg13[%swap3A_180, %swap3A_181] {strides = array<i32>} : memref<128x128xf32, #tpu.memory_space<vmem>>, vector<1x16xf32>,
      %swap3A_183 = vector.shape_cast %swap3A_182 : vector<1x16xf32> to vector<16xf32>
      %swap3A_184 = vector.shape_cast %broadcast_in_dim3A_5 : vector<16xf32> to vector<1x16xf32>
      tpu.vector_store %arg13[%swap3A_180, %swap3A_181], %swap3A_184 {strides = array<i32>} : memref<128x128xf32, #tpu.memory_space<vmem>>, vector<1x16xf32>,
      %swap3A_185 = arith.index_cast %scan3A_165 : i32 to index
      %swap3A_186 = arith.constant 64 : index
      %swap3A_187 = tpu.vector_load %arg13[%swap3A_185, %swap3A_186] {strides = array<i32>} : memref<128x128xf32, #tpu.memory_space<vmem>>, vector<1x16xf32>,
      %swap3A_188 = vector.shape_cast %swap3A_187 : vector<1x16xf32> to vector<16xf32>
      %swap3A_189 = vector.shape_cast %broadcast_in_dim3A_5 : vector<16xf32> to vector<1x16xf32>
      tpu.vector_store %arg13[%swap3A_185, %swap3A_186], %swap3A_189 {strides = array<i32>} : memref<128x128xf32, #tpu.memory_space<vmem>>, vector<1x16xf32>,
      %swap3A_190 = arith.index_cast %scan3A_165 : i32 to index
      %swap3A_191 = arith.constant 80 : index
      %swap3A_192 = tpu.vector_load %arg13[%swap3A_190, %swap3A_191] {strides = array<i32>} : memref<128x128xf32, #tpu.memory_space<vmem>>, vector<1x16xf32>,
      %swap3A_193 = vector.shape_cast %swap3A_192 : vector<1x16xf32> to vector<16xf32>
      %swap3A_194 = vector.shape_cast %broadcast_in_dim3A_5 : vector<16xf32> to vector<1x16xf32>
      tpu.vector_store %arg13[%swap3A_190, %swap3A_191], %swap3A_194 {strides = array<i32>} : memref<128x128xf32, #tpu.memory_space<vmem>>, vector<1x16xf32>,
      %swap3A_195 = arith.index_cast %scan3A_165 : i32 to index
      %swap3A_196 = arith.constant 96 : index
      %swap3A_197 = tpu.vector_load %arg13[%swap3A_195, %swap3A_196] {strides = array<i32>} : memref<128x128xf32, #tpu.memory_space<vmem>>, vector<1x16xf32>,
      %swap3A_198 = vector.shape_cast %swap3A_197 : vector<1x16xf32> to vector<16xf32>
      %swap3A_199 = vector.shape_cast %broadcast_in_dim3A_5 : vector<16xf32> to vector<1x16xf32>
      tpu.vector_store %arg13[%swap3A_195, %swap3A_196], %swap3A_199 {strides = array<i32>} : memref<128x128xf32, #tpu.memory_space<vmem>>, vector<1x16xf32>,
      %swap3A_200 = arith.index_cast %scan3A_165 : i32 to index
      %swap3A_201 = arith.constant 112 : index
      %swap3A_202 = tpu.vector_load %arg13[%swap3A_200, %swap3A_201] {strides = array<i32>} : memref<128x128xf32, #tpu.memory_space<vmem>>, vector<1x16xf32>,
      %swap3A_203 = vector.shape_cast %swap3A_202 : vector<1x16xf32> to vector<16xf32>
      %swap3A_204 = vector.shape_cast %broadcast_in_dim3A_5 : vector<16xf32> to vector<1x16xf32>
      tpu.vector_store %arg13[%swap3A_200, %swap3A_201], %swap3A_204 {strides = array<i32>} : memref<128x128xf32, #tpu.memory_space<vmem>>, vector<1x16xf32>,
    }
    %scan3A_10 = arith.constant 128 : i32
    %add3A_11 = arith.constant 0 : i32
    %add3A_12 = arith.addi %mul3A_0, %add3A_11 : i32
    "tpu.region"() ({
      %run_scoped3A_165 = tpu.sem_alloc : memref<!tpu.dma_semaphore, #tpu.memory_space<semaphore_mem>>
      %dma_start3A_166 = arith.constant 0 : i32
      %dma_start3A_167 = tpu.memref_slice %arg15[%add3A_12, %dma_start3A_166] : memref<10000x128xf32, #tpu.memory_space<vmem_shared>> -> memref<128x128xf32, #tpu.memory_space<vmem_shared>>
      %dma_start3A_168 = arith.constant 0 : i32
      %dma_start3A_169 = tpu.memref_slice %arg15[%add3A_12, %dma_start3A_168] : memref<10000x128xf32, #tpu.memory_space<vmem_shared>> -> memref<128x128xf32, #tpu.memory_space<vmem_shared>>
      tpu.enqueue_dma source(%arg13 : memref<128x128xf32, #tpu.memory_space<vmem>>) target(%dma_start3A_169 : memref<128x128xf32, #tpu.memory_space<vmem_shared>>) target_semaphore(%run_scoped3A_165 : memref<!tpu.dma_semaphore, #tpu.memory_space<semaphore_mem>>)
      %dma_wait3A_170 = arith.constant 0 : i32
      %dma_wait3A_171 = tpu.memref_slice %arg15[%add3A_12, %dma_wait3A_170] : memref<10000x128xf32, #tpu.memory_space<vmem_shared>> -> memref<128x128xf32, #tpu.memory_space<vmem_shared>>
      %dma_wait3A_172 = arith.constant 0 : i32
      %dma_wait3A_173 = tpu.memref_slice %arg15[%add3A_12, %dma_wait3A_172] : memref<10000x128xf32, #tpu.memory_space<vmem_shared>> -> memref<128x128xf32, #tpu.memory_space<vmem_shared>>
      tpu.wait_dma2 semaphore(%run_scoped3A_165 : memref<!tpu.dma_semaphore, #tpu.memory_space<semaphore_mem>>) src(%arg13 : memref<128x128xf32, #tpu.memory_space<vmem>>) dst(%dma_wait3A_173 : memref<128x128xf32, #tpu.memory_space<vmem_shared>>)
      tpu.yield
    }) : () -> ()
    %add3A_13 = arith.constant 128 : i32
    %add3A_14 = arith.addi %mul3A_0, %add3A_13 : i32
    "tpu.region"() ({
      %run_scoped3A_165 = tpu.sem_alloc : memref<!tpu.dma_semaphore, #tpu.memory_space<semaphore_mem>>
      %dma_start3A_166 = arith.constant 0 : i32
      %dma_start3A_167 = tpu.memref_slice %arg15[%add3A_14, %dma_start3A_166] : memref<10000x128xf32, #tpu.memory_space<vmem_shared>> -> memref<128x128xf32, #tpu.memory_space<vmem_shared>>
      %dma_start3A_168 = arith.constant 0 : i32
      %dma_start3A_169 = tpu.memref_slice %arg15[%add3A_14, %dma_start3A_168] : memref<10000x128xf32, #tpu.memory_space<vmem_shared>> -> memref<128x128xf32, #tpu.memory_space<vmem_shared>>
      tpu.enqueue_dma source(%arg13 : memref<128x128xf32, #tpu.memory_space<vmem>>) target(%dma_start3A_169 : memref<128x128xf32, #tpu.memory_space<vmem_shared>>) target_semaphore(%run_scoped3A_165 : memref<!tpu.dma_semaphore, #tpu.memory_space<semaphore_mem>>)
      %dma_wait3A_170 = arith.constant 0 : i32
      %dma_wait3A_171 = tpu.memref_slice %arg15[%add3A_14, %dma_wait3A_170] : memref<10000x128xf32, #tpu.memory_space<vmem_shared>> -> memref<128x128xf32, #tpu.memory_space<vmem_shared>>
      %dma_wait3A_172 = arith.constant 0 : i32
      %dma_wait3A_173 = tpu.memref_slice %arg15[%add3A_14, %dma_wait3A_172] : memref<10000x128xf32, #tpu.memory_space<vmem_shared>> -> memref<128x128xf32, #tpu.memory_space<vmem_shared>>
      tpu.wait_dma2 semaphore(%run_scoped3A_165 : memref<!tpu.dma_semaphore, #tpu.memory_space<semaphore_mem>>) src(%arg13 : memref<128x128xf32, #tpu.memory_space<vmem>>) dst(%dma_wait3A_173 : memref<128x128xf32, #tpu.memory_space<vmem_shared>>)
      tpu.yield
    }) : () -> ()
    %add3A_15 = arith.constant 256 : i32
    %add3A_16 = arith.addi %mul3A_0, %add3A_15 : i32
    "tpu.region"() ({
      %run_scoped3A_165 = tpu.sem_alloc : memref<!tpu.dma_semaphore, #tpu.memory_space<semaphore_mem>>
      %dma_start3A_166 = arith.constant 0 : i32
      %dma_start3A_167 = tpu.memref_slice %arg15[%add3A_16, %dma_start3A_166] : memref<10000x128xf32, #tpu.memory_space<vmem_shared>> -> memref<128x128xf32, #tpu.memory_space<vmem_shared>>
      %dma_start3A_168 = arith.constant 0 : i32
      %dma_start3A_169 = tpu.memref_slice %arg15[%add3A_16, %dma_start3A_168] : memref<10000x128xf32, #tpu.memory_space<vmem_shared>> -> memref<128x128xf32, #tpu.memory_space<vmem_shared>>
      tpu.enqueue_dma source(%arg13 : memref<128x128xf32, #tpu.memory_space<vmem>>) target(%dma_start3A_169 : memref<128x128xf32, #tpu.memory_space<vmem_shared>>) target_semaphore(%run_scoped3A_165 : memref<!tpu.dma_semaphore, #tpu.memory_space<semaphore_mem>>)
      %dma_wait3A_170 = arith.constant 0 : i32
      %dma_wait3A_171 = tpu.memref_slice %arg15[%add3A_16, %dma_wait3A_170] : memref<10000x128xf32, #tpu.memory_space<vmem_shared>> -> memref<128x128xf32, #tpu.memory_space<vmem_shared>>
      %dma_wait3A_172 = arith.constant 0 : i32
      %dma_wait3A_173 = tpu.memref_slice %arg15[%add3A_16, %dma_wait3A_172] : memref<10000x128xf32, #tpu.memory_space<vmem_shared>> -> memref<128x128xf32, #tpu.memory_space<vmem_shared>>
      tpu.wait_dma2 semaphore(%run_scoped3A_165 : memref<!tpu.dma_semaphore, #tpu.memory_space<semaphore_mem>>) src(%arg13 : memref<128x128xf32, #tpu.memory_space<vmem>>) dst(%dma_wait3A_173 : memref<128x128xf32, #tpu.memory_space<vmem_shared>>)
      tpu.yield
    }) : () -> ()
    %add3A_17 = arith.constant 384 : i32
    %add3A_18 = arith.addi %mul3A_0, %add3A_17 : i32
    "tpu.region"() ({
      %run_scoped3A_165 = tpu.sem_alloc : memref<!tpu.dma_semaphore, #tpu.memory_space<semaphore_mem>>
      %dma_start3A_166 = arith.constant 0 : i32
      %dma_start3A_167 = tpu.memref_slice %arg15[%add3A_18, %dma_start3A_166] : memref<10000x128xf32, #tpu.memory_space<vmem_shared>> -> memref<128x128xf32, #tpu.memory_space<vmem_shared>>
      %dma_start3A_168 = arith.constant 0 : i32
      %dma_start3A_169 = tpu.memref_slice %arg15[%add3A_18, %dma_start3A_168] : memref<10000x128xf32, #tpu.memory_space<vmem_shared>> -> memref<128x128xf32, #tpu.memory_space<vmem_shared>>
      tpu.enqueue_dma source(%arg13 : memref<128x128xf32, #tpu.memory_space<vmem>>) target(%dma_start3A_169 : memref<128x128xf32, #tpu.memory_space<vmem_shared>>) target_semaphore(%run_scoped3A_165 : memref<!tpu.dma_semaphore, #tpu.memory_space<semaphore_mem>>)
      %dma_wait3A_170 = arith.constant 0 : i32
      %dma_wait3A_171 = tpu.memref_slice %arg15[%add3A_18, %dma_wait3A_170] : memref<10000x128xf32, #tpu.memory_space<vmem_shared>> -> memref<128x128xf32, #tpu.memory_space<vmem_shared>>
      %dma_wait3A_172 = arith.constant 0 : i32
      %dma_wait3A_173 = tpu.memref_slice %arg15[%add3A_18, %dma_wait3A_172] : memref<10000x128xf32, #tpu.memory_space<vmem_shared>> -> memref<128x128xf32, #tpu.memory_space<vmem_shared>>
      tpu.wait_dma2 semaphore(%run_scoped3A_165 : memref<!tpu.dma_semaphore, #tpu.memory_space<semaphore_mem>>) src(%arg13 : memref<128x128xf32, #tpu.memory_space<vmem>>) dst(%dma_wait3A_173 : memref<128x128xf32, #tpu.memory_space<vmem_shared>>)
      tpu.yield
    }) : () -> ()
    %add3A_19 = arith.constant 512 : i32
    %add3A_20 = arith.addi %mul3A_0, %add3A_19 : i32
    "tpu.region"() ({
      %run_scoped3A_165 = tpu.sem_alloc : memref<!tpu.dma_semaphore, #tpu.memory_space<semaphore_mem>>
      %dma_start3A_166 = arith.constant 0 : i32
      %dma_start3A_167 = arith.constant 0 : i32
      %dma_start3A_168 = tpu.memref_slice %arg13[%dma_start3A_166, %dma_start3A_167] : memref<128x128xf32, #tpu.memory_space<vmem>> -> memref<113x128xf32, #tpu.memory_space<vmem>>
      %dma_start3A_169 = arith.constant 0 : i32
      %dma_start3A_170 = tpu.memref_slice %arg15[%add3A_20, %dma_start3A_169] : memref<10000x128xf32, #tpu.memory_space<vmem_shared>> -> memref<113x128xf32, #tpu.memory_space<vmem_shared>>
      %dma_start3A_171 = arith.constant 0 : i32
      %dma_start3A_172 = tpu.memref_slice %arg15[%add3A_20, %dma_start3A_171] : memref<10000x128xf32, #tpu.memory_space<vmem_shared>> -> memref<113x128xf32, #tpu.memory_space<vmem_shared>>
      %dma_start3A_173 = arith.constant 0 : i32
      %dma_start3A_174 = arith.constant 0 : i32
      %dma_start3A_175 = tpu.memref_slice %arg13[%dma_start3A_173, %dma_start3A_174] : memref<128x128xf32, #tpu.memory_space<vmem>> -> memref<113x128xf32, #tpu.memory_space<vmem>>
      tpu.enqueue_dma source(%dma_start3A_175 : memref<113x128xf32, #tpu.memory_space<vmem>>) target(%dma_start3A_172 : memref<113x128xf32, #tpu.memory_space<vmem_shared>>) target_semaphore(%run_scoped3A_165 : memref<!tpu.dma_semaphore, #tpu.memory_space<semaphore_mem>>)
      %dma_wait3A_176 = arith.constant 0 : i32
      %dma_wait3A_177 = arith.constant 0 : i32
      %dma_wait3A_178 = tpu.memref_slice %arg13[%dma_wait3A_176, %dma_wait3A_177] : memref<128x128xf32, #tpu.memory_space<vmem>> -> memref<113x128xf32, #tpu.memory_space<vmem>>
      %dma_wait3A_179 = arith.constant 0 : i32
      %dma_wait3A_180 = tpu.memref_slice %arg15[%add3A_20, %dma_wait3A_179] : memref<10000x128xf32, #tpu.memory_space<vmem_shared>> -> memref<113x128xf32, #tpu.memory_space<vmem_shared>>
      %dma_wait3A_181 = arith.constant 0 : i32
      %dma_wait3A_182 = tpu.memref_slice %arg15[%add3A_20, %dma_wait3A_181] : memref<10000x128xf32, #tpu.memory_space<vmem_shared>> -> memref<113x128xf32, #tpu.memory_space<vmem_shared>>
      %dma_wait3A_183 = arith.constant 0 : i32
      %dma_wait3A_184 = arith.constant 0 : i32
      %dma_wait3A_185 = tpu.memref_slice %arg13[%dma_wait3A_183, %dma_wait3A_184] : memref<128x128xf32, #tpu.memory_space<vmem>> -> memref<113x128xf32, #tpu.memory_space<vmem>>
      tpu.wait_dma2 semaphore(%run_scoped3A_165 : memref<!tpu.dma_semaphore, #tpu.memory_space<semaphore_mem>>) src(%dma_wait3A_185 : memref<113x128xf32, #tpu.memory_space<vmem>>) dst(%dma_wait3A_182 : memref<113x128xf32, #tpu.memory_space<vmem_shared>>)
      tpu.yield
    }) : () -> ()
    %barrier3A = arith.constant 0 : index
    tpu.barrier barrier_id(%barrier3A)
    %add3A_21 = arith.constant 0 : i32
    %add3A_22 = arith.addi %mul3A_4, %add3A_21 : i32
    %dma_start3A = arith.constant 0 : i32
    %dma_start3A_23 = arith.constant 0 : i32
    %dma_start3A_24 = tpu.memref_slice %arg3[%dma_start3A, %add3A_22, %dma_start3A_23] : memref<2x2500x128xi32, #tpu.memory_space<hbm>> -> memref<1x1x128xi32, #tpu.memory_space<hbm>>
    %dma_start3A_25 = tpu.memref_squeeze %dma_start3A_24 : memref<1x1x128xi32, #tpu.memory_space<hbm>> -> memref<1x128xi32, #tpu.memory_space<hbm>>
    %dma_start3A_26 = arith.constant 0 : i32
    %dma_start3A_27 = tpu.memref_slice %arg3[%dma_start3A, %add3A_22, %dma_start3A_26] : memref<2x2500x128xi32, #tpu.memory_space<hbm>> -> memref<1x1x128xi32, #tpu.memory_space<hbm>>
    %dma_start3A_28 = tpu.memref_squeeze %dma_start3A_27 : memref<1x1x128xi32, #tpu.memory_space<hbm>> -> memref<1x128xi32, #tpu.memory_space<hbm>>
    tpu.enqueue_dma source(%dma_start3A_28 : memref<1x128xi32, #tpu.memory_space<hbm>>) target(%arg5 : memref<1x128xi32, #tpu.memory_space<vmem>>) target_semaphore(%arg16 : memref<!tpu.dma_semaphore, #tpu.memory_space<semaphore_mem>>)
    %add3A_29 = arith.constant 0 : i32
    %add3A_30 = arith.addi %mul3A_4, %add3A_29 : i32
    %dma_start3A_31 = arith.constant 1 : i32
    %dma_start3A_32 = arith.constant 0 : i32
    %dma_start3A_33 = tpu.memref_slice %arg3[%dma_start3A_31, %add3A_30, %dma_start3A_32] : memref<2x2500x128xi32, #tpu.memory_space<hbm>> -> memref<1x1x128xi32, #tpu.memory_space<hbm>>
    %dma_start3A_34 = tpu.memref_squeeze %dma_start3A_33 : memref<1x1x128xi32, #tpu.memory_space<hbm>> -> memref<1x128xi32, #tpu.memory_space<hbm>>
    %dma_start3A_35 = arith.constant 0 : i32
    %dma_start3A_36 = tpu.memref_slice %arg3[%dma_start3A_31, %add3A_30, %dma_start3A_35] : memref<2x2500x128xi32, #tpu.memory_space<hbm>> -> memref<1x1x128xi32, #tpu.memory_space<hbm>>
    %dma_start3A_37 = tpu.memref_squeeze %dma_start3A_36 : memref<1x1x128xi32, #tpu.memory_space<hbm>> -> memref<1x128xi32, #tpu.memory_space<hbm>>
    tpu.enqueue_dma source(%dma_start3A_37 : memref<1x128xi32, #tpu.memory_space<hbm>>) target(%arg9 : memref<1x128xi32, #tpu.memory_space<vmem>>) target_semaphore(%arg16 : memref<!tpu.dma_semaphore, #tpu.memory_space<semaphore_mem>>)
    %add3A_38 = arith.constant 1 : i32
    %add3A_39 = arith.addi %mul3A_4, %add3A_38 : i32
    %dma_start3A_40 = arith.constant 0 : i32
    %dma_start3A_41 = arith.constant 0 : i32
    %dma_start3A_42 = tpu.memref_slice %arg3[%dma_start3A_40, %add3A_39, %dma_start3A_41] : memref<2x2500x128xi32, #tpu.memory_space<hbm>> -> memref<1x1x128xi32, #tpu.memory_space<hbm>>
    %dma_start3A_43 = tpu.memref_squeeze %dma_start3A_42 : memref<1x1x128xi32, #tpu.memory_space<hbm>> -> memref<1x128xi32, #tpu.memory_space<hbm>>
    %dma_start3A_44 = arith.constant 0 : i32
    %dma_start3A_45 = tpu.memref_slice %arg3[%dma_start3A_40, %add3A_39, %dma_start3A_44] : memref<2x2500x128xi32, #tpu.memory_space<hbm>> -> memref<1x1x128xi32, #tpu.memory_space<hbm>>
    %dma_start3A_46 = tpu.memref_squeeze %dma_start3A_45 : memref<1x1x128xi32, #tpu.memory_space<hbm>> -> memref<1x128xi32, #tpu.memory_space<hbm>>
    tpu.enqueue_dma source(%dma_start3A_46 : memref<1x128xi32, #tpu.memory_space<hbm>>) target(%arg6 : memref<1x128xi32, #tpu.memory_space<vmem>>) target_semaphore(%arg17 : memref<!tpu.dma_semaphore, #tpu.memory_space<semaphore_mem>>)
    %add3A_47 = arith.constant 1 : i32
    %add3A_48 = arith.addi %mul3A_4, %add3A_47 : i32
    %dma_start3A_49 = arith.constant 1 : i32
    %dma_start3A_50 = arith.constant 0 : i32
    %dma_start3A_51 = tpu.memref_slice %arg3[%dma_start3A_49, %add3A_48, %dma_start3A_50] : memref<2x2500x128xi32, #tpu.memory_space<hbm>> -> memref<1x1x128xi32, #tpu.memory_space<hbm>>
    %dma_start3A_52 = tpu.memref_squeeze %dma_start3A_51 : memref<1x1x128xi32, #tpu.memory_space<hbm>> -> memref<1x128xi32, #tpu.memory_space<hbm>>
    %dma_start3A_53 = arith.constant 0 : i32
    %dma_start3A_54 = tpu.memref_slice %arg3[%dma_start3A_49, %add3A_48, %dma_start3A_53] : memref<2x2500x128xi32, #tpu.memory_space<hbm>> -> memref<1x1x128xi32, #tpu.memory_space<hbm>>
    %dma_start3A_55 = tpu.memref_squeeze %dma_start3A_54 : memref<1x1x128xi32, #tpu.memory_space<hbm>> -> memref<1x128xi32, #tpu.memory_space<hbm>>
    tpu.enqueue_dma source(%dma_start3A_55 : memref<1x128xi32, #tpu.memory_space<hbm>>) target(%arg10 : memref<1x128xi32, #tpu.memory_space<vmem>>) target_semaphore(%arg17 : memref<!tpu.dma_semaphore, #tpu.memory_space<semaphore_mem>>)
    %add3A_56 = arith.constant 2 : i32
    %add3A_57 = arith.addi %mul3A_4, %add3A_56 : i32
    %dma_start3A_58 = arith.constant 0 : i32
    %dma_start3A_59 = arith.constant 0 : i32
    %dma_start3A_60 = tpu.memref_slice %arg3[%dma_start3A_58, %add3A_57, %dma_start3A_59] : memref<2x2500x128xi32, #tpu.memory_space<hbm>> -> memref<1x1x128xi32, #tpu.memory_space<hbm>>
    %dma_start3A_61 = tpu.memref_squeeze %dma_start3A_60 : memref<1x1x128xi32, #tpu.memory_space<hbm>> -> memref<1x128xi32, #tpu.memory_space<hbm>>
    %dma_start3A_62 = arith.constant 0 : i32
    %dma_start3A_63 = tpu.memref_slice %arg3[%dma_start3A_58, %add3A_57, %dma_start3A_62] : memref<2x2500x128xi32, #tpu.memory_space<hbm>> -> memref<1x1x128xi32, #tpu.memory_space<hbm>>
    %dma_start3A_64 = tpu.memref_squeeze %dma_start3A_63 : memref<1x1x128xi32, #tpu.memory_space<hbm>> -> memref<1x128xi32, #tpu.memory_space<hbm>>
    tpu.enqueue_dma source(%dma_start3A_64 : memref<1x128xi32, #tpu.memory_space<hbm>>) target(%arg7 : memref<1x128xi32, #tpu.memory_space<vmem>>) target_semaphore(%arg18 : memref<!tpu.dma_semaphore, #tpu.memory_space<semaphore_mem>>)
    %add3A_65 = arith.constant 2 : i32
    %add3A_66 = arith.addi %mul3A_4, %add3A_65 : i32
    %dma_start3A_67 = arith.constant 1 : i32
    %dma_start3A_68 = arith.constant 0 : i32
    %dma_start3A_69 = tpu.memref_slice %arg3[%dma_start3A_67, %add3A_66, %dma_start3A_68] : memref<2x2500x128xi32, #tpu.memory_space<hbm>> -> memref<1x1x128xi32, #tpu.memory_space<hbm>>
    %dma_start3A_70 = tpu.memref_squeeze %dma_start3A_69 : memref<1x1x128xi32, #tpu.memory_space<hbm>> -> memref<1x128xi32, #tpu.memory_space<hbm>>
    %dma_start3A_71 = arith.constant 0 : i32
    %dma_start3A_72 = tpu.memref_slice %arg3[%dma_start3A_67, %add3A_66, %dma_start3A_71] : memref<2x2500x128xi32, #tpu.memory_space<hbm>> -> memref<1x1x128xi32, #tpu.memory_space<hbm>>
    %dma_start3A_73 = tpu.memref_squeeze %dma_start3A_72 : memref<1x1x128xi32, #tpu.memory_space<hbm>> -> memref<1x128xi32, #tpu.memory_space<hbm>>
    tpu.enqueue_dma source(%dma_start3A_73 : memref<1x128xi32, #tpu.memory_space<hbm>>) target(%arg11 : memref<1x128xi32, #tpu.memory_space<vmem>>) target_semaphore(%arg18 : memref<!tpu.dma_semaphore, #tpu.memory_space<semaphore_mem>>)
    %add3A_74 = arith.constant 3 : i32
    %add3A_75 = arith.addi %mul3A_4, %add3A_74 : i32
    %dma_start3A_76 = arith.constant 0 : i32
    %dma_start3A_77 = arith.constant 0 : i32
    %dma_start3A_78 = tpu.memref_slice %arg3[%dma_start3A_76, %add3A_75, %dma_start3A_77] : memref<2x2500x128xi32, #tpu.memory_space<hbm>> -> memref<1x1x128xi32, #tpu.memory_space<hbm>>
    %dma_start3A_79 = tpu.memref_squeeze %dma_start3A_78 : memref<1x1x128xi32, #tpu.memory_space<hbm>> -> memref<1x128xi32, #tpu.memory_space<hbm>>
    %dma_start3A_80 = arith.constant 0 : i32
    %dma_start3A_81 = tpu.memref_slice %arg3[%dma_start3A_76, %add3A_75, %dma_start3A_80] : memref<2x2500x128xi32, #tpu.memory_space<hbm>> -> memref<1x1x128xi32, #tpu.memory_space<hbm>>
    %dma_start3A_82 = tpu.memref_squeeze %dma_start3A_81 : memref<1x1x128xi32, #tpu.memory_space<hbm>> -> memref<1x128xi32, #tpu.memory_space<hbm>>
    tpu.enqueue_dma source(%dma_start3A_82 : memref<1x128xi32, #tpu.memory_space<hbm>>) target(%arg8 : memref<1x128xi32, #tpu.memory_space<vmem>>) target_semaphore(%arg19 : memref<!tpu.dma_semaphore, #tpu.memory_space<semaphore_mem>>)
    %add3A_83 = arith.constant 3 : i32
    %add3A_84 = arith.addi %mul3A_4, %add3A_83 : i32
    %dma_start3A_85 = arith.constant 1 : i32
    %dma_start3A_86 = arith.constant 0 : i32
    %dma_start3A_87 = tpu.memref_slice %arg3[%dma_start3A_85, %add3A_84, %dma_start3A_86] : memref<2x2500x128xi32, #tpu.memory_space<hbm>> -> memref<1x1x128xi32, #tpu.memory_space<hbm>>
    %dma_start3A_88 = tpu.memref_squeeze %dma_start3A_87 : memref<1x1x128xi32, #tpu.memory_space<hbm>> -> memref<1x128xi32, #tpu.memory_space<hbm>>
    %dma_start3A_89 = arith.constant 0 : i32
    %dma_start3A_90 = tpu.memref_slice %arg3[%dma_start3A_85, %add3A_84, %dma_start3A_89] : memref<2x2500x128xi32, #tpu.memory_space<hbm>> -> memref<1x1x128xi32, #tpu.memory_space<hbm>>
    %dma_start3A_91 = tpu.memref_squeeze %dma_start3A_90 : memref<1x1x128xi32, #tpu.memory_space<hbm>> -> memref<1x128xi32, #tpu.memory_space<hbm>>
    tpu.enqueue_dma source(%dma_start3A_91 : memref<1x128xi32, #tpu.memory_space<hbm>>) target(%arg12 : memref<1x128xi32, #tpu.memory_space<vmem>>) target_semaphore(%arg19 : memref<!tpu.dma_semaphore, #tpu.memory_space<semaphore_mem>>)
    %dma_wait3A = arith.constant 0 : i32
    %dma_wait3A_92 = arith.constant 0 : i32
    %dma_wait3A_93 = arith.constant 0 : i32
    %dma_wait3A_94 = tpu.memref_slice %arg3[%dma_wait3A, %dma_wait3A_92, %dma_wait3A_93] : memref<2x2500x128xi32, #tpu.memory_space<hbm>> -> memref<1x1x128xi32, #tpu.memory_space<hbm>>
    %dma_wait3A_95 = tpu.memref_squeeze %dma_wait3A_94 : memref<1x1x128xi32, #tpu.memory_space<hbm>> -> memref<1x128xi32, #tpu.memory_space<hbm>>
    %dma_wait3A_96 = arith.constant 0 : i32
    %dma_wait3A_97 = arith.constant 0 : i32
    %dma_wait3A_98 = tpu.memref_slice %arg3[%dma_wait3A, %dma_wait3A_96, %dma_wait3A_97] : memref<2x2500x128xi32, #tpu.memory_space<hbm>> -> memref<1x1x128xi32, #tpu.memory_space<hbm>>
    %dma_wait3A_99 = tpu.memref_squeeze %dma_wait3A_98 : memref<1x1x128xi32, #tpu.memory_space<hbm>> -> memref<1x128xi32, #tpu.memory_space<hbm>>
    tpu.wait_dma2 semaphore(%arg16 : memref<!tpu.dma_semaphore, #tpu.memory_space<semaphore_mem>>) src(%dma_wait3A_99 : memref<1x128xi32, #tpu.memory_space<hbm>>) dst(%arg5 : memref<1x128xi32, #tpu.memory_space<vmem>>)
    %dma_wait3A_100 = arith.constant 1 : i32
    %dma_wait3A_101 = arith.constant 0 : i32
    %dma_wait3A_102 = arith.constant 0 : i32
    %dma_wait3A_103 = tpu.memref_slice %arg3[%dma_wait3A_100, %dma_wait3A_101, %dma_wait3A_102] : memref<2x2500x128xi32, #tpu.memory_space<hbm>> -> memref<1x1x128xi32, #tpu.memory_space<hbm>>
    %dma_wait3A_104 = tpu.memref_squeeze %dma_wait3A_103 : memref<1x1x128xi32, #tpu.memory_space<hbm>> -> memref<1x128xi32, #tpu.memory_space<hbm>>
    %dma_wait3A_105 = arith.constant 0 : i32
    %dma_wait3A_106 = arith.constant 0 : i32
    %dma_wait3A_107 = tpu.memref_slice %arg3[%dma_wait3A_100, %dma_wait3A_105, %dma_wait3A_106] : memref<2x2500x128xi32, #tpu.memory_space<hbm>> -> memref<1x1x128xi32, #tpu.memory_space<hbm>>
    %dma_wait3A_108 = tpu.memref_squeeze %dma_wait3A_107 : memref<1x1x128xi32, #tpu.memory_space<hbm>> -> memref<1x128xi32, #tpu.memory_space<hbm>>
    tpu.wait_dma2 semaphore(%arg16 : memref<!tpu.dma_semaphore, #tpu.memory_space<semaphore_mem>>) src(%dma_wait3A_108 : memref<1x128xi32, #tpu.memory_space<hbm>>) dst(%arg9 : memref<1x128xi32, #tpu.memory_space<vmem>>)
    %dma_start3A_109 = arith.constant 0 : i32
    %dma_start3A_110 = arith.constant 0 : i32
    %dma_start3A_111 = tpu.memref_slice %arg5[%dma_start3A_109, %dma_start3A_110] : memref<1x128xi32, #tpu.memory_space<vmem>> -> memref<1x128xi32, #tpu.memory_space<vmem>>
    %dma_start3A_112 = tpu.memref_squeeze %dma_start3A_111 : memref<1x128xi32, #tpu.memory_space<vmem>> -> memref<128xi32, #tpu.memory_space<vmem>>
    %dma_start3A_113 = arith.constant 0 : i32
    %dma_start3A_114 = arith.constant 0 : i32
    %dma_start3A_115 = tpu.memref_slice %arg2[%dma_start3A_113, %dma_start3A_114] : memref<10000x128xf32, #tpu.memory_space<hbm>> -> memref<10000x128xf32, #tpu.memory_space<hbm>>
    tpu.enqueue_indirect_dma source(%dma_start3A_115 : memref<10000x128xf32, #tpu.memory_space<hbm>>) target(%arg13 : memref<128x128xf32, #tpu.memory_space<vmem>>) offsets(%dma_start3A_112 : memref<128xi32, #tpu.memory_space<vmem>>) semaphore(%arg20 : memref<!tpu.dma_semaphore, #tpu.memory_space<semaphore_mem>>)
    %dma_wait3A_116 = arith.constant 0 : i32
    %dma_wait3A_117 = arith.constant 0 : i32
    %dma_wait3A_118 = arith.constant 0 : i32
    %dma_wait3A_119 = tpu.memref_slice %arg3[%dma_wait3A_116, %dma_wait3A_117, %dma_wait3A_118] : memref<2x2500x128xi32, #tpu.memory_space<hbm>> -> memref<1x1x128xi32, #tpu.memory_space<hbm>>
    %dma_wait3A_120 = tpu.memref_squeeze %dma_wait3A_119 : memref<1x1x128xi32, #tpu.memory_space<hbm>> -> memref<1x128xi32, #tpu.memory_space<hbm>>
    %dma_wait3A_121 = arith.constant 0 : i32
    %dma_wait3A_122 = arith.constant 0 : i32
    %dma_wait3A_123 = tpu.memref_slice %arg3[%dma_wait3A_116, %dma_wait3A_121, %dma_wait3A_122] : memref<2x2500x128xi32, #tpu.memory_space<hbm>> -> memref<1x1x128xi32, #tpu.memory_space<hbm>>
    %dma_wait3A_124 = tpu.memref_squeeze %dma_wait3A_123 : memref<1x1x128xi32, #tpu.memory_space<hbm>> -> memref<1x128xi32, #tpu.memory_space<hbm>>
    tpu.wait_dma2 semaphore(%arg17 : memref<!tpu.dma_semaphore, #tpu.memory_space<semaphore_mem>>) src(%dma_wait3A_124 : memref<1x128xi32, #tpu.memory_space<hbm>>) dst(%arg6 : memref<1x128xi32, #tpu.memory_space<vmem>>)
    %dma_wait3A_125 = arith.constant 1 : i32
    %dma_wait3A_126 = arith.constant 0 : i32
    %dma_wait3A_127 = arith.constant 0 : i32
    %dma_wait3A_128 = tpu.memref_slice %arg3[%dma_wait3A_125, %dma_wait3A_126, %dma_wait3A_127] : memref<2x2500x128xi32, #tpu.memory_space<hbm>> -> memref<1x1x128xi32, #tpu.memory_space<hbm>>
    %dma_wait3A_129 = tpu.memref_squeeze %dma_wait3A_128 : memref<1x1x128xi32, #tpu.memory_space<hbm>> -> memref<1x128xi32, #tpu.memory_space<hbm>>
    %dma_wait3A_130 = arith.constant 0 : i32
    %dma_wait3A_131 = arith.constant 0 : i32
    %dma_wait3A_132 = tpu.memref_slice %arg3[%dma_wait3A_125, %dma_wait3A_130, %dma_wait3A_131] : memref<2x2500x128xi32, #tpu.memory_space<hbm>> -> memref<1x1x128xi32, #tpu.memory_space<hbm>>
    %dma_wait3A_133 = tpu.memref_squeeze %dma_wait3A_132 : memref<1x1x128xi32, #tpu.memory_space<hbm>> -> memref<1x128xi32, #tpu.memory_space<hbm>>
    tpu.wait_dma2 semaphore(%arg17 : memref<!tpu.dma_semaphore, #tpu.memory_space<semaphore_mem>>) src(%dma_wait3A_133 : memref<1x128xi32, #tpu.memory_space<hbm>>) dst(%arg10 : memref<1x128xi32, #tpu.memory_space<vmem>>)
    %dma_start3A_134 = arith.constant 0 : i32
    %dma_start3A_135 = arith.constant 0 : i32
    %dma_start3A_136 = tpu.memref_slice %arg6[%dma_start3A_134, %dma_start3A_135] : memref<1x128xi32, #tpu.memory_space<vmem>> -> memref<1x128xi32, #tpu.memory_space<vmem>>
    %dma_start3A_137 = tpu.memref_squeeze %dma_start3A_136 : memref<1x128xi32, #tpu.memory_space<vmem>> -> memref<128xi32, #tpu.memory_space<vmem>>
    %dma_start3A_138 = arith.constant 0 : i32
    %dma_start3A_139 = arith.constant 0 : i32
    %dma_start3A_140 = tpu.memref_slice %arg2[%dma_start3A_138, %dma_start3A_139] : memref<10000x128xf32, #tpu.memory_space<hbm>> -> memref<10000x128xf32, #tpu.memory_space<hbm>>
    tpu.enqueue_indirect_dma source(%dma_start3A_140 : memref<10000x128xf32, #tpu.memory_space<hbm>>) target(%arg14 : memref<128x128xf32, #tpu.memory_space<vmem>>) offsets(%dma_start3A_137 : memref<128xi32, #tpu.memory_space<vmem>>) semaphore(%arg21 : memref<!tpu.dma_semaphore, #tpu.memory_space<semaphore_mem>>)
    %scan3A_141 = arith.constant 0 : i32
    %scan3A_142 = arith.constant 0 : i32
    %scan3A_143 = arith.constant 19 : i32
    %scan3A_144 = arith.addi %scan3A_142, %scan3A_143 : i32
    %scan3A_145 = arith.constant 1 : i32
    scf.for %scan3A_165 = %scan3A_142 to %scan3A_144 step %scan3A_145  : i32 {
      %mul3A_166 = arith.constant 4 : i32
      %mul3A_167 = arith.muli %scan3A_165, %mul3A_166 : i32
      %add3A_168 = arith.constant 0 : i32
      %add3A_169 = arith.addi %mul3A_167, %add3A_168 : i32
      %dma_wait3A_170 = arith.constant 0 : i32
      %dma_wait3A_171 = arith.constant 0 : i32
      %dma_wait3A_172 = tpu.memref_slice %arg5[%dma_wait3A_170, %dma_wait3A_171] : memref<1x128xi32, #tpu.memory_space<vmem>> -> memref<1x128xi32, #tpu.memory_space<vmem>>
      %dma_wait3A_173 = tpu.memref_squeeze %dma_wait3A_172 : memref<1x128xi32, #tpu.memory_space<vmem>> -> memref<128xi32, #tpu.memory_space<vmem>>
      %dma_wait3A_174 = arith.constant 0 : i32
      %dma_wait3A_175 = arith.constant 0 : i32
      %dma_wait3A_176 = tpu.memref_slice %arg2[%dma_wait3A_174, %dma_wait3A_175] : memref<10000x128xf32, #tpu.memory_space<hbm>> -> memref<10000x128xf32, #tpu.memory_space<hbm>>
      tpu.wait_indirect_dma semaphore(%arg20 : memref<!tpu.dma_semaphore, #tpu.memory_space<semaphore_mem>>) src(%dma_wait3A_176 : memref<10000x128xf32, #tpu.memory_space<hbm>>) dst(%arg13 : memref<128x128xf32, #tpu.memory_space<vmem>>)
      %run_scoped3A_177 = arith.constant 0 : i32
      "tpu.region"() ({
        %run_scoped3A_264 = tpu.sem_alloc : memref<!tpu.dma_semaphore, #tpu.memory_space<semaphore_mem>>
        %dma_start3A_265 = arith.constant 0 : i32
        %dma_start3A_266 = tpu.memref_slice %arg9[%run_scoped3A_177, %dma_start3A_265] : memref<1x128xi32, #tpu.memory_space<vmem>> -> memref<1x128xi32, #tpu.memory_space<vmem>>
        %dma_start3A_267 = tpu.memref_squeeze %dma_start3A_266 : memref<1x128xi32, #tpu.memory_space<vmem>> -> memref<128xi32, #tpu.memory_space<vmem>>
        %dma_start3A_268 = arith.constant 0 : i32
        %dma_start3A_269 = arith.constant 0 : i32
        %dma_start3A_270 = tpu.memref_slice %arg15[%dma_start3A_268, %dma_start3A_269] : memref<10000x128xf32, #tpu.memory_space<vmem_shared>> -> memref<10000x128xf32, #tpu.memory_space<vmem_shared>>
        tpu.enqueue_indirect_dma source(%arg13 : memref<128x128xf32, #tpu.memory_space<vmem>>) target(%dma_start3A_270 : memref<10000x128xf32, #tpu.memory_space<vmem_shared>>) offsets(%dma_start3A_267 : memref<128xi32, #tpu.memory_space<vmem>>) semaphore(%run_scoped3A_264 : memref<!tpu.dma_semaphore, #tpu.memory_space<semaphore_mem>>) {add = true}
        %dma_wait3A_271 = arith.constant 0 : i32
        %dma_wait3A_272 = tpu.memref_slice %arg9[%run_scoped3A_177, %dma_wait3A_271] : memref<1x128xi32, #tpu.memory_space<vmem>> -> memref<1x128xi32, #tpu.memory_space<vmem>>
        %dma_wait3A_273 = tpu.memref_squeeze %dma_wait3A_272 : memref<1x128xi32, #tpu.memory_space<vmem>> -> memref<128xi32, #tpu.memory_space<vmem>>
        %dma_wait3A_274 = arith.constant 0 : i32
        %dma_wait3A_275 = arith.constant 0 : i32
        %dma_wait3A_276 = tpu.memref_slice %arg15[%dma_wait3A_274, %dma_wait3A_275] : memref<10000x128xf32, #tpu.memory_space<vmem_shared>> -> memref<10000x128xf32, #tpu.memory_space<vmem_shared>>
        tpu.wait_indirect_dma semaphore(%run_scoped3A_264 : memref<!tpu.dma_semaphore, #tpu.memory_space<semaphore_mem>>) src(%arg13 : memref<128x128xf32, #tpu.memory_space<vmem>>) dst(%dma_wait3A_276 : memref<10000x128xf32, #tpu.memory_space<vmem_shared>>)
        tpu.yield
      }) : () -> ()
      %add3A_178 = arith.constant 4 : i32
      %add3A_179 = arith.addi %add3A_169, %add3A_178 : i32
      %lt3A_180 = arith.constant 78 : i32
      %lt3A_181 = arith.cmpi slt, %add3A_179, %lt3A_180 : i32
      %convert_element_type3A_182 = arith.extui %lt3A_181 : i1 to i32
      %cond3A_183 = arith.constant 0 : i32
      %cond3A_184 = arith.cmpi ne, %convert_element_type3A_182, %cond3A_183 : i32
      scf.if %cond3A_184 {
        %add3A_264 = arith.constant 4 : i32
        %add3A_265 = arith.addi %add3A_169, %add3A_264 : i32
        %add3A_266 = arith.addi %mul3A_4, %add3A_265 : i32
        %dma_start3A_267 = arith.constant 0 : i32
        %dma_start3A_268 = arith.constant 0 : i32
        %dma_start3A_269 = tpu.memref_slice %arg3[%dma_start3A_267, %add3A_266, %dma_start3A_268] : memref<2x2500x128xi32, #tpu.memory_space<hbm>> -> memref<1x1x128xi32, #tpu.memory_space<hbm>>
        %dma_start3A_270 = tpu.memref_squeeze %dma_start3A_269 : memref<1x1x128xi32, #tpu.memory_space<hbm>> -> memref<1x128xi32, #tpu.memory_space<hbm>>
        %dma_start3A_271 = arith.constant 0 : i32
        %dma_start3A_272 = tpu.memref_slice %arg3[%dma_start3A_267, %add3A_266, %dma_start3A_271] : memref<2x2500x128xi32, #tpu.memory_space<hbm>> -> memref<1x1x128xi32, #tpu.memory_space<hbm>>
        %dma_start3A_273 = tpu.memref_squeeze %dma_start3A_272 : memref<1x1x128xi32, #tpu.memory_space<hbm>> -> memref<1x128xi32, #tpu.memory_space<hbm>>
        tpu.enqueue_dma source(%dma_start3A_273 : memref<1x128xi32, #tpu.memory_space<hbm>>) target(%arg5 : memref<1x128xi32, #tpu.memory_space<vmem>>) target_semaphore(%arg16 : memref<!tpu.dma_semaphore, #tpu.memory_space<semaphore_mem>>)
        %add3A_274 = arith.addi %mul3A_4, %add3A_265 : i32
        %dma_start3A_275 = arith.constant 1 : i32
        %dma_start3A_276 = arith.constant 0 : i32
        %dma_start3A_277 = tpu.memref_slice %arg3[%dma_start3A_275, %add3A_274, %dma_start3A_276] : memref<2x2500x128xi32, #tpu.memory_space<hbm>> -> memref<1x1x128xi32, #tpu.memory_space<hbm>>
        %dma_start3A_278 = tpu.memref_squeeze %dma_start3A_277 : memref<1x1x128xi32, #tpu.memory_space<hbm>> -> memref<1x128xi32, #tpu.memory_space<hbm>>
        %dma_start3A_279 = arith.constant 0 : i32
        %dma_start3A_280 = tpu.memref_slice %arg3[%dma_start3A_275, %add3A_274, %dma_start3A_279] : memref<2x2500x128xi32, #tpu.memory_space<hbm>> -> memref<1x1x128xi32, #tpu.memory_space<hbm>>
        %dma_start3A_281 = tpu.memref_squeeze %dma_start3A_280 : memref<1x1x128xi32, #tpu.memory_space<hbm>> -> memref<1x128xi32, #tpu.memory_space<hbm>>
        tpu.enqueue_dma source(%dma_start3A_281 : memref<1x128xi32, #tpu.memory_space<hbm>>) target(%arg9 : memref<1x128xi32, #tpu.memory_space<vmem>>) target_semaphore(%arg16 : memref<!tpu.dma_semaphore, #tpu.memory_space<semaphore_mem>>)
      } else {
      }
      %add3A_185 = arith.constant 2 : i32
      %add3A_186 = arith.addi %add3A_169, %add3A_185 : i32
      %lt3A_187 = arith.constant 78 : i32
      %lt3A_188 = arith.cmpi slt, %add3A_186, %lt3A_187 : i32
      %convert_element_type3A_189 = arith.extui %lt3A_188 : i1 to i32
      %cond3A_190 = arith.constant 0 : i32
      %cond3A_191 = arith.cmpi ne, %convert_element_type3A_189, %cond3A_190 : i32
      scf.if %cond3A_191 {
        %dma_wait3A_264 = arith.constant 0 : i32
        %dma_wait3A_265 = arith.constant 0 : i32
        %dma_wait3A_266 = arith.constant 0 : i32
        %dma_wait3A_267 = tpu.memref_slice %arg3[%dma_wait3A_264, %dma_wait3A_265, %dma_wait3A_266] : memref<2x2500x128xi32, #tpu.memory_space<hbm>> -> memref<1x1x128xi32, #tpu.memory_space<hbm>>
        %dma_wait3A_268 = tpu.memref_squeeze %dma_wait3A_267 : memref<1x1x128xi32, #tpu.memory_space<hbm>> -> memref<1x128xi32, #tpu.memory_space<hbm>>
        %dma_wait3A_269 = arith.constant 0 : i32
        %dma_wait3A_270 = arith.constant 0 : i32
        %dma_wait3A_271 = tpu.memref_slice %arg3[%dma_wait3A_264, %dma_wait3A_269, %dma_wait3A_270] : memref<2x2500x128xi32, #tpu.memory_space<hbm>> -> memref<1x1x128xi32, #tpu.memory_space<hbm>>
        %dma_wait3A_272 = tpu.memref_squeeze %dma_wait3A_271 : memref<1x1x128xi32, #tpu.memory_space<hbm>> -> memref<1x128xi32, #tpu.memory_space<hbm>>
        tpu.wait_dma2 semaphore(%arg18 : memref<!tpu.dma_semaphore, #tpu.memory_space<semaphore_mem>>) src(%dma_wait3A_272 : memref<1x128xi32, #tpu.memory_space<hbm>>) dst(%arg7 : memref<1x128xi32, #tpu.memory_space<vmem>>)
        %dma_wait3A_273 = arith.constant 1 : i32
        %dma_wait3A_274 = arith.constant 0 : i32
        %dma_wait3A_275 = arith.constant 0 : i32
        %dma_wait3A_276 = tpu.memref_slice %arg3[%dma_wait3A_273, %dma_wait3A_274, %dma_wait3A_275] : memref<2x2500x128xi32, #tpu.memory_space<hbm>> -> memref<1x1x128xi32, #tpu.memory_space<hbm>>
        %dma_wait3A_277 = tpu.memref_squeeze %dma_wait3A_276 : memref<1x1x128xi32, #tpu.memory_space<hbm>> -> memref<1x128xi32, #tpu.memory_space<hbm>>
        %dma_wait3A_278 = arith.constant 0 : i32
        %dma_wait3A_279 = arith.constant 0 : i32
        %dma_wait3A_280 = tpu.memref_slice %arg3[%dma_wait3A_273, %dma_wait3A_278, %dma_wait3A_279] : memref<2x2500x128xi32, #tpu.memory_space<hbm>> -> memref<1x1x128xi32, #tpu.memory_space<hbm>>
        %dma_wait3A_281 = tpu.memref_squeeze %dma_wait3A_280 : memref<1x1x128xi32, #tpu.memory_space<hbm>> -> memref<1x128xi32, #tpu.memory_space<hbm>>
        tpu.wait_dma2 semaphore(%arg18 : memref<!tpu.dma_semaphore, #tpu.memory_space<semaphore_mem>>) src(%dma_wait3A_281 : memref<1x128xi32, #tpu.memory_space<hbm>>) dst(%arg11 : memref<1x128xi32, #tpu.memory_space<vmem>>)
        %dma_start3A_282 = arith.constant 0 : i32
        %dma_start3A_283 = arith.constant 0 : i32
        %dma_start3A_284 = tpu.memref_slice %arg7[%dma_start3A_282, %dma_start3A_283] : memref<1x128xi32, #tpu.memory_space<vmem>> -> memref<1x128xi32, #tpu.memory_space<vmem>>
        %dma_start3A_285 = tpu.memref_squeeze %dma_start3A_284 : memref<1x128xi32, #tpu.memory_space<vmem>> -> memref<128xi32, #tpu.memory_space<vmem>>
        %dma_start3A_286 = arith.constant 0 : i32
        %dma_start3A_287 = arith.constant 0 : i32
        %dma_start3A_288 = tpu.memref_slice %arg2[%dma_start3A_286, %dma_start3A_287] : memref<10000x128xf32, #tpu.memory_space<hbm>> -> memref<10000x128xf32, #tpu.memory_space<hbm>>
        tpu.enqueue_indirect_dma source(%dma_start3A_288 : memref<10000x128xf32, #tpu.memory_space<hbm>>) target(%arg13 : memref<128x128xf32, #tpu.memory_space<vmem>>) offsets(%dma_start3A_285 : memref<128xi32, #tpu.memory_space<vmem>>) semaphore(%arg20 : memref<!tpu.dma_semaphore, #tpu.memory_space<semaphore_mem>>)
      } else {
      }
      %add3A_192 = arith.constant 1 : i32
      %add3A_193 = arith.addi %mul3A_167, %add3A_192 : i32
      %dma_wait3A_194 = arith.constant 0 : i32
      %dma_wait3A_195 = arith.constant 0 : i32
      %dma_wait3A_196 = tpu.memref_slice %arg6[%dma_wait3A_194, %dma_wait3A_195] : memref<1x128xi32, #tpu.memory_space<vmem>> -> memref<1x128xi32, #tpu.memory_space<vmem>>
      %dma_wait3A_197 = tpu.memref_squeeze %dma_wait3A_196 : memref<1x128xi32, #tpu.memory_space<vmem>> -> memref<128xi32, #tpu.memory_space<vmem>>
      %dma_wait3A_198 = arith.constant 0 : i32
      %dma_wait3A_199 = arith.constant 0 : i32
      %dma_wait3A_200 = tpu.memref_slice %arg2[%dma_wait3A_198, %dma_wait3A_199] : memref<10000x128xf32, #tpu.memory_space<hbm>> -> memref<10000x128xf32, #tpu.memory_space<hbm>>
      tpu.wait_indirect_dma semaphore(%arg21 : memref<!tpu.dma_semaphore, #tpu.memory_space<semaphore_mem>>) src(%dma_wait3A_200 : memref<10000x128xf32, #tpu.memory_space<hbm>>) dst(%arg14 : memref<128x128xf32, #tpu.memory_space<vmem>>)
      %run_scoped3A_201 = arith.constant 0 : i32
      "tpu.region"() ({
        %run_scoped3A_264 = tpu.sem_alloc : memref<!tpu.dma_semaphore, #tpu.memory_space<semaphore_mem>>
        %dma_start3A_265 = arith.constant 0 : i32
        %dma_start3A_266 = tpu.memref_slice %arg10[%run_scoped3A_201, %dma_start3A_265] : memref<1x128xi32, #tpu.memory_space<vmem>> -> memref<1x128xi32, #tpu.memory_space<vmem>>
        %dma_start3A_267 = tpu.memref_squeeze %dma_start3A_266 : memref<1x128xi32, #tpu.memory_space<vmem>> -> memref<128xi32, #tpu.memory_space<vmem>>
        %dma_start3A_268 = arith.constant 0 : i32
        %dma_start3A_269 = arith.constant 0 : i32
        %dma_start3A_270 = tpu.memref_slice %arg15[%dma_start3A_268, %dma_start3A_269] : memref<10000x128xf32, #tpu.memory_space<vmem_shared>> -> memref<10000x128xf32, #tpu.memory_space<vmem_shared>>
        tpu.enqueue_indirect_dma source(%arg14 : memref<128x128xf32, #tpu.memory_space<vmem>>) target(%dma_start3A_270 : memref<10000x128xf32, #tpu.memory_space<vmem_shared>>) offsets(%dma_start3A_267 : memref<128xi32, #tpu.memory_space<vmem>>) semaphore(%run_scoped3A_264 : memref<!tpu.dma_semaphore, #tpu.memory_space<semaphore_mem>>) {add = true}
        %dma_wait3A_271 = arith.constant 0 : i32
        %dma_wait3A_272 = tpu.memref_slice %arg10[%run_scoped3A_201, %dma_wait3A_271] : memref<1x128xi32, #tpu.memory_space<vmem>> -> memref<1x128xi32, #tpu.memory_space<vmem>>
        %dma_wait3A_273 = tpu.memref_squeeze %dma_wait3A_272 : memref<1x128xi32, #tpu.memory_space<vmem>> -> memref<128xi32, #tpu.memory_space<vmem>>
        %dma_wait3A_274 = arith.constant 0 : i32
        %dma_wait3A_275 = arith.constant 0 : i32
        %dma_wait3A_276 = tpu.memref_slice %arg15[%dma_wait3A_274, %dma_wait3A_275] : memref<10000x128xf32, #tpu.memory_space<vmem_shared>> -> memref<10000x128xf32, #tpu.memory_space<vmem_shared>>
        tpu.wait_indirect_dma semaphore(%run_scoped3A_264 : memref<!tpu.dma_semaphore, #tpu.memory_space<semaphore_mem>>) src(%arg14 : memref<128x128xf32, #tpu.memory_space<vmem>>) dst(%dma_wait3A_276 : memref<10000x128xf32, #tpu.memory_space<vmem_shared>>)
        tpu.yield
      }) : () -> ()
      %add3A_202 = arith.constant 4 : i32
      %add3A_203 = arith.addi %add3A_193, %add3A_202 : i32
      %lt3A_204 = arith.constant 78 : i32
      %lt3A_205 = arith.cmpi slt, %add3A_203, %lt3A_204 : i32
      %convert_element_type3A_206 = arith.extui %lt3A_205 : i1 to i32
      %cond3A_207 = arith.constant 0 : i32
      %cond3A_208 = arith.cmpi ne, %convert_element_type3A_206, %cond3A_207 : i32
      scf.if %cond3A_208 {
        %add3A_264 = arith.constant 4 : i32
        %add3A_265 = arith.addi %add3A_193, %add3A_264 : i32
        %add3A_266 = arith.addi %mul3A_4, %add3A_265 : i32
        %dma_start3A_267 = arith.constant 0 : i32
        %dma_start3A_268 = arith.constant 0 : i32
        %dma_start3A_269 = tpu.memref_slice %arg3[%dma_start3A_267, %add3A_266, %dma_start3A_268] : memref<2x2500x128xi32, #tpu.memory_space<hbm>> -> memref<1x1x128xi32, #tpu.memory_space<hbm>>
        %dma_start3A_270 = tpu.memref_squeeze %dma_start3A_269 : memref<1x1x128xi32, #tpu.memory_space<hbm>> -> memref<1x128xi32, #tpu.memory_space<hbm>>
        %dma_start3A_271 = arith.constant 0 : i32
        %dma_start3A_272 = tpu.memref_slice %arg3[%dma_start3A_267, %add3A_266, %dma_start3A_271] : memref<2x2500x128xi32, #tpu.memory_space<hbm>> -> memref<1x1x128xi32, #tpu.memory_space<hbm>>
        %dma_start3A_273 = tpu.memref_squeeze %dma_start3A_272 : memref<1x1x128xi32, #tpu.memory_space<hbm>> -> memref<1x128xi32, #tpu.memory_space<hbm>>
        tpu.enqueue_dma source(%dma_start3A_273 : memref<1x128xi32, #tpu.memory_space<hbm>>) target(%arg6 : memref<1x128xi32, #tpu.memory_space<vmem>>) target_semaphore(%arg17 : memref<!tpu.dma_semaphore, #tpu.memory_space<semaphore_mem>>)
        %add3A_274 = arith.addi %mul3A_4, %add3A_265 : i32
        %dma_start3A_275 = arith.constant 1 : i32
        %dma_start3A_276 = arith.constant 0 : i32
        %dma_start3A_277 = tpu.memref_slice %arg3[%dma_start3A_275, %add3A_274, %dma_start3A_276] : memref<2x2500x128xi32, #tpu.memory_space<hbm>> -> memref<1x1x128xi32, #tpu.memory_space<hbm>>
        %dma_start3A_278 = tpu.memref_squeeze %dma_start3A_277 : memref<1x1x128xi32, #tpu.memory_space<hbm>> -> memref<1x128xi32, #tpu.memory_space<hbm>>
        %dma_start3A_279 = arith.constant 0 : i32
        %dma_start3A_280 = tpu.memref_slice %arg3[%dma_start3A_275, %add3A_274, %dma_start3A_279] : memref<2x2500x128xi32, #tpu.memory_space<hbm>> -> memref<1x1x128xi32, #tpu.memory_space<hbm>>
        %dma_start3A_281 = tpu.memref_squeeze %dma_start3A_280 : memref<1x1x128xi32, #tpu.memory_space<hbm>> -> memref<1x128xi32, #tpu.memory_space<hbm>>
        tpu.enqueue_dma source(%dma_start3A_281 : memref<1x128xi32, #tpu.memory_space<hbm>>) target(%arg10 : memref<1x128xi32, #tpu.memory_space<vmem>>) target_semaphore(%arg17 : memref<!tpu.dma_semaphore, #tpu.memory_space<semaphore_mem>>)
      } else {
      }
      %add3A_209 = arith.constant 2 : i32
      %add3A_210 = arith.addi %add3A_193, %add3A_209 : i32
      %lt3A_211 = arith.constant 78 : i32
      %lt3A_212 = arith.cmpi slt, %add3A_210, %lt3A_211 : i32
      %convert_element_type3A_213 = arith.extui %lt3A_212 : i1 to i32
      %cond3A_214 = arith.constant 0 : i32
      %cond3A_215 = arith.cmpi ne, %convert_element_type3A_213, %cond3A_214 : i32
      scf.if %cond3A_215 {
        %dma_wait3A_264 = arith.constant 0 : i32
        %dma_wait3A_265 = arith.constant 0 : i32
        %dma_wait3A_266 = arith.constant 0 : i32
        %dma_wait3A_267 = tpu.memref_slice %arg3[%dma_wait3A_264, %dma_wait3A_265, %dma_wait3A_266] : memref<2x2500x128xi32, #tpu.memory_space<hbm>> -> memref<1x1x128xi32, #tpu.memory_space<hbm>>
        %dma_wait3A_268 = tpu.memref_squeeze %dma_wait3A_267 : memref<1x1x128xi32, #tpu.memory_space<hbm>> -> memref<1x128xi32, #tpu.memory_space<hbm>>
        %dma_wait3A_269 = arith.constant 0 : i32
        %dma_wait3A_270 = arith.constant 0 : i32
        %dma_wait3A_271 = tpu.memref_slice %arg3[%dma_wait3A_264, %dma_wait3A_269, %dma_wait3A_270] : memref<2x2500x128xi32, #tpu.memory_space<hbm>> -> memref<1x1x128xi32, #tpu.memory_space<hbm>>
        %dma_wait3A_272 = tpu.memref_squeeze %dma_wait3A_271 : memref<1x1x128xi32, #tpu.memory_space<hbm>> -> memref<1x128xi32, #tpu.memory_space<hbm>>
        tpu.wait_dma2 semaphore(%arg19 : memref<!tpu.dma_semaphore, #tpu.memory_space<semaphore_mem>>) src(%dma_wait3A_272 : memref<1x128xi32, #tpu.memory_space<hbm>>) dst(%arg8 : memref<1x128xi32, #tpu.memory_space<vmem>>)
        %dma_wait3A_273 = arith.constant 1 : i32
        %dma_wait3A_274 = arith.constant 0 : i32
        %dma_wait3A_275 = arith.constant 0 : i32
        %dma_wait3A_276 = tpu.memref_slice %arg3[%dma_wait3A_273, %dma_wait3A_274, %dma_wait3A_275] : memref<2x2500x128xi32, #tpu.memory_space<hbm>> -> memref<1x1x128xi32, #tpu.memory_space<hbm>>
        %dma_wait3A_277 = tpu.memref_squeeze %dma_wait3A_276 : memref<1x1x128xi32, #tpu.memory_space<hbm>> -> memref<1x128xi32, #tpu.memory_space<hbm>>
        %dma_wait3A_278 = arith.constant 0 : i32
        %dma_wait3A_279 = arith.constant 0 : i32
        %dma_wait3A_280 = tpu.memref_slice %arg3[%dma_wait3A_273, %dma_wait3A_278, %dma_wait3A_279] : memref<2x2500x128xi32, #tpu.memory_space<hbm>> -> memref<1x1x128xi32, #tpu.memory_space<hbm>>
        %dma_wait3A_281 = tpu.memref_squeeze %dma_wait3A_280 : memref<1x1x128xi32, #tpu.memory_space<hbm>> -> memref<1x128xi32, #tpu.memory_space<hbm>>
        tpu.wait_dma2 semaphore(%arg19 : memref<!tpu.dma_semaphore, #tpu.memory_space<semaphore_mem>>) src(%dma_wait3A_281 : memref<1x128xi32, #tpu.memory_space<hbm>>) dst(%arg12 : memref<1x128xi32, #tpu.memory_space<vmem>>)
        %dma_start3A_282 = arith.constant 0 : i32
        %dma_start3A_283 = arith.constant 0 : i32
        %dma_start3A_284 = tpu.memref_slice %arg8[%dma_start3A_282, %dma_start3A_283] : memref<1x128xi32, #tpu.memory_space<vmem>> -> memref<1x128xi32, #tpu.memory_space<vmem>>
        %dma_start3A_285 = tpu.memref_squeeze %dma_start3A_284 : memref<1x128xi32, #tpu.memory_space<vmem>> -> memref<128xi32, #tpu.memory_space<vmem>>
        %dma_start3A_286 = arith.constant 0 : i32
        %dma_start3A_287 = arith.constant 0 : i32
        %dma_start3A_288 = tpu.memref_slice %arg2[%dma_start3A_286, %dma_start3A_287] : memref<10000x128xf32, #tpu.memory_space<hbm>> -> memref<10000x128xf32, #tpu.memory_space<hbm>>
        tpu.enqueue_indirect_dma source(%dma_start3A_288 : memref<10000x128xf32, #tpu.memory_space<hbm>>) target(%arg14 : memref<128x128xf32, #tpu.memory_space<vmem>>) offsets(%dma_start3A_285 : memref<128xi32, #tpu.memory_space<vmem>>) semaphore(%arg21 : memref<!tpu.dma_semaphore, #tpu.memory_space<semaphore_mem>>)
      } else {
      }
      %add3A_216 = arith.constant 2 : i32
      %add3A_217 = arith.addi %mul3A_167, %add3A_216 : i32
      %dma_wait3A_218 = arith.constant 0 : i32
      %dma_wait3A_219 = arith.constant 0 : i32
      %dma_wait3A_220 = tpu.memref_slice %arg7[%dma_wait3A_218, %dma_wait3A_219] : memref<1x128xi32, #tpu.memory_space<vmem>> -> memref<1x128xi32, #tpu.memory_space<vmem>>
      %dma_wait3A_221 = tpu.memref_squeeze %dma_wait3A_220 : memref<1x128xi32, #tpu.memory_space<vmem>> -> memref<128xi32, #tpu.memory_space<vmem>>
      %dma_wait3A_222 = arith.constant 0 : i32
      %dma_wait3A_223 = arith.constant 0 : i32
      %dma_wait3A_224 = tpu.memref_slice %arg2[%dma_wait3A_222, %dma_wait3A_223] : memref<10000x128xf32, #tpu.memory_space<hbm>> -> memref<10000x128xf32, #tpu.memory_space<hbm>>
      tpu.wait_indirect_dma semaphore(%arg20 : memref<!tpu.dma_semaphore, #tpu.memory_space<semaphore_mem>>) src(%dma_wait3A_224 : memref<10000x128xf32, #tpu.memory_space<hbm>>) dst(%arg13 : memref<128x128xf32, #tpu.memory_space<vmem>>)
      %run_scoped3A_225 = arith.constant 0 : i32
      "tpu.region"() ({
        %run_scoped3A_264 = tpu.sem_alloc : memref<!tpu.dma_semaphore, #tpu.memory_space<semaphore_mem>>
        %dma_start3A_265 = arith.constant 0 : i32
        %dma_start3A_266 = tpu.memref_slice %arg11[%run_scoped3A_225, %dma_start3A_265] : memref<1x128xi32, #tpu.memory_space<vmem>> -> memref<1x128xi32, #tpu.memory_space<vmem>>
        %dma_start3A_267 = tpu.memref_squeeze %dma_start3A_266 : memref<1x128xi32, #tpu.memory_space<vmem>> -> memref<128xi32, #tpu.memory_space<vmem>>
        %dma_start3A_268 = arith.constant 0 : i32
        %dma_start3A_269 = arith.constant 0 : i32
        %dma_start3A_270 = tpu.memref_slice %arg15[%dma_start3A_268, %dma_start3A_269] : memref<10000x128xf32, #tpu.memory_space<vmem_shared>> -> memref<10000x128xf32, #tpu.memory_space<vmem_shared>>
        tpu.enqueue_indirect_dma source(%arg13 : memref<128x128xf32, #tpu.memory_space<vmem>>) target(%dma_start3A_270 : memref<10000x128xf32, #tpu.memory_space<vmem_shared>>) offsets(%dma_start3A_267 : memref<128xi32, #tpu.memory_space<vmem>>) semaphore(%run_scoped3A_264 : memref<!tpu.dma_semaphore, #tpu.memory_space<semaphore_mem>>) {add = true}
        %dma_wait3A_271 = arith.constant 0 : i32
        %dma_wait3A_272 = tpu.memref_slice %arg11[%run_scoped3A_225, %dma_wait3A_271] : memref<1x128xi32, #tpu.memory_space<vmem>> -> memref<1x128xi32, #tpu.memory_space<vmem>>
        %dma_wait3A_273 = tpu.memref_squeeze %dma_wait3A_272 : memref<1x128xi32, #tpu.memory_space<vmem>> -> memref<128xi32, #tpu.memory_space<vmem>>
        %dma_wait3A_274 = arith.constant 0 : i32
        %dma_wait3A_275 = arith.constant 0 : i32
        %dma_wait3A_276 = tpu.memref_slice %arg15[%dma_wait3A_274, %dma_wait3A_275] : memref<10000x128xf32, #tpu.memory_space<vmem_shared>> -> memref<10000x128xf32, #tpu.memory_space<vmem_shared>>
        tpu.wait_indirect_dma semaphore(%run_scoped3A_264 : memref<!tpu.dma_semaphore, #tpu.memory_space<semaphore_mem>>) src(%arg13 : memref<128x128xf32, #tpu.memory_space<vmem>>) dst(%dma_wait3A_276 : memref<10000x128xf32, #tpu.memory_space<vmem_shared>>)
        tpu.yield
      }) : () -> ()
      %add3A_226 = arith.constant 4 : i32
      %add3A_227 = arith.addi %add3A_217, %add3A_226 : i32
      %lt3A_228 = arith.constant 78 : i32
      %lt3A_229 = arith.cmpi slt, %add3A_227, %lt3A_228 : i32
      %convert_element_type3A_230 = arith.extui %lt3A_229 : i1 to i32
      %cond3A_231 = arith.constant 0 : i32
      %cond3A_232 = arith.cmpi ne, %convert_element_type3A_230, %cond3A_231 : i32
      scf.if %cond3A_232 {
        %add3A_264 = arith.constant 4 : i32
        %add3A_265 = arith.addi %add3A_217, %add3A_264 : i32
        %add3A_266 = arith.addi %mul3A_4, %add3A_265 : i32
        %dma_start3A_267 = arith.constant 0 : i32
        %dma_start3A_268 = arith.constant 0 : i32
        %dma_start3A_269 = tpu.memref_slice %arg3[%dma_start3A_267, %add3A_266, %dma_start3A_268] : memref<2x2500x128xi32, #tpu.memory_space<hbm>> -> memref<1x1x128xi32, #tpu.memory_space<hbm>>
        %dma_start3A_270 = tpu.memref_squeeze %dma_start3A_269 : memref<1x1x128xi32, #tpu.memory_space<hbm>> -> memref<1x128xi32, #tpu.memory_space<hbm>>
        %dma_start3A_271 = arith.constant 0 : i32
        %dma_start3A_272 = tpu.memref_slice %arg3[%dma_start3A_267, %add3A_266, %dma_start3A_271] : memref<2x2500x128xi32, #tpu.memory_space<hbm>> -> memref<1x1x128xi32, #tpu.memory_space<hbm>>
        %dma_start3A_273 = tpu.memref_squeeze %dma_start3A_272 : memref<1x1x128xi32, #tpu.memory_space<hbm>> -> memref<1x128xi32, #tpu.memory_space<hbm>>
        tpu.enqueue_dma source(%dma_start3A_273 : memref<1x128xi32, #tpu.memory_space<hbm>>) target(%arg7 : memref<1x128xi32, #tpu.memory_space<vmem>>) target_semaphore(%arg18 : memref<!tpu.dma_semaphore, #tpu.memory_space<semaphore_mem>>)
        %add3A_274 = arith.addi %mul3A_4, %add3A_265 : i32
        %dma_start3A_275 = arith.constant 1 : i32
        %dma_start3A_276 = arith.constant 0 : i32
        %dma_start3A_277 = tpu.memref_slice %arg3[%dma_start3A_275, %add3A_274, %dma_start3A_276] : memref<2x2500x128xi32, #tpu.memory_space<hbm>> -> memref<1x1x128xi32, #tpu.memory_space<hbm>>
        %dma_start3A_278 = tpu.memref_squeeze %dma_start3A_277 : memref<1x1x128xi32, #tpu.memory_space<hbm>> -> memref<1x128xi32, #tpu.memory_space<hbm>>
        %dma_start3A_279 = arith.constant 0 : i32
        %dma_start3A_280 = tpu.memref_slice %arg3[%dma_start3A_275, %add3A_274, %dma_start3A_279] : memref<2x2500x128xi32, #tpu.memory_space<hbm>> -> memref<1x1x128xi32, #tpu.memory_space<hbm>>
        %dma_start3A_281 = tpu.memref_squeeze %dma_start3A_280 : memref<1x1x128xi32, #tpu.memory_space<hbm>> -> memref<1x128xi32, #tpu.memory_space<hbm>>
        tpu.enqueue_dma source(%dma_start3A_281 : memref<1x128xi32, #tpu.memory_space<hbm>>) target(%arg11 : memref<1x128xi32, #tpu.memory_space<vmem>>) target_semaphore(%arg18 : memref<!tpu.dma_semaphore, #tpu.memory_space<semaphore_mem>>)
      } else {
      }
      %add3A_233 = arith.constant 2 : i32
      %add3A_234 = arith.addi %add3A_217, %add3A_233 : i32
      %lt3A_235 = arith.constant 78 : i32
      %lt3A_236 = arith.cmpi slt, %add3A_234, %lt3A_235 : i32
      %convert_element_type3A_237 = arith.extui %lt3A_236 : i1 to i32
      %cond3A_238 = arith.constant 0 : i32
      %cond3A_239 = arith.cmpi ne, %convert_element_type3A_237, %cond3A_238 : i32
      scf.if %cond3A_239 {
        %dma_wait3A_264 = arith.constant 0 : i32
        %dma_wait3A_265 = arith.constant 0 : i32
        %dma_wait3A_266 = arith.constant 0 : i32
        %dma_wait3A_267 = tpu.memref_slice %arg3[%dma_wait3A_264, %dma_wait3A_265, %dma_wait3A_266] : memref<2x2500x128xi32, #tpu.memory_space<hbm>> -> memref<1x1x128xi32, #tpu.memory_space<hbm>>
        %dma_wait3A_268 = tpu.memref_squeeze %dma_wait3A_267 : memref<1x1x128xi32, #tpu.memory_space<hbm>> -> memref<1x128xi32, #tpu.memory_space<hbm>>
        %dma_wait3A_269 = arith.constant 0 : i32
        %dma_wait3A_270 = arith.constant 0 : i32
        %dma_wait3A_271 = tpu.memref_slice %arg3[%dma_wait3A_264, %dma_wait3A_269, %dma_wait3A_270] : memref<2x2500x128xi32, #tpu.memory_space<hbm>> -> memref<1x1x128xi32, #tpu.memory_space<hbm>>
        %dma_wait3A_272 = tpu.memref_squeeze %dma_wait3A_271 : memref<1x1x128xi32, #tpu.memory_space<hbm>> -> memref<1x128xi32, #tpu.memory_space<hbm>>
        tpu.wait_dma2 semaphore(%arg16 : memref<!tpu.dma_semaphore, #tpu.memory_space<semaphore_mem>>) src(%dma_wait3A_272 : memref<1x128xi32, #tpu.memory_space<hbm>>) dst(%arg5 : memref<1x128xi32, #tpu.memory_space<vmem>>)
        %dma_wait3A_273 = arith.constant 1 : i32
        %dma_wait3A_274 = arith.constant 0 : i32
        %dma_wait3A_275 = arith.constant 0 : i32
        %dma_wait3A_276 = tpu.memref_slice %arg3[%dma_wait3A_273, %dma_wait3A_274, %dma_wait3A_275] : memref<2x2500x128xi32, #tpu.memory_space<hbm>> -> memref<1x1x128xi32, #tpu.memory_space<hbm>>
        %dma_wait3A_277 = tpu.memref_squeeze %dma_wait3A_276 : memref<1x1x128xi32, #tpu.memory_space<hbm>> -> memref<1x128xi32, #tpu.memory_space<hbm>>
        %dma_wait3A_278 = arith.constant 0 : i32
        %dma_wait3A_279 = arith.constant 0 : i32
        %dma_wait3A_280 = tpu.memref_slice %arg3[%dma_wait3A_273, %dma_wait3A_278, %dma_wait3A_279] : memref<2x2500x128xi32, #tpu.memory_space<hbm>> -> memref<1x1x128xi32, #tpu.memory_space<hbm>>
        %dma_wait3A_281 = tpu.memref_squeeze %dma_wait3A_280 : memref<1x1x128xi32, #tpu.memory_space<hbm>> -> memref<1x128xi32, #tpu.memory_space<hbm>>
        tpu.wait_dma2 semaphore(%arg16 : memref<!tpu.dma_semaphore, #tpu.memory_space<semaphore_mem>>) src(%dma_wait3A_281 : memref<1x128xi32, #tpu.memory_space<hbm>>) dst(%arg9 : memref<1x128xi32, #tpu.memory_space<vmem>>)
        %dma_start3A_282 = arith.constant 0 : i32
        %dma_start3A_283 = arith.constant 0 : i32
        %dma_start3A_284 = tpu.memref_slice %arg5[%dma_start3A_282, %dma_start3A_283] : memref<1x128xi32, #tpu.memory_space<vmem>> -> memref<1x128xi32, #tpu.memory_space<vmem>>
        %dma_start3A_285 = tpu.memref_squeeze %dma_start3A_284 : memref<1x128xi32, #tpu.memory_space<vmem>> -> memref<128xi32, #tpu.memory_space<vmem>>
        %dma_start3A_286 = arith.constant 0 : i32
        %dma_start3A_287 = arith.constant 0 : i32
        %dma_start3A_288 = tpu.memref_slice %arg2[%dma_start3A_286, %dma_start3A_287] : memref<10000x128xf32, #tpu.memory_space<hbm>> -> memref<10000x128xf32, #tpu.memory_space<hbm>>
        tpu.enqueue_indirect_dma source(%dma_start3A_288 : memref<10000x128xf32, #tpu.memory_space<hbm>>) target(%arg13 : memref<128x128xf32, #tpu.memory_space<vmem>>) offsets(%dma_start3A_285 : memref<128xi32, #tpu.memory_space<vmem>>) semaphore(%arg20 : memref<!tpu.dma_semaphore, #tpu.memory_space<semaphore_mem>>)
      } else {
      }
      %add3A_240 = arith.constant 3 : i32
      %add3A_241 = arith.addi %mul3A_167, %add3A_240 : i32
      %dma_wait3A_242 = arith.constant 0 : i32
      %dma_wait3A_243 = arith.constant 0 : i32
      %dma_wait3A_244 = tpu.memref_slice %arg8[%dma_wait3A_242, %dma_wait3A_243] : memref<1x128xi32, #tpu.memory_space<vmem>> -> memref<1x128xi32, #tpu.memory_space<vmem>>
      %dma_wait3A_245 = tpu.memref_squeeze %dma_wait3A_244 : memref<1x128xi32, #tpu.memory_space<vmem>> -> memref<128xi32, #tpu.memory_space<vmem>>
      %dma_wait3A_246 = arith.constant 0 : i32
      %dma_wait3A_247 = arith.constant 0 : i32
      %dma_wait3A_248 = tpu.memref_slice %arg2[%dma_wait3A_246, %dma_wait3A_247] : memref<10000x128xf32, #tpu.memory_space<hbm>> -> memref<10000x128xf32, #tpu.memory_space<hbm>>
      tpu.wait_indirect_dma semaphore(%arg21 : memref<!tpu.dma_semaphore, #tpu.memory_space<semaphore_mem>>) src(%dma_wait3A_248 : memref<10000x128xf32, #tpu.memory_space<hbm>>) dst(%arg14 : memref<128x128xf32, #tpu.memory_space<vmem>>)
      %run_scoped3A_249 = arith.constant 0 : i32
      "tpu.region"() ({
        %run_scoped3A_264 = tpu.sem_alloc : memref<!tpu.dma_semaphore, #tpu.memory_space<semaphore_mem>>
        %dma_start3A_265 = arith.constant 0 : i32
        %dma_start3A_266 = tpu.memref_slice %arg12[%run_scoped3A_249, %dma_start3A_265] : memref<1x128xi32, #tpu.memory_space<vmem>> -> memref<1x128xi32, #tpu.memory_space<vmem>>
        %dma_start3A_267 = tpu.memref_squeeze %dma_start3A_266 : memref<1x128xi32, #tpu.memory_space<vmem>> -> memref<128xi32, #tpu.memory_space<vmem>>
        %dma_start3A_268 = arith.constant 0 : i32
        %dma_start3A_269 = arith.constant 0 : i32
        %dma_start3A_270 = tpu.memref_slice %arg15[%dma_start3A_268, %dma_start3A_269] : memref<10000x128xf32, #tpu.memory_space<vmem_shared>> -> memref<10000x128xf32, #tpu.memory_space<vmem_shared>>
        tpu.enqueue_indirect_dma source(%arg14 : memref<128x128xf32, #tpu.memory_space<vmem>>) target(%dma_start3A_270 : memref<10000x128xf32, #tpu.memory_space<vmem_shared>>) offsets(%dma_start3A_267 : memref<128xi32, #tpu.memory_space<vmem>>) semaphore(%run_scoped3A_264 : memref<!tpu.dma_semaphore, #tpu.memory_space<semaphore_mem>>) {add = true}
        %dma_wait3A_271 = arith.constant 0 : i32
        %dma_wait3A_272 = tpu.memref_slice %arg12[%run_scoped3A_249, %dma_wait3A_271] : memref<1x128xi32, #tpu.memory_space<vmem>> -> memref<1x128xi32, #tpu.memory_space<vmem>>
        %dma_wait3A_273 = tpu.memref_squeeze %dma_wait3A_272 : memref<1x128xi32, #tpu.memory_space<vmem>> -> memref<128xi32, #tpu.memory_space<vmem>>
        %dma_wait3A_274 = arith.constant 0 : i32
        %dma_wait3A_275 = arith.constant 0 : i32
        %dma_wait3A_276 = tpu.memref_slice %arg15[%dma_wait3A_274, %dma_wait3A_275] : memref<10000x128xf32, #tpu.memory_space<vmem_shared>> -> memref<10000x128xf32, #tpu.memory_space<vmem_shared>>
        tpu.wait_indirect_dma semaphore(%run_scoped3A_264 : memref<!tpu.dma_semaphore, #tpu.memory_space<semaphore_mem>>) src(%arg14 : memref<128x128xf32, #tpu.memory_space<vmem>>) dst(%dma_wait3A_276 : memref<10000x128xf32, #tpu.memory_space<vmem_shared>>)
        tpu.yield
      }) : () -> ()
      %add3A_250 = arith.constant 4 : i32
      %add3A_251 = arith.addi %add3A_241, %add3A_250 : i32
      %lt3A_252 = arith.constant 78 : i32
      %lt3A_253 = arith.cmpi slt, %add3A_251, %lt3A_252 : i32
      %convert_element_type3A_254 = arith.extui %lt3A_253 : i1 to i32
      %cond3A_255 = arith.constant 0 : i32
      %cond3A_256 = arith.cmpi ne, %convert_element_type3A_254, %cond3A_255 : i32
      scf.if %cond3A_256 {
        %add3A_264 = arith.constant 4 : i32
        %add3A_265 = arith.addi %add3A_241, %add3A_264 : i32
        %add3A_266 = arith.addi %mul3A_4, %add3A_265 : i32
        %dma_start3A_267 = arith.constant 0 : i32
        %dma_start3A_268 = arith.constant 0 : i32
        %dma_start3A_269 = tpu.memref_slice %arg3[%dma_start3A_267, %add3A_266, %dma_start3A_268] : memref<2x2500x128xi32, #tpu.memory_space<hbm>> -> memref<1x1x128xi32, #tpu.memory_space<hbm>>
        %dma_start3A_270 = tpu.memref_squeeze %dma_start3A_269 : memref<1x1x128xi32, #tpu.memory_space<hbm>> -> memref<1x128xi32, #tpu.memory_space<hbm>>
        %dma_start3A_271 = arith.constant 0 : i32
        %dma_start3A_272 = tpu.memref_slice %arg3[%dma_start3A_267, %add3A_266, %dma_start3A_271] : memref<2x2500x128xi32, #tpu.memory_space<hbm>> -> memref<1x1x128xi32, #tpu.memory_space<hbm>>
        %dma_start3A_273 = tpu.memref_squeeze %dma_start3A_272 : memref<1x1x128xi32, #tpu.memory_space<hbm>> -> memref<1x128xi32, #tpu.memory_space<hbm>>
        tpu.enqueue_dma source(%dma_start3A_273 : memref<1x128xi32, #tpu.memory_space<hbm>>) target(%arg8 : memref<1x128xi32, #tpu.memory_space<vmem>>) target_semaphore(%arg19 : memref<!tpu.dma_semaphore, #tpu.memory_space<semaphore_mem>>)
        %add3A_274 = arith.addi %mul3A_4, %add3A_265 : i32
        %dma_start3A_275 = arith.constant 1 : i32
        %dma_start3A_276 = arith.constant 0 : i32
        %dma_start3A_277 = tpu.memref_slice %arg3[%dma_start3A_275, %add3A_274, %dma_start3A_276] : memref<2x2500x128xi32, #tpu.memory_space<hbm>> -> memref<1x1x128xi32, #tpu.memory_space<hbm>>
        %dma_start3A_278 = tpu.memref_squeeze %dma_start3A_277 : memref<1x1x128xi32, #tpu.memory_space<hbm>> -> memref<1x128xi32, #tpu.memory_space<hbm>>
        %dma_start3A_279 = arith.constant 0 : i32
        %dma_start3A_280 = tpu.memref_slice %arg3[%dma_start3A_275, %add3A_274, %dma_start3A_279] : memref<2x2500x128xi32, #tpu.memory_space<hbm>> -> memref<1x1x128xi32, #tpu.memory_space<hbm>>
        %dma_start3A_281 = tpu.memref_squeeze %dma_start3A_280 : memref<1x1x128xi32, #tpu.memory_space<hbm>> -> memref<1x128xi32, #tpu.memory_space<hbm>>
        tpu.enqueue_dma source(%dma_start3A_281 : memref<1x128xi32, #tpu.memory_space<hbm>>) target(%arg12 : memref<1x128xi32, #tpu.memory_space<vmem>>) target_semaphore(%arg19 : memref<!tpu.dma_semaphore, #tpu.memory_space<semaphore_mem>>)
      } else {
      }
      %add3A_257 = arith.constant 2 : i32
      %add3A_258 = arith.addi %add3A_241, %add3A_257 : i32
      %lt3A_259 = arith.constant 78 : i32
      %lt3A_260 = arith.cmpi slt, %add3A_258, %lt3A_259 : i32
      %convert_element_type3A_261 = arith.extui %lt3A_260 : i1 to i32
      %cond3A_262 = arith.constant 0 : i32
      %cond3A_263 = arith.cmpi ne, %convert_element_type3A_261, %cond3A_262 : i32
      scf.if %cond3A_263 {
        %dma_wait3A_264 = arith.constant 0 : i32
        %dma_wait3A_265 = arith.constant 0 : i32
        %dma_wait3A_266 = arith.constant 0 : i32
        %dma_wait3A_267 = tpu.memref_slice %arg3[%dma_wait3A_264, %dma_wait3A_265, %dma_wait3A_266] : memref<2x2500x128xi32, #tpu.memory_space<hbm>> -> memref<1x1x128xi32, #tpu.memory_space<hbm>>
        %dma_wait3A_268 = tpu.memref_squeeze %dma_wait3A_267 : memref<1x1x128xi32, #tpu.memory_space<hbm>> -> memref<1x128xi32, #tpu.memory_space<hbm>>
        %dma_wait3A_269 = arith.constant 0 : i32
        %dma_wait3A_270 = arith.constant 0 : i32
        %dma_wait3A_271 = tpu.memref_slice %arg3[%dma_wait3A_264, %dma_wait3A_269, %dma_wait3A_270] : memref<2x2500x128xi32, #tpu.memory_space<hbm>> -> memref<1x1x128xi32, #tpu.memory_space<hbm>>
        %dma_wait3A_272 = tpu.memref_squeeze %dma_wait3A_271 : memref<1x1x128xi32, #tpu.memory_space<hbm>> -> memref<1x128xi32, #tpu.memory_space<hbm>>
        tpu.wait_dma2 semaphore(%arg17 : memref<!tpu.dma_semaphore, #tpu.memory_space<semaphore_mem>>) src(%dma_wait3A_272 : memref<1x128xi32, #tpu.memory_space<hbm>>) dst(%arg6 : memref<1x128xi32, #tpu.memory_space<vmem>>)
        %dma_wait3A_273 = arith.constant 1 : i32
        %dma_wait3A_274 = arith.constant 0 : i32
        %dma_wait3A_275 = arith.constant 0 : i32
        %dma_wait3A_276 = tpu.memref_slice %arg3[%dma_wait3A_273, %dma_wait3A_274, %dma_wait3A_275] : memref<2x2500x128xi32, #tpu.memory_space<hbm>> -> memref<1x1x128xi32, #tpu.memory_space<hbm>>
        %dma_wait3A_277 = tpu.memref_squeeze %dma_wait3A_276 : memref<1x1x128xi32, #tpu.memory_space<hbm>> -> memref<1x128xi32, #tpu.memory_space<hbm>>
        %dma_wait3A_278 = arith.constant 0 : i32
        %dma_wait3A_279 = arith.constant 0 : i32
        %dma_wait3A_280 = tpu.memref_slice %arg3[%dma_wait3A_273, %dma_wait3A_278, %dma_wait3A_279] : memref<2x2500x128xi32, #tpu.memory_space<hbm>> -> memref<1x1x128xi32, #tpu.memory_space<hbm>>
        %dma_wait3A_281 = tpu.memref_squeeze %dma_wait3A_280 : memref<1x1x128xi32, #tpu.memory_space<hbm>> -> memref<1x128xi32, #tpu.memory_space<hbm>>
        tpu.wait_dma2 semaphore(%arg17 : memref<!tpu.dma_semaphore, #tpu.memory_space<semaphore_mem>>) src(%dma_wait3A_281 : memref<1x128xi32, #tpu.memory_space<hbm>>) dst(%arg10 : memref<1x128xi32, #tpu.memory_space<vmem>>)
        %dma_start3A_282 = arith.constant 0 : i32
        %dma_start3A_283 = arith.constant 0 : i32
        %dma_start3A_284 = tpu.memref_slice %arg6[%dma_start3A_282, %dma_start3A_283] : memref<1x128xi32, #tpu.memory_space<vmem>> -> memref<1x128xi32, #tpu.memory_space<vmem>>
        %dma_start3A_285 = tpu.memref_squeeze %dma_start3A_284 : memref<1x128xi32, #tpu.memory_space<vmem>> -> memref<128xi32, #tpu.memory_space<vmem>>
        %dma_start3A_286 = arith.constant 0 : i32
        %dma_start3A_287 = arith.constant 0 : i32
        %dma_start3A_288 = tpu.memref_slice %arg2[%dma_start3A_286, %dma_start3A_287] : memref<10000x128xf32, #tpu.memory_space<hbm>> -> memref<10000x128xf32, #tpu.memory_space<hbm>>
        tpu.enqueue_indirect_dma source(%dma_start3A_288 : memref<10000x128xf32, #tpu.memory_space<hbm>>) target(%arg14 : memref<128x128xf32, #tpu.memory_space<vmem>>) offsets(%dma_start3A_285 : memref<128xi32, #tpu.memory_space<vmem>>) semaphore(%arg21 : memref<!tpu.dma_semaphore, #tpu.memory_space<semaphore_mem>>)
      } else {
      }
    }
    %scan3A_146 = arith.constant 19 : i32
    %dma_wait3A_147 = arith.constant 0 : i32
    %dma_wait3A_148 = arith.constant 0 : i32
    %dma_wait3A_149 = tpu.memref_slice %arg5[%dma_wait3A_147, %dma_wait3A_148] : memref<1x128xi32, #tpu.memory_space<vmem>> -> memref<1x128xi32, #tpu.memory_space<vmem>>
    %dma_wait3A_150 = tpu.memref_squeeze %dma_wait3A_149 : memref<1x128xi32, #tpu.memory_space<vmem>> -> memref<128xi32, #tpu.memory_space<vmem>>
    %dma_wait3A_151 = arith.constant 0 : i32
    %dma_wait3A_152 = arith.constant 0 : i32
    %dma_wait3A_153 = tpu.memref_slice %arg2[%dma_wait3A_151, %dma_wait3A_152] : memref<10000x128xf32, #tpu.memory_space<hbm>> -> memref<10000x128xf32, #tpu.memory_space<hbm>>
    tpu.wait_indirect_dma semaphore(%arg20 : memref<!tpu.dma_semaphore, #tpu.memory_space<semaphore_mem>>) src(%dma_wait3A_153 : memref<10000x128xf32, #tpu.memory_space<hbm>>) dst(%arg13 : memref<128x128xf32, #tpu.memory_space<vmem>>)
    %run_scoped3A = arith.constant 0 : i32
    "tpu.region"() ({
      %run_scoped3A_165 = tpu.sem_alloc : memref<!tpu.dma_semaphore, #tpu.memory_space<semaphore_mem>>
      %dma_start3A_166 = arith.constant 0 : i32
      %dma_start3A_167 = tpu.memref_slice %arg9[%run_scoped3A, %dma_start3A_166] : memref<1x128xi32, #tpu.memory_space<vmem>> -> memref<1x128xi32, #tpu.memory_space<vmem>>
      %dma_start3A_168 = tpu.memref_squeeze %dma_start3A_167 : memref<1x128xi32, #tpu.memory_space<vmem>> -> memref<128xi32, #tpu.memory_space<vmem>>
      %dma_start3A_169 = arith.constant 0 : i32
      %dma_start3A_170 = arith.constant 0 : i32
      %dma_start3A_171 = tpu.memref_slice %arg15[%dma_start3A_169, %dma_start3A_170] : memref<10000x128xf32, #tpu.memory_space<vmem_shared>> -> memref<10000x128xf32, #tpu.memory_space<vmem_shared>>
      tpu.enqueue_indirect_dma source(%arg13 : memref<128x128xf32, #tpu.memory_space<vmem>>) target(%dma_start3A_171 : memref<10000x128xf32, #tpu.memory_space<vmem_shared>>) offsets(%dma_start3A_168 : memref<128xi32, #tpu.memory_space<vmem>>) semaphore(%run_scoped3A_165 : memref<!tpu.dma_semaphore, #tpu.memory_space<semaphore_mem>>) {add = true}
      %dma_wait3A_172 = arith.constant 0 : i32
      %dma_wait3A_173 = tpu.memref_slice %arg9[%run_scoped3A, %dma_wait3A_172] : memref<1x128xi32, #tpu.memory_space<vmem>> -> memref<1x128xi32, #tpu.memory_space<vmem>>
      %dma_wait3A_174 = tpu.memref_squeeze %dma_wait3A_173 : memref<1x128xi32, #tpu.memory_space<vmem>> -> memref<128xi32, #tpu.memory_space<vmem>>
      %dma_wait3A_175 = arith.constant 0 : i32
      %dma_wait3A_176 = arith.constant 0 : i32
      %dma_wait3A_177 = tpu.memref_slice %arg15[%dma_wait3A_175, %dma_wait3A_176] : memref<10000x128xf32, #tpu.memory_space<vmem_shared>> -> memref<10000x128xf32, #tpu.memory_space<vmem_shared>>
      tpu.wait_indirect_dma semaphore(%run_scoped3A_165 : memref<!tpu.dma_semaphore, #tpu.memory_space<semaphore_mem>>) src(%arg13 : memref<128x128xf32, #tpu.memory_space<vmem>>) dst(%dma_wait3A_177 : memref<10000x128xf32, #tpu.memory_space<vmem_shared>>)
      tpu.yield
    }) : () -> ()
    %dma_wait3A_154 = arith.constant 0 : i32
    %dma_wait3A_155 = arith.constant 0 : i32
    %dma_wait3A_156 = tpu.memref_slice %arg6[%dma_wait3A_154, %dma_wait3A_155] : memref<1x128xi32, #tpu.memory_space<vmem>> -> memref<1x128xi32, #tpu.memory_space<vmem>>
    %dma_wait3A_157 = tpu.memref_squeeze %dma_wait3A_156 : memref<1x128xi32, #tpu.memory_space<vmem>> -> memref<128xi32, #tpu.memory_space<vmem>>
    %dma_wait3A_158 = arith.constant 0 : i32
    %dma_wait3A_159 = arith.constant 0 : i32
    %dma_wait3A_160 = tpu.memref_slice %arg2[%dma_wait3A_158, %dma_wait3A_159] : memref<10000x128xf32, #tpu.memory_space<hbm>> -> memref<10000x128xf32, #tpu.memory_space<hbm>>
    tpu.wait_indirect_dma semaphore(%arg21 : memref<!tpu.dma_semaphore, #tpu.memory_space<semaphore_mem>>) src(%dma_wait3A_160 : memref<10000x128xf32, #tpu.memory_space<hbm>>) dst(%arg14 : memref<128x128xf32, #tpu.memory_space<vmem>>)
    %run_scoped3A_161 = arith.constant 0 : i32
    "tpu.region"() ({
      %run_scoped3A_165 = tpu.sem_alloc : memref<!tpu.dma_semaphore, #tpu.memory_space<semaphore_mem>>
      %dma_start3A_166 = arith.constant 0 : i32
      %dma_start3A_167 = tpu.memref_slice %arg10[%run_scoped3A_161, %dma_start3A_166] : memref<1x128xi32, #tpu.memory_space<vmem>> -> memref<1x128xi32, #tpu.memory_space<vmem>>
      %dma_start3A_168 = tpu.memref_squeeze %dma_start3A_167 : memref<1x128xi32, #tpu.memory_space<vmem>> -> memref<128xi32, #tpu.memory_space<vmem>>
      %dma_start3A_169 = arith.constant 0 : i32
      %dma_start3A_170 = arith.constant 0 : i32
      %dma_start3A_171 = tpu.memref_slice %arg15[%dma_start3A_169, %dma_start3A_170] : memref<10000x128xf32, #tpu.memory_space<vmem_shared>> -> memref<10000x128xf32, #tpu.memory_space<vmem_shared>>
      tpu.enqueue_indirect_dma source(%arg14 : memref<128x128xf32, #tpu.memory_space<vmem>>) target(%dma_start3A_171 : memref<10000x128xf32, #tpu.memory_space<vmem_shared>>) offsets(%dma_start3A_168 : memref<128xi32, #tpu.memory_space<vmem>>) semaphore(%run_scoped3A_165 : memref<!tpu.dma_semaphore, #tpu.memory_space<semaphore_mem>>) {add = true}
      %dma_wait3A_172 = arith.constant 0 : i32
      %dma_wait3A_173 = tpu.memref_slice %arg10[%run_scoped3A_161, %dma_wait3A_172] : memref<1x128xi32, #tpu.memory_space<vmem>> -> memref<1x128xi32, #tpu.memory_space<vmem>>
      %dma_wait3A_174 = tpu.memref_squeeze %dma_wait3A_173 : memref<1x128xi32, #tpu.memory_space<vmem>> -> memref<128xi32, #tpu.memory_space<vmem>>
      %dma_wait3A_175 = arith.constant 0 : i32
      %dma_wait3A_176 = arith.constant 0 : i32
      %dma_wait3A_177 = tpu.memref_slice %arg15[%dma_wait3A_175, %dma_wait3A_176] : memref<10000x128xf32, #tpu.memory_space<vmem_shared>> -> memref<10000x128xf32, #tpu.memory_space<vmem_shared>>
      tpu.wait_indirect_dma semaphore(%run_scoped3A_165 : memref<!tpu.dma_semaphore, #tpu.memory_space<semaphore_mem>>) src(%arg14 : memref<128x128xf32, #tpu.memory_space<vmem>>) dst(%dma_wait3A_177 : memref<10000x128xf32, #tpu.memory_space<vmem_shared>>)
      tpu.yield
    }) : () -> ()
    %lt3A = arith.constant 4 : i32
    %lt3A_162 = arith.cmpi slt, %add3A, %lt3A : i32
    %convert_element_type3A = arith.extui %lt3A_162 : i1 to i32
    %cond3A = arith.constant 0 : i32
    %cond3A_163 = arith.cmpi ne, %convert_element_type3A, %cond3A : i32
    scf.if %cond3A_163 {
      %add3A_165 = arith.constant 2496 : i32
      %add3A_166 = arith.addi %add3A_165, %add3A : i32
      %sub3A = arith.subi %add3A_166, %mul3A_4 : i32
      %add3A_167 = arith.addi %mul3A_4, %sub3A : i32
      %dma_start3A_168 = arith.constant 0 : i32
      %dma_start3A_169 = arith.constant 0 : i32
      %dma_start3A_170 = tpu.memref_slice %arg3[%dma_start3A_168, %add3A_167, %dma_start3A_169] : memref<2x2500x128xi32, #tpu.memory_space<hbm>> -> memref<1x1x128xi32, #tpu.memory_space<hbm>>
      %dma_start3A_171 = tpu.memref_squeeze %dma_start3A_170 : memref<1x1x128xi32, #tpu.memory_space<hbm>> -> memref<1x128xi32, #tpu.memory_space<hbm>>
      %dma_start3A_172 = arith.constant 0 : i32
      %dma_start3A_173 = tpu.memref_slice %arg3[%dma_start3A_168, %add3A_167, %dma_start3A_172] : memref<2x2500x128xi32, #tpu.memory_space<hbm>> -> memref<1x1x128xi32, #tpu.memory_space<hbm>>
      %dma_start3A_174 = tpu.memref_squeeze %dma_start3A_173 : memref<1x1x128xi32, #tpu.memory_space<hbm>> -> memref<1x128xi32, #tpu.memory_space<hbm>>
      tpu.enqueue_dma source(%dma_start3A_174 : memref<1x128xi32, #tpu.memory_space<hbm>>) target(%arg5 : memref<1x128xi32, #tpu.memory_space<vmem>>) target_semaphore(%arg16 : memref<!tpu.dma_semaphore, #tpu.memory_space<semaphore_mem>>)
      %add3A_175 = arith.addi %mul3A_4, %sub3A : i32
      %dma_start3A_176 = arith.constant 1 : i32
      %dma_start3A_177 = arith.constant 0 : i32
      %dma_start3A_178 = tpu.memref_slice %arg3[%dma_start3A_176, %add3A_175, %dma_start3A_177] : memref<2x2500x128xi32, #tpu.memory_space<hbm>> -> memref<1x1x128xi32, #tpu.memory_space<hbm>>
      %dma_start3A_179 = tpu.memref_squeeze %dma_start3A_178 : memref<1x1x128xi32, #tpu.memory_space<hbm>> -> memref<1x128xi32, #tpu.memory_space<hbm>>
      %dma_start3A_180 = arith.constant 0 : i32
      %dma_start3A_181 = tpu.memref_slice %arg3[%dma_start3A_176, %add3A_175, %dma_start3A_180] : memref<2x2500x128xi32, #tpu.memory_space<hbm>> -> memref<1x1x128xi32, #tpu.memory_space<hbm>>
      %dma_start3A_182 = tpu.memref_squeeze %dma_start3A_181 : memref<1x1x128xi32, #tpu.memory_space<hbm>> -> memref<1x128xi32, #tpu.memory_space<hbm>>
      tpu.enqueue_dma source(%dma_start3A_182 : memref<1x128xi32, #tpu.memory_space<hbm>>) target(%arg9 : memref<1x128xi32, #tpu.memory_space<vmem>>) target_semaphore(%arg16 : memref<!tpu.dma_semaphore, #tpu.memory_space<semaphore_mem>>)
      %dma_wait3A_183 = arith.constant 0 : i32
      %dma_wait3A_184 = arith.constant 0 : i32
      %dma_wait3A_185 = arith.constant 0 : i32
      %dma_wait3A_186 = tpu.memref_slice %arg3[%dma_wait3A_183, %dma_wait3A_184, %dma_wait3A_185] : memref<2x2500x128xi32, #tpu.memory_space<hbm>> -> memref<1x1x128xi32, #tpu.memory_space<hbm>>
      %dma_wait3A_187 = tpu.memref_squeeze %dma_wait3A_186 : memref<1x1x128xi32, #tpu.memory_space<hbm>> -> memref<1x128xi32, #tpu.memory_space<hbm>>
      %dma_wait3A_188 = arith.constant 0 : i32
      %dma_wait3A_189 = arith.constant 0 : i32
      %dma_wait3A_190 = tpu.memref_slice %arg3[%dma_wait3A_183, %dma_wait3A_188, %dma_wait3A_189] : memref<2x2500x128xi32, #tpu.memory_space<hbm>> -> memref<1x1x128xi32, #tpu.memory_space<hbm>>
      %dma_wait3A_191 = tpu.memref_squeeze %dma_wait3A_190 : memref<1x1x128xi32, #tpu.memory_space<hbm>> -> memref<1x128xi32, #tpu.memory_space<hbm>>
      tpu.wait_dma2 semaphore(%arg16 : memref<!tpu.dma_semaphore, #tpu.memory_space<semaphore_mem>>) src(%dma_wait3A_191 : memref<1x128xi32, #tpu.memory_space<hbm>>) dst(%arg5 : memref<1x128xi32, #tpu.memory_space<vmem>>)
      %dma_wait3A_192 = arith.constant 1 : i32
      %dma_wait3A_193 = arith.constant 0 : i32
      %dma_wait3A_194 = arith.constant 0 : i32
      %dma_wait3A_195 = tpu.memref_slice %arg3[%dma_wait3A_192, %dma_wait3A_193, %dma_wait3A_194] : memref<2x2500x128xi32, #tpu.memory_space<hbm>> -> memref<1x1x128xi32, #tpu.memory_space<hbm>>
      %dma_wait3A_196 = tpu.memref_squeeze %dma_wait3A_195 : memref<1x1x128xi32, #tpu.memory_space<hbm>> -> memref<1x128xi32, #tpu.memory_space<hbm>>
      %dma_wait3A_197 = arith.constant 0 : i32
      %dma_wait3A_198 = arith.constant 0 : i32
      %dma_wait3A_199 = tpu.memref_slice %arg3[%dma_wait3A_192, %dma_wait3A_197, %dma_wait3A_198] : memref<2x2500x128xi32, #tpu.memory_space<hbm>> -> memref<1x1x128xi32, #tpu.memory_space<hbm>>
      %dma_wait3A_200 = tpu.memref_squeeze %dma_wait3A_199 : memref<1x1x128xi32, #tpu.memory_space<hbm>> -> memref<1x128xi32, #tpu.memory_space<hbm>>
      tpu.wait_dma2 semaphore(%arg16 : memref<!tpu.dma_semaphore, #tpu.memory_space<semaphore_mem>>) src(%dma_wait3A_200 : memref<1x128xi32, #tpu.memory_space<hbm>>) dst(%arg9 : memref<1x128xi32, #tpu.memory_space<vmem>>)
      %dma_start3A_201 = arith.constant 0 : i32
      %dma_start3A_202 = arith.constant 0 : i32
      %dma_start3A_203 = tpu.memref_slice %arg5[%dma_start3A_201, %dma_start3A_202] : memref<1x128xi32, #tpu.memory_space<vmem>> -> memref<1x128xi32, #tpu.memory_space<vmem>>
      %dma_start3A_204 = tpu.memref_squeeze %dma_start3A_203 : memref<1x128xi32, #tpu.memory_space<vmem>> -> memref<128xi32, #tpu.memory_space<vmem>>
      %dma_start3A_205 = arith.constant 0 : i32
      %dma_start3A_206 = arith.constant 0 : i32
      %dma_start3A_207 = tpu.memref_slice %arg2[%dma_start3A_205, %dma_start3A_206] : memref<10000x128xf32, #tpu.memory_space<hbm>> -> memref<10000x128xf32, #tpu.memory_space<hbm>>
      tpu.enqueue_indirect_dma source(%dma_start3A_207 : memref<10000x128xf32, #tpu.memory_space<hbm>>) target(%arg13 : memref<128x128xf32, #tpu.memory_space<vmem>>) offsets(%dma_start3A_204 : memref<128xi32, #tpu.memory_space<vmem>>) semaphore(%arg20 : memref<!tpu.dma_semaphore, #tpu.memory_space<semaphore_mem>>)
      %dma_wait3A_208 = arith.constant 0 : i32
      %dma_wait3A_209 = arith.constant 0 : i32
      %dma_wait3A_210 = tpu.memref_slice %arg5[%dma_wait3A_208, %dma_wait3A_209] : memref<1x128xi32, #tpu.memory_space<vmem>> -> memref<1x128xi32, #tpu.memory_space<vmem>>
      %dma_wait3A_211 = tpu.memref_squeeze %dma_wait3A_210 : memref<1x128xi32, #tpu.memory_space<vmem>> -> memref<128xi32, #tpu.memory_space<vmem>>
      %dma_wait3A_212 = arith.constant 0 : i32
      %dma_wait3A_213 = arith.constant 0 : i32
      %dma_wait3A_214 = tpu.memref_slice %arg2[%dma_wait3A_212, %dma_wait3A_213] : memref<10000x128xf32, #tpu.memory_space<hbm>> -> memref<10000x128xf32, #tpu.memory_space<hbm>>
      tpu.wait_indirect_dma semaphore(%arg20 : memref<!tpu.dma_semaphore, #tpu.memory_space<semaphore_mem>>) src(%dma_wait3A_214 : memref<10000x128xf32, #tpu.memory_space<hbm>>) dst(%arg13 : memref<128x128xf32, #tpu.memory_space<vmem>>)
      %run_scoped3A_215 = arith.constant 0 : i32
      "tpu.region"() ({
        %run_scoped3A_216 = tpu.sem_alloc : memref<!tpu.dma_semaphore, #tpu.memory_space<semaphore_mem>>
        %dma_start3A_217 = arith.constant 0 : i32
        %dma_start3A_218 = tpu.memref_slice %arg9[%run_scoped3A_215, %dma_start3A_217] : memref<1x128xi32, #tpu.memory_space<vmem>> -> memref<1x128xi32, #tpu.memory_space<vmem>>
        %dma_start3A_219 = tpu.memref_squeeze %dma_start3A_218 : memref<1x128xi32, #tpu.memory_space<vmem>> -> memref<128xi32, #tpu.memory_space<vmem>>
        %dma_start3A_220 = arith.constant 0 : i32
        %dma_start3A_221 = arith.constant 0 : i32
        %dma_start3A_222 = tpu.memref_slice %arg15[%dma_start3A_220, %dma_start3A_221] : memref<10000x128xf32, #tpu.memory_space<vmem_shared>> -> memref<10000x128xf32, #tpu.memory_space<vmem_shared>>
        tpu.enqueue_indirect_dma source(%arg13 : memref<128x128xf32, #tpu.memory_space<vmem>>) target(%dma_start3A_222 : memref<10000x128xf32, #tpu.memory_space<vmem_shared>>) offsets(%dma_start3A_219 : memref<128xi32, #tpu.memory_space<vmem>>) semaphore(%run_scoped3A_216 : memref<!tpu.dma_semaphore, #tpu.memory_space<semaphore_mem>>) {add = true}
        %dma_wait3A_223 = arith.constant 0 : i32
        %dma_wait3A_224 = tpu.memref_slice %arg9[%run_scoped3A_215, %dma_wait3A_223] : memref<1x128xi32, #tpu.memory_space<vmem>> -> memref<1x128xi32, #tpu.memory_space<vmem>>
        %dma_wait3A_225 = tpu.memref_squeeze %dma_wait3A_224 : memref<1x128xi32, #tpu.memory_space<vmem>> -> memref<128xi32, #tpu.memory_space<vmem>>
        %dma_wait3A_226 = arith.constant 0 : i32
        %dma_wait3A_227 = arith.constant 0 : i32
        %dma_wait3A_228 = tpu.memref_slice %arg15[%dma_wait3A_226, %dma_wait3A_227] : memref<10000x128xf32, #tpu.memory_space<vmem_shared>> -> memref<10000x128xf32, #tpu.memory_space<vmem_shared>>
        tpu.wait_indirect_dma semaphore(%run_scoped3A_216 : memref<!tpu.dma_semaphore, #tpu.memory_space<semaphore_mem>>) src(%arg13 : memref<128x128xf32, #tpu.memory_space<vmem>>) dst(%dma_wait3A_228 : memref<10000x128xf32, #tpu.memory_space<vmem_shared>>)
        tpu.yield
      }) : () -> ()
    } else {
    }
    %barrier3A_164 = arith.constant 0 : index
    tpu.barrier barrier_id(%barrier3A_164)
    "tpu.region"() ({
      %run_scoped3A_165 = tpu.sem_alloc : memref<!tpu.dma_semaphore, #tpu.memory_space<semaphore_mem>>
      %dma_start3A_166 = arith.constant 0 : i32
      %dma_start3A_167 = tpu.memref_slice %arg4[%arg0, %mul3A_0, %dma_start3A_166] : memref<2x10000x128xf32, #tpu.memory_space<hbm>> -> memref<1x625x128xf32, #tpu.memory_space<hbm>>
      %dma_start3A_168 = tpu.memref_squeeze %dma_start3A_167 : memref<1x625x128xf32, #tpu.memory_space<hbm>> -> memref<625x128xf32, #tpu.memory_space<hbm>>
      %dma_start3A_169 = arith.constant 0 : i32
      %dma_start3A_170 = tpu.memref_slice %arg15[%mul3A_0, %dma_start3A_169] : memref<10000x128xf32, #tpu.memory_space<vmem_shared>> -> memref<625x128xf32, #tpu.memory_space<vmem_shared>>
      tpu.enqueue_dma source(%dma_start3A_170 : memref<625x128xf32, #tpu.memory_space<vmem_shared>>) target(%dma_start3A_168 : memref<625x128xf32, #tpu.memory_space<hbm>>) target_semaphore(%run_scoped3A_165 : memref<!tpu.dma_semaphore, #tpu.memory_space<semaphore_mem>>)
      %dma_wait3A_171 = arith.constant 0 : i32
      %dma_wait3A_172 = tpu.memref_slice %arg4[%arg0, %mul3A_0, %dma_wait3A_171] : memref<2x10000x128xf32, #tpu.memory_space<hbm>> -> memref<1x625x128xf32, #tpu.memory_space<hbm>>
      %dma_wait3A_173 = tpu.memref_squeeze %dma_wait3A_172 : memref<1x625x128xf32, #tpu.memory_space<hbm>> -> memref<625x128xf32, #tpu.memory_space<hbm>>
      %dma_wait3A_174 = arith.constant 0 : i32
      %dma_wait3A_175 = tpu.memref_slice %arg15[%mul3A_0, %dma_wait3A_174] : memref<10000x128xf32, #tpu.memory_space<vmem_shared>> -> memref<625x128xf32, #tpu.memory_space<vmem_shared>>
      tpu.wait_dma2 semaphore(%run_scoped3A_165 : memref<!tpu.dma_semaphore, #tpu.memory_space<semaphore_mem>>) src(%dma_wait3A_175 : memref<625x128xf32, #tpu.memory_space<vmem_shared>>) dst(%dma_wait3A_173 : memref<625x128xf32, #tpu.memory_space<hbm>>)
      tpu.yield
    }) : () -> ()
    return
  }
}

module attributes {stable_mosaic.version = 14 : i64} {
  func.func @body(%arg0: i32, %arg1: memref<1000x128xf32, #tpu.memory_space<vmem>>, %arg2: memref<2x1000x16xf32, #tpu.memory_space<vmem>>, %arg3: memref<1000x128xf32, #tpu.memory_space<vmem>>, %arg4: memref<1000x16xf32, #tpu.memory_space<vmem>>) attributes {dimension_semantics = [#tpu.dimension_semantics<arbitrary>], iteration_bounds = array<i64: 10>, scalar_prefetch = 0 : i64, scratch_operands = 0 : i64, tpu.core_type = #tpu.core_type<tc>, window_params = [{transform_indices = @transform_0, window_bounds = array<i64: 1000, 128>}, {transform_indices = @transform_1, window_bounds = array<i64: 2, 1000, 16>}, {transform_indices = @transform_2, window_bounds = array<i64: 1000, 128>}, {transform_indices = @transform_3, window_bounds = array<i64: 1000, 16>}]} {
    %get3A = arith.constant 0 : index
    %get3A_0 = arith.constant 0 : index
    %get3A_1 = arith.constant 0 : index
    %get3A_2 = vector.load %arg2[%get3A, %get3A_0, %get3A_1] : memref<2x1000x16xf32, #tpu.memory_space<vmem>>, vector<1x1000x16xf32>
    %get3A_3 = vector.shape_cast %get3A_2 : vector<1x1000x16xf32> to vector<1000x16xf32>
    %add3A = arith.constant 1.000000e+00 : f32
    %add3A_4 = vector.broadcast %add3A : f32 to vector<1000x16xf32>
    %add3A_5 = arith.addf %add3A_4, %get3A_3 : vector<1000x16xf32>
    %get3A_6 = arith.constant 1 : index
    %get3A_7 = arith.constant 0 : index
    %get3A_8 = arith.constant 0 : index
    %get3A_9 = vector.load %arg2[%get3A_6, %get3A_7, %get3A_8] : memref<2x1000x16xf32, #tpu.memory_space<vmem>>, vector<1x1000x16xf32>
    %get3A_10 = vector.shape_cast %get3A_9 : vector<1x1000x16xf32> to vector<1000x16xf32>
    %add3A_11 = arith.addf %add3A_5, %get3A_10 : vector<1000x16xf32>
    %rsqrt3A = math.rsqrt %add3A_11 : vector<1000x16xf32>
    %swap3A = arith.constant 0 : index
    %swap3A_12 = arith.constant 0 : index
    %swap3A_13 = vector.load %arg4[%swap3A, %swap3A_12] : memref<1000x16xf32, #tpu.memory_space<vmem>>, vector<1000x16xf32>
    tpu.vector_store %arg4[%swap3A, %swap3A_12], %rsqrt3A {strides = array<i32>} : memref<1000x16xf32, #tpu.memory_space<vmem>>, vector<1000x16xf32>,
    %slice3A = vector.extract_strided_slice %rsqrt3A {offsets = [0, 0], sizes = [1000, 1], strides = [1, 1]} : vector<1000x16xf32> to vector<1000x1xf32>
    %get3A_14 = arith.constant 0 : index
    %get3A_15 = arith.constant 0 : index
    %get3A_16 = vector.load %arg1[%get3A_14, %get3A_15] : memref<1000x128xf32, #tpu.memory_space<vmem>>, vector<1000x128xf32>
    %mul3A = vector.broadcast %slice3A : vector<1000x1xf32> to vector<1000x128xf32>
    %mul3A_17 = arith.mulf %mul3A, %get3A_16 : vector<1000x128xf32>
    %swap3A_18 = arith.constant 0 : index
    %swap3A_19 = arith.constant 0 : index
    %swap3A_20 = vector.load %arg3[%swap3A_18, %swap3A_19] : memref<1000x128xf32, #tpu.memory_space<vmem>>, vector<1000x128xf32>
    tpu.vector_store %arg3[%swap3A_18, %swap3A_19], %mul3A_17 {strides = array<i32>} : memref<1000x128xf32, #tpu.memory_space<vmem>>, vector<1000x128xf32>,
    return
  }
  func.func @transform_0(%arg0: i32) -> (i32, i32) {
    %c0_i32 = arith.constant 0 : i32
    %c0_i32_0 = arith.constant 0 : i32
    return %arg0, %c0_i32 : i32, i32
  }
  func.func @transform_1(%arg0: i32) -> (i32, i32, i32) {
    %c0_i32 = arith.constant 0 : i32
    %c0_i32_0 = arith.constant 0 : i32
    %c0_i32_1 = arith.constant 0 : i32
    return %c0_i32, %arg0, %c0_i32_0 : i32, i32, i32
  }
  func.func @transform_2(%arg0: i32) -> (i32, i32) {
    %c0_i32 = arith.constant 0 : i32
    %c0_i32_0 = arith.constant 0 : i32
    return %arg0, %c0_i32 : i32, i32
  }
  func.func @transform_3(%arg0: i32) -> (i32, i32) {
    %c0_i32 = arith.constant 0 : i32
    %c0_i32_0 = arith.constant 0 : i32
    return %arg0, %c0_i32 : i32, i32
  }
}

module attributes {stable_mosaic.version = 14 : i64} {
  func.func @body(%arg0: i32, %arg1: memref<1000x128xf32, #tpu.memory_space<vmem>>, %arg2: memref<128x128xf32, #tpu.memory_space<vmem>>, %arg3: memref<1000x128xf32, #tpu.memory_space<vmem>>) attributes {dimension_semantics = [#tpu.dimension_semantics<arbitrary>], iteration_bounds = array<i64: 10>, scalar_prefetch = 0 : i64, scratch_operands = 0 : i64, tpu.core_type = #tpu.core_type<tc>, window_params = [{transform_indices = @transform_0, window_bounds = array<i64: 1000, 128>}, {pipeline_mode = #tpu.pipeline_mode<synchronous>, transform_indices = @transform_1, window_bounds = array<i64: 128, 128>}, {transform_indices = @transform_2, window_bounds = array<i64: 1000, 128>}]} {
    %get3A = arith.constant 0 : index
    %get3A_0 = arith.constant 0 : index
    %get3A_1 = vector.load %arg1[%get3A, %get3A_0] : memref<1000x128xf32, #tpu.memory_space<vmem>>, vector<1000x128xf32>
    %get3A_2 = arith.constant 0 : index
    %get3A_3 = arith.constant 0 : index
    %get3A_4 = vector.load %arg2[%get3A_2, %get3A_3] : memref<128x128xf32, #tpu.memory_space<vmem>>, vector<128x128xf32>
    %dot_general3A = arith.constant dense<0.000000e+00> : vector<1000x128xf32>
    %dot_general3A_5 = tpu.matmul %get3A_1, %get3A_4, %dot_general3A {dimension_numbers = #tpu.dot_dimension_numbers<[1], [0], [0], [1], [0, 0, 1, 1], [], []>, transpose_lhs_hint = false} : vector<1000x128xf32>, vector<128x128xf32>, vector<1000x128xf32> -> vector<1000x128xf32>
    %swap3A = arith.constant 0 : index
    %swap3A_6 = arith.constant 0 : index
    %swap3A_7 = vector.load %arg3[%swap3A, %swap3A_6] : memref<1000x128xf32, #tpu.memory_space<vmem>>, vector<1000x128xf32>
    tpu.vector_store %arg3[%swap3A, %swap3A_6], %dot_general3A_5 {strides = array<i32>} : memref<1000x128xf32, #tpu.memory_space<vmem>>, vector<1000x128xf32>,
    return
  }
  func.func @transform_0(%arg0: i32) -> (i32, i32) {
    %c0_i32 = arith.constant 0 : i32
    %c0_i32_0 = arith.constant 0 : i32
    return %arg0, %c0_i32 : i32, i32
  }
  func.func @transform_1(%arg0: i32) -> (i32, i32) {
    %c0_i32 = arith.constant 0 : i32
    %c0_i32_0 = arith.constant 0 : i32
    %c0_i32_1 = arith.constant 0 : i32
    return %c0_i32, %c0_i32_0 : i32, i32
  }
  func.func @transform_2(%arg0: i32) -> (i32, i32) {
    %c0_i32 = arith.constant 0 : i32
    %c0_i32_0 = arith.constant 0 : i32
    return %arg0, %c0_i32 : i32, i32
  }
}

module attributes {stable_mosaic.version = 14 : i64} {
  func.func @body(%arg0: i32, %arg1: memref<2x1000x128xf32, #tpu.memory_space<vmem>>, %arg2: memref<1000x128xf32, #tpu.memory_space<vmem>>, %arg3: memref<1000x16xf32, #tpu.memory_space<vmem>>, %arg4: memref<1x128xf32, #tpu.memory_space<vmem>>, %arg5: memref<128x64xf32, #tpu.memory_space<vmem>>, %arg6: memref<1000x64xf32, #tpu.memory_space<vmem>>) attributes {dimension_semantics = [#tpu.dimension_semantics<arbitrary>], iteration_bounds = array<i64: 10>, scalar_prefetch = 0 : i64, scratch_operands = 0 : i64, tpu.core_type = #tpu.core_type<tc>, window_params = [{transform_indices = @transform_0, window_bounds = array<i64: 2, 1000, 128>}, {transform_indices = @transform_1, window_bounds = array<i64: 1000, 128>}, {transform_indices = @transform_2, window_bounds = array<i64: 1000, 16>}, {pipeline_mode = #tpu.pipeline_mode<synchronous>, transform_indices = @transform_3, window_bounds = array<i64: 1, 128>}, {pipeline_mode = #tpu.pipeline_mode<synchronous>, transform_indices = @transform_4, window_bounds = array<i64: 128, 64>}, {transform_indices = @transform_5, window_bounds = array<i64: 1000, 64>}]} {
    %get3A = arith.constant 0 : index
    %get3A_0 = arith.constant 0 : index
    %get3A_1 = vector.load %arg3[%get3A, %get3A_0] : memref<1000x16xf32, #tpu.memory_space<vmem>>, vector<1000x1xf32>
    %get3A_2 = arith.constant 0 : index
    %get3A_3 = arith.constant 0 : index
    %get3A_4 = arith.constant 0 : index
    %get3A_5 = vector.load %arg1[%get3A_2, %get3A_3, %get3A_4] : memref<2x1000x128xf32, #tpu.memory_space<vmem>>, vector<1x1000x128xf32>
    %get3A_6 = vector.shape_cast %get3A_5 : vector<1x1000x128xf32> to vector<1000x128xf32>
    %get3A_7 = arith.constant 1 : index
    %get3A_8 = arith.constant 0 : index
    %get3A_9 = arith.constant 0 : index
    %get3A_10 = vector.load %arg1[%get3A_7, %get3A_8, %get3A_9] : memref<2x1000x128xf32, #tpu.memory_space<vmem>>, vector<1x1000x128xf32>
    %get3A_11 = vector.shape_cast %get3A_10 : vector<1x1000x128xf32> to vector<1000x128xf32>
    %add3A = arith.addf %get3A_6, %get3A_11 : vector<1000x128xf32>
    %get3A_12 = arith.constant 0 : index
    %get3A_13 = arith.constant 0 : index
    %get3A_14 = vector.load %arg2[%get3A_12, %get3A_13] : memref<1000x128xf32, #tpu.memory_space<vmem>>, vector<1000x128xf32>
    %add3A_15 = arith.addf %add3A, %get3A_14 : vector<1000x128xf32>
    %mul3A = vector.broadcast %get3A_1 : vector<1000x1xf32> to vector<1000x128xf32>
    %mul3A_16 = arith.mulf %mul3A, %add3A_15 : vector<1000x128xf32>
    %get3A_17 = arith.constant 0 : index
    %get3A_18 = arith.constant 0 : index
    %get3A_19 = vector.load %arg4[%get3A_17, %get3A_18] : memref<1x128xf32, #tpu.memory_space<vmem>>, vector<1x128xf32>
    %add3A_20 = vector.broadcast %get3A_19 : vector<1x128xf32> to vector<1000x128xf32>
    %add3A_21 = arith.addf %mul3A_16, %add3A_20 : vector<1000x128xf32>
    %neg3A = arith.constant 0.000000e+00 : f32
    %neg3A_22 = vector.broadcast %neg3A : f32 to vector<1000x128xf32>
    %neg3A_23 = arith.subf %neg3A_22, %add3A_21 : vector<1000x128xf32>
    %exp3A = math.exp %neg3A_23 : vector<1000x128xf32>
    %add3A_24 = arith.constant 1.000000e+00 : f32
    %add3A_25 = vector.broadcast %add3A_24 : f32 to vector<1000x128xf32>
    %add3A_26 = arith.addf %add3A_25, %exp3A : vector<1000x128xf32>
    %div3A = arith.constant 1.000000e+00 : f32
    %div3A_27 = vector.broadcast %div3A : f32 to vector<1000x128xf32>
    %div3A_28 = arith.divf %div3A_27, %add3A_26 : vector<1000x128xf32>
    %get3A_29 = arith.constant 0 : index
    %get3A_30 = arith.constant 0 : index
    %get3A_31 = vector.load %arg5[%get3A_29, %get3A_30] : memref<128x64xf32, #tpu.memory_space<vmem>>, vector<128x64xf32>
    %dot_general3A = arith.constant dense<0.000000e+00> : vector<1000x64xf32>
    %dot_general3A_32 = tpu.matmul %div3A_28, %get3A_31, %dot_general3A {dimension_numbers = #tpu.dot_dimension_numbers<[1], [0], [0], [1], [0, 0, 1, 1], [], []>, transpose_lhs_hint = false} : vector<1000x128xf32>, vector<128x64xf32>, vector<1000x64xf32> -> vector<1000x64xf32>
    %get3A_33 = arith.constant 0 : index
    %get3A_34 = arith.constant 0 : index
    %get3A_35 = vector.load %arg3[%get3A_33, %get3A_34] : memref<1000x16xf32, #tpu.memory_space<vmem>>, vector<1000x1xf32>
    %mul3A_36 = vector.broadcast %get3A_35 : vector<1000x1xf32> to vector<1000x64xf32>
    %mul3A_37 = arith.mulf %mul3A_36, %dot_general3A_32 : vector<1000x64xf32>
    %swap3A = arith.constant 0 : index
    %swap3A_38 = arith.constant 0 : index
    %swap3A_39 = vector.load %arg6[%swap3A, %swap3A_38] : memref<1000x64xf32, #tpu.memory_space<vmem>>, vector<1000x64xf32>
    tpu.vector_store %arg6[%swap3A, %swap3A_38], %mul3A_37 {strides = array<i32>} : memref<1000x64xf32, #tpu.memory_space<vmem>>, vector<1000x64xf32>,
    return
  }
  func.func @transform_0(%arg0: i32) -> (i32, i32, i32) {
    %c0_i32 = arith.constant 0 : i32
    %c0_i32_0 = arith.constant 0 : i32
    %c0_i32_1 = arith.constant 0 : i32
    return %c0_i32, %arg0, %c0_i32_0 : i32, i32, i32
  }
  func.func @transform_1(%arg0: i32) -> (i32, i32) {
    %c0_i32 = arith.constant 0 : i32
    %c0_i32_0 = arith.constant 0 : i32
    return %arg0, %c0_i32 : i32, i32
  }
  func.func @transform_2(%arg0: i32) -> (i32, i32) {
    %c0_i32 = arith.constant 0 : i32
    %c0_i32_0 = arith.constant 0 : i32
    return %arg0, %c0_i32 : i32, i32
  }
  func.func @transform_3(%arg0: i32) -> (i32, i32) {
    %c0_i32 = arith.constant 0 : i32
    %c0_i32_0 = arith.constant 0 : i32
    %c0_i32_1 = arith.constant 0 : i32
    return %c0_i32, %c0_i32_0 : i32, i32
  }
  func.func @transform_4(%arg0: i32) -> (i32, i32) {
    %c0_i32 = arith.constant 0 : i32
    %c0_i32_0 = arith.constant 0 : i32
    %c0_i32_1 = arith.constant 0 : i32
    return %c0_i32, %c0_i32_0 : i32, i32
  }
  func.func @transform_5(%arg0: i32) -> (i32, i32) {
    %c0_i32 = arith.constant 0 : i32
    %c0_i32_0 = arith.constant 0 : i32
    return %arg0, %c0_i32 : i32, i32
  }
}

module attributes {stable_mosaic.version = 14 : i64} {
  func.func @body(%arg0: i32, %arg1: memref<2x1000x64xf32, #tpu.memory_space<vmem>>, %arg2: memref<1000x64xf32, #tpu.memory_space<vmem>>, %arg3: memref<1000x16xf32, #tpu.memory_space<vmem>>, %arg4: memref<1x64xf32, #tpu.memory_space<vmem>>, %arg5: memref<1000x64xf32, #tpu.memory_space<vmem>>) attributes {dimension_semantics = [#tpu.dimension_semantics<arbitrary>], iteration_bounds = array<i64: 10>, scalar_prefetch = 0 : i64, scratch_operands = 0 : i64, tpu.core_type = #tpu.core_type<tc>, window_params = [{transform_indices = @transform_0, window_bounds = array<i64: 2, 1000, 64>}, {transform_indices = @transform_1, window_bounds = array<i64: 1000, 64>}, {transform_indices = @transform_2, window_bounds = array<i64: 1000, 16>}, {pipeline_mode = #tpu.pipeline_mode<synchronous>, transform_indices = @transform_3, window_bounds = array<i64: 1, 64>}, {transform_indices = @transform_4, window_bounds = array<i64: 1000, 64>}]} {
    %get3A = arith.constant 0 : index
    %get3A_0 = arith.constant 0 : index
    %get3A_1 = vector.load %arg3[%get3A, %get3A_0] : memref<1000x16xf32, #tpu.memory_space<vmem>>, vector<1000x1xf32>
    %get3A_2 = arith.constant 0 : index
    %get3A_3 = arith.constant 0 : index
    %get3A_4 = arith.constant 0 : index
    %get3A_5 = vector.load %arg1[%get3A_2, %get3A_3, %get3A_4] : memref<2x1000x64xf32, #tpu.memory_space<vmem>>, vector<1x1000x64xf32>
    %get3A_6 = vector.shape_cast %get3A_5 : vector<1x1000x64xf32> to vector<1000x64xf32>
    %get3A_7 = arith.constant 1 : index
    %get3A_8 = arith.constant 0 : index
    %get3A_9 = arith.constant 0 : index
    %get3A_10 = vector.load %arg1[%get3A_7, %get3A_8, %get3A_9] : memref<2x1000x64xf32, #tpu.memory_space<vmem>>, vector<1x1000x64xf32>
    %get3A_11 = vector.shape_cast %get3A_10 : vector<1x1000x64xf32> to vector<1000x64xf32>
    %add3A = arith.addf %get3A_6, %get3A_11 : vector<1000x64xf32>
    %get3A_12 = arith.constant 0 : index
    %get3A_13 = arith.constant 0 : index
    %get3A_14 = vector.load %arg2[%get3A_12, %get3A_13] : memref<1000x64xf32, #tpu.memory_space<vmem>>, vector<1000x64xf32>
    %add3A_15 = arith.addf %add3A, %get3A_14 : vector<1000x64xf32>
    %mul3A = vector.broadcast %get3A_1 : vector<1000x1xf32> to vector<1000x64xf32>
    %mul3A_16 = arith.mulf %mul3A, %add3A_15 : vector<1000x64xf32>
    %get3A_17 = arith.constant 0 : index
    %get3A_18 = arith.constant 0 : index
    %get3A_19 = vector.load %arg4[%get3A_17, %get3A_18] : memref<1x64xf32, #tpu.memory_space<vmem>>, vector<1x64xf32>
    %add3A_20 = vector.broadcast %get3A_19 : vector<1x64xf32> to vector<1000x64xf32>
    %add3A_21 = arith.addf %mul3A_16, %add3A_20 : vector<1000x64xf32>
    %swap3A = arith.constant 0 : index
    %swap3A_22 = arith.constant 0 : index
    %swap3A_23 = vector.load %arg5[%swap3A, %swap3A_22] : memref<1000x64xf32, #tpu.memory_space<vmem>>, vector<1000x64xf32>
    tpu.vector_store %arg5[%swap3A, %swap3A_22], %add3A_21 {strides = array<i32>} : memref<1000x64xf32, #tpu.memory_space<vmem>>, vector<1000x64xf32>,
    return
  }
  func.func @transform_0(%arg0: i32) -> (i32, i32, i32) {
    %c0_i32 = arith.constant 0 : i32
    %c0_i32_0 = arith.constant 0 : i32
    %c0_i32_1 = arith.constant 0 : i32
    return %c0_i32, %arg0, %c0_i32_0 : i32, i32, i32
  }
  func.func @transform_1(%arg0: i32) -> (i32, i32) {
    %c0_i32 = arith.constant 0 : i32
    %c0_i32_0 = arith.constant 0 : i32
    return %arg0, %c0_i32 : i32, i32
  }
  func.func @transform_2(%arg0: i32) -> (i32, i32) {
    %c0_i32 = arith.constant 0 : i32
    %c0_i32_0 = arith.constant 0 : i32
    return %arg0, %c0_i32 : i32, i32
  }
  func.func @transform_3(%arg0: i32) -> (i32, i32) {
    %c0_i32 = arith.constant 0 : i32
    %c0_i32_0 = arith.constant 0 : i32
    %c0_i32_1 = arith.constant 0 : i32
    return %c0_i32, %c0_i32_0 : i32, i32
  }
  func.func @transform_4(%arg0: i32) -> (i32, i32) {
    %c0_i32 = arith.constant 0 : i32
    %c0_i32_0 = arith.constant 0 : i32
    return %arg0, %c0_i32 : i32, i32
  }
}

</mosaic_0001>

<sc_bundles>
// kernel: kernel.12.cloned.1.call-start
scs
__scs_entry_jumppad:
0x0: {  	(pc) =	sbr.rel $0x88, $3  }
0x1: {  	(tag) =	ssettag $0x0;
	lr =	simm.s32 $0x1  }
0x2: {  	[smem:$0x3F9B] =	sst lr;
	_ =	strace $0xD0000000  }
0x3: {  	_ = 	snop  }
0x4: {  	_ = 	snop  }
0x5: {  	_ = 	snop  }
0x6: {  	_ = 	snop  }
0x7: {  	_ = 	snop  }
__scs_overlays_trampoline_lowered:
0x8: {  	[smem:$0x3FAA] =	sst s0  }
0x9: {  	[smem:$0x3FAB] =	sst s1  }
0xa: {  	[smem:$0x3FAC] =	sst s2  }
0xb: {  	[smem:$0x3FAD] =	sst s3  }
0xc: {  	[smem:$0x3FAE] =	sst s4  }
0xd: {  	[smem:$0x3FAF] =	sst s5  }
0xe: {  	[smem:$0x3FB0] =	sst s6  }
0xf: {  	[smem:$0x3FB1] =	sst s7  }
0x10: {  	[smem:$0x3FB2] =	sst s8  }
0x11: {  	[smem:$0x3FB3] =	sst s9;
	s0 =	simm.s32 @!p0 $0x0  }
0x12: {  	s1 =	sld [smem:$0x3F99];
	s0 =	simm.s32 @p0 $0x1  }
0x13: {  	[smem:$0x3FB4] =	sst s0;
	s0 =	simm.s32 @!p1 $0x0  }
0x14: {  	s2 =	sld [smem:$0x3F98];
	s0 =	simm.s32 @p1 $0x1  }
0x15: {  	[smem:$0x3FB5] =	sst s0;
	s0 =	simm.s32 @!p2 $0x0  }
0x16: {  	s3 =	sld [smem:$0x3FDB];
	s0 =	simm.s32 @p2 $0x1  }
0x17: {  	s4 =	simm.s32 $0x1BF5;
	[smem:$0x3FB7] =	sst s0  }
0x18: {  	s0 =	sld [smem:$0x3F9A];
	_ =	swait.ge [sflag:s4], $0x0  }
0x19: {  	s7 =	sld [smem:$0x3F9B]  }
0x1a: {  	s8 =	sadd.s32 $0xFFFFE003, lr  }
0x1b: {  	s9 =	sadd.s32 $0xFFFFFEF7, lr;
	s5 =	simm.s32 $0xFFFFFFFF;
	p2 =	slt.u32 s8, $0xFFFFF086  }
0x1c: {  	p1 =	slt.u32 s9, $0xF7A;
	s5 =	simm.s32 @!p2 $0x0  }
0x1d: {  	s5 =	simm.s32 @p1 $0x1;
	p0 =	seq.s32 s7, s2  }
0x1e: {  	s7 =	smul.u32 @!p0 $0xF7A, s2;
	p2 =	seq.s32 @!p0 s5, $0x0  }
0x1f: {  	s9 =	smul.u32 $0xF7A, s1;
	s8 =	simm.s32 @!p0 $0x1BF5;
	p2 =	por !p2, p0  }
0x20: {  	[sflag:s8] =	ssyncset.s32 @!p0 $0xFFFFF086;
	s6 =	sadd.s32 @!p0 s3, s7;
	s7 =	simm.s32 @!p0 $0x108  }
0x21: {  	s3 =	sadd.s32 s3, s9;
	s6 =	sadd.s32 @!p0 $0x88, s6;
	s7 =	simm.s32 @p2 $0x1082  }
0x22: {  	[simem:s7], [sflag:s8] =	dma.local @!p0 [hbm:s6], $0xF7A  }
0x23: {  	s9 =	sor.u32 $0xD0000000, s2;
	s6 =	simm.s32 $0x108;
	_ =	swait.ge @!p0 [sflag:s8], $0x0  }
0x24: {  	s3 =	sadd.s32 $0x88, s3;
	s6 =	simm.s32 @!p1 $0x1082;
	[sflag:s4] =	ssyncset.s32 $0xFFFFF086  }
0x25: {  	[simem:s6], [sflag:s4] =	dma.local [hbm:s3], $0xF7A  }
0x26: {  	[smem:$0x3F9B] =	sst s1;
	(tag) =	ssettag s2;
	_ =	strace s9  }
0x27: {  	s1 =	sld [smem:$0x3FAB]  }
0x28: {  	s2 =	sld [smem:$0x3FAC]  }
0x29: {  	s4 =	sld [smem:$0x3FAE]  }
0x2a: {  	p0 =	seq.s32 s5, $0x0;
	s5 =	sld [smem:$0x3FAF]  }
0x2b: {  	s6 =	sld [smem:$0x3FB0]  }
0x2c: {  	s7 =	sld [smem:$0x3FB1]  }
0x2d: {  	s3 =	simm.s32 $0x108;
	s8 =	sld [smem:$0x3FB2]  }
0x2e: {  	s3 =	simm.s32 @!p0 $0x1082;
	s9 =	sld [smem:$0x3FB3]  }
0x2f: {  	lr =	sadd.s32 s0, s3;
	s0 =	sld [smem:$0x3FAA]  }
0x30: {  	s3 =	sld [smem:$0x3FAD]  }
0x31: {  	[smem:$0x3FB6] =	sst s10  }
0x32: {  	s10 =	sld [smem:$0x3FB4];
	_ =	sdelay $0x3  }
0x33: {  	p0 =	seq.s32 s10, $0x1;
	s10 =	sld [smem:$0x3FB6];
	_ =	sdelay $0x3  }
0x34: {  	[smem:$0x3FB6] =	sst s10  }
0x35: {  	s10 =	sld [smem:$0x3FB5];
	_ =	sdelay $0x3  }
0x36: {  	p1 =	seq.s32 s10, $0x1;
	s10 =	sld [smem:$0x3FB6];
	_ =	sdelay $0x3  }
0x37: {  	[smem:$0x3FB6] =	sst s10  }
0x38: {  	s10 =	sld [smem:$0x3FB7]  }
0x39: {  	_ = 	snop;
	(pc) =	sbr.ind lr, $3  }
0x3a: {  	_ = 	snop  }
0x3b: {  	_ = 	snop  }
0x3c: {  	p2 =	seq.s32 s10, $0x1;
	s10 =	sld [smem:$0x3FB6]  }
0x3d: {  	_ =	shalt  }
0x3e: {  	_ =	shalt  }
0x3f: {  	_ =	shalt  }
0x40: {  	_ =	shalt  }
0x41: {  	_ =	shalt  }
0x42: {  	_ =	shalt  }
0x43: {  	_ =	shalt  }
0x44: {  	_ =	shalt  }
0x45: {  	_ =	shalt  }
0x46: {  	_ =	shalt  }
0x47: {  	_ =	shalt  }
0x48: {  	_ =	shalt  }
0x49: {  	_ =	shalt  }
0x4a: {  	_ =	shalt  }
0x4b: {  	_ =	shalt  }
0x4c: {  	_ =	shalt  }
0x4d: {  	_ =	shalt  }
0x4e: {  	_ =	shalt  }
0x4f: {  	_ =	shalt  }
0x50: {  	_ =	shalt  }
0x51: {  	_ =	shalt  }
0x52: {  	_ =	shalt  }
0x53: {  	_ =	shalt  }
0x54: {  	_ =	shalt  }
0x55: {  	_ =	shalt  }
0x56: {  	_ =	shalt  }
0x57: {  	_ =	shalt  }
0x58: {  	_ =	shalt  }
0x59: {  	_ =	shalt  }
0x5a: {  	_ =	shalt  }
0x5b: {  	_ =	shalt  }
0x5c: {  	_ =	shalt  }
0x5d: {  	_ =	shalt  }
0x5e: {  	_ =	shalt  }
0x5f: {  	_ =	shalt  }
0x60: {  	_ =	shalt  }
0x61: {  	_ =	shalt  }
0x62: {  	_ =	shalt  }
0x63: {  	_ =	shalt  }
0x64: {  	_ =	shalt  }
0x65: {  	_ =	shalt  }
0x66: {  	_ =	shalt  }
0x67: {  	_ =	shalt  }
0x68: {  	_ =	shalt  }
0x69: {  	_ =	shalt  }
0x6a: {  	_ =	shalt  }
0x6b: {  	_ =	shalt  }
0x6c: {  	_ =	shalt  }
0x6d: {  	_ =	shalt  }
0x6e: {  	_ =	shalt  }
0x6f: {  	_ =	shalt  }
0x70: {  	_ =	shalt  }
0x71: {  	_ =	shalt  }
0x72: {  	_ =	shalt  }
0x73: {  	_ =	shalt  }
0x74: {  	_ =	shalt  }
0x75: {  	_ =	shalt  }
0x76: {  	_ =	shalt  }
0x77: {  	_ =	shalt  }
0x78: {  	_ =	shalt  }
0x79: {  	_ =	shalt  }
0x7a: {  	_ =	shalt  }
0x7b: {  	_ =	shalt  }
0x7c: {  	_ =	shalt  }
0x7d: {  	_ =	shalt  }
0x7e: {  	_ =	shalt  }
0x7f: {  	_ =	shalt  }
0x80: {  	_ =	shalt  }
0x81: {  	_ =	shalt  }
0x82: {  	_ =	shalt  }
0x83: {  	_ =	shalt  }
0x84: {  	_ =	shalt  }
0x85: {  	_ =	shalt  }
0x86: {  	_ =	shalt  }
0x87: {  	_ =	shalt  }
.Lfunc_end0:
.L_simem_size_0:
called_computation.1_lowered:
.L_overlay_start_0:
0x88: {  	s2 =	sld [smem:$0x3FD9]  }
0x89: {  	s3 =	sld [smem:$0x3FFE];
	_ =	sdelay $0x1  }
0x8a: {  	s1 =	srdreg.scid  }
0x8b: {  	s0 =	sand.u32 $0x1, s1  }
0x8c: {  	s17 =	sshll.u32 s0, $0xA;
	s2 =	sadd.s32 s3, s2  }
0x8d: {  	s2 =	sadd.s32 s2, s17  }
0x8e: {  	[smem:$0x3FC2] =	sst s2  }
0x8f: {  	_ = 	snop  }
0x90: {  	s2 =	sld [smem:$0x3FD0];
	(tm) =	ssettm $0x1  }
0x91: {  	s18 =	sld [smem:$0x3FFB];
	_ =	sdelay $0x3  }
0x92: {  	_ =	strace s18  }
0x93: {  	s3 =	sld [smem:$0x3FFC];
	_ =	sdelay $0x3  }
0x94: {  	_ =	strace s3  }
0x95: {  	s3 =	sld [smem:$0x3FFD];
	_ =	sdelay $0x3  }
0x96: {  	_ =	strace s3  }
0x97: {  	_ =	strace $0x8FFFFFFF  }
0x98: {  	s19 =	sld [smem:$0x3FDB];
	_ =	sdelay $0x1  }
0x99: {  	s4 =	simm.s32 $_scs_section_size  }
0x9a: {  	s5 =	simm.s32 $_size__tile_overlayer_lowered;
	s6 =	simm.s32 $_tile_overlayer_lowered  }
0x9b: {  	s22 =	simm.s32 $0x1BFF;
	s21 =	sshll.u32 s6, $0x1;
	s3 =	sadd.s32 s4, s19  }
0x9c: {  	s7 =	simm.s32 $0x0;
	s20 =	sshll.u32 s5, $0x1;
	s5 =	sadd.s32 s21, s3  }
0x9d: {  	[timem:s7], [sflag:s22] =	dma.local [hbm:s5], s20  }
0x9e: {  	_ =	swait.ge [sflag:s22], s20  }
0x9f: {  	s4 =	ssub.s32 $0x0, s20;
	[sflag:s22] =	ssyncset.done $0x0  }
0xa0: {  	[sflag:s22] =	ssyncadd.s32 s4;
	_ =	sdelay $0x1  }
0xa1: {  	s23 =	simm.s32 $0x1B8B  }
0xa2: {  	_ =	swait.ge [sflag:s23], $0x1  }
0xa3: {  	[sflag:s23] =	ssyncset.done $0x0  }
0xa4: {  	s25 =	simm.s32 $0x1B8E;
	s24 =	sld [smem:$0x3FFE];
	[sflag:s23] =	ssyncadd.s32 $0xFFFFFFFF  }
0xa5: {  	s26 =	simm.s32 $execute0_lowered;
	[smem:$0x3FD2] =	sst s25  }
0xa6: {  	s5 =	sshll.u32 s26, $0x1;
	_ =	strace $0x80000049;
	[dreg:$0x1] =	wrdreg $0xFFFFFFFF  }
0xa7: {  	s28 =	simm.s32 $_size_execute0_lowered;
	s3 =	sadd.s32 s3, s5;
	[dreg:$0x0] =	wrdreg $0x0  }
0xa8: {  	s5 =	sshll.u32 s28, $0x1;
	[dreg:$0x2] =	wrdreg s3  }
0xa9: {  	[dreg:$0x3] =	wrdreg s5  }
0xaa: {  	[dreg:$0x4] =	wrdreg $0xC0  }
0xab: {  	_ =	task [dreg:s7], $0x5FFFF  }
0xac: {  	[dreg:$0x1] =	wrdreg $0xFFFFFFFF  }
0xad: {  	[dreg:$0x0] =	wrdreg $0x60  }
0xae: {  	[dreg:$0x2] =	wrdreg s24  }
0xaf: {  	[dreg:$0x3] =	wrdreg s2  }
0xb0: {  	[dreg:$0x4] =	wrdreg $0x84000  }
0xb1: {  	[dreg:$0x5] =	wrdreg $0x9  }
0xb2: {  	_ =	task.clear_ibuf [dreg:s7], $0x6FFFF;
	_ =	strace $0x90000049  }
0xb3: {  	s29 =	simm.s32 $0x9;
	_ =	strace $0x8000004B  }
0xb4: {  	_ =	swait.ge [sflag:s29], $0x1  }
0xb5: {  	[sflag:s29] =	ssyncadd.s32 $0xFFFFFFFF  }
0xb6: {  	_ =	strace $0x9000004B  }
0xb7: {  	_ =	sfence  }
0xb8: {  	s30 =	sld [smem:$0x0];
	_ =	sdelay $0x2  }
0xb9: {  	s31 =	sshll.u32 s1, $0xD;
	s1 =	sshrl.u32 s1, $0x2  }
0xba: {  	s3 =	sand.u32 $0x4000, s31;
	s1 =	sadd.s32 s1, s30  }
0xbb: {  	s0 =	sor.u32 s3, s0;
	s1 =	sshll.u32 s1, $0x11  }
0xbc: {  	s0 =	sor.u32 s1, s0  }
0xbd: {  	s0 =	sadd.s32 $0x8F2B, s0  }
0xbe: {  	[sflag:s0] =	ssyncadd.remote.s32 $0x1  }
0xbf: {  	_ =	sfence.sel $0xFFFF  }
0xc0: {  	[dreg:$0x0] =	wrdreg $0xFFFFFFFF;
	(pc) =	sbr.abs _section_cstart, $3  }
0xc1: {  	[dreg:$0x1] =	wrdreg $0xFFFFFFFF  }
0xc2: {  	_ =	task.clear_ibuf [dreg:s7], $0x2FFFF;
	_ =	strace $0x9FFFFFFF  }
0xc3: {  	(tm) =	ssettm $0x7FFFFFFF  }
tec
execute0_lowered:
.L_overlay_start_1:
0x0: {  	(tag) =	ssettag $0x1  }
0x1: {  	s0 =	rddreg [dreg:$0x0]  }
0x2: {  	s1 =	rddreg [dreg:$0x1]  }
0x3: {  	s2 =	rddreg [dreg:$0x2];
	s4 =	srdreg.scid  }
0x4: {  	s13 =	stileid.u32;
	s3 =	simm.s32 $0x0;
	s28 =	simm.s32 $0x280  }
0x5: {  	s29 =	simm.s32 $0x100;
	s30 =	simm.s32 $0x300;
	s31 =	simm.s32 $0x180  }
0x6: {  	s6 =	sand.u32 $0x1, s4;
	s5 =	smul.u32 $0x13880, s13;
	[smem:$0x7FF] =	sst s3  }
0x7: {  	s4 =	sadd.s32 $0x2200, s0;
	s8 =	sshll.u32 s13, $0x1;
	s9 =	smul.u32 $0x4E200, s13  }
0x8: {  	s24 =	smul.u32 $0x9C0, s13;
	p0 =	sgt.u32 s13, $0x1;
	s13 =	simm.s32 $0x0  }
0x9: {  	s7 =	smul.u32 $0x138800, s6;
	_ =	strace $0x8000004A;
	s10 =	ssub.s32 $0x2, s6  }
0xa: {  	s8 =	sor.u32 s6, s8;
	s11 =	sshrl.u32 s10, $0x1;
	s9 =	sshrl.u32 s9, $0x2  }
0xb: {  	s12 =	smul.u32 $0x2700, s8;
	s8 =	sshll.u32 s8, $0x4;
	s14 =	sadd.s32 s9, s2  }
0xc: {  	s7 =	sadd.s32 s5, s7;
	s8 =	sadd.s32 s8, s1;
	s9 =	sadd.s32 $0x4000, s14  }
0xd: {  	s7 =	sshrl.u32 s7, $0x3;
	s16 =	sadd.s32 $0x8000, s14;
	[dreg:$0x4] =	wrdreg s9  }
0xe: {  	s15 =	sshrl.u32 s12, $0x3;
	s17 =	sadd.s32 $0xC000, s14;
	[dreg:$0x5] =	wrdreg s16  }
0xf: {  	s26 =	sadd.s32 $0x9C00, s8;
	s8 =	sadd.s32 $0x13840, s8;
	[dreg:$0x6] =	wrdreg s17  }
0x10: {  	s0 =	sadd.s32 s7, s0;
	s7 =	ssub.s32 s10, s11;
	[dreg:$0xf] =	wrdreg s26  }
0x11: {  	s9 =	sadd.s32 s1, s15;
	s10 =	sadd.s32 $0x10000, s14;
	[dreg:$0x10] =	wrdreg s8  }
0x12: {  	s6 =	smul.u32 $0x4E0, s6;
	[dreg:$0x7] =	wrdreg s10;
	s18 =	sadd.s32 $0x9C40, s9  }
0x13: {  	s5 =	sadd.s32 s5, s2;
	s19 =	sadd.s32 $0x10, s9;
	[dreg:$0x8] =	wrdreg s18  }
0x14: {  	s12 =	simm.s32 $0x4;
	s20 =	sadd.s32 $0x9C50, s9;
	[dreg:$0x9] =	wrdreg s19  }
0x15: {  	s1 =	sadd.s32 s24, s1;
	s21 =	sadd.s32 $0x20, s9;
	[dreg:$0xa] =	wrdreg s20  }
0x16: {  	s24 =	simm.s32 $0x7;
	s22 =	sadd.s32 $0x9C60, s9;
	[dreg:$0xb] =	wrdreg s21  }
0x17: {  	s26 =	simm.s32 $0x80;
	s23 =	sadd.s32 $0x30, s9;
	[dreg:$0xc] =	wrdreg s22  }
0x18: {  	s8 =	simm.s32 $0x5;
	s25 =	sadd.s32 $0x9C70, s9;
	[dreg:$0xd] =	wrdreg s23  }
0x19: {  	s11 =	simm.s32 $0x6;
	s10 =	simm.s32 $0x3;
	[dreg:$0xe] =	wrdreg s25  }
0x1a: {  	s20 =	sadd.s32 $0x29400, s0;
	s21 =	smax.u32 s7, $0x1;
	s22 =	sadd.s32 s6, s1  }
0x1b: {  	s23 =	simm.s32 $0x400;
	s25 =	simm.s32 $0x200;
	s0 =	simm.s32 $0x380  }
0x1c: {  	v0 =	vimm.f32 $0.0e+00;
	s1 =	simm.s32 $0x1;
	s6 =	simm.s32 $0x2;
	s7 =	simm.s32 $0x4400  }
.LBB2_1:
0x1d: {  	s14 =	simm.s32 $0x0;
	s15 =	simm.s32 $0x200  }
.LBB2_2:
0x1e: {  	p1 =	sne.s32 s15, $0xFE00;
	[tilespmem:s14+$0x470] =	vst v0  }
0x1f: {  	[tilespmem:s14+$0x400] =	vst v0  }
0x20: {  	[tilespmem:s14+$0x410] =	vst v0  }
.Ltmp0:
0x21: {  	[tilespmem:s14+$0x420] =	vst v0;
	(pc) =	sbr.rel @p1 .LBB2_2-.Ltmp0, $4  }
0x22: {  	[tilespmem:s14+$0x430] =	vst v0  }
0x23: {  	[tilespmem:s14+$0x440] =	vst v0  }
0x24: {  	[tilespmem:s14+$0x450] =	vst v0  }
0x25: {  	[tilespmem:s14+$0x460] =	vst v0;
	s14 =	sshra.s32 s15, $0x2;
	s15 =	sadd.s32 $0x200, s15  }
0x26: {  	[tilespmem:s14+$0x470] =	vst v0  }
0x27: {  	[tilespmem:s14+$0x400] =	vst v0  }
0x28: {  	[tilespmem:s14+$0x410] =	vst v0  }
0x29: {  	[tilespmem:s14+$0x420] =	vst v0  }
0x2a: {  	[tilespmem:s14+$0x430] =	vst v0  }
0x2b: {  	[tilespmem:s14+$0x440] =	vst v0  }
0x2c: {  	[tilespmem:s14+$0x450] =	vst v0  }
0x2d: {  	[tilespmem:s14+$0x460] =	vst v0  }
0x2e: {  	[spmem:s5] =	stream.linear.scatter [tilespmem:s23], [sflag:$0x7], $0x4000, $0x38;
	[tilespmem:$0x1BC80] =	vst v63  }
0x2f: {  	_ =	swait.ge [sflag:s24], $0x4000  }
0x30: {  	[sflag:s24] =	ssyncset.done $0x0  }
0x31: {  	s19 =	rddreg [dreg:$0x4];
	[sflag:s24] =	ssyncadd.s32 $0xFFFFC000  }
0x32: {  	[spmem:s19] =	stream.linear.scatter [tilespmem:s23], [sflag:$0x7], $0x4000, $0x38;
	[tilespmem:$0x1BC80] =	vst v63  }
0x33: {  	_ =	swait.ge [sflag:s24], $0x4000  }
0x34: {  	[sflag:s24] =	ssyncset.done $0x0  }
0x35: {  	s15 =	rddreg [dreg:$0x5];
	[sflag:s24] =	ssyncadd.s32 $0xFFFFC000  }
0x36: {  	[spmem:s15] =	stream.linear.scatter [tilespmem:s23], [sflag:$0x7], $0x4000, $0x38;
	[tilespmem:$0x1BC80] =	vst v63  }
0x37: {  	_ =	swait.ge [sflag:s24], $0x4000  }
0x38: {  	[sflag:s24] =	ssyncset.done $0x0  }
0x39: {  	s16 =	rddreg [dreg:$0x6];
	[sflag:s24] =	ssyncadd.s32 $0xFFFFC000  }
0x3a: {  	[spmem:s16] =	stream.linear.scatter [tilespmem:s23], [sflag:$0x7], $0x4000, $0x38;
	[tilespmem:$0x1BC80] =	vst v63  }
0x3b: {  	_ =	swait.ge [sflag:s24], $0x4000  }
0x3c: {  	[sflag:s24] =	ssyncset.done $0x0  }
0x3d: {  	s17 =	rddreg [dreg:$0x7];
	[sflag:s24] =	ssyncadd.s32 $0xFFFFC000  }
0x3e: {  	[spmem:s17] =	stream.linear.scatter [tilespmem:s23], [sflag:$0x7], $0x3880, $0x38;
	[tilespmem:$0x1BC80] =	vst v63  }
0x3f: {  	_ =	swait.ge [sflag:s24], $0x3880  }
0x40: {  	[sflag:s24] =	ssyncset.done $0x0  }
0x41: {  	[sflag:s24] =	ssyncadd.s32 $0xFFFFC780  }
0x42: {  	s14 =	simm.s32 $0x0;
	[bflag:$0x0] =	sbarrier.arrive $0xFFFF  }
0x43: {  	[tilespmem:s14], [sflag:$0x1] =	stream.linear.gather [hbm4b:s9+s14], $0x80, $0x38;
	[tilespmem:$0x1BC80] =	vst v63  }
0x44: {  	s15 =	rddreg [dreg:$0x8]  }
0x45: {  	[tilespmem:s25], [sflag:$0x1] =	stream.linear.gather [hbm4b:s15+s14], $0x80, $0x38;
	[tilespmem:$0x1BC80] =	vst v63  }
0x46: {  	s18 =	rddreg [dreg:$0x9]  }
0x47: {  	[tilespmem:s26], [sflag:$0x2] =	stream.linear.gather [hbm4b:s18+s14], $0x80, $0x38;
	[tilespmem:$0x1BC80] =	vst v63  }
0x48: {  	s19 =	rddreg [dreg:$0xa]  }
0x49: {  	[tilespmem:s28], [sflag:$0x2] =	stream.linear.gather [hbm4b:s19+s14], $0x80, $0x38;
	[tilespmem:$0x1BC80] =	vst v63  }
0x4a: {  	s16 =	rddreg [dreg:$0xb]  }
0x4b: {  	[tilespmem:s29], [sflag:$0x3] =	stream.linear.gather [hbm4b:s16+s14], $0x80, $0x38;
	[tilespmem:$0x1BC80] =	vst v63  }
0x4c: {  	s17 =	rddreg [dreg:$0xc]  }
0x4d: {  	[tilespmem:s30], [sflag:$0x3] =	stream.linear.gather [hbm4b:s17+s14], $0x80, $0x38;
	[tilespmem:$0x1BC80] =	vst v63  }
0x4e: {  	s18 =	rddreg [dreg:$0xd]  }
0x4f: {  	[tilespmem:s31], [sflag:$0x4] =	stream.linear.gather [hbm4b:s18+s14], $0x80, $0x38;
	[tilespmem:$0x1BC80] =	vst v63  }
0x50: {  	s19 =	rddreg [dreg:$0xe]  }
0x51: {  	[tilespmem:s0], [sflag:$0x4] =	stream.linear.gather [hbm4b:s19+s14], $0x80, $0x38;
	[tilespmem:$0x1BC80] =	vst v63  }
0x52: {  	_ =	swait.ge [sflag:s1], $0x80  }
0x53: {  	[sflag:s1] =	ssyncset.done $0x0  }
0x54: {  	[sflag:s1] =	ssyncadd.s32 $0xFFFFFF80  }
0x55: {  	_ =	swait.ge [sflag:s1], $0x80  }
0x56: {  	[sflag:s1] =	ssyncset.done $0x0  }
0x57: {  	[sflag:s1] =	ssyncadd.s32 $0xFFFFFF80  }
0x58: {  	[tilespmem:s23], [sflag:$0x5] =	stream.indirect.gather [hbm4b:s4+s26], $0x80, s14, s26, $0xb8;
	[tilespmem:$0x1BC80] =	vst v63  }
0x59: {  	_ =	swait.ge [sflag:s6], $0x80  }
0x5a: {  	[sflag:s6] =	ssyncset.done $0x0  }
0x5b: {  	[sflag:s6] =	ssyncadd.s32 $0xFFFFFF80  }
0x5c: {  	_ =	swait.ge [sflag:s6], $0x80  }
0x5d: {  	[sflag:s6] =	ssyncset.done $0x0  }
0x5e: {  	[sflag:s6] =	ssyncadd.s32 $0xFFFFFF80  }
0x5f: {  	[tilespmem:s7], [sflag:$0x6] =	stream.indirect.gather [hbm4b:s4+s26], $0x80, s26, s26, $0xb8;
	[tilespmem:$0x1BC80] =	vst v63  }
0x60: {  	_ =	swait.ge [sflag:s8], $0x4000  }
0x61: {  	[sflag:s8] =	ssyncset.done $0x0  }
0x62: {  	[sflag:s8] =	ssyncadd.s32 $0xFFFFC000  }
0x63: {  	[spmem:s2] =	stream.indirect.scatter.add.f32 [tilespmem:s23], [sflag:$0x7], $0x80, s25, s26, $0xb8;
	[tilespmem:$0x1BC80] =	vst v63  }
0x64: {  	_ =	swait.ge [sflag:s24], $0x4000  }
0x65: {  	s16 =	sadd.s32 $0x0, s22;
	[sflag:s24] =	ssyncset.done $0x0  }
0x66: {  	s17 =	sadd.s32 $0x40, s16;
	[sflag:s24] =	ssyncadd.s32 $0xFFFFC000  }
0x67: {  	[tilespmem:s3], [sflag:$0x1] =	stream.linear.gather [hbm4b:s17+s3], $0x80, $0x38;
	[tilespmem:$0x1BC80] =	vst v63  }
0x68: {  	s18 =	sadd.s32 $0x9C80, s16  }
0x69: {  	[tilespmem:s25], [sflag:$0x1] =	stream.linear.gather [hbm4b:s18+s3], $0x80, $0x38;
	[tilespmem:$0x1BC80] =	vst v63  }
0x6a: {  	_ =	swait.ge [sflag:s10], $0x80  }
0x6b: {  	[sflag:s10] =	ssyncset.done $0x0  }
0x6c: {  	[sflag:s10] =	ssyncadd.s32 $0xFFFFFF80  }
0x6d: {  	_ =	swait.ge [sflag:s10], $0x80  }
0x6e: {  	[sflag:s10] =	ssyncset.done $0x0  }
0x6f: {  	[sflag:s10] =	ssyncadd.s32 $0xFFFFFF80  }
0x70: {  	[tilespmem:s23], [sflag:$0x5] =	stream.indirect.gather [hbm4b:s4+s26], $0x80, s29, s26, $0xb8;
	[tilespmem:$0x1BC80] =	vst v63  }
0x71: {  	_ =	swait.ge [sflag:s11], $0x4000  }
0x72: {  	[sflag:s11] =	ssyncset.done $0x0  }
0x73: {  	[sflag:s11] =	ssyncadd.s32 $0xFFFFC000  }
0x74: {  	[spmem:s2] =	stream.indirect.scatter.add.f32 [tilespmem:s7], [sflag:$0x7], $0x80, s28, s26, $0xb8;
	[tilespmem:$0x1BC80] =	vst v63  }
0x75: {  	_ =	swait.ge [sflag:s24], $0x4000  }
0x76: {  	[sflag:s24] =	ssyncset.done $0x0  }
0x77: {  	s19 =	sadd.s32 $0x50, s16;
	[sflag:s24] =	ssyncadd.s32 $0xFFFFC000  }
0x78: {  	[tilespmem:s26], [sflag:$0x2] =	stream.linear.gather [hbm4b:s19+s3], $0x80, $0x38;
	[tilespmem:$0x1BC80] =	vst v63  }
0x79: {  	s14 =	sadd.s32 $0x9C90, s16  }
0x7a: {  	[tilespmem:s28], [sflag:$0x2] =	stream.linear.gather [hbm4b:s14+s3], $0x80, $0x38;
	[tilespmem:$0x1BC80] =	vst v63  }
0x7b: {  	_ =	swait.ge [sflag:s12], $0x80  }
0x7c: {  	[sflag:s12] =	ssyncset.done $0x0  }
0x7d: {  	[sflag:s12] =	ssyncadd.s32 $0xFFFFFF80  }
0x7e: {  	_ =	swait.ge [sflag:s12], $0x80  }
0x7f: {  	[sflag:s12] =	ssyncset.done $0x0  }
0x80: {  	[sflag:s12] =	ssyncadd.s32 $0xFFFFFF80  }
0x81: {  	[tilespmem:s7], [sflag:$0x6] =	stream.indirect.gather [hbm4b:s4+s26], $0x80, s31, s26, $0xb8;
	[tilespmem:$0x1BC80] =	vst v63  }
0x82: {  	_ =	swait.ge [sflag:s8], $0x4000  }
0x83: {  	[sflag:s8] =	ssyncset.done $0x0  }
0x84: {  	[sflag:s8] =	ssyncadd.s32 $0xFFFFC000  }
0x85: {  	[spmem:s2] =	stream.indirect.scatter.add.f32 [tilespmem:s23], [sflag:$0x7], $0x80, s30, s26, $0xb8;
	[tilespmem:$0x1BC80] =	vst v63  }
0x86: {  	p1 =	por $0x0, $0x0;
	_ =	swait.ge [sflag:s24], $0x4000  }
0x87: {  	s15 =	simm.s32 @!p1 $0x100;
	s14 =	sadd.s32 @!p1 $0x0, s22;
	[sflag:s24] =	ssyncset.done $0x0  }
0x88: {  	s17 =	simm.s32 @!p1 $0x0;
	s16 =	sadd.s32 @!p1 $0x60, s14;
	[sflag:s24] =	ssyncadd.s32 $0xFFFFC000  }
0x89: {  	[tilespmem:s15], [sflag:$0x3] =	stream.linear.gather @!p1 [hbm4b:s16+s17], $0x80, $0x38;
	[tilespmem:$0x1BC80] =	vst v63  }
0x8a: {  	s15 =	sadd.s32 @!p1 $0x9CA0, s14;
	s16 =	simm.s32 @!p1 $0x300  }
0x8b: {  	[tilespmem:s16], [sflag:$0x3] =	stream.linear.gather @!p1 [hbm4b:s15+s17], $0x80, $0x38;
	[tilespmem:$0x1BC80] =	vst v63  }
0x8c: {  	_ =	swait.ge [sflag:s1], $0x80  }
0x8d: {  	[sflag:s1] =	ssyncset.done $0x0  }
0x8e: {  	[sflag:s1] =	ssyncadd.s32 $0xFFFFFF80  }
0x8f: {  	_ =	swait.ge [sflag:s1], $0x80  }
0x90: {  	[sflag:s1] =	ssyncset.done $0x0  }
0x91: {  	[sflag:s1] =	ssyncadd.s32 $0xFFFFFF80  }
0x92: {  	[tilespmem:s23], [sflag:$0x5] =	stream.indirect.gather [hbm4b:s4+s26], $0x80, s3, s26, $0xb8;
	[tilespmem:$0x1BC80] =	vst v63  }
0x93: {  	_ =	swait.ge [sflag:s11], $0x4000  }
0x94: {  	[sflag:s11] =	ssyncset.done $0x0  }
0x95: {  	[sflag:s11] =	ssyncadd.s32 $0xFFFFC000  }
0x96: {  	[spmem:s2] =	stream.indirect.scatter.add.f32 [tilespmem:s7], [sflag:$0x7], $0x80, s0, s26, $0xb8;
	[tilespmem:$0x1BC80] =	vst v63  }
0x97: {  	_ =	swait.ge [sflag:s24], $0x4000  }
0x98: {  	[sflag:s24] =	ssyncset.done $0x0  }
0x99: {  	s15 =	sadd.s32 @!p1 $0x70, s14;
	s16 =	simm.s32 @!p1 $0x180;
	[sflag:s24] =	ssyncadd.s32 $0xFFFFC000  }
0x9a: {  	[tilespmem:s16], [sflag:$0x4] =	stream.linear.gather @!p1 [hbm4b:s15+s17], $0x80, $0x38;
	[tilespmem:$0x1BC80] =	vst v63  }
0x9b: {  	s14 =	sadd.s32 @!p1 $0x9CB0, s14;
	s15 =	simm.s32 @!p1 $0x380  }
0x9c: {  	[tilespmem:s15], [sflag:$0x4] =	stream.linear.gather @!p1 [hbm4b:s14+s17], $0x80, $0x38;
	[tilespmem:$0x1BC80] =	vst v63  }
0x9d: {  	_ =	swait.ge [sflag:s6], $0x80  }
0x9e: {  	[sflag:s6] =	ssyncset.done $0x0  }
0x9f: {  	[sflag:s6] =	ssyncadd.s32 $0xFFFFFF80  }
0xa0: {  	_ =	swait.ge [sflag:s6], $0x80  }
0xa1: {  	[sflag:s6] =	ssyncset.done $0x0  }
0xa2: {  	s14 =	simm.s32 $0x40;
	[sflag:s6] =	ssyncadd.s32 $0xFFFFFF80  }
.LBB2_4:
0xa3: {  	[tilespmem:s7], [sflag:$0x6] =	stream.indirect.gather [hbm4b:s4+s26], $0x80, s26, s26, $0xb8;
	[tilespmem:$0x1BC80] =	vst v63  }
0xa4: {  	s15 =	smov.u32 s14;
	s14 =	sadd.s32 $0x40, s14;
	_ =	swait.ge [sflag:s8], $0x4000  }
0xa5: {  	p1 =	sne.s32 s14, $0x4C0;
	[sflag:s8] =	ssyncset.done $0x0  }
0xa6: {  	[sflag:s8] =	ssyncadd.s32 $0xFFFFC000  }
0xa7: {  	[spmem:s2] =	stream.indirect.scatter.add.f32 [tilespmem:s23], [sflag:$0x7], $0x80, s25, s26, $0xb8;
	[tilespmem:$0x1BC80] =	vst v63  }
0xa8: {  	_ =	swait.ge [sflag:s24], $0x4000  }
0xa9: {  	s16 =	sadd.s32 s15, s22;
	[sflag:s24] =	ssyncset.done $0x0  }
0xaa: {  	s17 =	sadd.s32 $0x40, s16;
	[sflag:s24] =	ssyncadd.s32 $0xFFFFC000  }
0xab: {  	[tilespmem:s3], [sflag:$0x1] =	stream.linear.gather [hbm4b:s17+s3], $0x80, $0x38;
	[tilespmem:$0x1BC80] =	vst v63  }
0xac: {  	s17 =	sadd.s32 $0x9C80, s16  }
0xad: {  	[tilespmem:s25], [sflag:$0x1] =	stream.linear.gather [hbm4b:s17+s3], $0x80, $0x38;
	[tilespmem:$0x1BC80] =	vst v63  }
0xae: {  	_ =	swait.ge [sflag:s10], $0x80  }
0xaf: {  	[sflag:s10] =	ssyncset.done $0x0  }
0xb0: {  	[sflag:s10] =	ssyncadd.s32 $0xFFFFFF80  }
0xb1: {  	_ =	swait.ge [sflag:s10], $0x80  }
0xb2: {  	[sflag:s10] =	ssyncset.done $0x0  }
0xb3: {  	[sflag:s10] =	ssyncadd.s32 $0xFFFFFF80  }
0xb4: {  	[tilespmem:s23], [sflag:$0x5] =	stream.indirect.gather [hbm4b:s4+s26], $0x80, s29, s26, $0xb8;
	[tilespmem:$0x1BC80] =	vst v63  }
0xb5: {  	_ =	swait.ge [sflag:s11], $0x4000  }
0xb6: {  	[sflag:s11] =	ssyncset.done $0x0  }
0xb7: {  	[sflag:s11] =	ssyncadd.s32 $0xFFFFC000  }
0xb8: {  	[spmem:s2] =	stream.indirect.scatter.add.f32 [tilespmem:s7], [sflag:$0x7], $0x80, s28, s26, $0xb8;
	[tilespmem:$0x1BC80] =	vst v63  }
0xb9: {  	_ =	swait.ge [sflag:s24], $0x4000  }
0xba: {  	[sflag:s24] =	ssyncset.done $0x0  }
0xbb: {  	s17 =	sadd.s32 $0x50, s16;
	[sflag:s24] =	ssyncadd.s32 $0xFFFFC000  }
0xbc: {  	[tilespmem:s26], [sflag:$0x2] =	stream.linear.gather [hbm4b:s17+s3], $0x80, $0x38;
	[tilespmem:$0x1BC80] =	vst v63  }
0xbd: {  	s16 =	sadd.s32 $0x9C90, s16  }
0xbe: {  	[tilespmem:s28], [sflag:$0x2] =	stream.linear.gather [hbm4b:s16+s3], $0x80, $0x38;
	[tilespmem:$0x1BC80] =	vst v63  }
0xbf: {  	_ =	swait.ge [sflag:s12], $0x80  }
0xc0: {  	[sflag:s12] =	ssyncset.done $0x0  }
0xc1: {  	[sflag:s12] =	ssyncadd.s32 $0xFFFFFF80  }
0xc2: {  	_ =	swait.ge [sflag:s12], $0x80  }
0xc3: {  	[sflag:s12] =	ssyncset.done $0x0  }
0xc4: {  	[sflag:s12] =	ssyncadd.s32 $0xFFFFFF80  }
0xc5: {  	[tilespmem:s7], [sflag:$0x6] =	stream.indirect.gather [hbm4b:s4+s26], $0x80, s31, s26, $0xb8;
	[tilespmem:$0x1BC80] =	vst v63  }
0xc6: {  	_ =	swait.ge [sflag:s8], $0x4000  }
0xc7: {  	[sflag:s8] =	ssyncset.done $0x0  }
0xc8: {  	[sflag:s8] =	ssyncadd.s32 $0xFFFFC000  }
0xc9: {  	[spmem:s2] =	stream.indirect.scatter.add.f32 [tilespmem:s23], [sflag:$0x7], $0x80, s30, s26, $0xb8;
	[tilespmem:$0x1BC80] =	vst v63  }
0xca: {  	p2 =	seq.s32 s15, $0x480;
	_ =	swait.ge [sflag:s24], $0x4000  }
0xcb: {  	s15 =	sadd.s32 @!p2 s15, s22;
	s16 =	simm.s32 @!p2 $0x100;
	[sflag:s24] =	ssyncset.done $0x0  }
0xcc: {  	s18 =	simm.s32 @!p2 $0x0;
	s17 =	sadd.s32 @!p2 $0x60, s15;
	[sflag:s24] =	ssyncadd.s32 $0xFFFFC000  }
0xcd: {  	[tilespmem:s16], [sflag:$0x3] =	stream.linear.gather @!p2 [hbm4b:s17+s18], $0x80, $0x38;
	[tilespmem:$0x1BC80] =	vst v63  }
0xce: {  	s19 =	sadd.s32 @!p2 $0x70, s15;
	s16 =	sadd.s32 @!p2 $0x9CA0, s15;
	s17 =	simm.s32 @!p2 $0x300  }
0xcf: {  	[tilespmem:s17], [sflag:$0x3] =	stream.linear.gather @!p2 [hbm4b:s16+s18], $0x80, $0x38;
	[tilespmem:$0x1BC80] =	vst v63  }
0xd0: {  	s15 =	sadd.s32 @!p2 $0x9CB0, s15;
	_ =	swait.ge [sflag:s1], $0x80  }
0xd1: {  	[sflag:s1] =	ssyncset.done $0x0  }
0xd2: {  	[sflag:s1] =	ssyncadd.s32 $0xFFFFFF80  }
0xd3: {  	_ =	swait.ge [sflag:s1], $0x80  }
0xd4: {  	[sflag:s1] =	ssyncset.done $0x0  }
0xd5: {  	[sflag:s1] =	ssyncadd.s32 $0xFFFFFF80  }
0xd6: {  	[tilespmem:s23], [sflag:$0x5] =	stream.indirect.gather [hbm4b:s4+s26], $0x80, s3, s26, $0xb8;
	[tilespmem:$0x1BC80] =	vst v63  }
0xd7: {  	_ =	swait.ge [sflag:s11], $0x4000  }
0xd8: {  	[sflag:s11] =	ssyncset.done $0x0  }
0xd9: {  	[sflag:s11] =	ssyncadd.s32 $0xFFFFC000  }
0xda: {  	[spmem:s2] =	stream.indirect.scatter.add.f32 [tilespmem:s7], [sflag:$0x7], $0x80, s0, s26, $0xb8;
	[tilespmem:$0x1BC80] =	vst v63  }
0xdb: {  	_ =	swait.ge [sflag:s24], $0x4000  }
0xdc: {  	[sflag:s24] =	ssyncset.done $0x0  }
0xdd: {  	s16 =	simm.s32 @!p2 $0x180;
	[sflag:s24] =	ssyncadd.s32 $0xFFFFC000  }
0xde: {  	[tilespmem:s16], [sflag:$0x4] =	stream.linear.gather @!p2 [hbm4b:s19+s18], $0x80, $0x38;
	[tilespmem:$0x1BC80] =	vst v63  }
0xdf: {  	s16 =	simm.s32 @!p2 $0x380  }
0xe0: {  	[tilespmem:s16], [sflag:$0x4] =	stream.linear.gather @!p2 [hbm4b:s15+s18], $0x80, $0x38;
	[tilespmem:$0x1BC80] =	vst v63  }
0xe1: {  	_ =	swait.ge [sflag:s6], $0x80  }
.Ltmp1:
0xe2: {  	[sflag:s6] =	ssyncset.done $0x0;
	(pc) =	sbr.rel @p1 .LBB2_4-.Ltmp1, $4  }
0xe3: {  	[sflag:s6] =	ssyncadd.s32 $0xFFFFFF80  }
0xe4: {  	_ =	swait.ge [sflag:s6], $0x80  }
0xe5: {  	[sflag:s6] =	ssyncset.done $0x0  }
0xe6: {  	[sflag:s6] =	ssyncadd.s32 $0xFFFFFF80  }
0xe7: {  	[tilespmem:s7], [sflag:$0x6] =	stream.indirect.gather [hbm4b:s4+s26], $0x80, s26, s26, $0xb8;
	[tilespmem:$0x1BC80] =	vst v63  }
0xe8: {  	_ =	swait.ge [sflag:s8], $0x4000  }
0xe9: {  	[sflag:s8] =	ssyncset.done $0x0  }
0xea: {  	[sflag:s8] =	ssyncadd.s32 $0xFFFFC000  }
0xeb: {  	[spmem:s2] =	stream.indirect.scatter.add.f32 [tilespmem:s23], [sflag:$0x7], $0x80, s25, s26, $0xb8;
	[tilespmem:$0x1BC80] =	vst v63  }
0xec: {  	_ =	swait.ge [sflag:s24], $0x4000  }
0xed: {  	[sflag:s24] =	ssyncset.done $0x0  }
0xee: {  	[sflag:s24] =	ssyncadd.s32 $0xFFFFC000  }
0xef: {  	_ =	swait.ge [sflag:s11], $0x4000  }
0xf0: {  	[sflag:s11] =	ssyncset.done $0x0  }
0xf1: {  	[sflag:s11] =	ssyncadd.s32 $0xFFFFC000  }
0xf2: {  	[spmem:s2] =	stream.indirect.scatter.add.f32 [tilespmem:s7], [sflag:$0x7], $0x80, s28, s26, $0xb8;
	[tilespmem:$0x1BC80] =	vst v63  }
0xf3: {  	_ =	swait.ge [sflag:s24], $0x4000  }
0xf4: {  	[sflag:s24] =	ssyncset.done $0x0  }
0xf5: {  	s14 =	simm.s32 @!p0 $0x0;
	s15 =	rddreg [dreg:$0xf];
	[sflag:s24] =	ssyncadd.s32 $0xFFFFC000  }
0xf6: {  	[tilespmem:s14], [sflag:$0x1] =	stream.linear.gather @!p0 [hbm4b:s15+s14], $0x80, $0x38;
	[tilespmem:$0x1BC80] =	vst v63  }
0xf7: {  	s16 =	rddreg [dreg:$0x10];
	s15 =	simm.s32 @!p0 $0x200  }
0xf8: {  	[tilespmem:s15], [sflag:$0x1] =	stream.linear.gather @!p0 [hbm4b:s16+s14], $0x80, $0x38;
	[tilespmem:$0x1BC80] =	vst v63  }
0xf9: {  	s16 =	simm.s32 @!p0 $0x1  }
0xfa: {  	_ =	swait.ge @!p0 [sflag:s16], $0x80  }
0xfb: {  	[sflag:s16] =	ssyncset.done @!p0 $0x0  }
0xfc: {  	[sflag:s16] =	ssyncadd.s32 @!p0 $0xFFFFFF80  }
0xfd: {  	_ =	swait.ge @!p0 [sflag:s16], $0x80  }
0xfe: {  	[sflag:s16] =	ssyncset.done @!p0 $0x0  }
0xff: {  	s17 =	simm.s32 @!p0 $0x400;
	[sflag:s16] =	ssyncadd.s32 @!p0 $0xFFFFFF80;
	s16 =	simm.s32 @!p0 $0x80  }
0x100: {  	[tilespmem:s17], [sflag:$0x5] =	stream.indirect.gather @!p0 [hbm4b:s4+s16], $0x80, s14, s16, $0xb8;
	[tilespmem:$0x1BC80] =	vst v63  }
0x101: {  	s14 =	simm.s32 @!p0 $0x5  }
0x102: {  	_ =	swait.ge @!p0 [sflag:s14], $0x4000  }
0x103: {  	[sflag:s14] =	ssyncset.done @!p0 $0x0  }
0x104: {  	[sflag:s14] =	ssyncadd.s32 @!p0 $0xFFFFC000;
	s14 =	simm.s32 @!p0 $0x7  }
0x105: {  	[spmem:s2] =	stream.indirect.scatter.add.f32 @!p0 [tilespmem:s17], [sflag:$0x7], $0x80, s15, s16, $0xb8;
	[tilespmem:$0x1BC80] =	vst v63  }
0x106: {  	s18 =	stileid.u32;
	_ =	swait.ge @!p0 [sflag:s14], $0x4000  }
0x107: {  	s19 =	sshrl.u32 s5, $0x3;
	s13 =	sadd.s32 $0x1, s13;
	[sflag:s14] =	ssyncset.done @!p0 $0x0  }
0x108: {  	p1 =	sne.s32 s13, s21;
	[sflag:s14] =	ssyncadd.s32 @!p0 $0xFFFFC000;
	s14 =	sshll.u32 s18, $0x6  }
.Ltmp2:
0x109: {  	[bflag:$0x0] =	sbarrier.arrive $0xFFFF;
	s14 =	sor.u32 $0x1C07, s14;
	(pc) =	sbr.rel @p1 .LBB2_1-.Ltmp2, $4  }
0x10a: {  	[hbm:s20], [sflag:s14] =	dma.local [spmem:s19], $0x2710  }
0x10b: {  	_ =	swait.ge [sflag:s24], $0x2710  }
0x10c: {  	[sflag:s24] =	ssyncset.done $0x0  }
0x10d: {  	[sflag:s24] =	ssyncadd.s32 $0xFFFFD8F0  }
0x10e: {  	_ =	sfence.sel $0x180000  }
0x10f: {  	[bflag:$0x0] =	sbarrier.arrive $0xFFFF  }
0x110: {  	_ =	strace $0x9000004A  }
0x111: {  	s0 =	stileid.u32;
	[bflag:$0x2] =	sbarrier.arrive $0xFFFF  }
0x112: {  	p0 =	sne.s32 s0, $0x0;
	s0 =	rddreg [dreg:$0x3]  }
0x113: {  	s0 =	sadd.s32 @!p0 $0x100000, s0  }
0x114: {  	[sflag:s0] =	ssyncadd.tile.s32 @!p0 $0x1;
	_ =	shalt  }
.Lfunc_end2:
_tile_overlayer_lowered:
.L_overlay_start_2:
0x115: {  	(tag) =	ssettag $0x2  }
0x116: {  	s0 =	rddreg [dreg:$0x0];
	s2 =	stileid.u32  }
0x117: {  	s1 =	rddreg [dreg:$0x1];
	p0 =	sne.s32 s2, $0x0  }
0x118: {  	s3 =	rddreg [dreg:$0x2];
	[bflag:$0x3] =	sbarrier.arrive $0xFFFF;
	s2 =	simm.s32 @!p0 $0x1C07  }
0x119: {  	[timem:s3], [sflag:s2] =	dma.local @!p0 [hbm:s0], s1  }
0x11a: {  	s0 =	simm.s32 @!p0 $0x7  }
0x11b: {  	_ =	swait.ge @!p0 [sflag:s0], s1  }
0x11c: {  	s1 =	ssub.s32 @!p0 $0x0, s1;
	[sflag:s0] =	ssyncset.done @!p0 $0x0  }
0x11d: {  	[sflag:s0] =	ssyncadd.s32 @!p0 s1  }
0x11e: {  	[bflag:$0x3] =	sbarrier.arrive $0xFFFF  }
0x11f: {  	_ =	shalt  }

// kernel: kernel.15.cloned.1.call-start
scs
__scs_entry_jumppad:
0x0: {  	(pc) =	sbr.rel $0x88, $3  }
0x1: {  	(tag) =	ssettag $0x0;
	lr =	simm.s32 $0x1  }
0x2: {  	[smem:$0x3F9B] =	sst lr;
	_ =	strace $0xD0000000  }
0x3: {  	_ = 	snop  }
0x4: {  	_ = 	snop  }
0x5: {  	_ = 	snop  }
0x6: {  	_ = 	snop  }
0x7: {  	_ = 	snop  }
__scs_overlays_trampoline_lowered:
0x8: {  	[smem:$0x3FAA] =	sst s0  }
0x9: {  	[smem:$0x3FAB] =	sst s1  }
0xa: {  	[smem:$0x3FAC] =	sst s2  }
0xb: {  	[smem:$0x3FAD] =	sst s3  }
0xc: {  	[smem:$0x3FAE] =	sst s4  }
0xd: {  	[smem:$0x3FAF] =	sst s5  }
0xe: {  	[smem:$0x3FB0] =	sst s6  }
0xf: {  	[smem:$0x3FB1] =	sst s7  }
0x10: {  	[smem:$0x3FB2] =	sst s8  }
0x11: {  	[smem:$0x3FB3] =	sst s9;
	s0 =	simm.s32 @!p0 $0x0  }
0x12: {  	s1 =	sld [smem:$0x3F99];
	s0 =	simm.s32 @p0 $0x1  }
0x13: {  	[smem:$0x3FB4] =	sst s0;
	s0 =	simm.s32 @!p1 $0x0  }
0x14: {  	s2 =	sld [smem:$0x3F98];
	s0 =	simm.s32 @p1 $0x1  }
0x15: {  	[smem:$0x3FB5] =	sst s0;
	s0 =	simm.s32 @!p2 $0x0  }
0x16: {  	s3 =	sld [smem:$0x3FDB];
	s0 =	simm.s32 @p2 $0x1  }
0x17: {  	s4 =	simm.s32 $0x1BF5;
	[smem:$0x3FB7] =	sst s0  }
0x18: {  	s0 =	sld [smem:$0x3F9A];
	_ =	swait.ge [sflag:s4], $0x0  }
0x19: {  	s7 =	sld [smem:$0x3F9B]  }
0x1a: {  	s8 =	sadd.s32 $0xFFFFE003, lr  }
0x1b: {  	s9 =	sadd.s32 $0xFFFFFEF7, lr;
	s5 =	simm.s32 $0xFFFFFFFF;
	p2 =	slt.u32 s8, $0xFFFFF086  }
0x1c: {  	p1 =	slt.u32 s9, $0xF7A;
	s5 =	simm.s32 @!p2 $0x0  }
0x1d: {  	s5 =	simm.s32 @p1 $0x1;
	p0 =	seq.s32 s7, s2  }
0x1e: {  	s7 =	smul.u32 @!p0 $0xF7A, s2;
	p2 =	seq.s32 @!p0 s5, $0x0  }
0x1f: {  	s9 =	smul.u32 $0xF7A, s1;
	s8 =	simm.s32 @!p0 $0x1BF5;
	p2 =	por !p2, p0  }
0x20: {  	[sflag:s8] =	ssyncset.s32 @!p0 $0xFFFFF086;
	s6 =	sadd.s32 @!p0 s3, s7;
	s7 =	simm.s32 @!p0 $0x108  }
0x21: {  	s3 =	sadd.s32 s3, s9;
	s6 =	sadd.s32 @!p0 $0x88, s6;
	s7 =	simm.s32 @p2 $0x1082  }
0x22: {  	[simem:s7], [sflag:s8] =	dma.local @!p0 [hbm:s6], $0xF7A  }
0x23: {  	s9 =	sor.u32 $0xD0000000, s2;
	s6 =	simm.s32 $0x108;
	_ =	swait.ge @!p0 [sflag:s8], $0x0  }
0x24: {  	s3 =	sadd.s32 $0x88, s3;
	s6 =	simm.s32 @!p1 $0x1082;
	[sflag:s4] =	ssyncset.s32 $0xFFFFF086  }
0x25: {  	[simem:s6], [sflag:s4] =	dma.local [hbm:s3], $0xF7A  }
0x26: {  	[smem:$0x3F9B] =	sst s1;
	(tag) =	ssettag s2;
	_ =	strace s9  }
0x27: {  	s1 =	sld [smem:$0x3FAB]  }
0x28: {  	s2 =	sld [smem:$0x3FAC]  }
0x29: {  	s4 =	sld [smem:$0x3FAE]  }
0x2a: {  	p0 =	seq.s32 s5, $0x0;
	s5 =	sld [smem:$0x3FAF]  }
0x2b: {  	s6 =	sld [smem:$0x3FB0]  }
0x2c: {  	s7 =	sld [smem:$0x3FB1]  }
0x2d: {  	s3 =	simm.s32 $0x108;
	s8 =	sld [smem:$0x3FB2]  }
0x2e: {  	s3 =	simm.s32 @!p0 $0x1082;
	s9 =	sld [smem:$0x3FB3]  }
0x2f: {  	lr =	sadd.s32 s0, s3;
	s0 =	sld [smem:$0x3FAA]  }
0x30: {  	s3 =	sld [smem:$0x3FAD]  }
0x31: {  	[smem:$0x3FB6] =	sst s10  }
0x32: {  	s10 =	sld [smem:$0x3FB4];
	_ =	sdelay $0x3  }
0x33: {  	p0 =	seq.s32 s10, $0x1;
	s10 =	sld [smem:$0x3FB6];
	_ =	sdelay $0x3  }
0x34: {  	[smem:$0x3FB6] =	sst s10  }
0x35: {  	s10 =	sld [smem:$0x3FB5];
	_ =	sdelay $0x3  }
0x36: {  	p1 =	seq.s32 s10, $0x1;
	s10 =	sld [smem:$0x3FB6];
	_ =	sdelay $0x3  }
0x37: {  	[smem:$0x3FB6] =	sst s10  }
0x38: {  	s10 =	sld [smem:$0x3FB7]  }
0x39: {  	_ = 	snop;
	(pc) =	sbr.ind lr, $3  }
0x3a: {  	_ = 	snop  }
0x3b: {  	_ = 	snop  }
0x3c: {  	p2 =	seq.s32 s10, $0x1;
	s10 =	sld [smem:$0x3FB6]  }
0x3d: {  	_ =	shalt  }
0x3e: {  	_ =	shalt  }
0x3f: {  	_ =	shalt  }
0x40: {  	_ =	shalt  }
0x41: {  	_ =	shalt  }
0x42: {  	_ =	shalt  }
0x43: {  	_ =	shalt  }
0x44: {  	_ =	shalt  }
0x45: {  	_ =	shalt  }
0x46: {  	_ =	shalt  }
0x47: {  	_ =	shalt  }
0x48: {  	_ =	shalt  }
0x49: {  	_ =	shalt  }
0x4a: {  	_ =	shalt  }
0x4b: {  	_ =	shalt  }
0x4c: {  	_ =	shalt  }
0x4d: {  	_ =	shalt  }
0x4e: {  	_ =	shalt  }
0x4f: {  	_ =	shalt  }
0x50: {  	_ =	shalt  }
0x51: {  	_ =	shalt  }
0x52: {  	_ =	shalt  }
0x53: {  	_ =	shalt  }
0x54: {  	_ =	shalt  }
0x55: {  	_ =	shalt  }
0x56: {  	_ =	shalt  }
0x57: {  	_ =	shalt  }
0x58: {  	_ =	shalt  }
0x59: {  	_ =	shalt  }
0x5a: {  	_ =	shalt  }
0x5b: {  	_ =	shalt  }
0x5c: {  	_ =	shalt  }
0x5d: {  	_ =	shalt  }
0x5e: {  	_ =	shalt  }
0x5f: {  	_ =	shalt  }
0x60: {  	_ =	shalt  }
0x61: {  	_ =	shalt  }
0x62: {  	_ =	shalt  }
0x63: {  	_ =	shalt  }
0x64: {  	_ =	shalt  }
0x65: {  	_ =	shalt  }
0x66: {  	_ =	shalt  }
0x67: {  	_ =	shalt  }
0x68: {  	_ =	shalt  }
0x69: {  	_ =	shalt  }
0x6a: {  	_ =	shalt  }
0x6b: {  	_ =	shalt  }
0x6c: {  	_ =	shalt  }
0x6d: {  	_ =	shalt  }
0x6e: {  	_ =	shalt  }
0x6f: {  	_ =	shalt  }
0x70: {  	_ =	shalt  }
0x71: {  	_ =	shalt  }
0x72: {  	_ =	shalt  }
0x73: {  	_ =	shalt  }
0x74: {  	_ =	shalt  }
0x75: {  	_ =	shalt  }
0x76: {  	_ =	shalt  }
0x77: {  	_ =	shalt  }
0x78: {  	_ =	shalt  }
0x79: {  	_ =	shalt  }
0x7a: {  	_ =	shalt  }
0x7b: {  	_ =	shalt  }
0x7c: {  	_ =	shalt  }
0x7d: {  	_ =	shalt  }
0x7e: {  	_ =	shalt  }
0x7f: {  	_ =	shalt  }
0x80: {  	_ =	shalt  }
0x81: {  	_ =	shalt  }
0x82: {  	_ =	shalt  }
0x83: {  	_ =	shalt  }
0x84: {  	_ =	shalt  }
0x85: {  	_ =	shalt  }
0x86: {  	_ =	shalt  }
0x87: {  	_ =	shalt  }
.Lfunc_end0:
.L_simem_size_0:
called_computation.2_lowered:
.L_overlay_start_0:
0x88: {  	s2 =	sld [smem:$0x3FD9]  }
0x89: {  	s3 =	sld [smem:$0x3FFE];
	_ =	sdelay $0x1  }
0x8a: {  	s1 =	srdreg.scid  }
0x8b: {  	s0 =	sand.u32 $0x1, s1  }
0x8c: {  	s17 =	sshll.u32 s0, $0xA;
	s2 =	sadd.s32 s3, s2  }
0x8d: {  	s2 =	sadd.s32 s2, s17  }
0x8e: {  	[smem:$0x3FC2] =	sst s2  }
0x8f: {  	_ = 	snop  }
0x90: {  	s2 =	sld [smem:$0x3FD0];
	(tm) =	ssettm $0x1  }
0x91: {  	s18 =	sld [smem:$0x3FFB];
	_ =	sdelay $0x3  }
0x92: {  	_ =	strace s18  }
0x93: {  	s3 =	sld [smem:$0x3FFC];
	_ =	sdelay $0x3  }
0x94: {  	_ =	strace s3  }
0x95: {  	s3 =	sld [smem:$0x3FFD];
	_ =	sdelay $0x3  }
0x96: {  	_ =	strace s3  }
0x97: {  	_ =	strace $0x8FFFFFFF  }
0x98: {  	s19 =	sld [smem:$0x3FDB];
	_ =	sdelay $0x1  }
0x99: {  	s4 =	simm.s32 $_scs_section_size  }
0x9a: {  	s5 =	simm.s32 $_size__tile_overlayer_lowered;
	s6 =	simm.s32 $_tile_overlayer_lowered  }
0x9b: {  	s22 =	simm.s32 $0x1BFF;
	s21 =	sshll.u32 s6, $0x1;
	s3 =	sadd.s32 s4, s19  }
0x9c: {  	s7 =	simm.s32 $0x0;
	s20 =	sshll.u32 s5, $0x1;
	s5 =	sadd.s32 s21, s3  }
0x9d: {  	[timem:s7], [sflag:s22] =	dma.local [hbm:s5], s20  }
0x9e: {  	_ =	swait.ge [sflag:s22], s20  }
0x9f: {  	s4 =	ssub.s32 $0x0, s20;
	[sflag:s22] =	ssyncset.done $0x0  }
0xa0: {  	[sflag:s22] =	ssyncadd.s32 s4;
	_ =	sdelay $0x1  }
0xa1: {  	s23 =	simm.s32 $0x1B8B  }
0xa2: {  	_ =	swait.ge [sflag:s23], $0x1  }
0xa3: {  	[sflag:s23] =	ssyncset.done $0x0  }
0xa4: {  	s25 =	simm.s32 $0x1B8E;
	s24 =	sld [smem:$0x3FFE];
	[sflag:s23] =	ssyncadd.s32 $0xFFFFFFFF  }
0xa5: {  	s26 =	simm.s32 $execute0_lowered;
	[smem:$0x3FD2] =	sst s25  }
0xa6: {  	s5 =	sshll.u32 s26, $0x1;
	_ =	strace $0x8000004C;
	[dreg:$0x1] =	wrdreg $0xFFFFFFFF  }
0xa7: {  	s28 =	simm.s32 $_size_execute0_lowered;
	s3 =	sadd.s32 s3, s5;
	[dreg:$0x0] =	wrdreg $0x0  }
0xa8: {  	s5 =	sshll.u32 s28, $0x1;
	[dreg:$0x2] =	wrdreg s3  }
0xa9: {  	[dreg:$0x3] =	wrdreg s5  }
0xaa: {  	[dreg:$0x4] =	wrdreg $0xC0  }
0xab: {  	_ =	task [dreg:s7], $0x5FFFF  }
0xac: {  	[dreg:$0x1] =	wrdreg $0xFFFFFFFF  }
0xad: {  	[dreg:$0x0] =	wrdreg $0x60  }
0xae: {  	[dreg:$0x2] =	wrdreg s24  }
0xaf: {  	[dreg:$0x3] =	wrdreg s2  }
0xb0: {  	[dreg:$0x4] =	wrdreg $0x44000  }
0xb1: {  	[dreg:$0x5] =	wrdreg $0x9  }
0xb2: {  	_ =	task.clear_ibuf [dreg:s7], $0x6FFFF;
	_ =	strace $0x9000004C  }
0xb3: {  	s29 =	simm.s32 $0x9;
	_ =	strace $0x8000004E  }
0xb4: {  	_ =	swait.ge [sflag:s29], $0x1  }
0xb5: {  	[sflag:s29] =	ssyncadd.s32 $0xFFFFFFFF  }
0xb6: {  	_ =	strace $0x9000004E  }
0xb7: {  	_ =	sfence  }
0xb8: {  	s30 =	sld [smem:$0x0];
	_ =	sdelay $0x2  }
0xb9: {  	s31 =	sshll.u32 s1, $0xD;
	s1 =	sshrl.u32 s1, $0x2  }
0xba: {  	s3 =	sand.u32 $0x4000, s31;
	s1 =	sadd.s32 s1, s30  }
0xbb: {  	s0 =	sor.u32 s3, s0;
	s1 =	sshll.u32 s1, $0x11  }
0xbc: {  	s0 =	sor.u32 s1, s0  }
0xbd: {  	s0 =	sadd.s32 $0x8F2B, s0  }
0xbe: {  	[sflag:s0] =	ssyncadd.remote.s32 $0x1  }
0xbf: {  	_ =	sfence.sel $0xFFFF  }
0xc0: {  	[dreg:$0x0] =	wrdreg $0xFFFFFFFF;
	(pc) =	sbr.abs _section_cstart, $3  }
0xc1: {  	[dreg:$0x1] =	wrdreg $0xFFFFFFFF  }
0xc2: {  	_ =	task.clear_ibuf [dreg:s7], $0x2FFFF;
	_ =	strace $0x9FFFFFFF  }
0xc3: {  	(tm) =	ssettm $0x7FFFFFFF  }
tec
execute0_lowered:
.L_overlay_start_1:
0x0: {  	(tag) =	ssettag $0x1  }
0x1: {  	s0 =	rddreg [dreg:$0x0]  }
0x2: {  	s1 =	rddreg [dreg:$0x1]  }
0x3: {  	s2 =	rddreg [dreg:$0x2];
	s4 =	srdreg.scid  }
0x4: {  	s13 =	stileid.u32;
	s3 =	simm.s32 $0x0;
	s28 =	simm.s32 $0x280  }
0x5: {  	s29 =	simm.s32 $0x100;
	s30 =	simm.s32 $0x300;
	s31 =	simm.s32 $0x180  }
0x6: {  	s6 =	sand.u32 $0x1, s4;
	s5 =	smul.u32 $0x9C40, s13;
	[smem:$0x7FF] =	sst s3  }
0x7: {  	s4 =	sadd.s32 $0x2200, s0;
	s8 =	sshll.u32 s13, $0x1;
	s9 =	smul.u32 $0x27100, s13  }
0x8: {  	s24 =	smul.u32 $0x9C0, s13;
	p0 =	sgt.u32 s13, $0x1;
	s13 =	simm.s32 $0x0  }
0x9: {  	s7 =	smul.u32 $0x9C400, s6;
	_ =	strace $0x8000004D;
	s10 =	ssub.s32 $0x2, s6  }
0xa: {  	s8 =	sor.u32 s6, s8;
	s11 =	sshrl.u32 s10, $0x1;
	s9 =	sshrl.u32 s9, $0x2  }
0xb: {  	s12 =	smul.u32 $0x2700, s8;
	s8 =	sshll.u32 s8, $0x4;
	s14 =	sadd.s32 s9, s2  }
0xc: {  	s7 =	sadd.s32 s5, s7;
	s8 =	sadd.s32 s8, s1;
	s9 =	sadd.s32 $0x2000, s14  }
0xd: {  	s7 =	sshrl.u32 s7, $0x3;
	s16 =	sadd.s32 $0x4000, s14;
	[dreg:$0x4] =	wrdreg s9  }
0xe: {  	s15 =	sshrl.u32 s12, $0x3;
	s17 =	sadd.s32 $0x6000, s14;
	[dreg:$0x5] =	wrdreg s16  }
0xf: {  	s26 =	sadd.s32 $0x9C00, s8;
	s8 =	sadd.s32 $0x13840, s8;
	[dreg:$0x6] =	wrdreg s17  }
0x10: {  	s0 =	sadd.s32 s7, s0;
	s7 =	ssub.s32 s10, s11;
	[dreg:$0xf] =	wrdreg s26  }
0x11: {  	s9 =	sadd.s32 s1, s15;
	s10 =	sadd.s32 $0x8000, s14;
	[dreg:$0x10] =	wrdreg s8  }
0x12: {  	s6 =	smul.u32 $0x4E0, s6;
	[dreg:$0x7] =	wrdreg s10;
	s18 =	sadd.s32 $0x9C40, s9  }
0x13: {  	s5 =	sadd.s32 s5, s2;
	s19 =	sadd.s32 $0x10, s9;
	[dreg:$0x8] =	wrdreg s18  }
0x14: {  	s12 =	simm.s32 $0x4;
	s20 =	sadd.s32 $0x9C50, s9;
	[dreg:$0x9] =	wrdreg s19  }
0x15: {  	s1 =	sadd.s32 s24, s1;
	s21 =	sadd.s32 $0x20, s9;
	[dreg:$0xa] =	wrdreg s20  }
0x16: {  	s24 =	simm.s32 $0x7;
	s22 =	sadd.s32 $0x9C60, s9;
	[dreg:$0xb] =	wrdreg s21  }
0x17: {  	s26 =	simm.s32 $0x80;
	s23 =	sadd.s32 $0x30, s9;
	[dreg:$0xc] =	wrdreg s22  }
0x18: {  	s8 =	simm.s32 $0x5;
	s25 =	sadd.s32 $0x9C70, s9;
	[dreg:$0xd] =	wrdreg s23  }
0x19: {  	s11 =	simm.s32 $0x6;
	s10 =	simm.s32 $0x3;
	[dreg:$0xe] =	wrdreg s25  }
0x1a: {  	s20 =	sadd.s32 $0x15C00, s0;
	s21 =	smax.u32 s7, $0x1;
	s22 =	sadd.s32 s6, s1  }
0x1b: {  	s23 =	simm.s32 $0x400;
	s25 =	simm.s32 $0x200;
	s0 =	simm.s32 $0x380  }
0x1c: {  	v0 =	vimm.f32 $0.0e+00;
	s1 =	simm.s32 $0x1;
	s6 =	simm.s32 $0x2;
	s7 =	simm.s32 $0x2400  }
.LBB2_1:
0x1d: {  	s15 =	simm.s32 $0x100;
	s14 =	simm.s32 $0x0  }
.LBB2_2:
0x1e: {  	p1 =	sne.s32 s15, $0x7F00;
	[tilespmem:s14+$0x430] =	vst v0;
	s16 =	smov.u32 s15;
	s15 =	sadd.s32 $0x100, s15  }
.Ltmp0:
0x1f: {  	[tilespmem:s14+$0x420] =	vst v0;
	(pc) =	sbr.rel @p1 .LBB2_2-.Ltmp0, $3  }
0x20: {  	[tilespmem:s14+$0x400] =	vst v0  }
0x21: {  	[tilespmem:s14+$0x410] =	vst v0;
	_ =	sdelay $0x1  }
0x22: {  	s14 =	sshra.s32 s16, $0x2  }
0x23: {  	[tilespmem:s14+$0x430] =	vst v0  }
0x24: {  	[tilespmem:s14+$0x420] =	vst v0  }
0x25: {  	[tilespmem:s14+$0x400] =	vst v0  }
0x26: {  	[tilespmem:s14+$0x410] =	vst v0  }
0x27: {  	[spmem:s5] =	stream.linear.scatter [tilespmem:s23], [sflag:$0x7], $0x2000, $0x38;
	[tilespmem:$0xE040] =	vst v63  }
0x28: {  	_ =	swait.ge [sflag:s24], $0x2000  }
0x29: {  	[sflag:s24] =	ssyncset.done $0x0  }
0x2a: {  	s19 =	rddreg [dreg:$0x4];
	[sflag:s24] =	ssyncadd.s32 $0xFFFFE000  }
0x2b: {  	[spmem:s19] =	stream.linear.scatter [tilespmem:s23], [sflag:$0x7], $0x2000, $0x38;
	[tilespmem:$0xE040] =	vst v63  }
0x2c: {  	_ =	swait.ge [sflag:s24], $0x2000  }
0x2d: {  	[sflag:s24] =	ssyncset.done $0x0  }
0x2e: {  	s15 =	rddreg [dreg:$0x5];
	[sflag:s24] =	ssyncadd.s32 $0xFFFFE000  }
0x2f: {  	[spmem:s15] =	stream.linear.scatter [tilespmem:s23], [sflag:$0x7], $0x2000, $0x38;
	[tilespmem:$0xE040] =	vst v63  }
0x30: {  	_ =	swait.ge [sflag:s24], $0x2000  }
0x31: {  	[sflag:s24] =	ssyncset.done $0x0  }
0x32: {  	s16 =	rddreg [dreg:$0x6];
	[sflag:s24] =	ssyncadd.s32 $0xFFFFE000  }
0x33: {  	[spmem:s16] =	stream.linear.scatter [tilespmem:s23], [sflag:$0x7], $0x2000, $0x38;
	[tilespmem:$0xE040] =	vst v63  }
0x34: {  	_ =	swait.ge [sflag:s24], $0x2000  }
0x35: {  	[sflag:s24] =	ssyncset.done $0x0  }
0x36: {  	s17 =	rddreg [dreg:$0x7];
	[sflag:s24] =	ssyncadd.s32 $0xFFFFE000  }
0x37: {  	[spmem:s17] =	stream.linear.scatter [tilespmem:s23], [sflag:$0x7], $0x1C40, $0x38;
	[tilespmem:$0xE040] =	vst v63  }
0x38: {  	_ =	swait.ge [sflag:s24], $0x1C40  }
0x39: {  	[sflag:s24] =	ssyncset.done $0x0  }
0x3a: {  	[sflag:s24] =	ssyncadd.s32 $0xFFFFE3C0  }
0x3b: {  	s14 =	simm.s32 $0x0;
	[bflag:$0x0] =	sbarrier.arrive $0xFFFF  }
0x3c: {  	[tilespmem:s14], [sflag:$0x1] =	stream.linear.gather [hbm4b:s9+s14], $0x80, $0x38;
	[tilespmem:$0xE040] =	vst v63  }
0x3d: {  	s15 =	rddreg [dreg:$0x8]  }
0x3e: {  	[tilespmem:s25], [sflag:$0x1] =	stream.linear.gather [hbm4b:s15+s14], $0x80, $0x38;
	[tilespmem:$0xE040] =	vst v63  }
0x3f: {  	s18 =	rddreg [dreg:$0x9]  }
0x40: {  	[tilespmem:s26], [sflag:$0x2] =	stream.linear.gather [hbm4b:s18+s14], $0x80, $0x38;
	[tilespmem:$0xE040] =	vst v63  }
0x41: {  	s19 =	rddreg [dreg:$0xa]  }
0x42: {  	[tilespmem:s28], [sflag:$0x2] =	stream.linear.gather [hbm4b:s19+s14], $0x80, $0x38;
	[tilespmem:$0xE040] =	vst v63  }
0x43: {  	s16 =	rddreg [dreg:$0xb]  }
0x44: {  	[tilespmem:s29], [sflag:$0x3] =	stream.linear.gather [hbm4b:s16+s14], $0x80, $0x38;
	[tilespmem:$0xE040] =	vst v63  }
0x45: {  	s17 =	rddreg [dreg:$0xc]  }
0x46: {  	[tilespmem:s30], [sflag:$0x3] =	stream.linear.gather [hbm4b:s17+s14], $0x80, $0x38;
	[tilespmem:$0xE040] =	vst v63  }
0x47: {  	s18 =	rddreg [dreg:$0xd]  }
0x48: {  	[tilespmem:s31], [sflag:$0x4] =	stream.linear.gather [hbm4b:s18+s14], $0x80, $0x38;
	[tilespmem:$0xE040] =	vst v63  }
0x49: {  	s19 =	rddreg [dreg:$0xe]  }
0x4a: {  	[tilespmem:s0], [sflag:$0x4] =	stream.linear.gather [hbm4b:s19+s14], $0x80, $0x38;
	[tilespmem:$0xE040] =	vst v63  }
0x4b: {  	_ =	swait.ge [sflag:s1], $0x80  }
0x4c: {  	[sflag:s1] =	ssyncset.done $0x0  }
0x4d: {  	[sflag:s1] =	ssyncadd.s32 $0xFFFFFF80  }
0x4e: {  	_ =	swait.ge [sflag:s1], $0x80  }
0x4f: {  	[sflag:s1] =	ssyncset.done $0x0  }
0x50: {  	[sflag:s1] =	ssyncadd.s32 $0xFFFFFF80  }
0x51: {  	[tilespmem:s23], [sflag:$0x5] =	stream.indirect.gather [hbm4b:s4+s26], $0x40, s14, s26, $0xb8;
	[tilespmem:$0xE040] =	vst v63  }
0x52: {  	_ =	swait.ge [sflag:s6], $0x80  }
0x53: {  	[sflag:s6] =	ssyncset.done $0x0  }
0x54: {  	[sflag:s6] =	ssyncadd.s32 $0xFFFFFF80  }
0x55: {  	_ =	swait.ge [sflag:s6], $0x80  }
0x56: {  	[sflag:s6] =	ssyncset.done $0x0  }
0x57: {  	[sflag:s6] =	ssyncadd.s32 $0xFFFFFF80  }
0x58: {  	[tilespmem:s7], [sflag:$0x6] =	stream.indirect.gather [hbm4b:s4+s26], $0x40, s26, s26, $0xb8;
	[tilespmem:$0xE040] =	vst v63  }
0x59: {  	_ =	swait.ge [sflag:s8], $0x2000  }
0x5a: {  	[sflag:s8] =	ssyncset.done $0x0  }
0x5b: {  	[sflag:s8] =	ssyncadd.s32 $0xFFFFE000  }
0x5c: {  	[spmem:s2] =	stream.indirect.scatter.add.f32 [tilespmem:s23], [sflag:$0x7], $0x40, s25, s26, $0xb8;
	[tilespmem:$0xE040] =	vst v63  }
0x5d: {  	_ =	swait.ge [sflag:s24], $0x2000  }
0x5e: {  	s16 =	sadd.s32 $0x0, s22;
	[sflag:s24] =	ssyncset.done $0x0  }
0x5f: {  	s17 =	sadd.s32 $0x40, s16;
	[sflag:s24] =	ssyncadd.s32 $0xFFFFE000  }
0x60: {  	[tilespmem:s3], [sflag:$0x1] =	stream.linear.gather [hbm4b:s17+s3], $0x80, $0x38;
	[tilespmem:$0xE040] =	vst v63  }
0x61: {  	s18 =	sadd.s32 $0x9C80, s16  }
0x62: {  	[tilespmem:s25], [sflag:$0x1] =	stream.linear.gather [hbm4b:s18+s3], $0x80, $0x38;
	[tilespmem:$0xE040] =	vst v63  }
0x63: {  	_ =	swait.ge [sflag:s10], $0x80  }
0x64: {  	[sflag:s10] =	ssyncset.done $0x0  }
0x65: {  	[sflag:s10] =	ssyncadd.s32 $0xFFFFFF80  }
0x66: {  	_ =	swait.ge [sflag:s10], $0x80  }
0x67: {  	[sflag:s10] =	ssyncset.done $0x0  }
0x68: {  	[sflag:s10] =	ssyncadd.s32 $0xFFFFFF80  }
0x69: {  	[tilespmem:s23], [sflag:$0x5] =	stream.indirect.gather [hbm4b:s4+s26], $0x40, s29, s26, $0xb8;
	[tilespmem:$0xE040] =	vst v63  }
0x6a: {  	_ =	swait.ge [sflag:s11], $0x2000  }
0x6b: {  	[sflag:s11] =	ssyncset.done $0x0  }
0x6c: {  	[sflag:s11] =	ssyncadd.s32 $0xFFFFE000  }
0x6d: {  	[spmem:s2] =	stream.indirect.scatter.add.f32 [tilespmem:s7], [sflag:$0x7], $0x40, s28, s26, $0xb8;
	[tilespmem:$0xE040] =	vst v63  }
0x6e: {  	_ =	swait.ge [sflag:s24], $0x2000  }
0x6f: {  	[sflag:s24] =	ssyncset.done $0x0  }
0x70: {  	s19 =	sadd.s32 $0x50, s16;
	[sflag:s24] =	ssyncadd.s32 $0xFFFFE000  }
0x71: {  	[tilespmem:s26], [sflag:$0x2] =	stream.linear.gather [hbm4b:s19+s3], $0x80, $0x38;
	[tilespmem:$0xE040] =	vst v63  }
0x72: {  	s14 =	sadd.s32 $0x9C90, s16  }
0x73: {  	[tilespmem:s28], [sflag:$0x2] =	stream.linear.gather [hbm4b:s14+s3], $0x80, $0x38;
	[tilespmem:$0xE040] =	vst v63  }
0x74: {  	_ =	swait.ge [sflag:s12], $0x80  }
0x75: {  	[sflag:s12] =	ssyncset.done $0x0  }
0x76: {  	[sflag:s12] =	ssyncadd.s32 $0xFFFFFF80  }
0x77: {  	_ =	swait.ge [sflag:s12], $0x80  }
0x78: {  	[sflag:s12] =	ssyncset.done $0x0  }
0x79: {  	[sflag:s12] =	ssyncadd.s32 $0xFFFFFF80  }
0x7a: {  	[tilespmem:s7], [sflag:$0x6] =	stream.indirect.gather [hbm4b:s4+s26], $0x40, s31, s26, $0xb8;
	[tilespmem:$0xE040] =	vst v63  }
0x7b: {  	_ =	swait.ge [sflag:s8], $0x2000  }
0x7c: {  	[sflag:s8] =	ssyncset.done $0x0  }
0x7d: {  	[sflag:s8] =	ssyncadd.s32 $0xFFFFE000  }
0x7e: {  	[spmem:s2] =	stream.indirect.scatter.add.f32 [tilespmem:s23], [sflag:$0x7], $0x40, s30, s26, $0xb8;
	[tilespmem:$0xE040] =	vst v63  }
0x7f: {  	p1 =	por $0x0, $0x0;
	_ =	swait.ge [sflag:s24], $0x2000  }
0x80: {  	s15 =	simm.s32 @!p1 $0x100;
	s14 =	sadd.s32 @!p1 $0x0, s22;
	[sflag:s24] =	ssyncset.done $0x0  }
0x81: {  	s17 =	simm.s32 @!p1 $0x0;
	s16 =	sadd.s32 @!p1 $0x60, s14;
	[sflag:s24] =	ssyncadd.s32 $0xFFFFE000  }
0x82: {  	[tilespmem:s15], [sflag:$0x3] =	stream.linear.gather @!p1 [hbm4b:s16+s17], $0x80, $0x38;
	[tilespmem:$0xE040] =	vst v63  }
0x83: {  	s15 =	sadd.s32 @!p1 $0x9CA0, s14;
	s16 =	simm.s32 @!p1 $0x300  }
0x84: {  	[tilespmem:s16], [sflag:$0x3] =	stream.linear.gather @!p1 [hbm4b:s15+s17], $0x80, $0x38;
	[tilespmem:$0xE040] =	vst v63  }
0x85: {  	_ =	swait.ge [sflag:s1], $0x80  }
0x86: {  	[sflag:s1] =	ssyncset.done $0x0  }
0x87: {  	[sflag:s1] =	ssyncadd.s32 $0xFFFFFF80  }
0x88: {  	_ =	swait.ge [sflag:s1], $0x80  }
0x89: {  	[sflag:s1] =	ssyncset.done $0x0  }
0x8a: {  	[sflag:s1] =	ssyncadd.s32 $0xFFFFFF80  }
0x8b: {  	[tilespmem:s23], [sflag:$0x5] =	stream.indirect.gather [hbm4b:s4+s26], $0x40, s3, s26, $0xb8;
	[tilespmem:$0xE040] =	vst v63  }
0x8c: {  	_ =	swait.ge [sflag:s11], $0x2000  }
0x8d: {  	[sflag:s11] =	ssyncset.done $0x0  }
0x8e: {  	[sflag:s11] =	ssyncadd.s32 $0xFFFFE000  }
0x8f: {  	[spmem:s2] =	stream.indirect.scatter.add.f32 [tilespmem:s7], [sflag:$0x7], $0x40, s0, s26, $0xb8;
	[tilespmem:$0xE040] =	vst v63  }
0x90: {  	_ =	swait.ge [sflag:s24], $0x2000  }
0x91: {  	[sflag:s24] =	ssyncset.done $0x0  }
0x92: {  	s15 =	sadd.s32 @!p1 $0x70, s14;
	s16 =	simm.s32 @!p1 $0x180;
	[sflag:s24] =	ssyncadd.s32 $0xFFFFE000  }
0x93: {  	[tilespmem:s16], [sflag:$0x4] =	stream.linear.gather @!p1 [hbm4b:s15+s17], $0x80, $0x38;
	[tilespmem:$0xE040] =	vst v63  }
0x94: {  	s14 =	sadd.s32 @!p1 $0x9CB0, s14;
	s15 =	simm.s32 @!p1 $0x380  }
0x95: {  	[tilespmem:s15], [sflag:$0x4] =	stream.linear.gather @!p1 [hbm4b:s14+s17], $0x80, $0x38;
	[tilespmem:$0xE040] =	vst v63  }
0x96: {  	_ =	swait.ge [sflag:s6], $0x80  }
0x97: {  	[sflag:s6] =	ssyncset.done $0x0  }
0x98: {  	[sflag:s6] =	ssyncadd.s32 $0xFFFFFF80  }
0x99: {  	_ =	swait.ge [sflag:s6], $0x80  }
0x9a: {  	[sflag:s6] =	ssyncset.done $0x0  }
0x9b: {  	s14 =	simm.s32 $0x40;
	[sflag:s6] =	ssyncadd.s32 $0xFFFFFF80  }
.LBB2_4:
0x9c: {  	[tilespmem:s7], [sflag:$0x6] =	stream.indirect.gather [hbm4b:s4+s26], $0x40, s26, s26, $0xb8;
	[tilespmem:$0xE040] =	vst v63  }
0x9d: {  	s15 =	smov.u32 s14;
	s14 =	sadd.s32 $0x40, s14;
	_ =	swait.ge [sflag:s8], $0x2000  }
0x9e: {  	p1 =	sne.s32 s14, $0x4C0;
	[sflag:s8] =	ssyncset.done $0x0  }
0x9f: {  	[sflag:s8] =	ssyncadd.s32 $0xFFFFE000  }
0xa0: {  	[spmem:s2] =	stream.indirect.scatter.add.f32 [tilespmem:s23], [sflag:$0x7], $0x40, s25, s26, $0xb8;
	[tilespmem:$0xE040] =	vst v63  }
0xa1: {  	_ =	swait.ge [sflag:s24], $0x2000  }
0xa2: {  	s16 =	sadd.s32 s15, s22;
	[sflag:s24] =	ssyncset.done $0x0  }
0xa3: {  	s17 =	sadd.s32 $0x40, s16;
	[sflag:s24] =	ssyncadd.s32 $0xFFFFE000  }
0xa4: {  	[tilespmem:s3], [sflag:$0x1] =	stream.linear.gather [hbm4b:s17+s3], $0x80, $0x38;
	[tilespmem:$0xE040] =	vst v63  }
0xa5: {  	s17 =	sadd.s32 $0x9C80, s16  }
0xa6: {  	[tilespmem:s25], [sflag:$0x1] =	stream.linear.gather [hbm4b:s17+s3], $0x80, $0x38;
	[tilespmem:$0xE040] =	vst v63  }
0xa7: {  	_ =	swait.ge [sflag:s10], $0x80  }
0xa8: {  	[sflag:s10] =	ssyncset.done $0x0  }
0xa9: {  	[sflag:s10] =	ssyncadd.s32 $0xFFFFFF80  }
0xaa: {  	_ =	swait.ge [sflag:s10], $0x80  }
0xab: {  	[sflag:s10] =	ssyncset.done $0x0  }
0xac: {  	[sflag:s10] =	ssyncadd.s32 $0xFFFFFF80  }
0xad: {  	[tilespmem:s23], [sflag:$0x5] =	stream.indirect.gather [hbm4b:s4+s26], $0x40, s29, s26, $0xb8;
	[tilespmem:$0xE040] =	vst v63  }
0xae: {  	_ =	swait.ge [sflag:s11], $0x2000  }
0xaf: {  	[sflag:s11] =	ssyncset.done $0x0  }
0xb0: {  	[sflag:s11] =	ssyncadd.s32 $0xFFFFE000  }
0xb1: {  	[spmem:s2] =	stream.indirect.scatter.add.f32 [tilespmem:s7], [sflag:$0x7], $0x40, s28, s26, $0xb8;
	[tilespmem:$0xE040] =	vst v63  }
0xb2: {  	_ =	swait.ge [sflag:s24], $0x2000  }
0xb3: {  	[sflag:s24] =	ssyncset.done $0x0  }
0xb4: {  	s17 =	sadd.s32 $0x50, s16;
	[sflag:s24] =	ssyncadd.s32 $0xFFFFE000  }
0xb5: {  	[tilespmem:s26], [sflag:$0x2] =	stream.linear.gather [hbm4b:s17+s3], $0x80, $0x38;
	[tilespmem:$0xE040] =	vst v63  }
0xb6: {  	s16 =	sadd.s32 $0x9C90, s16  }
0xb7: {  	[tilespmem:s28], [sflag:$0x2] =	stream.linear.gather [hbm4b:s16+s3], $0x80, $0x38;
	[tilespmem:$0xE040] =	vst v63  }
0xb8: {  	_ =	swait.ge [sflag:s12], $0x80  }
0xb9: {  	[sflag:s12] =	ssyncset.done $0x0  }
0xba: {  	[sflag:s12] =	ssyncadd.s32 $0xFFFFFF80  }
0xbb: {  	_ =	swait.ge [sflag:s12], $0x80  }
0xbc: {  	[sflag:s12] =	ssyncset.done $0x0  }
0xbd: {  	[sflag:s12] =	ssyncadd.s32 $0xFFFFFF80  }
0xbe: {  	[tilespmem:s7], [sflag:$0x6] =	stream.indirect.gather [hbm4b:s4+s26], $0x40, s31, s26, $0xb8;
	[tilespmem:$0xE040] =	vst v63  }
0xbf: {  	_ =	swait.ge [sflag:s8], $0x2000  }
0xc0: {  	[sflag:s8] =	ssyncset.done $0x0  }
0xc1: {  	[sflag:s8] =	ssyncadd.s32 $0xFFFFE000  }
0xc2: {  	[spmem:s2] =	stream.indirect.scatter.add.f32 [tilespmem:s23], [sflag:$0x7], $0x40, s30, s26, $0xb8;
	[tilespmem:$0xE040] =	vst v63  }
0xc3: {  	p2 =	seq.s32 s15, $0x480;
	_ =	swait.ge [sflag:s24], $0x2000  }
0xc4: {  	s15 =	sadd.s32 @!p2 s15, s22;
	s16 =	simm.s32 @!p2 $0x100;
	[sflag:s24] =	ssyncset.done $0x0  }
0xc5: {  	s18 =	simm.s32 @!p2 $0x0;
	s17 =	sadd.s32 @!p2 $0x60, s15;
	[sflag:s24] =	ssyncadd.s32 $0xFFFFE000  }
0xc6: {  	[tilespmem:s16], [sflag:$0x3] =	stream.linear.gather @!p2 [hbm4b:s17+s18], $0x80, $0x38;
	[tilespmem:$0xE040] =	vst v63  }
0xc7: {  	s19 =	sadd.s32 @!p2 $0x70, s15;
	s16 =	sadd.s32 @!p2 $0x9CA0, s15;
	s17 =	simm.s32 @!p2 $0x300  }
0xc8: {  	[tilespmem:s17], [sflag:$0x3] =	stream.linear.gather @!p2 [hbm4b:s16+s18], $0x80, $0x38;
	[tilespmem:$0xE040] =	vst v63  }
0xc9: {  	s15 =	sadd.s32 @!p2 $0x9CB0, s15;
	_ =	swait.ge [sflag:s1], $0x80  }
0xca: {  	[sflag:s1] =	ssyncset.done $0x0  }
0xcb: {  	[sflag:s1] =	ssyncadd.s32 $0xFFFFFF80  }
0xcc: {  	_ =	swait.ge [sflag:s1], $0x80  }
0xcd: {  	[sflag:s1] =	ssyncset.done $0x0  }
0xce: {  	[sflag:s1] =	ssyncadd.s32 $0xFFFFFF80  }
0xcf: {  	[tilespmem:s23], [sflag:$0x5] =	stream.indirect.gather [hbm4b:s4+s26], $0x40, s3, s26, $0xb8;
	[tilespmem:$0xE040] =	vst v63  }
0xd0: {  	_ =	swait.ge [sflag:s11], $0x2000  }
0xd1: {  	[sflag:s11] =	ssyncset.done $0x0  }
0xd2: {  	[sflag:s11] =	ssyncadd.s32 $0xFFFFE000  }
0xd3: {  	[spmem:s2] =	stream.indirect.scatter.add.f32 [tilespmem:s7], [sflag:$0x7], $0x40, s0, s26, $0xb8;
	[tilespmem:$0xE040] =	vst v63  }
0xd4: {  	_ =	swait.ge [sflag:s24], $0x2000  }
0xd5: {  	[sflag:s24] =	ssyncset.done $0x0  }
0xd6: {  	s16 =	simm.s32 @!p2 $0x180;
	[sflag:s24] =	ssyncadd.s32 $0xFFFFE000  }
0xd7: {  	[tilespmem:s16], [sflag:$0x4] =	stream.linear.gather @!p2 [hbm4b:s19+s18], $0x80, $0x38;
	[tilespmem:$0xE040] =	vst v63  }
0xd8: {  	s16 =	simm.s32 @!p2 $0x380  }
0xd9: {  	[tilespmem:s16], [sflag:$0x4] =	stream.linear.gather @!p2 [hbm4b:s15+s18], $0x80, $0x38;
	[tilespmem:$0xE040] =	vst v63  }
0xda: {  	_ =	swait.ge [sflag:s6], $0x80  }
.Ltmp1:
0xdb: {  	[sflag:s6] =	ssyncset.done $0x0;
	(pc) =	sbr.rel @p1 .LBB2_4-.Ltmp1, $4  }
0xdc: {  	[sflag:s6] =	ssyncadd.s32 $0xFFFFFF80  }
0xdd: {  	_ =	swait.ge [sflag:s6], $0x80  }
0xde: {  	[sflag:s6] =	ssyncset.done $0x0  }
0xdf: {  	[sflag:s6] =	ssyncadd.s32 $0xFFFFFF80  }
0xe0: {  	[tilespmem:s7], [sflag:$0x6] =	stream.indirect.gather [hbm4b:s4+s26], $0x40, s26, s26, $0xb8;
	[tilespmem:$0xE040] =	vst v63  }
0xe1: {  	_ =	swait.ge [sflag:s8], $0x2000  }
0xe2: {  	[sflag:s8] =	ssyncset.done $0x0  }
0xe3: {  	[sflag:s8] =	ssyncadd.s32 $0xFFFFE000  }
0xe4: {  	[spmem:s2] =	stream.indirect.scatter.add.f32 [tilespmem:s23], [sflag:$0x7], $0x40, s25, s26, $0xb8;
	[tilespmem:$0xE040] =	vst v63  }
0xe5: {  	_ =	swait.ge [sflag:s24], $0x2000  }
0xe6: {  	[sflag:s24] =	ssyncset.done $0x0  }
0xe7: {  	[sflag:s24] =	ssyncadd.s32 $0xFFFFE000  }
0xe8: {  	_ =	swait.ge [sflag:s11], $0x2000  }
0xe9: {  	[sflag:s11] =	ssyncset.done $0x0  }
0xea: {  	[sflag:s11] =	ssyncadd.s32 $0xFFFFE000  }
0xeb: {  	[spmem:s2] =	stream.indirect.scatter.add.f32 [tilespmem:s7], [sflag:$0x7], $0x40, s28, s26, $0xb8;
	[tilespmem:$0xE040] =	vst v63  }
0xec: {  	_ =	swait.ge [sflag:s24], $0x2000  }
0xed: {  	[sflag:s24] =	ssyncset.done $0x0  }
0xee: {  	s14 =	simm.s32 @!p0 $0x0;
	s15 =	rddreg [dreg:$0xf];
	[sflag:s24] =	ssyncadd.s32 $0xFFFFE000  }
0xef: {  	[tilespmem:s14], [sflag:$0x1] =	stream.linear.gather @!p0 [hbm4b:s15+s14], $0x80, $0x38;
	[tilespmem:$0xE040] =	vst v63  }
0xf0: {  	s16 =	rddreg [dreg:$0x10];
	s15 =	simm.s32 @!p0 $0x200  }
0xf1: {  	[tilespmem:s15], [sflag:$0x1] =	stream.linear.gather @!p0 [hbm4b:s16+s14], $0x80, $0x38;
	[tilespmem:$0xE040] =	vst v63  }
0xf2: {  	s16 =	simm.s32 @!p0 $0x1  }
0xf3: {  	_ =	swait.ge @!p0 [sflag:s16], $0x80  }
0xf4: {  	[sflag:s16] =	ssyncset.done @!p0 $0x0  }
0xf5: {  	[sflag:s16] =	ssyncadd.s32 @!p0 $0xFFFFFF80  }
0xf6: {  	_ =	swait.ge @!p0 [sflag:s16], $0x80  }
0xf7: {  	[sflag:s16] =	ssyncset.done @!p0 $0x0  }
0xf8: {  	s17 =	simm.s32 @!p0 $0x400;
	[sflag:s16] =	ssyncadd.s32 @!p0 $0xFFFFFF80;
	s16 =	simm.s32 @!p0 $0x80  }
0xf9: {  	[tilespmem:s17], [sflag:$0x5] =	stream.indirect.gather @!p0 [hbm4b:s4+s16], $0x40, s14, s16, $0xb8;
	[tilespmem:$0xE040] =	vst v63  }
0xfa: {  	s14 =	simm.s32 @!p0 $0x5  }
0xfb: {  	_ =	swait.ge @!p0 [sflag:s14], $0x2000  }
0xfc: {  	[sflag:s14] =	ssyncset.done @!p0 $0x0  }
0xfd: {  	[sflag:s14] =	ssyncadd.s32 @!p0 $0xFFFFE000;
	s14 =	simm.s32 @!p0 $0x7  }
0xfe: {  	[spmem:s2] =	stream.indirect.scatter.add.f32 @!p0 [tilespmem:s17], [sflag:$0x7], $0x40, s15, s16, $0xb8;
	[tilespmem:$0xE040] =	vst v63  }
0xff: {  	s18 =	stileid.u32;
	_ =	swait.ge @!p0 [sflag:s14], $0x2000  }
0x100: {  	s19 =	sshrl.u32 s5, $0x3;
	s13 =	sadd.s32 $0x1, s13;
	[sflag:s14] =	ssyncset.done @!p0 $0x0  }
0x101: {  	p1 =	sne.s32 s13, s21;
	[sflag:s14] =	ssyncadd.s32 @!p0 $0xFFFFE000;
	s14 =	sshll.u32 s18, $0x6  }
.Ltmp2:
0x102: {  	[bflag:$0x0] =	sbarrier.arrive $0xFFFF;
	s14 =	sor.u32 $0x1C07, s14;
	(pc) =	sbr.rel @p1 .LBB2_1-.Ltmp2, $4  }
0x103: {  	[hbm:s20], [sflag:s14] =	dma.local [spmem:s19], $0x1388  }
0x104: {  	_ =	swait.ge [sflag:s24], $0x1388  }
0x105: {  	[sflag:s24] =	ssyncset.done $0x0  }
0x106: {  	[sflag:s24] =	ssyncadd.s32 $0xFFFFEC78  }
0x107: {  	_ =	sfence.sel $0x180000  }
0x108: {  	[bflag:$0x0] =	sbarrier.arrive $0xFFFF  }
0x109: {  	_ =	strace $0x9000004D  }
0x10a: {  	s0 =	stileid.u32;
	[bflag:$0x2] =	sbarrier.arrive $0xFFFF  }
0x10b: {  	p0 =	sne.s32 s0, $0x0;
	s0 =	rddreg [dreg:$0x3]  }
0x10c: {  	s0 =	sadd.s32 @!p0 $0x100000, s0  }
0x10d: {  	[sflag:s0] =	ssyncadd.tile.s32 @!p0 $0x1;
	_ =	shalt  }
.Lfunc_end2:
_tile_overlayer_lowered:
.L_overlay_start_2:
0x10e: {  	(tag) =	ssettag $0x2  }
0x10f: {  	s0 =	rddreg [dreg:$0x0];
	s2 =	stileid.u32  }
0x110: {  	s1 =	rddreg [dreg:$0x1];
	p0 =	sne.s32 s2, $0x0  }
0x111: {  	s3 =	rddreg [dreg:$0x2];
	[bflag:$0x3] =	sbarrier.arrive $0xFFFF;
	s2 =	simm.s32 @!p0 $0x1C07  }
0x112: {  	[timem:s3], [sflag:s2] =	dma.local @!p0 [hbm:s0], s1  }
0x113: {  	s0 =	simm.s32 @!p0 $0x7  }
0x114: {  	_ =	swait.ge @!p0 [sflag:s0], s1  }
0x115: {  	s1 =	ssub.s32 @!p0 $0x0, s1;
	[sflag:s0] =	ssyncset.done @!p0 $0x0  }
0x116: {  	[sflag:s0] =	ssyncadd.s32 @!p0 s1  }
0x117: {  	[bflag:$0x3] =	sbarrier.arrive $0xFFFF  }
0x118: {  	_ =	shalt  }

// kernel: kernel.9.cloned.1.call-start
scs
__scs_entry_jumppad:
0x0: {  	(pc) =	sbr.rel $0x88, $3  }
0x1: {  	(tag) =	ssettag $0x0;
	lr =	simm.s32 $0x1  }
0x2: {  	[smem:$0x3F9B] =	sst lr;
	_ =	strace $0xD0000000  }
0x3: {  	_ = 	snop  }
0x4: {  	_ = 	snop  }
0x5: {  	_ = 	snop  }
0x6: {  	_ = 	snop  }
0x7: {  	_ = 	snop  }
__scs_overlays_trampoline_lowered:
0x8: {  	[smem:$0x3FAA] =	sst s0  }
0x9: {  	[smem:$0x3FAB] =	sst s1  }
0xa: {  	[smem:$0x3FAC] =	sst s2  }
0xb: {  	[smem:$0x3FAD] =	sst s3  }
0xc: {  	[smem:$0x3FAE] =	sst s4  }
0xd: {  	[smem:$0x3FAF] =	sst s5  }
0xe: {  	[smem:$0x3FB0] =	sst s6  }
0xf: {  	[smem:$0x3FB1] =	sst s7  }
0x10: {  	[smem:$0x3FB2] =	sst s8  }
0x11: {  	[smem:$0x3FB3] =	sst s9;
	s0 =	simm.s32 @!p0 $0x0  }
0x12: {  	s1 =	sld [smem:$0x3F99];
	s0 =	simm.s32 @p0 $0x1  }
0x13: {  	[smem:$0x3FB4] =	sst s0;
	s0 =	simm.s32 @!p1 $0x0  }
0x14: {  	s2 =	sld [smem:$0x3F98];
	s0 =	simm.s32 @p1 $0x1  }
0x15: {  	[smem:$0x3FB5] =	sst s0;
	s0 =	simm.s32 @!p2 $0x0  }
0x16: {  	s3 =	sld [smem:$0x3FDB];
	s0 =	simm.s32 @p2 $0x1  }
0x17: {  	s4 =	simm.s32 $0x1BF5;
	[smem:$0x3FB7] =	sst s0  }
0x18: {  	s0 =	sld [smem:$0x3F9A];
	_ =	swait.ge [sflag:s4], $0x0  }
0x19: {  	s7 =	sld [smem:$0x3F9B]  }
0x1a: {  	s8 =	sadd.s32 $0xFFFFE003, lr  }
0x1b: {  	s9 =	sadd.s32 $0xFFFFFEF7, lr;
	s5 =	simm.s32 $0xFFFFFFFF;
	p2 =	slt.u32 s8, $0xFFFFF086  }
0x1c: {  	p1 =	slt.u32 s9, $0xF7A;
	s5 =	simm.s32 @!p2 $0x0  }
0x1d: {  	s5 =	simm.s32 @p1 $0x1;
	p0 =	seq.s32 s7, s2  }
0x1e: {  	s7 =	smul.u32 @!p0 $0xF7A, s2;
	p2 =	seq.s32 @!p0 s5, $0x0  }
0x1f: {  	s9 =	smul.u32 $0xF7A, s1;
	s8 =	simm.s32 @!p0 $0x1BF5;
	p2 =	por !p2, p0  }
0x20: {  	[sflag:s8] =	ssyncset.s32 @!p0 $0xFFFFF086;
	s6 =	sadd.s32 @!p0 s3, s7;
	s7 =	simm.s32 @!p0 $0x108  }
0x21: {  	s3 =	sadd.s32 s3, s9;
	s6 =	sadd.s32 @!p0 $0x88, s6;
	s7 =	simm.s32 @p2 $0x1082  }
0x22: {  	[simem:s7], [sflag:s8] =	dma.local @!p0 [hbm:s6], $0xF7A  }
0x23: {  	s9 =	sor.u32 $0xD0000000, s2;
	s6 =	simm.s32 $0x108;
	_ =	swait.ge @!p0 [sflag:s8], $0x0  }
0x24: {  	s3 =	sadd.s32 $0x88, s3;
	s6 =	simm.s32 @!p1 $0x1082;
	[sflag:s4] =	ssyncset.s32 $0xFFFFF086  }
0x25: {  	[simem:s6], [sflag:s4] =	dma.local [hbm:s3], $0xF7A  }
0x26: {  	[smem:$0x3F9B] =	sst s1;
	(tag) =	ssettag s2;
	_ =	strace s9  }
0x27: {  	s1 =	sld [smem:$0x3FAB]  }
0x28: {  	s2 =	sld [smem:$0x3FAC]  }
0x29: {  	s4 =	sld [smem:$0x3FAE]  }
0x2a: {  	p0 =	seq.s32 s5, $0x0;
	s5 =	sld [smem:$0x3FAF]  }
0x2b: {  	s6 =	sld [smem:$0x3FB0]  }
0x2c: {  	s7 =	sld [smem:$0x3FB1]  }
0x2d: {  	s3 =	simm.s32 $0x108;
	s8 =	sld [smem:$0x3FB2]  }
0x2e: {  	s3 =	simm.s32 @!p0 $0x1082;
	s9 =	sld [smem:$0x3FB3]  }
0x2f: {  	lr =	sadd.s32 s0, s3;
	s0 =	sld [smem:$0x3FAA]  }
0x30: {  	s3 =	sld [smem:$0x3FAD]  }
0x31: {  	[smem:$0x3FB6] =	sst s10  }
0x32: {  	s10 =	sld [smem:$0x3FB4];
	_ =	sdelay $0x3  }
0x33: {  	p0 =	seq.s32 s10, $0x1;
	s10 =	sld [smem:$0x3FB6];
	_ =	sdelay $0x3  }
0x34: {  	[smem:$0x3FB6] =	sst s10  }
0x35: {  	s10 =	sld [smem:$0x3FB5];
	_ =	sdelay $0x3  }
0x36: {  	p1 =	seq.s32 s10, $0x1;
	s10 =	sld [smem:$0x3FB6];
	_ =	sdelay $0x3  }
0x37: {  	[smem:$0x3FB6] =	sst s10  }
0x38: {  	s10 =	sld [smem:$0x3FB7]  }
0x39: {  	_ = 	snop;
	(pc) =	sbr.ind lr, $3  }
0x3a: {  	_ = 	snop  }
0x3b: {  	_ = 	snop  }
0x3c: {  	p2 =	seq.s32 s10, $0x1;
	s10 =	sld [smem:$0x3FB6]  }
0x3d: {  	_ =	shalt  }
0x3e: {  	_ =	shalt  }
0x3f: {  	_ =	shalt  }
0x40: {  	_ =	shalt  }
0x41: {  	_ =	shalt  }
0x42: {  	_ =	shalt  }
0x43: {  	_ =	shalt  }
0x44: {  	_ =	shalt  }
0x45: {  	_ =	shalt  }
0x46: {  	_ =	shalt  }
0x47: {  	_ =	shalt  }
0x48: {  	_ =	shalt  }
0x49: {  	_ =	shalt  }
0x4a: {  	_ =	shalt  }
0x4b: {  	_ =	shalt  }
0x4c: {  	_ =	shalt  }
0x4d: {  	_ =	shalt  }
0x4e: {  	_ =	shalt  }
0x4f: {  	_ =	shalt  }
0x50: {  	_ =	shalt  }
0x51: {  	_ =	shalt  }
0x52: {  	_ =	shalt  }
0x53: {  	_ =	shalt  }
0x54: {  	_ =	shalt  }
0x55: {  	_ =	shalt  }
0x56: {  	_ =	shalt  }
0x57: {  	_ =	shalt  }
0x58: {  	_ =	shalt  }
0x59: {  	_ =	shalt  }
0x5a: {  	_ =	shalt  }
0x5b: {  	_ =	shalt  }
0x5c: {  	_ =	shalt  }
0x5d: {  	_ =	shalt  }
0x5e: {  	_ =	shalt  }
0x5f: {  	_ =	shalt  }
0x60: {  	_ =	shalt  }
0x61: {  	_ =	shalt  }
0x62: {  	_ =	shalt  }
0x63: {  	_ =	shalt  }
0x64: {  	_ =	shalt  }
0x65: {  	_ =	shalt  }
0x66: {  	_ =	shalt  }
0x67: {  	_ =	shalt  }
0x68: {  	_ =	shalt  }
0x69: {  	_ =	shalt  }
0x6a: {  	_ =	shalt  }
0x6b: {  	_ =	shalt  }
0x6c: {  	_ =	shalt  }
0x6d: {  	_ =	shalt  }
0x6e: {  	_ =	shalt  }
0x6f: {  	_ =	shalt  }
0x70: {  	_ =	shalt  }
0x71: {  	_ =	shalt  }
0x72: {  	_ =	shalt  }
0x73: {  	_ =	shalt  }
0x74: {  	_ =	shalt  }
0x75: {  	_ =	shalt  }
0x76: {  	_ =	shalt  }
0x77: {  	_ =	shalt  }
0x78: {  	_ =	shalt  }
0x79: {  	_ =	shalt  }
0x7a: {  	_ =	shalt  }
0x7b: {  	_ =	shalt  }
0x7c: {  	_ =	shalt  }
0x7d: {  	_ =	shalt  }
0x7e: {  	_ =	shalt  }
0x7f: {  	_ =	shalt  }
0x80: {  	_ =	shalt  }
0x81: {  	_ =	shalt  }
0x82: {  	_ =	shalt  }
0x83: {  	_ =	shalt  }
0x84: {  	_ =	shalt  }
0x85: {  	_ =	shalt  }
0x86: {  	_ =	shalt  }
0x87: {  	_ =	shalt  }
.Lfunc_end0:
.L_simem_size_0:
called_computation_lowered:
.L_overlay_start_0:
0x88: {  	s2 =	sld [smem:$0x3FD9]  }
0x89: {  	s3 =	sld [smem:$0x3FFE];
	_ =	sdelay $0x1  }
0x8a: {  	s1 =	srdreg.scid  }
0x8b: {  	s0 =	sand.u32 $0x1, s1  }
0x8c: {  	s17 =	sshll.u32 s0, $0xA;
	s2 =	sadd.s32 s3, s2  }
0x8d: {  	s2 =	sadd.s32 s2, s17  }
0x8e: {  	[smem:$0x3FC2] =	sst s2  }
0x8f: {  	_ = 	snop  }
0x90: {  	s2 =	sld [smem:$0x3FD0];
	(tm) =	ssettm $0x1  }
0x91: {  	s18 =	sld [smem:$0x3FFB];
	_ =	sdelay $0x3  }
0x92: {  	_ =	strace s18  }
0x93: {  	s3 =	sld [smem:$0x3FFC];
	_ =	sdelay $0x3  }
0x94: {  	_ =	strace s3  }
0x95: {  	s3 =	sld [smem:$0x3FFD];
	_ =	sdelay $0x3  }
0x96: {  	_ =	strace s3  }
0x97: {  	_ =	strace $0x8FFFFFFF  }
0x98: {  	s19 =	sld [smem:$0x3FDB];
	_ =	sdelay $0x1  }
0x99: {  	s4 =	simm.s32 $_scs_section_size  }
0x9a: {  	s5 =	simm.s32 $_size__tile_overlayer_lowered;
	s6 =	simm.s32 $_tile_overlayer_lowered  }
0x9b: {  	s22 =	simm.s32 $0x1BFF;
	s21 =	sshll.u32 s6, $0x1;
	s3 =	sadd.s32 s4, s19  }
0x9c: {  	s7 =	simm.s32 $0x0;
	s20 =	sshll.u32 s5, $0x1;
	s5 =	sadd.s32 s21, s3  }
0x9d: {  	[timem:s7], [sflag:s22] =	dma.local [hbm:s5], s20  }
0x9e: {  	_ =	swait.ge [sflag:s22], s20  }
0x9f: {  	s4 =	ssub.s32 $0x0, s20;
	[sflag:s22] =	ssyncset.done $0x0  }
0xa0: {  	[sflag:s22] =	ssyncadd.s32 s4;
	_ =	sdelay $0x1  }
0xa1: {  	s23 =	simm.s32 $0x1B8B  }
0xa2: {  	_ =	swait.ge [sflag:s23], $0x1  }
0xa3: {  	[sflag:s23] =	ssyncset.done $0x0  }
0xa4: {  	s25 =	simm.s32 $0x1B8E;
	s24 =	sld [smem:$0x3FFE];
	[sflag:s23] =	ssyncadd.s32 $0xFFFFFFFF  }
0xa5: {  	s26 =	simm.s32 $execute0_lowered;
	[smem:$0x3FD2] =	sst s25  }
0xa6: {  	s5 =	sshll.u32 s26, $0x1;
	_ =	strace $0x80000046;
	[dreg:$0x1] =	wrdreg $0xFFFFFFFF  }
0xa7: {  	s28 =	simm.s32 $_size_execute0_lowered;
	s3 =	sadd.s32 s3, s5;
	[dreg:$0x0] =	wrdreg $0x0  }
0xa8: {  	s5 =	sshll.u32 s28, $0x1;
	[dreg:$0x2] =	wrdreg s3  }
0xa9: {  	[dreg:$0x3] =	wrdreg s5  }
0xaa: {  	[dreg:$0x4] =	wrdreg $0xC0  }
0xab: {  	_ =	task [dreg:s7], $0x5FFFF  }
0xac: {  	[dreg:$0x1] =	wrdreg $0xFFFFFFFF  }
0xad: {  	[dreg:$0x0] =	wrdreg $0x60  }
0xae: {  	[dreg:$0x2] =	wrdreg s2  }
0xaf: {  	[dreg:$0x3] =	wrdreg s24  }
0xb0: {  	[dreg:$0x4] =	wrdreg $0x2F800  }
0xb1: {  	[dreg:$0x5] =	wrdreg $0x9  }
0xb2: {  	_ =	task.clear_ibuf [dreg:s7], $0x6FFFF;
	_ =	strace $0x90000046  }
0xb3: {  	s29 =	simm.s32 $0x9;
	_ =	strace $0x80000048  }
0xb4: {  	_ =	swait.ge [sflag:s29], $0x1  }
0xb5: {  	[sflag:s29] =	ssyncadd.s32 $0xFFFFFFFF  }
0xb6: {  	_ =	strace $0x90000048  }
0xb7: {  	_ =	sfence  }
0xb8: {  	s30 =	sld [smem:$0x0];
	_ =	sdelay $0x2  }
0xb9: {  	s31 =	sshll.u32 s1, $0xD;
	s1 =	sshrl.u32 s1, $0x2  }
0xba: {  	s3 =	sand.u32 $0x4000, s31;
	s1 =	sadd.s32 s1, s30  }
0xbb: {  	s0 =	sor.u32 s3, s0;
	s1 =	sshll.u32 s1, $0x11  }
0xbc: {  	s0 =	sor.u32 s1, s0  }
0xbd: {  	s0 =	sadd.s32 $0x8F2B, s0  }
0xbe: {  	[sflag:s0] =	ssyncadd.remote.s32 $0x1  }
0xbf: {  	_ =	sfence.sel $0xFFFF  }
0xc0: {  	[dreg:$0x0] =	wrdreg $0xFFFFFFFF;
	(pc) =	sbr.abs _section_cstart, $3  }
0xc1: {  	[dreg:$0x1] =	wrdreg $0xFFFFFFFF  }
0xc2: {  	_ =	task.clear_ibuf [dreg:s7], $0x2FFFF;
	_ =	strace $0x9FFFFFFF  }
0xc3: {  	(tm) =	ssettm $0x7FFFFFFF  }
tec
execute0_lowered:
.L_overlay_start_1:
0x0: {  	(tag) =	ssettag $0x1  }
0x1: {  	s10 =	rddreg [dreg:$0x0]  }
0x2: {  	s4 =	rddreg [dreg:$0x1]  }
0x3: {  	s2 =	rddreg [dreg:$0x2];
	s3 =	srdreg.scid  }
0x4: {  	s1 =	stileid.u32;
	s0 =	rddreg [dreg:$0x3];
	s14 =	simm.s32 $0x2780  }
0x5: {  	s15 =	simm.s32 $0x80;
	s16 =	simm.s32 $0x1;
	s19 =	simm.s32 $0x0  }
0x6: {  	s5 =	sand.u32 $0x1, s3;
	s6 =	smul.u32 $0x2710, s1;
	s3 =	simm.s32 $0x0  }
0x7: {  	s8 =	sshll.u32 s1, $0x1;
	s11 =	smul.u32 $0x9C40, s1;
	p0 =	sgt.u32 s1, $0x1  }
0x8: {  	s17 =	sshll.u32 s1, $0x6;
	s7 =	smul.u32 $0x27100, s5;
	[smem:$0x7FF] =	sst s3  }
0x9: {  	s8 =	sor.u32 s5, s8;
	s5 =	ssub.s32 $0x2, s5;
	s17 =	sor.u32 $0x1C02, s17  }
0xa: {  	_ =	strace $0x80000047;
	s9 =	smul.u32 $0x2700, s8;
	s25 =	sshrl.u32 s5, $0x1  }
0xb: {  	s29 =	sshrl.u32 s11, $0x2;
	s31 =	sshll.u32 s8, $0x4;
	s7 =	sadd.s32 s6, s7  }
0xc: {  	s13 =	ssub.s32 s5, s25;
	s5 =	sadd.s32 s6, s2;
	s30 =	sadd.s32 s29, s2  }
0xd: {  	s7 =	sshrl.u32 s7, $0x3;
	s26 =	sshrl.u32 s9, $0x3;
	s6 =	sadd.s32 $0x800, s30  }
0xe: {  	s8 =	sadd.s32 $0x1800, s30;
	s9 =	sadd.s32 $0x2000, s30;
	s18 =	sshrl.u32 s5, $0x3  }
0xf: {  	s12 =	sadd.s32 s7, s4;
	s28 =	sadd.s32 s10, s26;
	s10 =	sadd.s32 s31, s10  }
0x10: {  	s7 =	sadd.s32 $0x1000, s30;
	s4 =	sadd.s32 $0x9C40, s28;
	s10 =	sadd.s32 $0x13840, s10  }
0x11: {  	v0 =	vimm.f32 $0.0e+00;
	v1 =	vimm.f32 $1.000000000e+00;
	s11 =	sadd.s32 $0x2200, s12;
	s12 =	smax.u32 s13, $0x1;
	s13 =	simm.s32 $0x2  }
.LBB2_1:
0x12: {  	[tilespmem:s3], [sflag:$0x2] =	stream.linear.gather [hbm4b:s4+s3], $0x2700, $0x38;
	[tilespmem:$0x5690] =	vst v63  }
0x13: {  	_ =	swait.ge [sflag:s13], $0x2700  }
0x14: {  	[sflag:s13] =	ssyncset.done $0x0  }
0x15: {  	s20 =	simm.s32 $0x40;
	s21 =	simm.s32 $0x0;
	[sflag:s13] =	ssyncadd.s32 $0xFFFFD900  }
.LBB2_2:
0x16: {  	p1 =	sne.s32 s20, $0x1FC0;
	[tilespmem:s21+$0x2780] =	vst v0;
	s21 =	smov.u32 s20;
	s20 =	sadd.s32 $0x40, s20  }
.Ltmp0:
0x17: {  	(pc) =	sbr.rel @p1 .LBB2_2-.Ltmp0, $2  }
0x18: {  	_ =	sdelay $0x2  }
0x19: {  	s21 =	sshra.s32 s21, $0x2  }
0x1a: {  	[tilespmem:s21+$0x2780] =	vst v0  }
0x1b: {  	[spmem:s5] =	stream.linear.scatter [tilespmem:s14], [sflag:$0x2], $0x800, $0x38;
	[tilespmem:$0x5690] =	vst v63  }
0x1c: {  	_ =	swait.ge [sflag:s13], $0x800  }
0x1d: {  	[sflag:s13] =	ssyncset.done $0x0  }
0x1e: {  	[sflag:s13] =	ssyncadd.s32 $0xFFFFF800  }
0x1f: {  	[spmem:s6] =	stream.linear.scatter [tilespmem:s14], [sflag:$0x2], $0x800, $0x38;
	[tilespmem:$0x5690] =	vst v63  }
0x20: {  	_ =	swait.ge [sflag:s13], $0x800  }
0x21: {  	[sflag:s13] =	ssyncset.done $0x0  }
0x22: {  	[sflag:s13] =	ssyncadd.s32 $0xFFFFF800  }
0x23: {  	[spmem:s7] =	stream.linear.scatter [tilespmem:s14], [sflag:$0x2], $0x800, $0x38;
	[tilespmem:$0x5690] =	vst v63  }
0x24: {  	_ =	swait.ge [sflag:s13], $0x800  }
0x25: {  	[sflag:s13] =	ssyncset.done $0x0  }
0x26: {  	[sflag:s13] =	ssyncadd.s32 $0xFFFFF800  }
0x27: {  	[spmem:s8] =	stream.linear.scatter [tilespmem:s14], [sflag:$0x2], $0x800, $0x38;
	[tilespmem:$0x5690] =	vst v63  }
0x28: {  	_ =	swait.ge [sflag:s13], $0x800  }
0x29: {  	[sflag:s13] =	ssyncset.done $0x0  }
0x2a: {  	[sflag:s13] =	ssyncadd.s32 $0xFFFFF800  }
0x2b: {  	[spmem:s9] =	stream.linear.scatter [tilespmem:s14], [sflag:$0x2], $0x710, $0x38;
	[tilespmem:$0x5690] =	vst v63  }
0x2c: {  	_ =	swait.ge [sflag:s13], $0x710  }
0x2d: {  	[sflag:s13] =	ssyncset.done $0x0  }
0x2e: {  	s20 =	simm.s32 $0x40;
	s21 =	simm.s32 $0x0;
	[sflag:s13] =	ssyncadd.s32 $0xFFFFF8F0  }
.LBB2_4:
0x2f: {  	p1 =	sne.s32 s20, $0x1FC0;
	[tilespmem:s21+$0x2780] =	vst v1;
	s21 =	smov.u32 s20;
	s20 =	sadd.s32 $0x40, s20  }
.Ltmp1:
0x30: {  	(pc) =	sbr.rel @p1 .LBB2_4-.Ltmp1, $2  }
0x31: {  	_ =	sdelay $0x2  }
0x32: {  	s21 =	sshra.s32 s21, $0x2  }
0x33: {  	[tilespmem:s21+$0x2780] =	vst v1  }
0x34: {  	s20 =	simm.s32 $0x0;
	[bflag:$0x0] =	sbarrier.arrive $0xFFFF  }
0x35: {  	[spmem:s2] =	stream.indirect.scatter.add.f32 [tilespmem:s14], [sflag:$0x1], $0x10, s20, s15, $0xb8;
	[tilespmem:$0x5690] =	vst v63  }
0x36: {  	s31 =	simm.s32 $0x80  }
0x37: {  	[spmem:s2] =	stream.indirect.scatter.add.f32 [tilespmem:s14], [sflag:$0x1], $0x10, s31, s15, $0xb8;
	[tilespmem:$0x5690] =	vst v63  }
0x38: {  	_ =	swait.ge [sflag:s16], $0x800  }
0x39: {  	[sflag:s16] =	ssyncset.done $0x0  }
0x3a: {  	[sflag:s16] =	ssyncadd.s32 $0xFFFFF800  }
0x3b: {  	_ =	swait.ge [sflag:s16], $0x800  }
0x3c: {  	s21 =	simm.s32 $0x800;
	s20 =	simm.s32 $0x400;
	[sflag:s16] =	ssyncset.done $0x0  }
.LBB2_6:
0x3d: {  	s22 =	sshra.s32 s20, $0x2  }
0x3e: {  	[sflag:s16] =	ssyncadd.s32 $0xFFFFF800;
	s20 =	smov.u32 s21;
	s23 =	sadd.s32 $0x400, s21  }
0x3f: {  	[spmem:s2] =	stream.indirect.scatter.add.f32 [tilespmem:s14], [sflag:$0x1], $0x10, s22, s15, $0xb8;
	[tilespmem:$0x5690] =	vst v63  }
0x40: {  	p1 =	sne.s32 s21, $0x9800;
	s21 =	sadd.s32 $0x80, s22  }
0x41: {  	[spmem:s2] =	stream.indirect.scatter.add.f32 [tilespmem:s14], [sflag:$0x1], $0x10, s21, s15, $0xb8;
	[tilespmem:$0x5690] =	vst v63  }
.Ltmp2:
0x42: {  	_ =	swait.ge [sflag:s16], $0x800;
	(pc) =	sbr.rel @p1 .LBB2_6-.Ltmp2, $4  }
0x43: {  	[sflag:s16] =	ssyncset.done $0x0  }
0x44: {  	[sflag:s16] =	ssyncadd.s32 $0xFFFFF800  }
0x45: {  	_ =	swait.ge [sflag:s16], $0x800  }
0x46: {  	s21 =	smov.u32 s23;
	[sflag:s16] =	ssyncset.done $0x0  }
0x47: {  	s20 =	sshra.s32 s20, $0x2;
	[sflag:s16] =	ssyncadd.s32 $0xFFFFF800  }
0x48: {  	[spmem:s2] =	stream.indirect.scatter.add.f32 [tilespmem:s14], [sflag:$0x1], $0x10, s20, s15, $0xb8;
	[tilespmem:$0x5690] =	vst v63  }
0x49: {  	s20 =	sadd.s32 $0x80, s20  }
0x4a: {  	[spmem:s2] =	stream.indirect.scatter.add.f32 [tilespmem:s14], [sflag:$0x1], $0x10, s20, s15, $0xb8;
	[tilespmem:$0x5690] =	vst v63  }
0x4b: {  	_ =	swait.ge [sflag:s16], $0x800  }
0x4c: {  	[sflag:s16] =	ssyncset.done $0x0  }
0x4d: {  	[sflag:s16] =	ssyncadd.s32 $0xFFFFF800  }
0x4e: {  	_ =	swait.ge [sflag:s16], $0x800  }
0x4f: {  	[sflag:s16] =	ssyncset.done $0x0  }
0x50: {  	s21 =	simm.s32 @!p0 $0x2700;
	s20 =	simm.s32 @!p0 $0x0;
	[sflag:s16] =	ssyncadd.s32 $0xFFFFF800  }
0x51: {  	[tilespmem:s21], [sflag:$0x1] =	stream.linear.gather @!p0 [hbm4b:s10+s20], $0x80, $0x38;
	[tilespmem:$0x5690] =	vst v63  }
0x52: {  	s20 =	simm.s32 @!p0 $0x1  }
0x53: {  	_ =	swait.ge @!p0 [sflag:s20], $0x80  }
0x54: {  	[sflag:s20] =	ssyncset.done @!p0 $0x0  }
0x55: {  	s22 =	simm.s32 @!p0 $0x2780;
	[sflag:s20] =	ssyncadd.s32 @!p0 $0xFFFFFF80;
	s20 =	simm.s32 @!p0 $0x80  }
0x56: {  	[spmem:s2] =	stream.indirect.scatter.add.f32 @!p0 [tilespmem:s22], [sflag:$0x2], $0x10, s21, s20, $0xb8;
	[tilespmem:$0x5690] =	vst v63  }
0x57: {  	s20 =	simm.s32 @!p0 $0x2  }
0x58: {  	_ =	swait.ge @!p0 [sflag:s20], $0x800  }
0x59: {  	s19 =	sadd.s32 $0x1, s19;
	[sflag:s20] =	ssyncset.done @!p0 $0x0  }
0x5a: {  	p1 =	sne.s32 s19, s12;
	[sflag:s20] =	ssyncadd.s32 @!p0 $0xFFFFF800  }
.Ltmp3:
0x5b: {  	[bflag:$0x0] =	sbarrier.arrive $0xFFFF;
	(pc) =	sbr.rel @p1 .LBB2_1-.Ltmp3, $4  }
0x5c: {  	[hbm:s11], [sflag:s17] =	dma.local [spmem:s18], $0x4E2  }
0x5d: {  	_ =	swait.ge [sflag:s13], $0x4E2  }
0x5e: {  	[sflag:s13] =	ssyncset.done $0x0  }
0x5f: {  	[sflag:s13] =	ssyncadd.s32 $0xFFFFFB1E  }
0x60: {  	_ =	sfence.sel $0x180000  }
0x61: {  	[bflag:$0x0] =	sbarrier.arrive $0xFFFF  }
0x62: {  	p0 =	sne.s32 s1, $0x0;
	_ =	strace $0x90000047  }
0x63: {  	s0 =	sadd.s32 @!p0 $0x100000, s0;
	[bflag:$0x2] =	sbarrier.arrive $0xFFFF  }
0x64: {  	[sflag:s0] =	ssyncadd.tile.s32 @!p0 $0x1;
	_ =	shalt  }
.Lfunc_end2:
_tile_overlayer_lowered:
.L_overlay_start_2:
0x65: {  	(tag) =	ssettag $0x2  }
0x66: {  	s0 =	rddreg [dreg:$0x0];
	s2 =	stileid.u32  }
0x67: {  	s1 =	rddreg [dreg:$0x1];
	p0 =	sne.s32 s2, $0x0  }
0x68: {  	s3 =	rddreg [dreg:$0x2];
	[bflag:$0x3] =	sbarrier.arrive $0xFFFF;
	s2 =	simm.s32 @!p0 $0x1C02  }
0x69: {  	[timem:s3], [sflag:s2] =	dma.local @!p0 [hbm:s0], s1  }
0x6a: {  	s0 =	simm.s32 @!p0 $0x2  }
0x6b: {  	_ =	swait.ge @!p0 [sflag:s0], s1  }
0x6c: {  	s1 =	ssub.s32 @!p0 $0x0, s1;
	[sflag:s0] =	ssyncset.done @!p0 $0x0  }
0x6d: {  	[sflag:s0] =	ssyncadd.s32 @!p0 s1  }
0x6e: {  	[bflag:$0x3] =	sbarrier.arrive $0xFFFF  }
0x6f: {  	_ =	shalt  }

</sc_bundles>
